<compile_context>
chip_gen: v7x
topology: tpu7x:2x2x1
jax: 0.10.2.dev20260603
libtpu: 0.0.44.dev20260713+nightly
codegen_flags: <defaults>
</compile_context>

<pallas_src>
import functools

import jax
import jax.numpy as jnp
from jax import lax
from jax.experimental import pallas as pl
from jax.experimental.pallas import tpu as pltpu
from jax.experimental.pallas import tpu_sc as plsc

_NC = 2
_NS = 16
_NW = _NC * _NS


@functools.cache
def _build_sc_gather(B, D):
    rows_per_w = B // _NW
    CHUNK = 8
    n_chunks = rows_per_w // CHUNK
    NBUF = 8

    mesh = plsc.VectorSubcoreMesh(core_axis_name="c", subcore_axis_name="s")

    @functools.partial(
        pl.kernel,
        out_type=jax.ShapeDtypeStruct((B, D), jnp.float32),
        mesh=mesh,
        scratch_types=[
            pltpu.VMEM((rows_per_w,), jnp.int32),
            pltpu.VMEM((NBUF, CHUNK, D), jnp.float32),
            pltpu.SemaphoreType.DMA((NBUF,)),
            pltpu.SemaphoreType.DMA((NBUF,)),
        ],
    )
    def sc_gather(src_ref, emb_ref, out_ref, idx_v, x_buf, gsems, osems):
        wid = lax.axis_index("s") * _NC + lax.axis_index("c")
        base = wid * rows_per_w
        pltpu.sync_copy(src_ref.at[pl.ds(base, rows_per_w)], idx_v)

        gdescs = [None] * NBUF
        odescs = [None] * NBUF
        for c in range(n_chunks + 1):
            if c < n_chunks:
                b = c % NBUF
                if c >= NBUF:
                    odescs[b].wait()
                gdescs[b] = pltpu.async_copy(
                    emb_ref.at[idx_v.at[pl.ds(c * CHUNK, CHUNK)]],
                    x_buf.at[b], gsems.at[b])
            if c >= 1:
                p = (c - 1) % NBUF
                gdescs[p].wait()
                odescs[p] = pltpu.async_copy(
                    x_buf.at[p],
                    out_ref.at[pl.ds(base + (c - 1) * CHUNK, CHUNK)],
                    osems.at[p])
        for c in range(max(0, n_chunks - NBUF + 1), n_chunks):
            odescs[c % NBUF].wait()

    return sc_gather


@functools.cache
def _build_tc_ln(S, N, D, eps):
    SB = 256
    grid = (S // SB,)

    def tc_ln(tok_ref, tt_ref, pos_ref, ttab_ref, g_ref, b_ref, out_ref):
        x = tok_ref[...]
        x = x + pos_ref[...][:, None, :]
        w = tt_ref[...].astype(jnp.float32)[..., None]
        t0 = ttab_ref[0]
        t1 = ttab_ref[1]
        x = x + t0[None, None, :] + w * (t1 - t0)[None, None, :]
        mean = jnp.mean(x, axis=-1, keepdims=True)
        xc = x - mean
        var = jnp.mean(xc * xc, axis=-1, keepdims=True)
        out_ref[...] = (xc * lax.rsqrt(var + eps) * g_ref[0][None, None, :]
                        + b_ref[0][None, None, :])

    return pl.pallas_call(
        tc_ln,
        grid=grid,
        in_specs=[
            pl.BlockSpec((SB, N, D), lambda i: (i, 0, 0)),
            pl.BlockSpec((SB, N), lambda i: (i, 0)),
            pl.BlockSpec((SB, D), lambda i: (i, 0)),
            pl.BlockSpec((2, D), lambda i: (0, 0)),
            pl.BlockSpec((1, D), lambda i: (0, 0)),
            pl.BlockSpec((1, D), lambda i: (0, 0)),
        ],
        out_specs=pl.BlockSpec((SB, N, D), lambda i: (i, 0, 0)),
        out_shape=jax.ShapeDtypeStruct((S, N, D), jnp.float32),
    )


def kernel(src, token_type_input, embed_table, pos_table, tok_type_table,
           ln_gamma, ln_beta):
    S, N = src.shape
    D = embed_table.shape[1]
    B = S * N
    tok = _build_sc_gather(B, D)(src.reshape(B).astype(jnp.int32),
                                 embed_table)
    out = _build_tc_ln(S, N, D, 1e-5)(
        tok.reshape(S, N, D),
        token_type_input.astype(jnp.int32),
        pos_table,
        tok_type_table,
        ln_gamma.reshape(1, D),
        ln_beta.reshape(1, D),
    )
    return out

# --- scband reference (transcript-rebuilt; emitter-appended) ---
"""Pipeline reference for scband-bert-embedding-1829656068514 (READ-ONLY COPY).

The authoritative reference and input builder live on the scoring server;
editing this copy changes nothing except your own understanding.
"""

import jax, jax.numpy as jnp
import numpy as np

NTOKEN = 100000
NINP = 1024
MAX_LEN = 5000
TYPE_TOKEN_NUM = 2
S, N = 2048, 4


def setup_inputs(seed: int = 0) -> dict:
    key = jax.random.key(seed)
    k1, k2, k3, k4, k5 = jax.random.split(key, 5)
    src = jax.random.randint(k1, (S, N), 0, NTOKEN, dtype=jnp.int64 if jax.config.jax_enable_x64 else jnp.int32).astype(jnp.int32)
    token_type_input = jax.random.randint(k2, (S, N), 0, TYPE_TOKEN_NUM).astype(jnp.int32)
    embed_table = jax.random.normal(k3, (NTOKEN, NINP), dtype=jnp.float32) * 0.02
    pos_table = jax.random.normal(k4, (MAX_LEN, NINP), dtype=jnp.float32) * 0.02
    tok_type_table = jax.random.normal(k5, (TYPE_TOKEN_NUM, NINP), dtype=jnp.float32) * 0.02
    ln_gamma = jnp.ones((NINP,), dtype=jnp.float32)
    ln_beta = jnp.zeros((NINP,), dtype=jnp.float32)
    return {
        "src": src,
        "token_type_input": token_type_input,
        "embed_table": embed_table,
        "pos_table": pos_table,
        "tok_type_table": tok_type_table,
        "ln_gamma": ln_gamma,
        "ln_beta": ln_beta,
    }


def _layer_norm(x, gamma, beta, eps=1e-5):
    mean = jnp.mean(x, axis=-1, keepdims=True)
    var = jnp.mean((x - mean) ** 2, axis=-1, keepdims=True)
    return (x - mean) / jnp.sqrt(var + eps) * gamma + beta


def reference(src, token_type_input, embed_table, pos_table, tok_type_table, ln_gamma, ln_beta):
    s, n = src.shape
    # token embedding: gather
    tok_emb = jnp.take(embed_table, src, axis=0)            # [S, N, D]
    # positional embedding: arange(S) broadcast over batch
    pos = jnp.arange(s, dtype=src.dtype)[:, None]
    pos = jnp.broadcast_to(pos, (s, n))
    pos_emb = jnp.take(pos_table, pos, axis=0)              # [S, N, D]
    # token type embedding
    tt_emb = jnp.take(tok_type_table, token_type_input, axis=0)  # [S, N, D]
    x = tok_emb + pos_emb + tt_emb
    # dropout p=0.0 (eval) -> identity
    return _layer_norm(x, ln_gamma, ln_beta)

if __name__ == "__main__":
    import jax
    _d = setup_inputs()
    print(jax.jit(kernel)(*tuple(_d.values())))

</pallas_src>

<mosaic_0001>
#map = affine_map<(d0, d1) -> (0)>
#map1 = affine_map<(d0, d1) -> (0, 0)>
module attributes {stable_mosaic.version = 14 : i64} {
  func.func @sc_gather(%arg0: i32, %arg1: i32, %arg2: memref<8192xi32, #tpu.memory_space<hbm>>, %arg3: memref<100000x1024xf32, #tpu.memory_space<hbm>>, %arg4: memref<8192x1024xf32, #tpu.memory_space<hbm>>, %arg5: memref<256xi32, #tpu.memory_space<vmem>>, %arg6: memref<8x8x1024xf32, #tpu.memory_space<vmem>>, %arg7: memref<8x!tpu.dma_semaphore, #tpu.memory_space<semaphore_mem>>, %arg8: memref<8x!tpu.dma_semaphore, #tpu.memory_space<semaphore_mem>>) attributes {dimension_semantics = [#tpu.dimension_semantics<core_parallel>, #tpu.dimension_semantics<subcore_parallel>], iteration_bounds = array<i64: 2, 16>, scalar_prefetch = 0 : i64, scratch_operands = 4 : i64, tpu.core_type = #tpu.core_type<sc_vector_subcore>, window_params = [{transform_indices = #map}, {transform_indices = #map1}, {transform_indices = #map1}]} {
    %mul3A = arith.constant 2 : i32
    %mul3A_0 = arith.muli %arg1, %mul3A : i32
    %add3A = arith.addi %mul3A_0, %arg0 : i32
    %mul3A_1 = arith.constant 256 : i32
    %mul3A_2 = arith.muli %add3A, %mul3A_1 : i32
    "tpu.region"() ({
      %run_scoped3A = tpu.sem_alloc : memref<!tpu.dma_semaphore, #tpu.memory_space<semaphore_mem>>
      %dma_start3A_1905 = tpu.memref_slice %arg2[%mul3A_2] : memref<8192xi32, #tpu.memory_space<hbm>> -> memref<256xi32, #tpu.memory_space<hbm>>
      %dma_start3A_1906 = tpu.memref_slice %arg2[%mul3A_2] : memref<8192xi32, #tpu.memory_space<hbm>> -> memref<256xi32, #tpu.memory_space<hbm>>
      tpu.enqueue_dma source(%dma_start3A_1906 : memref<256xi32, #tpu.memory_space<hbm>>) target(%arg5 : memref<256xi32, #tpu.memory_space<vmem>>) target_semaphore(%run_scoped3A : memref<!tpu.dma_semaphore, #tpu.memory_space<semaphore_mem>>)
      %dma_wait3A_1907 = tpu.memref_slice %arg2[%mul3A_2] : memref<8192xi32, #tpu.memory_space<hbm>> -> memref<256xi32, #tpu.memory_space<hbm>>
      %dma_wait3A_1908 = tpu.memref_slice %arg2[%mul3A_2] : memref<8192xi32, #tpu.memory_space<hbm>> -> memref<256xi32, #tpu.memory_space<hbm>>
      tpu.wait_dma2 semaphore(%run_scoped3A : memref<!tpu.dma_semaphore, #tpu.memory_space<semaphore_mem>>) src(%dma_wait3A_1908 : memref<256xi32, #tpu.memory_space<hbm>>) dst(%arg5 : memref<256xi32, #tpu.memory_space<vmem>>)
      tpu.yield
    }) : () -> ()
    %dma_start3A = arith.constant 0 : i32
    %dma_start3A_3 = arith.constant 0 : i32
    %dma_start3A_4 = arith.constant 0 : i32
    %dma_start3A_5 = arith.constant 0 : i32
    %dma_start3A_6 = tpu.memref_slice %arg6[%dma_start3A, %dma_start3A_4, %dma_start3A_5] : memref<8x8x1024xf32, #tpu.memory_space<vmem>> -> memref<1x8x1024xf32, #tpu.memory_space<vmem>>
    %dma_start3A_7 = tpu.memref_squeeze %dma_start3A_6 : memref<1x8x1024xf32, #tpu.memory_space<vmem>> -> memref<8x1024xf32, #tpu.memory_space<vmem>>
    %dma_start3A_8 = arith.constant 0 : i32
    %dma_start3A_9 = tpu.memref_slice %arg5[%dma_start3A_8] : memref<256xi32, #tpu.memory_space<vmem>> -> memref<8xi32, #tpu.memory_space<vmem>>
    %dma_start3A_10 = arith.constant 0 : i32
    %dma_start3A_11 = arith.constant 0 : i32
    %dma_start3A_12 = tpu.memref_slice %arg3[%dma_start3A_10, %dma_start3A_11] : memref<100000x1024xf32, #tpu.memory_space<hbm>> -> memref<100000x1024xf32, #tpu.memory_space<hbm>>
    %dma_start3A_13 = tpu.memref_slice %arg7[%dma_start3A_3] : memref<8x!tpu.dma_semaphore, #tpu.memory_space<semaphore_mem>> -> memref<1x!tpu.dma_semaphore, #tpu.memory_space<semaphore_mem>>
    %dma_start3A_14 = tpu.memref_squeeze %dma_start3A_13 : memref<1x!tpu.dma_semaphore, #tpu.memory_space<semaphore_mem>> -> memref<!tpu.dma_semaphore, #tpu.memory_space<semaphore_mem>>
    tpu.enqueue_indirect_dma source(%dma_start3A_12 : memref<100000x1024xf32, #tpu.memory_space<hbm>>) target(%dma_start3A_7 : memref<8x1024xf32, #tpu.memory_space<vmem>>) offsets(%dma_start3A_9 : memref<8xi32, #tpu.memory_space<vmem>>) semaphore(%dma_start3A_14 : memref<!tpu.dma_semaphore, #tpu.memory_space<semaphore_mem>>)
    %dma_start3A_15 = arith.constant 1 : i32
    %dma_start3A_16 = arith.constant 1 : i32
    %dma_start3A_17 = arith.constant 0 : i32
    %dma_start3A_18 = arith.constant 0 : i32
    %dma_start3A_19 = tpu.memref_slice %arg6[%dma_start3A_15, %dma_start3A_17, %dma_start3A_18] : memref<8x8x1024xf32, #tpu.memory_space<vmem>> -> memref<1x8x1024xf32, #tpu.memory_space<vmem>>
    %dma_start3A_20 = tpu.memref_squeeze %dma_start3A_19 : memref<1x8x1024xf32, #tpu.memory_space<vmem>> -> memref<8x1024xf32, #tpu.memory_space<vmem>>
    %dma_start3A_21 = arith.constant 8 : i32
    %dma_start3A_22 = tpu.memref_slice %arg5[%dma_start3A_21] : memref<256xi32, #tpu.memory_space<vmem>> -> memref<8xi32, #tpu.memory_space<vmem>>
    %dma_start3A_23 = arith.constant 0 : i32
    %dma_start3A_24 = arith.constant 0 : i32
    %dma_start3A_25 = tpu.memref_slice %arg3[%dma_start3A_23, %dma_start3A_24] : memref<100000x1024xf32, #tpu.memory_space<hbm>> -> memref<100000x1024xf32, #tpu.memory_space<hbm>>
    %dma_start3A_26 = tpu.memref_slice %arg7[%dma_start3A_16] : memref<8x!tpu.dma_semaphore, #tpu.memory_space<semaphore_mem>> -> memref<1x!tpu.dma_semaphore, #tpu.memory_space<semaphore_mem>>
    %dma_start3A_27 = tpu.memref_squeeze %dma_start3A_26 : memref<1x!tpu.dma_semaphore, #tpu.memory_space<semaphore_mem>> -> memref<!tpu.dma_semaphore, #tpu.memory_space<semaphore_mem>>
    tpu.enqueue_indirect_dma source(%dma_start3A_25 : memref<100000x1024xf32, #tpu.memory_space<hbm>>) target(%dma_start3A_20 : memref<8x1024xf32, #tpu.memory_space<vmem>>) offsets(%dma_start3A_22 : memref<8xi32, #tpu.memory_space<vmem>>) semaphore(%dma_start3A_27 : memref<!tpu.dma_semaphore, #tpu.memory_space<semaphore_mem>>)
    %dma_wait3A = arith.constant 0 : i32
    %dma_wait3A_28 = arith.constant 0 : i32
    %dma_wait3A_29 = arith.constant 0 : i32
    %dma_wait3A_30 = arith.constant 0 : i32
    %dma_wait3A_31 = tpu.memref_slice %arg6[%dma_wait3A, %dma_wait3A_29, %dma_wait3A_30] : memref<8x8x1024xf32, #tpu.memory_space<vmem>> -> memref<1x8x1024xf32, #tpu.memory_space<vmem>>
    %dma_wait3A_32 = tpu.memref_squeeze %dma_wait3A_31 : memref<1x8x1024xf32, #tpu.memory_space<vmem>> -> memref<8x1024xf32, #tpu.memory_space<vmem>>
    %dma_wait3A_33 = arith.constant 0 : i32
    %dma_wait3A_34 = tpu.memref_slice %arg5[%dma_wait3A_33] : memref<256xi32, #tpu.memory_space<vmem>> -> memref<8xi32, #tpu.memory_space<vmem>>
    %dma_wait3A_35 = arith.constant 0 : i32
    %dma_wait3A_36 = arith.constant 0 : i32
    %dma_wait3A_37 = tpu.memref_slice %arg3[%dma_wait3A_35, %dma_wait3A_36] : memref<100000x1024xf32, #tpu.memory_space<hbm>> -> memref<100000x1024xf32, #tpu.memory_space<hbm>>
    %dma_wait3A_38 = tpu.memref_slice %arg7[%dma_wait3A_28] : memref<8x!tpu.dma_semaphore, #tpu.memory_space<semaphore_mem>> -> memref<1x!tpu.dma_semaphore, #tpu.memory_space<semaphore_mem>>
    %dma_wait3A_39 = tpu.memref_squeeze %dma_wait3A_38 : memref<1x!tpu.dma_semaphore, #tpu.memory_space<semaphore_mem>> -> memref<!tpu.dma_semaphore, #tpu.memory_space<semaphore_mem>>
    tpu.wait_indirect_dma semaphore(%dma_wait3A_39 : memref<!tpu.dma_semaphore, #tpu.memory_space<semaphore_mem>>) src(%dma_wait3A_37 : memref<100000x1024xf32, #tpu.memory_space<hbm>>) dst(%dma_wait3A_32 : memref<8x1024xf32, #tpu.memory_space<vmem>>)
    %add3A_40 = arith.constant 0 : i32
    %add3A_41 = arith.addi %mul3A_2, %add3A_40 : i32
    %dma_start3A_42 = arith.constant 0 : i32
    %dma_start3A_43 = arith.constant 0 : i32
    %dma_start3A_44 = arith.constant 0 : i32
    %dma_start3A_45 = arith.constant 0 : i32
    %dma_start3A_46 = tpu.memref_slice %arg6[%dma_start3A_42, %dma_start3A_44, %dma_start3A_45] : memref<8x8x1024xf32, #tpu.memory_space<vmem>> -> memref<1x8x1024xf32, #tpu.memory_space<vmem>>
    %dma_start3A_47 = tpu.memref_squeeze %dma_start3A_46 : memref<1x8x1024xf32, #tpu.memory_space<vmem>> -> memref<8x1024xf32, #tpu.memory_space<vmem>>
    %dma_start3A_48 = arith.constant 0 : i32
    %dma_start3A_49 = tpu.memref_slice %arg4[%add3A_41, %dma_start3A_48] : memref<8192x1024xf32, #tpu.memory_space<hbm>> -> memref<8x1024xf32, #tpu.memory_space<hbm>>
    %dma_start3A_50 = tpu.memref_slice %arg8[%dma_start3A_43] : memref<8x!tpu.dma_semaphore, #tpu.memory_space<semaphore_mem>> -> memref<1x!tpu.dma_semaphore, #tpu.memory_space<semaphore_mem>>
    %dma_start3A_51 = tpu.memref_squeeze %dma_start3A_50 : memref<1x!tpu.dma_semaphore, #tpu.memory_space<semaphore_mem>> -> memref<!tpu.dma_semaphore, #tpu.memory_space<semaphore_mem>>
    %dma_start3A_52 = arith.constant 0 : i32
    %dma_start3A_53 = tpu.memref_slice %arg4[%add3A_41, %dma_start3A_52] : memref<8192x1024xf32, #tpu.memory_space<hbm>> -> memref<8x1024xf32, #tpu.memory_space<hbm>>
    %dma_start3A_54 = arith.constant 0 : i32
    %dma_start3A_55 = arith.constant 0 : i32
    %dma_start3A_56 = tpu.memref_slice %arg6[%dma_start3A_42, %dma_start3A_54, %dma_start3A_55] : memref<8x8x1024xf32, #tpu.memory_space<vmem>> -> memref<1x8x1024xf32, #tpu.memory_space<vmem>>
    %dma_start3A_57 = tpu.memref_squeeze %dma_start3A_56 : memref<1x8x1024xf32, #tpu.memory_space<vmem>> -> memref<8x1024xf32, #tpu.memory_space<vmem>>
    tpu.enqueue_dma source(%dma_start3A_57 : memref<8x1024xf32, #tpu.memory_space<vmem>>) target(%dma_start3A_53 : memref<8x1024xf32, #tpu.memory_space<hbm>>) target_semaphore(%dma_start3A_51 : memref<!tpu.dma_semaphore, #tpu.memory_space<semaphore_mem>>)
    %dma_start3A_58 = arith.constant 2 : i32
    %dma_start3A_59 = arith.constant 2 : i32
    %dma_start3A_60 = arith.constant 0 : i32
    %dma_start3A_61 = arith.constant 0 : i32
    %dma_start3A_62 = tpu.memref_slice %arg6[%dma_start3A_58, %dma_start3A_60, %dma_start3A_61] : memref<8x8x1024xf32, #tpu.memory_space<vmem>> -> memref<1x8x1024xf32, #tpu.memory_space<vmem>>
    %dma_start3A_63 = tpu.memref_squeeze %dma_start3A_62 : memref<1x8x1024xf32, #tpu.memory_space<vmem>> -> memref<8x1024xf32, #tpu.memory_space<vmem>>
    %dma_start3A_64 = arith.constant 16 : i32
    %dma_start3A_65 = tpu.memref_slice %arg5[%dma_start3A_64] : memref<256xi32, #tpu.memory_space<vmem>> -> memref<8xi32, #tpu.memory_space<vmem>>
    %dma_start3A_66 = arith.constant 0 : i32
    %dma_start3A_67 = arith.constant 0 : i32
    %dma_start3A_68 = tpu.memref_slice %arg3[%dma_start3A_66, %dma_start3A_67] : memref<100000x1024xf32, #tpu.memory_space<hbm>> -> memref<100000x1024xf32, #tpu.memory_space<hbm>>
    %dma_start3A_69 = tpu.memref_slice %arg7[%dma_start3A_59] : memref<8x!tpu.dma_semaphore, #tpu.memory_space<semaphore_mem>> -> memref<1x!tpu.dma_semaphore, #tpu.memory_space<semaphore_mem>>
    %dma_start3A_70 = tpu.memref_squeeze %dma_start3A_69 : memref<1x!tpu.dma_semaphore, #tpu.memory_space<semaphore_mem>> -> memref<!tpu.dma_semaphore, #tpu.memory_space<semaphore_mem>>
    tpu.enqueue_indirect_dma source(%dma_start3A_68 : memref<100000x1024xf32, #tpu.memory_space<hbm>>) target(%dma_start3A_63 : memref<8x1024xf32, #tpu.memory_space<vmem>>) offsets(%dma_start3A_65 : memref<8xi32, #tpu.memory_space<vmem>>) semaphore(%dma_start3A_70 : memref<!tpu.dma_semaphore, #tpu.memory_space<semaphore_mem>>)
    %dma_wait3A_71 = arith.constant 1 : i32
    %dma_wait3A_72 = arith.constant 1 : i32
    %dma_wait3A_73 = arith.constant 0 : i32
    %dma_wait3A_74 = arith.constant 0 : i32
    %dma_wait3A_75 = tpu.memref_slice %arg6[%dma_wait3A_71, %dma_wait3A_73, %dma_wait3A_74] : memref<8x8x1024xf32, #tpu.memory_space<vmem>> -> memref<1x8x1024xf32, #tpu.memory_space<vmem>>
    %dma_wait3A_76 = tpu.memref_squeeze %dma_wait3A_75 : memref<1x8x1024xf32, #tpu.memory_space<vmem>> -> memref<8x1024xf32, #tpu.memory_space<vmem>>
    %dma_wait3A_77 = arith.constant 8 : i32
    %dma_wait3A_78 = tpu.memref_slice %arg5[%dma_wait3A_77] : memref<256xi32, #tpu.memory_space<vmem>> -> memref<8xi32, #tpu.memory_space<vmem>>
    %dma_wait3A_79 = arith.constant 0 : i32
    %dma_wait3A_80 = arith.constant 0 : i32
    %dma_wait3A_81 = tpu.memref_slice %arg3[%dma_wait3A_79, %dma_wait3A_80] : memref<100000x1024xf32, #tpu.memory_space<hbm>> -> memref<100000x1024xf32, #tpu.memory_space<hbm>>
    %dma_wait3A_82 = tpu.memref_slice %arg7[%dma_wait3A_72] : memref<8x!tpu.dma_semaphore, #tpu.memory_space<semaphore_mem>> -> memref<1x!tpu.dma_semaphore, #tpu.memory_space<semaphore_mem>>
    %dma_wait3A_83 = tpu.memref_squeeze %dma_wait3A_82 : memref<1x!tpu.dma_semaphore, #tpu.memory_space<semaphore_mem>> -> memref<!tpu.dma_semaphore, #tpu.memory_space<semaphore_mem>>
    tpu.wait_indirect_dma semaphore(%dma_wait3A_83 : memref<!tpu.dma_semaphore, #tpu.memory_space<semaphore_mem>>) src(%dma_wait3A_81 : memref<100000x1024xf32, #tpu.memory_space<hbm>>) dst(%dma_wait3A_76 : memref<8x1024xf32, #tpu.memory_space<vmem>>)
    %add3A_84 = arith.constant 8 : i32
    %add3A_85 = arith.addi %mul3A_2, %add3A_84 : i32
    %dma_start3A_86 = arith.constant 1 : i32
    %dma_start3A_87 = arith.constant 1 : i32
    %dma_start3A_88 = arith.constant 0 : i32
    %dma_start3A_89 = arith.constant 0 : i32
    %dma_start3A_90 = tpu.memref_slice %arg6[%dma_start3A_86, %dma_start3A_88, %dma_start3A_89] : memref<8x8x1024xf32, #tpu.memory_space<vmem>> -> memref<1x8x1024xf32, #tpu.memory_space<vmem>>
    %dma_start3A_91 = tpu.memref_squeeze %dma_start3A_90 : memref<1x8x1024xf32, #tpu.memory_space<vmem>> -> memref<8x1024xf32, #tpu.memory_space<vmem>>
    %dma_start3A_92 = arith.constant 0 : i32
    %dma_start3A_93 = tpu.memref_slice %arg4[%add3A_85, %dma_start3A_92] : memref<8192x1024xf32, #tpu.memory_space<hbm>> -> memref<8x1024xf32, #tpu.memory_space<hbm>>
    %dma_start3A_94 = tpu.memref_slice %arg8[%dma_start3A_87] : memref<8x!tpu.dma_semaphore, #tpu.memory_space<semaphore_mem>> -> memref<1x!tpu.dma_semaphore, #tpu.memory_space<semaphore_mem>>
    %dma_start3A_95 = tpu.memref_squeeze %dma_start3A_94 : memref<1x!tpu.dma_semaphore, #tpu.memory_space<semaphore_mem>> -> memref<!tpu.dma_semaphore, #tpu.memory_space<semaphore_mem>>
    %dma_start3A_96 = arith.constant 0 : i32
    %dma_start3A_97 = tpu.memref_slice %arg4[%add3A_85, %dma_start3A_96] : memref<8192x1024xf32, #tpu.memory_space<hbm>> -> memref<8x1024xf32, #tpu.memory_space<hbm>>
    %dma_start3A_98 = arith.constant 0 : i32
    %dma_start3A_99 = arith.constant 0 : i32
    %dma_start3A_100 = tpu.memref_slice %arg6[%dma_start3A_86, %dma_start3A_98, %dma_start3A_99] : memref<8x8x1024xf32, #tpu.memory_space<vmem>> -> memref<1x8x1024xf32, #tpu.memory_space<vmem>>
    %dma_start3A_101 = tpu.memref_squeeze %dma_start3A_100 : memref<1x8x1024xf32, #tpu.memory_space<vmem>> -> memref<8x1024xf32, #tpu.memory_space<vmem>>
    tpu.enqueue_dma source(%dma_start3A_101 : memref<8x1024xf32, #tpu.memory_space<vmem>>) target(%dma_start3A_97 : memref<8x1024xf32, #tpu.memory_space<hbm>>) target_semaphore(%dma_start3A_95 : memref<!tpu.dma_semaphore, #tpu.memory_space<semaphore_mem>>)
    %dma_start3A_102 = arith.constant 3 : i32
    %dma_start3A_103 = arith.constant 3 : i32
    %dma_start3A_104 = arith.constant 0 : i32
    %dma_start3A_105 = arith.constant 0 : i32
    %dma_start3A_106 = tpu.memref_slice %arg6[%dma_start3A_102, %dma_start3A_104, %dma_start3A_105] : memref<8x8x1024xf32, #tpu.memory_space<vmem>> -> memref<1x8x1024xf32, #tpu.memory_space<vmem>>
    %dma_start3A_107 = tpu.memref_squeeze %dma_start3A_106 : memref<1x8x1024xf32, #tpu.memory_space<vmem>> -> memref<8x1024xf32, #tpu.memory_space<vmem>>
    %dma_start3A_108 = arith.constant 24 : i32
    %dma_start3A_109 = tpu.memref_slice %arg5[%dma_start3A_108] : memref<256xi32, #tpu.memory_space<vmem>> -> memref<8xi32, #tpu.memory_space<vmem>>
    %dma_start3A_110 = arith.constant 0 : i32
    %dma_start3A_111 = arith.constant 0 : i32
    %dma_start3A_112 = tpu.memref_slice %arg3[%dma_start3A_110, %dma_start3A_111] : memref<100000x1024xf32, #tpu.memory_space<hbm>> -> memref<100000x1024xf32, #tpu.memory_space<hbm>>
    %dma_start3A_113 = tpu.memref_slice %arg7[%dma_start3A_103] : memref<8x!tpu.dma_semaphore, #tpu.memory_space<semaphore_mem>> -> memref<1x!tpu.dma_semaphore, #tpu.memory_space<semaphore_mem>>
    %dma_start3A_114 = tpu.memref_squeeze %dma_start3A_113 : memref<1x!tpu.dma_semaphore, #tpu.memory_space<semaphore_mem>> -> memref<!tpu.dma_semaphore, #tpu.memory_space<semaphore_mem>>
    tpu.enqueue_indirect_dma source(%dma_start3A_112 : memref<100000x1024xf32, #tpu.memory_space<hbm>>) target(%dma_start3A_107 : memref<8x1024xf32, #tpu.memory_space<vmem>>) offsets(%dma_start3A_109 : memref<8xi32, #tpu.memory_space<vmem>>) semaphore(%dma_start3A_114 : memref<!tpu.dma_semaphore, #tpu.memory_space<semaphore_mem>>)
    %dma_wait3A_115 = arith.constant 2 : i32
    %dma_wait3A_116 = arith.constant 2 : i32
    %dma_wait3A_117 = arith.constant 0 : i32
    %dma_wait3A_118 = arith.constant 0 : i32
    %dma_wait3A_119 = tpu.memref_slice %arg6[%dma_wait3A_115, %dma_wait3A_117, %dma_wait3A_118] : memref<8x8x1024xf32, #tpu.memory_space<vmem>> -> memref<1x8x1024xf32, #tpu.memory_space<vmem>>
    %dma_wait3A_120 = tpu.memref_squeeze %dma_wait3A_119 : memref<1x8x1024xf32, #tpu.memory_space<vmem>> -> memref<8x1024xf32, #tpu.memory_space<vmem>>
    %dma_wait3A_121 = arith.constant 16 : i32
    %dma_wait3A_122 = tpu.memref_slice %arg5[%dma_wait3A_121] : memref<256xi32, #tpu.memory_space<vmem>> -> memref<8xi32, #tpu.memory_space<vmem>>
    %dma_wait3A_123 = arith.constant 0 : i32
    %dma_wait3A_124 = arith.constant 0 : i32
    %dma_wait3A_125 = tpu.memref_slice %arg3[%dma_wait3A_123, %dma_wait3A_124] : memref<100000x1024xf32, #tpu.memory_space<hbm>> -> memref<100000x1024xf32, #tpu.memory_space<hbm>>
    %dma_wait3A_126 = tpu.memref_slice %arg7[%dma_wait3A_116] : memref<8x!tpu.dma_semaphore, #tpu.memory_space<semaphore_mem>> -> memref<1x!tpu.dma_semaphore, #tpu.memory_space<semaphore_mem>>
    %dma_wait3A_127 = tpu.memref_squeeze %dma_wait3A_126 : memref<1x!tpu.dma_semaphore, #tpu.memory_space<semaphore_mem>> -> memref<!tpu.dma_semaphore, #tpu.memory_space<semaphore_mem>>
    tpu.wait_indirect_dma semaphore(%dma_wait3A_127 : memref<!tpu.dma_semaphore, #tpu.memory_space<semaphore_mem>>) src(%dma_wait3A_125 : memref<100000x1024xf32, #tpu.memory_space<hbm>>) dst(%dma_wait3A_120 : memref<8x1024xf32, #tpu.memory_space<vmem>>)
    %add3A_128 = arith.constant 16 : i32
    %add3A_129 = arith.addi %mul3A_2, %add3A_128 : i32
    %dma_start3A_130 = arith.constant 2 : i32
    %dma_start3A_131 = arith.constant 2 : i32
    %dma_start3A_132 = arith.constant 0 : i32
    %dma_start3A_133 = arith.constant 0 : i32
    %dma_start3A_134 = tpu.memref_slice %arg6[%dma_start3A_130, %dma_start3A_132, %dma_start3A_133] : memref<8x8x1024xf32, #tpu.memory_space<vmem>> -> memref<1x8x1024xf32, #tpu.memory_space<vmem>>
    %dma_start3A_135 = tpu.memref_squeeze %dma_start3A_134 : memref<1x8x1024xf32, #tpu.memory_space<vmem>> -> memref<8x1024xf32, #tpu.memory_space<vmem>>
    %dma_start3A_136 = arith.constant 0 : i32
    %dma_start3A_137 = tpu.memref_slice %arg4[%add3A_129, %dma_start3A_136] : memref<8192x1024xf32, #tpu.memory_space<hbm>> -> memref<8x1024xf32, #tpu.memory_space<hbm>>
    %dma_start3A_138 = tpu.memref_slice %arg8[%dma_start3A_131] : memref<8x!tpu.dma_semaphore, #tpu.memory_space<semaphore_mem>> -> memref<1x!tpu.dma_semaphore, #tpu.memory_space<semaphore_mem>>
    %dma_start3A_139 = tpu.memref_squeeze %dma_start3A_138 : memref<1x!tpu.dma_semaphore, #tpu.memory_space<semaphore_mem>> -> memref<!tpu.dma_semaphore, #tpu.memory_space<semaphore_mem>>
    %dma_start3A_140 = arith.constant 0 : i32
    %dma_start3A_141 = tpu.memref_slice %arg4[%add3A_129, %dma_start3A_140] : memref<8192x1024xf32, #tpu.memory_space<hbm>> -> memref<8x1024xf32, #tpu.memory_space<hbm>>
    %dma_start3A_142 = arith.constant 0 : i32
    %dma_start3A_143 = arith.constant 0 : i32
    %dma_start3A_144 = tpu.memref_slice %arg6[%dma_start3A_130, %dma_start3A_142, %dma_start3A_143] : memref<8x8x1024xf32, #tpu.memory_space<vmem>> -> memref<1x8x1024xf32, #tpu.memory_space<vmem>>
    %dma_start3A_145 = tpu.memref_squeeze %dma_start3A_144 : memref<1x8x1024xf32, #tpu.memory_space<vmem>> -> memref<8x1024xf32, #tpu.memory_space<vmem>>
    tpu.enqueue_dma source(%dma_start3A_145 : memref<8x1024xf32, #tpu.memory_space<vmem>>) target(%dma_start3A_141 : memref<8x1024xf32, #tpu.memory_space<hbm>>) target_semaphore(%dma_start3A_139 : memref<!tpu.dma_semaphore, #tpu.memory_space<semaphore_mem>>)
    %dma_start3A_146 = arith.constant 4 : i32
    %dma_start3A_147 = arith.constant 4 : i32
    %dma_start3A_148 = arith.constant 0 : i32
    %dma_start3A_149 = arith.constant 0 : i32
    %dma_start3A_150 = tpu.memref_slice %arg6[%dma_start3A_146, %dma_start3A_148, %dma_start3A_149] : memref<8x8x1024xf32, #tpu.memory_space<vmem>> -> memref<1x8x1024xf32, #tpu.memory_space<vmem>>
    %dma_start3A_151 = tpu.memref_squeeze %dma_start3A_150 : memref<1x8x1024xf32, #tpu.memory_space<vmem>> -> memref<8x1024xf32, #tpu.memory_space<vmem>>
    %dma_start3A_152 = arith.constant 32 : i32
    %dma_start3A_153 = tpu.memref_slice %arg5[%dma_start3A_152] : memref<256xi32, #tpu.memory_space<vmem>> -> memref<8xi32, #tpu.memory_space<vmem>>
    %dma_start3A_154 = arith.constant 0 : i32
    %dma_start3A_155 = arith.constant 0 : i32
    %dma_start3A_156 = tpu.memref_slice %arg3[%dma_start3A_154, %dma_start3A_155] : memref<100000x1024xf32, #tpu.memory_space<hbm>> -> memref<100000x1024xf32, #tpu.memory_space<hbm>>
    %dma_start3A_157 = tpu.memref_slice %arg7[%dma_start3A_147] : memref<8x!tpu.dma_semaphore, #tpu.memory_space<semaphore_mem>> -> memref<1x!tpu.dma_semaphore, #tpu.memory_space<semaphore_mem>>
    %dma_start3A_158 = tpu.memref_squeeze %dma_start3A_157 : memref<1x!tpu.dma_semaphore, #tpu.memory_space<semaphore_mem>> -> memref<!tpu.dma_semaphore, #tpu.memory_space<semaphore_mem>>
    tpu.enqueue_indirect_dma source(%dma_start3A_156 : memref<100000x1024xf32, #tpu.memory_space<hbm>>) target(%dma_start3A_151 : memref<8x1024xf32, #tpu.memory_space<vmem>>) offsets(%dma_start3A_153 : memref<8xi32, #tpu.memory_space<vmem>>) semaphore(%dma_start3A_158 : memref<!tpu.dma_semaphore, #tpu.memory_space<semaphore_mem>>)
    %dma_wait3A_159 = arith.constant 3 : i32
    %dma_wait3A_160 = arith.constant 3 : i32
    %dma_wait3A_161 = arith.constant 0 : i32
    %dma_wait3A_162 = arith.constant 0 : i32
    %dma_wait3A_163 = tpu.memref_slice %arg6[%dma_wait3A_159, %dma_wait3A_161, %dma_wait3A_162] : memref<8x8x1024xf32, #tpu.memory_space<vmem>> -> memref<1x8x1024xf32, #tpu.memory_space<vmem>>
    %dma_wait3A_164 = tpu.memref_squeeze %dma_wait3A_163 : memref<1x8x1024xf32, #tpu.memory_space<vmem>> -> memref<8x1024xf32, #tpu.memory_space<vmem>>
    %dma_wait3A_165 = arith.constant 24 : i32
    %dma_wait3A_166 = tpu.memref_slice %arg5[%dma_wait3A_165] : memref<256xi32, #tpu.memory_space<vmem>> -> memref<8xi32, #tpu.memory_space<vmem>>
    %dma_wait3A_167 = arith.constant 0 : i32
    %dma_wait3A_168 = arith.constant 0 : i32
    %dma_wait3A_169 = tpu.memref_slice %arg3[%dma_wait3A_167, %dma_wait3A_168] : memref<100000x1024xf32, #tpu.memory_space<hbm>> -> memref<100000x1024xf32, #tpu.memory_space<hbm>>
    %dma_wait3A_170 = tpu.memref_slice %arg7[%dma_wait3A_160] : memref<8x!tpu.dma_semaphore, #tpu.memory_space<semaphore_mem>> -> memref<1x!tpu.dma_semaphore, #tpu.memory_space<semaphore_mem>>
    %dma_wait3A_171 = tpu.memref_squeeze %dma_wait3A_170 : memref<1x!tpu.dma_semaphore, #tpu.memory_space<semaphore_mem>> -> memref<!tpu.dma_semaphore, #tpu.memory_space<semaphore_mem>>
    tpu.wait_indirect_dma semaphore(%dma_wait3A_171 : memref<!tpu.dma_semaphore, #tpu.memory_space<semaphore_mem>>) src(%dma_wait3A_169 : memref<100000x1024xf32, #tpu.memory_space<hbm>>) dst(%dma_wait3A_164 : memref<8x1024xf32, #tpu.memory_space<vmem>>)
    %add3A_172 = arith.constant 24 : i32
    %add3A_173 = arith.addi %mul3A_2, %add3A_172 : i32
    %dma_start3A_174 = arith.constant 3 : i32
    %dma_start3A_175 = arith.constant 3 : i32
    %dma_start3A_176 = arith.constant 0 : i32
    %dma_start3A_177 = arith.constant 0 : i32
    %dma_start3A_178 = tpu.memref_slice %arg6[%dma_start3A_174, %dma_start3A_176, %dma_start3A_177] : memref<8x8x1024xf32, #tpu.memory_space<vmem>> -> memref<1x8x1024xf32, #tpu.memory_space<vmem>>
    %dma_start3A_179 = tpu.memref_squeeze %dma_start3A_178 : memref<1x8x1024xf32, #tpu.memory_space<vmem>> -> memref<8x1024xf32, #tpu.memory_space<vmem>>
    %dma_start3A_180 = arith.constant 0 : i32
    %dma_start3A_181 = tpu.memref_slice %arg4[%add3A_173, %dma_start3A_180] : memref<8192x1024xf32, #tpu.memory_space<hbm>> -> memref<8x1024xf32, #tpu.memory_space<hbm>>
    %dma_start3A_182 = tpu.memref_slice %arg8[%dma_start3A_175] : memref<8x!tpu.dma_semaphore, #tpu.memory_space<semaphore_mem>> -> memref<1x!tpu.dma_semaphore, #tpu.memory_space<semaphore_mem>>
    %dma_start3A_183 = tpu.memref_squeeze %dma_start3A_182 : memref<1x!tpu.dma_semaphore, #tpu.memory_space<semaphore_mem>> -> memref<!tpu.dma_semaphore, #tpu.memory_space<semaphore_mem>>
    %dma_start3A_184 = arith.constant 0 : i32
    %dma_start3A_185 = tpu.memref_slice %arg4[%add3A_173, %dma_start3A_184] : memref<8192x1024xf32, #tpu.memory_space<hbm>> -> memref<8x1024xf32, #tpu.memory_space<hbm>>
    %dma_start3A_186 = arith.constant 0 : i32
    %dma_start3A_187 = arith.constant 0 : i32
    %dma_start3A_188 = tpu.memref_slice %arg6[%dma_start3A_174, %dma_start3A_186, %dma_start3A_187] : memref<8x8x1024xf32, #tpu.memory_space<vmem>> -> memref<1x8x1024xf32, #tpu.memory_space<vmem>>
    %dma_start3A_189 = tpu.memref_squeeze %dma_start3A_188 : memref<1x8x1024xf32, #tpu.memory_space<vmem>> -> memref<8x1024xf32, #tpu.memory_space<vmem>>
    tpu.enqueue_dma source(%dma_start3A_189 : memref<8x1024xf32, #tpu.memory_space<vmem>>) target(%dma_start3A_185 : memref<8x1024xf32, #tpu.memory_space<hbm>>) target_semaphore(%dma_start3A_183 : memref<!tpu.dma_semaphore, #tpu.memory_space<semaphore_mem>>)
    %dma_start3A_190 = arith.constant 5 : i32
    %dma_start3A_191 = arith.constant 5 : i32
    %dma_start3A_192 = arith.constant 0 : i32
    %dma_start3A_193 = arith.constant 0 : i32
    %dma_start3A_194 = tpu.memref_slice %arg6[%dma_start3A_190, %dma_start3A_192, %dma_start3A_193] : memref<8x8x1024xf32, #tpu.memory_space<vmem>> -> memref<1x8x1024xf32, #tpu.memory_space<vmem>>
    %dma_start3A_195 = tpu.memref_squeeze %dma_start3A_194 : memref<1x8x1024xf32, #tpu.memory_space<vmem>> -> memref<8x1024xf32, #tpu.memory_space<vmem>>
    %dma_start3A_196 = arith.constant 40 : i32
    %dma_start3A_197 = tpu.memref_slice %arg5[%dma_start3A_196] : memref<256xi32, #tpu.memory_space<vmem>> -> memref<8xi32, #tpu.memory_space<vmem>>
    %dma_start3A_198 = arith.constant 0 : i32
    %dma_start3A_199 = arith.constant 0 : i32
    %dma_start3A_200 = tpu.memref_slice %arg3[%dma_start3A_198, %dma_start3A_199] : memref<100000x1024xf32, #tpu.memory_space<hbm>> -> memref<100000x1024xf32, #tpu.memory_space<hbm>>
    %dma_start3A_201 = tpu.memref_slice %arg7[%dma_start3A_191] : memref<8x!tpu.dma_semaphore, #tpu.memory_space<semaphore_mem>> -> memref<1x!tpu.dma_semaphore, #tpu.memory_space<semaphore_mem>>
    %dma_start3A_202 = tpu.memref_squeeze %dma_start3A_201 : memref<1x!tpu.dma_semaphore, #tpu.memory_space<semaphore_mem>> -> memref<!tpu.dma_semaphore, #tpu.memory_space<semaphore_mem>>
    tpu.enqueue_indirect_dma source(%dma_start3A_200 : memref<100000x1024xf32, #tpu.memory_space<hbm>>) target(%dma_start3A_195 : memref<8x1024xf32, #tpu.memory_space<vmem>>) offsets(%dma_start3A_197 : memref<8xi32, #tpu.memory_space<vmem>>) semaphore(%dma_start3A_202 : memref<!tpu.dma_semaphore, #tpu.memory_space<semaphore_mem>>)
    %dma_wait3A_203 = arith.constant 4 : i32
    %dma_wait3A_204 = arith.constant 4 : i32
    %dma_wait3A_205 = arith.constant 0 : i32
    %dma_wait3A_206 = arith.constant 0 : i32
    %dma_wait3A_207 = tpu.memref_slice %arg6[%dma_wait3A_203, %dma_wait3A_205, %dma_wait3A_206] : memref<8x8x1024xf32, #tpu.memory_space<vmem>> -> memref<1x8x1024xf32, #tpu.memory_space<vmem>>
    %dma_wait3A_208 = tpu.memref_squeeze %dma_wait3A_207 : memref<1x8x1024xf32, #tpu.memory_space<vmem>> -> memref<8x1024xf32, #tpu.memory_space<vmem>>
    %dma_wait3A_209 = arith.constant 32 : i32
    %dma_wait3A_210 = tpu.memref_slice %arg5[%dma_wait3A_209] : memref<256xi32, #tpu.memory_space<vmem>> -> memref<8xi32, #tpu.memory_space<vmem>>
    %dma_wait3A_211 = arith.constant 0 : i32
    %dma_wait3A_212 = arith.constant 0 : i32
    %dma_wait3A_213 = tpu.memref_slice %arg3[%dma_wait3A_211, %dma_wait3A_212] : memref<100000x1024xf32, #tpu.memory_space<hbm>> -> memref<100000x1024xf32, #tpu.memory_space<hbm>>
    %dma_wait3A_214 = tpu.memref_slice %arg7[%dma_wait3A_204] : memref<8x!tpu.dma_semaphore, #tpu.memory_space<semaphore_mem>> -> memref<1x!tpu.dma_semaphore, #tpu.memory_space<semaphore_mem>>
    %dma_wait3A_215 = tpu.memref_squeeze %dma_wait3A_214 : memref<1x!tpu.dma_semaphore, #tpu.memory_space<semaphore_mem>> -> memref<!tpu.dma_semaphore, #tpu.memory_space<semaphore_mem>>
    tpu.wait_indirect_dma semaphore(%dma_wait3A_215 : memref<!tpu.dma_semaphore, #tpu.memory_space<semaphore_mem>>) src(%dma_wait3A_213 : memref<100000x1024xf32, #tpu.memory_space<hbm>>) dst(%dma_wait3A_208 : memref<8x1024xf32, #tpu.memory_space<vmem>>)
    %add3A_216 = arith.constant 32 : i32
    %add3A_217 = arith.addi %mul3A_2, %add3A_216 : i32
    %dma_start3A_218 = arith.constant 4 : i32
    %dma_start3A_219 = arith.constant 4 : i32
    %dma_start3A_220 = arith.constant 0 : i32
    %dma_start3A_221 = arith.constant 0 : i32
    %dma_start3A_222 = tpu.memref_slice %arg6[%dma_start3A_218, %dma_start3A_220, %dma_start3A_221] : memref<8x8x1024xf32, #tpu.memory_space<vmem>> -> memref<1x8x1024xf32, #tpu.memory_space<vmem>>
    %dma_start3A_223 = tpu.memref_squeeze %dma_start3A_222 : memref<1x8x1024xf32, #tpu.memory_space<vmem>> -> memref<8x1024xf32, #tpu.memory_space<vmem>>
    %dma_start3A_224 = arith.constant 0 : i32
    %dma_start3A_225 = tpu.memref_slice %arg4[%add3A_217, %dma_start3A_224] : memref<8192x1024xf32, #tpu.memory_space<hbm>> -> memref<8x1024xf32, #tpu.memory_space<hbm>>
    %dma_start3A_226 = tpu.memref_slice %arg8[%dma_start3A_219] : memref<8x!tpu.dma_semaphore, #tpu.memory_space<semaphore_mem>> -> memref<1x!tpu.dma_semaphore, #tpu.memory_space<semaphore_mem>>
    %dma_start3A_227 = tpu.memref_squeeze %dma_start3A_226 : memref<1x!tpu.dma_semaphore, #tpu.memory_space<semaphore_mem>> -> memref<!tpu.dma_semaphore, #tpu.memory_space<semaphore_mem>>
    %dma_start3A_228 = arith.constant 0 : i32
    %dma_start3A_229 = tpu.memref_slice %arg4[%add3A_217, %dma_start3A_228] : memref<8192x1024xf32, #tpu.memory_space<hbm>> -> memref<8x1024xf32, #tpu.memory_space<hbm>>
    %dma_start3A_230 = arith.constant 0 : i32
    %dma_start3A_231 = arith.constant 0 : i32
    %dma_start3A_232 = tpu.memref_slice %arg6[%dma_start3A_218, %dma_start3A_230, %dma_start3A_231] : memref<8x8x1024xf32, #tpu.memory_space<vmem>> -> memref<1x8x1024xf32, #tpu.memory_space<vmem>>
    %dma_start3A_233 = tpu.memref_squeeze %dma_start3A_232 : memref<1x8x1024xf32, #tpu.memory_space<vmem>> -> memref<8x1024xf32, #tpu.memory_space<vmem>>
    tpu.enqueue_dma source(%dma_start3A_233 : memref<8x1024xf32, #tpu.memory_space<vmem>>) target(%dma_start3A_229 : memref<8x1024xf32, #tpu.memory_space<hbm>>) target_semaphore(%dma_start3A_227 : memref<!tpu.dma_semaphore, #tpu.memory_space<semaphore_mem>>)
    %dma_start3A_234 = arith.constant 6 : i32
    %dma_start3A_235 = arith.constant 6 : i32
    %dma_start3A_236 = arith.constant 0 : i32
    %dma_start3A_237 = arith.constant 0 : i32
    %dma_start3A_238 = tpu.memref_slice %arg6[%dma_start3A_234, %dma_start3A_236, %dma_start3A_237] : memref<8x8x1024xf32, #tpu.memory_space<vmem>> -> memref<1x8x1024xf32, #tpu.memory_space<vmem>>
    %dma_start3A_239 = tpu.memref_squeeze %dma_start3A_238 : memref<1x8x1024xf32, #tpu.memory_space<vmem>> -> memref<8x1024xf32, #tpu.memory_space<vmem>>
    %dma_start3A_240 = arith.constant 48 : i32
    %dma_start3A_241 = tpu.memref_slice %arg5[%dma_start3A_240] : memref<256xi32, #tpu.memory_space<vmem>> -> memref<8xi32, #tpu.memory_space<vmem>>
    %dma_start3A_242 = arith.constant 0 : i32
    %dma_start3A_243 = arith.constant 0 : i32
    %dma_start3A_244 = tpu.memref_slice %arg3[%dma_start3A_242, %dma_start3A_243] : memref<100000x1024xf32, #tpu.memory_space<hbm>> -> memref<100000x1024xf32, #tpu.memory_space<hbm>>
    %dma_start3A_245 = tpu.memref_slice %arg7[%dma_start3A_235] : memref<8x!tpu.dma_semaphore, #tpu.memory_space<semaphore_mem>> -> memref<1x!tpu.dma_semaphore, #tpu.memory_space<semaphore_mem>>
    %dma_start3A_246 = tpu.memref_squeeze %dma_start3A_245 : memref<1x!tpu.dma_semaphore, #tpu.memory_space<semaphore_mem>> -> memref<!tpu.dma_semaphore, #tpu.memory_space<semaphore_mem>>
    tpu.enqueue_indirect_dma source(%dma_start3A_244 : memref<100000x1024xf32, #tpu.memory_space<hbm>>) target(%dma_start3A_239 : memref<8x1024xf32, #tpu.memory_space<vmem>>) offsets(%dma_start3A_241 : memref<8xi32, #tpu.memory_space<vmem>>) semaphore(%dma_start3A_246 : memref<!tpu.dma_semaphore, #tpu.memory_space<semaphore_mem>>)
    %dma_wait3A_247 = arith.constant 5 : i32
    %dma_wait3A_248 = arith.constant 5 : i32
    %dma_wait3A_249 = arith.constant 0 : i32
    %dma_wait3A_250 = arith.constant 0 : i32
    %dma_wait3A_251 = tpu.memref_slice %arg6[%dma_wait3A_247, %dma_wait3A_249, %dma_wait3A_250] : memref<8x8x1024xf32, #tpu.memory_space<vmem>> -> memref<1x8x1024xf32, #tpu.memory_space<vmem>>
    %dma_wait3A_252 = tpu.memref_squeeze %dma_wait3A_251 : memref<1x8x1024xf32, #tpu.memory_space<vmem>> -> memref<8x1024xf32, #tpu.memory_space<vmem>>
    %dma_wait3A_253 = arith.constant 40 : i32
    %dma_wait3A_254 = tpu.memref_slice %arg5[%dma_wait3A_253] : memref<256xi32, #tpu.memory_space<vmem>> -> memref<8xi32, #tpu.memory_space<vmem>>
    %dma_wait3A_255 = arith.constant 0 : i32
    %dma_wait3A_256 = arith.constant 0 : i32
    %dma_wait3A_257 = tpu.memref_slice %arg3[%dma_wait3A_255, %dma_wait3A_256] : memref<100000x1024xf32, #tpu.memory_space<hbm>> -> memref<100000x1024xf32, #tpu.memory_space<hbm>>
    %dma_wait3A_258 = tpu.memref_slice %arg7[%dma_wait3A_248] : memref<8x!tpu.dma_semaphore, #tpu.memory_space<semaphore_mem>> -> memref<1x!tpu.dma_semaphore, #tpu.memory_space<semaphore_mem>>
    %dma_wait3A_259 = tpu.memref_squeeze %dma_wait3A_258 : memref<1x!tpu.dma_semaphore, #tpu.memory_space<semaphore_mem>> -> memref<!tpu.dma_semaphore, #tpu.memory_space<semaphore_mem>>
    tpu.wait_indirect_dma semaphore(%dma_wait3A_259 : memref<!tpu.dma_semaphore, #tpu.memory_space<semaphore_mem>>) src(%dma_wait3A_257 : memref<100000x1024xf32, #tpu.memory_space<hbm>>) dst(%dma_wait3A_252 : memref<8x1024xf32, #tpu.memory_space<vmem>>)
    %add3A_260 = arith.constant 40 : i32
    %add3A_261 = arith.addi %mul3A_2, %add3A_260 : i32
    %dma_start3A_262 = arith.constant 5 : i32
    %dma_start3A_263 = arith.constant 5 : i32
    %dma_start3A_264 = arith.constant 0 : i32
    %dma_start3A_265 = arith.constant 0 : i32
    %dma_start3A_266 = tpu.memref_slice %arg6[%dma_start3A_262, %dma_start3A_264, %dma_start3A_265] : memref<8x8x1024xf32, #tpu.memory_space<vmem>> -> memref<1x8x1024xf32, #tpu.memory_space<vmem>>
    %dma_start3A_267 = tpu.memref_squeeze %dma_start3A_266 : memref<1x8x1024xf32, #tpu.memory_space<vmem>> -> memref<8x1024xf32, #tpu.memory_space<vmem>>
    %dma_start3A_268 = arith.constant 0 : i32
    %dma_start3A_269 = tpu.memref_slice %arg4[%add3A_261, %dma_start3A_268] : memref<8192x1024xf32, #tpu.memory_space<hbm>> -> memref<8x1024xf32, #tpu.memory_space<hbm>>
    %dma_start3A_270 = tpu.memref_slice %arg8[%dma_start3A_263] : memref<8x!tpu.dma_semaphore, #tpu.memory_space<semaphore_mem>> -> memref<1x!tpu.dma_semaphore, #tpu.memory_space<semaphore_mem>>
    %dma_start3A_271 = tpu.memref_squeeze %dma_start3A_270 : memref<1x!tpu.dma_semaphore, #tpu.memory_space<semaphore_mem>> -> memref<!tpu.dma_semaphore, #tpu.memory_space<semaphore_mem>>
    %dma_start3A_272 = arith.constant 0 : i32
    %dma_start3A_273 = tpu.memref_slice %arg4[%add3A_261, %dma_start3A_272] : memref<8192x1024xf32, #tpu.memory_space<hbm>> -> memref<8x1024xf32, #tpu.memory_space<hbm>>
    %dma_start3A_274 = arith.constant 0 : i32
    %dma_start3A_275 = arith.constant 0 : i32
    %dma_start3A_276 = tpu.memref_slice %arg6[%dma_start3A_262, %dma_start3A_274, %dma_start3A_275] : memref<8x8x1024xf32, #tpu.memory_space<vmem>> -> memref<1x8x1024xf32, #tpu.memory_space<vmem>>
    %dma_start3A_277 = tpu.memref_squeeze %dma_start3A_276 : memref<1x8x1024xf32, #tpu.memory_space<vmem>> -> memref<8x1024xf32, #tpu.memory_space<vmem>>
    tpu.enqueue_dma source(%dma_start3A_277 : memref<8x1024xf32, #tpu.memory_space<vmem>>) target(%dma_start3A_273 : memref<8x1024xf32, #tpu.memory_space<hbm>>) target_semaphore(%dma_start3A_271 : memref<!tpu.dma_semaphore, #tpu.memory_space<semaphore_mem>>)
    %dma_start3A_278 = arith.constant 7 : i32
    %dma_start3A_279 = arith.constant 7 : i32
    %dma_start3A_280 = arith.constant 0 : i32
    %dma_start3A_281 = arith.constant 0 : i32
    %dma_start3A_282 = tpu.memref_slice %arg6[%dma_start3A_278, %dma_start3A_280, %dma_start3A_281] : memref<8x8x1024xf32, #tpu.memory_space<vmem>> -> memref<1x8x1024xf32, #tpu.memory_space<vmem>>
    %dma_start3A_283 = tpu.memref_squeeze %dma_start3A_282 : memref<1x8x1024xf32, #tpu.memory_space<vmem>> -> memref<8x1024xf32, #tpu.memory_space<vmem>>
    %dma_start3A_284 = arith.constant 56 : i32
    %dma_start3A_285 = tpu.memref_slice %arg5[%dma_start3A_284] : memref<256xi32, #tpu.memory_space<vmem>> -> memref<8xi32, #tpu.memory_space<vmem>>
    %dma_start3A_286 = arith.constant 0 : i32
    %dma_start3A_287 = arith.constant 0 : i32
    %dma_start3A_288 = tpu.memref_slice %arg3[%dma_start3A_286, %dma_start3A_287] : memref<100000x1024xf32, #tpu.memory_space<hbm>> -> memref<100000x1024xf32, #tpu.memory_space<hbm>>
    %dma_start3A_289 = tpu.memref_slice %arg7[%dma_start3A_279] : memref<8x!tpu.dma_semaphore, #tpu.memory_space<semaphore_mem>> -> memref<1x!tpu.dma_semaphore, #tpu.memory_space<semaphore_mem>>
    %dma_start3A_290 = tpu.memref_squeeze %dma_start3A_289 : memref<1x!tpu.dma_semaphore, #tpu.memory_space<semaphore_mem>> -> memref<!tpu.dma_semaphore, #tpu.memory_space<semaphore_mem>>
    tpu.enqueue_indirect_dma source(%dma_start3A_288 : memref<100000x1024xf32, #tpu.memory_space<hbm>>) target(%dma_start3A_283 : memref<8x1024xf32, #tpu.memory_space<vmem>>) offsets(%dma_start3A_285 : memref<8xi32, #tpu.memory_space<vmem>>) semaphore(%dma_start3A_290 : memref<!tpu.dma_semaphore, #tpu.memory_space<semaphore_mem>>)
    %dma_wait3A_291 = arith.constant 6 : i32
    %dma_wait3A_292 = arith.constant 6 : i32
    %dma_wait3A_293 = arith.constant 0 : i32
    %dma_wait3A_294 = arith.constant 0 : i32
    %dma_wait3A_295 = tpu.memref_slice %arg6[%dma_wait3A_291, %dma_wait3A_293, %dma_wait3A_294] : memref<8x8x1024xf32, #tpu.memory_space<vmem>> -> memref<1x8x1024xf32, #tpu.memory_space<vmem>>
    %dma_wait3A_296 = tpu.memref_squeeze %dma_wait3A_295 : memref<1x8x1024xf32, #tpu.memory_space<vmem>> -> memref<8x1024xf32, #tpu.memory_space<vmem>>
    %dma_wait3A_297 = arith.constant 48 : i32
    %dma_wait3A_298 = tpu.memref_slice %arg5[%dma_wait3A_297] : memref<256xi32, #tpu.memory_space<vmem>> -> memref<8xi32, #tpu.memory_space<vmem>>
    %dma_wait3A_299 = arith.constant 0 : i32
    %dma_wait3A_300 = arith.constant 0 : i32
    %dma_wait3A_301 = tpu.memref_slice %arg3[%dma_wait3A_299, %dma_wait3A_300] : memref<100000x1024xf32, #tpu.memory_space<hbm>> -> memref<100000x1024xf32, #tpu.memory_space<hbm>>
    %dma_wait3A_302 = tpu.memref_slice %arg7[%dma_wait3A_292] : memref<8x!tpu.dma_semaphore, #tpu.memory_space<semaphore_mem>> -> memref<1x!tpu.dma_semaphore, #tpu.memory_space<semaphore_mem>>
    %dma_wait3A_303 = tpu.memref_squeeze %dma_wait3A_302 : memref<1x!tpu.dma_semaphore, #tpu.memory_space<semaphore_mem>> -> memref<!tpu.dma_semaphore, #tpu.memory_space<semaphore_mem>>
    tpu.wait_indirect_dma semaphore(%dma_wait3A_303 : memref<!tpu.dma_semaphore, #tpu.memory_space<semaphore_mem>>) src(%dma_wait3A_301 : memref<100000x1024xf32, #tpu.memory_space<hbm>>) dst(%dma_wait3A_296 : memref<8x1024xf32, #tpu.memory_space<vmem>>)
    %add3A_304 = arith.constant 48 : i32
    %add3A_305 = arith.addi %mul3A_2, %add3A_304 : i32
    %dma_start3A_306 = arith.constant 6 : i32
    %dma_start3A_307 = arith.constant 6 : i32
    %dma_start3A_308 = arith.constant 0 : i32
    %dma_start3A_309 = arith.constant 0 : i32
    %dma_start3A_310 = tpu.memref_slice %arg6[%dma_start3A_306, %dma_start3A_308, %dma_start3A_309] : memref<8x8x1024xf32, #tpu.memory_space<vmem>> -> memref<1x8x1024xf32, #tpu.memory_space<vmem>>
    %dma_start3A_311 = tpu.memref_squeeze %dma_start3A_310 : memref<1x8x1024xf32, #tpu.memory_space<vmem>> -> memref<8x1024xf32, #tpu.memory_space<vmem>>
    %dma_start3A_312 = arith.constant 0 : i32
    %dma_start3A_313 = tpu.memref_slice %arg4[%add3A_305, %dma_start3A_312] : memref<8192x1024xf32, #tpu.memory_space<hbm>> -> memref<8x1024xf32, #tpu.memory_space<hbm>>
    %dma_start3A_314 = tpu.memref_slice %arg8[%dma_start3A_307] : memref<8x!tpu.dma_semaphore, #tpu.memory_space<semaphore_mem>> -> memref<1x!tpu.dma_semaphore, #tpu.memory_space<semaphore_mem>>
    %dma_start3A_315 = tpu.memref_squeeze %dma_start3A_314 : memref<1x!tpu.dma_semaphore, #tpu.memory_space<semaphore_mem>> -> memref<!tpu.dma_semaphore, #tpu.memory_space<semaphore_mem>>
    %dma_start3A_316 = arith.constant 0 : i32
    %dma_start3A_317 = tpu.memref_slice %arg4[%add3A_305, %dma_start3A_316] : memref<8192x1024xf32, #tpu.memory_space<hbm>> -> memref<8x1024xf32, #tpu.memory_space<hbm>>
    %dma_start3A_318 = arith.constant 0 : i32
    %dma_start3A_319 = arith.constant 0 : i32
    %dma_start3A_320 = tpu.memref_slice %arg6[%dma_start3A_306, %dma_start3A_318, %dma_start3A_319] : memref<8x8x1024xf32, #tpu.memory_space<vmem>> -> memref<1x8x1024xf32, #tpu.memory_space<vmem>>
    %dma_start3A_321 = tpu.memref_squeeze %dma_start3A_320 : memref<1x8x1024xf32, #tpu.memory_space<vmem>> -> memref<8x1024xf32, #tpu.memory_space<vmem>>
    tpu.enqueue_dma source(%dma_start3A_321 : memref<8x1024xf32, #tpu.memory_space<vmem>>) target(%dma_start3A_317 : memref<8x1024xf32, #tpu.memory_space<hbm>>) target_semaphore(%dma_start3A_315 : memref<!tpu.dma_semaphore, #tpu.memory_space<semaphore_mem>>)
    %dma_wait3A_322 = arith.constant 0 : i32
    %dma_wait3A_323 = arith.constant 0 : i32
    %dma_wait3A_324 = arith.constant 0 : i32
    %dma_wait3A_325 = arith.constant 0 : i32
    %dma_wait3A_326 = tpu.memref_slice %arg6[%dma_wait3A_322, %dma_wait3A_324, %dma_wait3A_325] : memref<8x8x1024xf32, #tpu.memory_space<vmem>> -> memref<1x8x1024xf32, #tpu.memory_space<vmem>>
    %dma_wait3A_327 = tpu.memref_squeeze %dma_wait3A_326 : memref<1x8x1024xf32, #tpu.memory_space<vmem>> -> memref<8x1024xf32, #tpu.memory_space<vmem>>
    %dma_wait3A_328 = arith.constant 0 : i32
    %dma_wait3A_329 = tpu.memref_slice %arg4[%add3A_41, %dma_wait3A_328] : memref<8192x1024xf32, #tpu.memory_space<hbm>> -> memref<8x1024xf32, #tpu.memory_space<hbm>>
    %dma_wait3A_330 = tpu.memref_slice %arg8[%dma_wait3A_323] : memref<8x!tpu.dma_semaphore, #tpu.memory_space<semaphore_mem>> -> memref<1x!tpu.dma_semaphore, #tpu.memory_space<semaphore_mem>>
    %dma_wait3A_331 = tpu.memref_squeeze %dma_wait3A_330 : memref<1x!tpu.dma_semaphore, #tpu.memory_space<semaphore_mem>> -> memref<!tpu.dma_semaphore, #tpu.memory_space<semaphore_mem>>
    %dma_wait3A_332 = arith.constant 0 : i32
    %dma_wait3A_333 = tpu.memref_slice %arg4[%add3A_41, %dma_wait3A_332] : memref<8192x1024xf32, #tpu.memory_space<hbm>> -> memref<8x1024xf32, #tpu.memory_space<hbm>>
    %dma_wait3A_334 = arith.constant 0 : i32
    %dma_wait3A_335 = arith.constant 0 : i32
    %dma_wait3A_336 = tpu.memref_slice %arg6[%dma_wait3A_322, %dma_wait3A_334, %dma_wait3A_335] : memref<8x8x1024xf32, #tpu.memory_space<vmem>> -> memref<1x8x1024xf32, #tpu.memory_space<vmem>>
    %dma_wait3A_337 = tpu.memref_squeeze %dma_wait3A_336 : memref<1x8x1024xf32, #tpu.memory_space<vmem>> -> memref<8x1024xf32, #tpu.memory_space<vmem>>
    tpu.wait_dma2 semaphore(%dma_wait3A_331 : memref<!tpu.dma_semaphore, #tpu.memory_space<semaphore_mem>>) src(%dma_wait3A_337 : memref<8x1024xf32, #tpu.memory_space<vmem>>) dst(%dma_wait3A_333 : memref<8x1024xf32, #tpu.memory_space<hbm>>)
    %dma_start3A_338 = arith.constant 0 : i32
    %dma_start3A_339 = arith.constant 0 : i32
    %dma_start3A_340 = arith.constant 0 : i32
    %dma_start3A_341 = arith.constant 0 : i32
    %dma_start3A_342 = tpu.memref_slice %arg6[%dma_start3A_338, %dma_start3A_340, %dma_start3A_341] : memref<8x8x1024xf32, #tpu.memory_space<vmem>> -> memref<1x8x1024xf32, #tpu.memory_space<vmem>>
    %dma_start3A_343 = tpu.memref_squeeze %dma_start3A_342 : memref<1x8x1024xf32, #tpu.memory_space<vmem>> -> memref<8x1024xf32, #tpu.memory_space<vmem>>
    %dma_start3A_344 = arith.constant 64 : i32
    %dma_start3A_345 = tpu.memref_slice %arg5[%dma_start3A_344] : memref<256xi32, #tpu.memory_space<vmem>> -> memref<8xi32, #tpu.memory_space<vmem>>
    %dma_start3A_346 = arith.constant 0 : i32
    %dma_start3A_347 = arith.constant 0 : i32
    %dma_start3A_348 = tpu.memref_slice %arg3[%dma_start3A_346, %dma_start3A_347] : memref<100000x1024xf32, #tpu.memory_space<hbm>> -> memref<100000x1024xf32, #tpu.memory_space<hbm>>
    %dma_start3A_349 = tpu.memref_slice %arg7[%dma_start3A_339] : memref<8x!tpu.dma_semaphore, #tpu.memory_space<semaphore_mem>> -> memref<1x!tpu.dma_semaphore, #tpu.memory_space<semaphore_mem>>
    %dma_start3A_350 = tpu.memref_squeeze %dma_start3A_349 : memref<1x!tpu.dma_semaphore, #tpu.memory_space<semaphore_mem>> -> memref<!tpu.dma_semaphore, #tpu.memory_space<semaphore_mem>>
    tpu.enqueue_indirect_dma source(%dma_start3A_348 : memref<100000x1024xf32, #tpu.memory_space<hbm>>) target(%dma_start3A_343 : memref<8x1024xf32, #tpu.memory_space<vmem>>) offsets(%dma_start3A_345 : memref<8xi32, #tpu.memory_space<vmem>>) semaphore(%dma_start3A_350 : memref<!tpu.dma_semaphore, #tpu.memory_space<semaphore_mem>>)
    %dma_wait3A_351 = arith.constant 7 : i32
    %dma_wait3A_352 = arith.constant 7 : i32
    %dma_wait3A_353 = arith.constant 0 : i32
    %dma_wait3A_354 = arith.constant 0 : i32
    %dma_wait3A_355 = tpu.memref_slice %arg6[%dma_wait3A_351, %dma_wait3A_353, %dma_wait3A_354] : memref<8x8x1024xf32, #tpu.memory_space<vmem>> -> memref<1x8x1024xf32, #tpu.memory_space<vmem>>
    %dma_wait3A_356 = tpu.memref_squeeze %dma_wait3A_355 : memref<1x8x1024xf32, #tpu.memory_space<vmem>> -> memref<8x1024xf32, #tpu.memory_space<vmem>>
    %dma_wait3A_357 = arith.constant 56 : i32
    %dma_wait3A_358 = tpu.memref_slice %arg5[%dma_wait3A_357] : memref<256xi32, #tpu.memory_space<vmem>> -> memref<8xi32, #tpu.memory_space<vmem>>
    %dma_wait3A_359 = arith.constant 0 : i32
    %dma_wait3A_360 = arith.constant 0 : i32
    %dma_wait3A_361 = tpu.memref_slice %arg3[%dma_wait3A_359, %dma_wait3A_360] : memref<100000x1024xf32, #tpu.memory_space<hbm>> -> memref<100000x1024xf32, #tpu.memory_space<hbm>>
    %dma_wait3A_362 = tpu.memref_slice %arg7[%dma_wait3A_352] : memref<8x!tpu.dma_semaphore, #tpu.memory_space<semaphore_mem>> -> memref<1x!tpu.dma_semaphore, #tpu.memory_space<semaphore_mem>>
    %dma_wait3A_363 = tpu.memref_squeeze %dma_wait3A_362 : memref<1x!tpu.dma_semaphore, #tpu.memory_space<semaphore_mem>> -> memref<!tpu.dma_semaphore, #tpu.memory_space<semaphore_mem>>
    tpu.wait_indirect_dma semaphore(%dma_wait3A_363 : memref<!tpu.dma_semaphore, #tpu.memory_space<semaphore_mem>>) src(%dma_wait3A_361 : memref<100000x1024xf32, #tpu.memory_space<hbm>>) dst(%dma_wait3A_356 : memref<8x1024xf32, #tpu.memory_space<vmem>>)
    %add3A_364 = arith.constant 56 : i32
    %add3A_365 = arith.addi %mul3A_2, %add3A_364 : i32
    %dma_start3A_366 = arith.constant 7 : i32
    %dma_start3A_367 = arith.constant 7 : i32
    %dma_start3A_368 = arith.constant 0 : i32
    %dma_start3A_369 = arith.constant 0 : i32
    %dma_start3A_370 = tpu.memref_slice %arg6[%dma_start3A_366, %dma_start3A_368, %dma_start3A_369] : memref<8x8x1024xf32, #tpu.memory_space<vmem>> -> memref<1x8x1024xf32, #tpu.memory_space<vmem>>
    %dma_start3A_371 = tpu.memref_squeeze %dma_start3A_370 : memref<1x8x1024xf32, #tpu.memory_space<vmem>> -> memref<8x1024xf32, #tpu.memory_space<vmem>>
    %dma_start3A_372 = arith.constant 0 : i32
    %dma_start3A_373 = tpu.memref_slice %arg4[%add3A_365, %dma_start3A_372] : memref<8192x1024xf32, #tpu.memory_space<hbm>> -> memref<8x1024xf32, #tpu.memory_space<hbm>>
    %dma_start3A_374 = tpu.memref_slice %arg8[%dma_start3A_367] : memref<8x!tpu.dma_semaphore, #tpu.memory_space<semaphore_mem>> -> memref<1x!tpu.dma_semaphore, #tpu.memory_space<semaphore_mem>>
    %dma_start3A_375 = tpu.memref_squeeze %dma_start3A_374 : memref<1x!tpu.dma_semaphore, #tpu.memory_space<semaphore_mem>> -> memref<!tpu.dma_semaphore, #tpu.memory_space<semaphore_mem>>
    %dma_start3A_376 = arith.constant 0 : i32
    %dma_start3A_377 = tpu.memref_slice %arg4[%add3A_365, %dma_start3A_376] : memref<8192x1024xf32, #tpu.memory_space<hbm>> -> memref<8x1024xf32, #tpu.memory_space<hbm>>
    %dma_start3A_378 = arith.constant 0 : i32
    %dma_start3A_379 = arith.constant 0 : i32
    %dma_start3A_380 = tpu.memref_slice %arg6[%dma_start3A_366, %dma_start3A_378, %dma_start3A_379] : memref<8x8x1024xf32, #tpu.memory_space<vmem>> -> memref<1x8x1024xf32, #tpu.memory_space<vmem>>
    %dma_start3A_381 = tpu.memref_squeeze %dma_start3A_380 : memref<1x8x1024xf32, #tpu.memory_space<vmem>> -> memref<8x1024xf32, #tpu.memory_space<vmem>>
    tpu.enqueue_dma source(%dma_start3A_381 : memref<8x1024xf32, #tpu.memory_space<vmem>>) target(%dma_start3A_377 : memref<8x1024xf32, #tpu.memory_space<hbm>>) target_semaphore(%dma_start3A_375 : memref<!tpu.dma_semaphore, #tpu.memory_space<semaphore_mem>>)
    %dma_wait3A_382 = arith.constant 1 : i32
    %dma_wait3A_383 = arith.constant 1 : i32
    %dma_wait3A_384 = arith.constant 0 : i32
    %dma_wait3A_385 = arith.constant 0 : i32
    %dma_wait3A_386 = tpu.memref_slice %arg6[%dma_wait3A_382, %dma_wait3A_384, %dma_wait3A_385] : memref<8x8x1024xf32, #tpu.memory_space<vmem>> -> memref<1x8x1024xf32, #tpu.memory_space<vmem>>
    %dma_wait3A_387 = tpu.memref_squeeze %dma_wait3A_386 : memref<1x8x1024xf32, #tpu.memory_space<vmem>> -> memref<8x1024xf32, #tpu.memory_space<vmem>>
    %dma_wait3A_388 = arith.constant 0 : i32
    %dma_wait3A_389 = tpu.memref_slice %arg4[%add3A_85, %dma_wait3A_388] : memref<8192x1024xf32, #tpu.memory_space<hbm>> -> memref<8x1024xf32, #tpu.memory_space<hbm>>
    %dma_wait3A_390 = tpu.memref_slice %arg8[%dma_wait3A_383] : memref<8x!tpu.dma_semaphore, #tpu.memory_space<semaphore_mem>> -> memref<1x!tpu.dma_semaphore, #tpu.memory_space<semaphore_mem>>
    %dma_wait3A_391 = tpu.memref_squeeze %dma_wait3A_390 : memref<1x!tpu.dma_semaphore, #tpu.memory_space<semaphore_mem>> -> memref<!tpu.dma_semaphore, #tpu.memory_space<semaphore_mem>>
    %dma_wait3A_392 = arith.constant 0 : i32
    %dma_wait3A_393 = tpu.memref_slice %arg4[%add3A_85, %dma_wait3A_392] : memref<8192x1024xf32, #tpu.memory_space<hbm>> -> memref<8x1024xf32, #tpu.memory_space<hbm>>
    %dma_wait3A_394 = arith.constant 0 : i32
    %dma_wait3A_395 = arith.constant 0 : i32
    %dma_wait3A_396 = tpu.memref_slice %arg6[%dma_wait3A_382, %dma_wait3A_394, %dma_wait3A_395] : memref<8x8x1024xf32, #tpu.memory_space<vmem>> -> memref<1x8x1024xf32, #tpu.memory_space<vmem>>
    %dma_wait3A_397 = tpu.memref_squeeze %dma_wait3A_396 : memref<1x8x1024xf32, #tpu.memory_space<vmem>> -> memref<8x1024xf32, #tpu.memory_space<vmem>>
    tpu.wait_dma2 semaphore(%dma_wait3A_391 : memref<!tpu.dma_semaphore, #tpu.memory_space<semaphore_mem>>) src(%dma_wait3A_397 : memref<8x1024xf32, #tpu.memory_space<vmem>>) dst(%dma_wait3A_393 : memref<8x1024xf32, #tpu.memory_space<hbm>>)
    %dma_start3A_398 = arith.constant 1 : i32
    %dma_start3A_399 = arith.constant 1 : i32
    %dma_start3A_400 = arith.constant 0 : i32
    %dma_start3A_401 = arith.constant 0 : i32
    %dma_start3A_402 = tpu.memref_slice %arg6[%dma_start3A_398, %dma_start3A_400, %dma_start3A_401] : memref<8x8x1024xf32, #tpu.memory_space<vmem>> -> memref<1x8x1024xf32, #tpu.memory_space<vmem>>
    %dma_start3A_403 = tpu.memref_squeeze %dma_start3A_402 : memref<1x8x1024xf32, #tpu.memory_space<vmem>> -> memref<8x1024xf32, #tpu.memory_space<vmem>>
    %dma_start3A_404 = arith.constant 72 : i32
    %dma_start3A_405 = tpu.memref_slice %arg5[%dma_start3A_404] : memref<256xi32, #tpu.memory_space<vmem>> -> memref<8xi32, #tpu.memory_space<vmem>>
    %dma_start3A_406 = arith.constant 0 : i32
    %dma_start3A_407 = arith.constant 0 : i32
    %dma_start3A_408 = tpu.memref_slice %arg3[%dma_start3A_406, %dma_start3A_407] : memref<100000x1024xf32, #tpu.memory_space<hbm>> -> memref<100000x1024xf32, #tpu.memory_space<hbm>>
    %dma_start3A_409 = tpu.memref_slice %arg7[%dma_start3A_399] : memref<8x!tpu.dma_semaphore, #tpu.memory_space<semaphore_mem>> -> memref<1x!tpu.dma_semaphore, #tpu.memory_space<semaphore_mem>>
    %dma_start3A_410 = tpu.memref_squeeze %dma_start3A_409 : memref<1x!tpu.dma_semaphore, #tpu.memory_space<semaphore_mem>> -> memref<!tpu.dma_semaphore, #tpu.memory_space<semaphore_mem>>
    tpu.enqueue_indirect_dma source(%dma_start3A_408 : memref<100000x1024xf32, #tpu.memory_space<hbm>>) target(%dma_start3A_403 : memref<8x1024xf32, #tpu.memory_space<vmem>>) offsets(%dma_start3A_405 : memref<8xi32, #tpu.memory_space<vmem>>) semaphore(%dma_start3A_410 : memref<!tpu.dma_semaphore, #tpu.memory_space<semaphore_mem>>)
    %dma_wait3A_411 = arith.constant 0 : i32
    %dma_wait3A_412 = arith.constant 0 : i32
    %dma_wait3A_413 = arith.constant 0 : i32
    %dma_wait3A_414 = arith.constant 0 : i32
    %dma_wait3A_415 = tpu.memref_slice %arg6[%dma_wait3A_411, %dma_wait3A_413, %dma_wait3A_414] : memref<8x8x1024xf32, #tpu.memory_space<vmem>> -> memref<1x8x1024xf32, #tpu.memory_space<vmem>>
    %dma_wait3A_416 = tpu.memref_squeeze %dma_wait3A_415 : memref<1x8x1024xf32, #tpu.memory_space<vmem>> -> memref<8x1024xf32, #tpu.memory_space<vmem>>
    %dma_wait3A_417 = arith.constant 64 : i32
    %dma_wait3A_418 = tpu.memref_slice %arg5[%dma_wait3A_417] : memref<256xi32, #tpu.memory_space<vmem>> -> memref<8xi32, #tpu.memory_space<vmem>>
    %dma_wait3A_419 = arith.constant 0 : i32
    %dma_wait3A_420 = arith.constant 0 : i32
    %dma_wait3A_421 = tpu.memref_slice %arg3[%dma_wait3A_419, %dma_wait3A_420] : memref<100000x1024xf32, #tpu.memory_space<hbm>> -> memref<100000x1024xf32, #tpu.memory_space<hbm>>
    %dma_wait3A_422 = tpu.memref_slice %arg7[%dma_wait3A_412] : memref<8x!tpu.dma_semaphore, #tpu.memory_space<semaphore_mem>> -> memref<1x!tpu.dma_semaphore, #tpu.memory_space<semaphore_mem>>
    %dma_wait3A_423 = tpu.memref_squeeze %dma_wait3A_422 : memref<1x!tpu.dma_semaphore, #tpu.memory_space<semaphore_mem>> -> memref<!tpu.dma_semaphore, #tpu.memory_space<semaphore_mem>>
    tpu.wait_indirect_dma semaphore(%dma_wait3A_423 : memref<!tpu.dma_semaphore, #tpu.memory_space<semaphore_mem>>) src(%dma_wait3A_421 : memref<100000x1024xf32, #tpu.memory_space<hbm>>) dst(%dma_wait3A_416 : memref<8x1024xf32, #tpu.memory_space<vmem>>)
    %add3A_424 = arith.constant 64 : i32
    %add3A_425 = arith.addi %mul3A_2, %add3A_424 : i32
    %dma_start3A_426 = arith.constant 0 : i32
    %dma_start3A_427 = arith.constant 0 : i32
    %dma_start3A_428 = arith.constant 0 : i32
    %dma_start3A_429 = arith.constant 0 : i32
    %dma_start3A_430 = tpu.memref_slice %arg6[%dma_start3A_426, %dma_start3A_428, %dma_start3A_429] : memref<8x8x1024xf32, #tpu.memory_space<vmem>> -> memref<1x8x1024xf32, #tpu.memory_space<vmem>>
    %dma_start3A_431 = tpu.memref_squeeze %dma_start3A_430 : memref<1x8x1024xf32, #tpu.memory_space<vmem>> -> memref<8x1024xf32, #tpu.memory_space<vmem>>
    %dma_start3A_432 = arith.constant 0 : i32
    %dma_start3A_433 = tpu.memref_slice %arg4[%add3A_425, %dma_start3A_432] : memref<8192x1024xf32, #tpu.memory_space<hbm>> -> memref<8x1024xf32, #tpu.memory_space<hbm>>
    %dma_start3A_434 = tpu.memref_slice %arg8[%dma_start3A_427] : memref<8x!tpu.dma_semaphore, #tpu.memory_space<semaphore_mem>> -> memref<1x!tpu.dma_semaphore, #tpu.memory_space<semaphore_mem>>
    %dma_start3A_435 = tpu.memref_squeeze %dma_start3A_434 : memref<1x!tpu.dma_semaphore, #tpu.memory_space<semaphore_mem>> -> memref<!tpu.dma_semaphore, #tpu.memory_space<semaphore_mem>>
    %dma_start3A_436 = arith.constant 0 : i32
    %dma_start3A_437 = tpu.memref_slice %arg4[%add3A_425, %dma_start3A_436] : memref<8192x1024xf32, #tpu.memory_space<hbm>> -> memref<8x1024xf32, #tpu.memory_space<hbm>>
    %dma_start3A_438 = arith.constant 0 : i32
    %dma_start3A_439 = arith.constant 0 : i32
    %dma_start3A_440 = tpu.memref_slice %arg6[%dma_start3A_426, %dma_start3A_438, %dma_start3A_439] : memref<8x8x1024xf32, #tpu.memory_space<vmem>> -> memref<1x8x1024xf32, #tpu.memory_space<vmem>>
    %dma_start3A_441 = tpu.memref_squeeze %dma_start3A_440 : memref<1x8x1024xf32, #tpu.memory_space<vmem>> -> memref<8x1024xf32, #tpu.memory_space<vmem>>
    tpu.enqueue_dma source(%dma_start3A_441 : memref<8x1024xf32, #tpu.memory_space<vmem>>) target(%dma_start3A_437 : memref<8x1024xf32, #tpu.memory_space<hbm>>) target_semaphore(%dma_start3A_435 : memref<!tpu.dma_semaphore, #tpu.memory_space<semaphore_mem>>)
    %dma_wait3A_442 = arith.constant 2 : i32
    %dma_wait3A_443 = arith.constant 2 : i32
    %dma_wait3A_444 = arith.constant 0 : i32
    %dma_wait3A_445 = arith.constant 0 : i32
    %dma_wait3A_446 = tpu.memref_slice %arg6[%dma_wait3A_442, %dma_wait3A_444, %dma_wait3A_445] : memref<8x8x1024xf32, #tpu.memory_space<vmem>> -> memref<1x8x1024xf32, #tpu.memory_space<vmem>>
    %dma_wait3A_447 = tpu.memref_squeeze %dma_wait3A_446 : memref<1x8x1024xf32, #tpu.memory_space<vmem>> -> memref<8x1024xf32, #tpu.memory_space<vmem>>
    %dma_wait3A_448 = arith.constant 0 : i32
    %dma_wait3A_449 = tpu.memref_slice %arg4[%add3A_129, %dma_wait3A_448] : memref<8192x1024xf32, #tpu.memory_space<hbm>> -> memref<8x1024xf32, #tpu.memory_space<hbm>>
    %dma_wait3A_450 = tpu.memref_slice %arg8[%dma_wait3A_443] : memref<8x!tpu.dma_semaphore, #tpu.memory_space<semaphore_mem>> -> memref<1x!tpu.dma_semaphore, #tpu.memory_space<semaphore_mem>>
    %dma_wait3A_451 = tpu.memref_squeeze %dma_wait3A_450 : memref<1x!tpu.dma_semaphore, #tpu.memory_space<semaphore_mem>> -> memref<!tpu.dma_semaphore, #tpu.memory_space<semaphore_mem>>
    %dma_wait3A_452 = arith.constant 0 : i32
    %dma_wait3A_453 = tpu.memref_slice %arg4[%add3A_129, %dma_wait3A_452] : memref<8192x1024xf32, #tpu.memory_space<hbm>> -> memref<8x1024xf32, #tpu.memory_space<hbm>>
    %dma_wait3A_454 = arith.constant 0 : i32
    %dma_wait3A_455 = arith.constant 0 : i32
    %dma_wait3A_456 = tpu.memref_slice %arg6[%dma_wait3A_442, %dma_wait3A_454, %dma_wait3A_455] : memref<8x8x1024xf32, #tpu.memory_space<vmem>> -> memref<1x8x1024xf32, #tpu.memory_space<vmem>>
    %dma_wait3A_457 = tpu.memref_squeeze %dma_wait3A_456 : memref<1x8x1024xf32, #tpu.memory_space<vmem>> -> memref<8x1024xf32, #tpu.memory_space<vmem>>
    tpu.wait_dma2 semaphore(%dma_wait3A_451 : memref<!tpu.dma_semaphore, #tpu.memory_space<semaphore_mem>>) src(%dma_wait3A_457 : memref<8x1024xf32, #tpu.memory_space<vmem>>) dst(%dma_wait3A_453 : memref<8x1024xf32, #tpu.memory_space<hbm>>)
    %dma_start3A_458 = arith.constant 2 : i32
    %dma_start3A_459 = arith.constant 2 : i32
    %dma_start3A_460 = arith.constant 0 : i32
    %dma_start3A_461 = arith.constant 0 : i32
    %dma_start3A_462 = tpu.memref_slice %arg6[%dma_start3A_458, %dma_start3A_460, %dma_start3A_461] : memref<8x8x1024xf32, #tpu.memory_space<vmem>> -> memref<1x8x1024xf32, #tpu.memory_space<vmem>>
    %dma_start3A_463 = tpu.memref_squeeze %dma_start3A_462 : memref<1x8x1024xf32, #tpu.memory_space<vmem>> -> memref<8x1024xf32, #tpu.memory_space<vmem>>
    %dma_start3A_464 = arith.constant 80 : i32
    %dma_start3A_465 = tpu.memref_slice %arg5[%dma_start3A_464] : memref<256xi32, #tpu.memory_space<vmem>> -> memref<8xi32, #tpu.memory_space<vmem>>
    %dma_start3A_466 = arith.constant 0 : i32
    %dma_start3A_467 = arith.constant 0 : i32
    %dma_start3A_468 = tpu.memref_slice %arg3[%dma_start3A_466, %dma_start3A_467] : memref<100000x1024xf32, #tpu.memory_space<hbm>> -> memref<100000x1024xf32, #tpu.memory_space<hbm>>
    %dma_start3A_469 = tpu.memref_slice %arg7[%dma_start3A_459] : memref<8x!tpu.dma_semaphore, #tpu.memory_space<semaphore_mem>> -> memref<1x!tpu.dma_semaphore, #tpu.memory_space<semaphore_mem>>
    %dma_start3A_470 = tpu.memref_squeeze %dma_start3A_469 : memref<1x!tpu.dma_semaphore, #tpu.memory_space<semaphore_mem>> -> memref<!tpu.dma_semaphore, #tpu.memory_space<semaphore_mem>>
    tpu.enqueue_indirect_dma source(%dma_start3A_468 : memref<100000x1024xf32, #tpu.memory_space<hbm>>) target(%dma_start3A_463 : memref<8x1024xf32, #tpu.memory_space<vmem>>) offsets(%dma_start3A_465 : memref<8xi32, #tpu.memory_space<vmem>>) semaphore(%dma_start3A_470 : memref<!tpu.dma_semaphore, #tpu.memory_space<semaphore_mem>>)
    %dma_wait3A_471 = arith.constant 1 : i32
    %dma_wait3A_472 = arith.constant 1 : i32
    %dma_wait3A_473 = arith.constant 0 : i32
    %dma_wait3A_474 = arith.constant 0 : i32
    %dma_wait3A_475 = tpu.memref_slice %arg6[%dma_wait3A_471, %dma_wait3A_473, %dma_wait3A_474] : memref<8x8x1024xf32, #tpu.memory_space<vmem>> -> memref<1x8x1024xf32, #tpu.memory_space<vmem>>
    %dma_wait3A_476 = tpu.memref_squeeze %dma_wait3A_475 : memref<1x8x1024xf32, #tpu.memory_space<vmem>> -> memref<8x1024xf32, #tpu.memory_space<vmem>>
    %dma_wait3A_477 = arith.constant 72 : i32
    %dma_wait3A_478 = tpu.memref_slice %arg5[%dma_wait3A_477] : memref<256xi32, #tpu.memory_space<vmem>> -> memref<8xi32, #tpu.memory_space<vmem>>
    %dma_wait3A_479 = arith.constant 0 : i32
    %dma_wait3A_480 = arith.constant 0 : i32
    %dma_wait3A_481 = tpu.memref_slice %arg3[%dma_wait3A_479, %dma_wait3A_480] : memref<100000x1024xf32, #tpu.memory_space<hbm>> -> memref<100000x1024xf32, #tpu.memory_space<hbm>>
    %dma_wait3A_482 = tpu.memref_slice %arg7[%dma_wait3A_472] : memref<8x!tpu.dma_semaphore, #tpu.memory_space<semaphore_mem>> -> memref<1x!tpu.dma_semaphore, #tpu.memory_space<semaphore_mem>>
    %dma_wait3A_483 = tpu.memref_squeeze %dma_wait3A_482 : memref<1x!tpu.dma_semaphore, #tpu.memory_space<semaphore_mem>> -> memref<!tpu.dma_semaphore, #tpu.memory_space<semaphore_mem>>
    tpu.wait_indirect_dma semaphore(%dma_wait3A_483 : memref<!tpu.dma_semaphore, #tpu.memory_space<semaphore_mem>>) src(%dma_wait3A_481 : memref<100000x1024xf32, #tpu.memory_space<hbm>>) dst(%dma_wait3A_476 : memref<8x1024xf32, #tpu.memory_space<vmem>>)
    %add3A_484 = arith.constant 72 : i32
    %add3A_485 = arith.addi %mul3A_2, %add3A_484 : i32
    %dma_start3A_486 = arith.constant 1 : i32
    %dma_start3A_487 = arith.constant 1 : i32
    %dma_start3A_488 = arith.constant 0 : i32
    %dma_start3A_489 = arith.constant 0 : i32
    %dma_start3A_490 = tpu.memref_slice %arg6[%dma_start3A_486, %dma_start3A_488, %dma_start3A_489] : memref<8x8x1024xf32, #tpu.memory_space<vmem>> -> memref<1x8x1024xf32, #tpu.memory_space<vmem>>
    %dma_start3A_491 = tpu.memref_squeeze %dma_start3A_490 : memref<1x8x1024xf32, #tpu.memory_space<vmem>> -> memref<8x1024xf32, #tpu.memory_space<vmem>>
    %dma_start3A_492 = arith.constant 0 : i32
    %dma_start3A_493 = tpu.memref_slice %arg4[%add3A_485, %dma_start3A_492] : memref<8192x1024xf32, #tpu.memory_space<hbm>> -> memref<8x1024xf32, #tpu.memory_space<hbm>>
    %dma_start3A_494 = tpu.memref_slice %arg8[%dma_start3A_487] : memref<8x!tpu.dma_semaphore, #tpu.memory_space<semaphore_mem>> -> memref<1x!tpu.dma_semaphore, #tpu.memory_space<semaphore_mem>>
    %dma_start3A_495 = tpu.memref_squeeze %dma_start3A_494 : memref<1x!tpu.dma_semaphore, #tpu.memory_space<semaphore_mem>> -> memref<!tpu.dma_semaphore, #tpu.memory_space<semaphore_mem>>
    %dma_start3A_496 = arith.constant 0 : i32
    %dma_start3A_497 = tpu.memref_slice %arg4[%add3A_485, %dma_start3A_496] : memref<8192x1024xf32, #tpu.memory_space<hbm>> -> memref<8x1024xf32, #tpu.memory_space<hbm>>
    %dma_start3A_498 = arith.constant 0 : i32
    %dma_start3A_499 = arith.constant 0 : i32
    %dma_start3A_500 = tpu.memref_slice %arg6[%dma_start3A_486, %dma_start3A_498, %dma_start3A_499] : memref<8x8x1024xf32, #tpu.memory_space<vmem>> -> memref<1x8x1024xf32, #tpu.memory_space<vmem>>
    %dma_start3A_501 = tpu.memref_squeeze %dma_start3A_500 : memref<1x8x1024xf32, #tpu.memory_space<vmem>> -> memref<8x1024xf32, #tpu.memory_space<vmem>>
    tpu.enqueue_dma source(%dma_start3A_501 : memref<8x1024xf32, #tpu.memory_space<vmem>>) target(%dma_start3A_497 : memref<8x1024xf32, #tpu.memory_space<hbm>>) target_semaphore(%dma_start3A_495 : memref<!tpu.dma_semaphore, #tpu.memory_space<semaphore_mem>>)
    %dma_wait3A_502 = arith.constant 3 : i32
    %dma_wait3A_503 = arith.constant 3 : i32
    %dma_wait3A_504 = arith.constant 0 : i32
    %dma_wait3A_505 = arith.constant 0 : i32
    %dma_wait3A_506 = tpu.memref_slice %arg6[%dma_wait3A_502, %dma_wait3A_504, %dma_wait3A_505] : memref<8x8x1024xf32, #tpu.memory_space<vmem>> -> memref<1x8x1024xf32, #tpu.memory_space<vmem>>
    %dma_wait3A_507 = tpu.memref_squeeze %dma_wait3A_506 : memref<1x8x1024xf32, #tpu.memory_space<vmem>> -> memref<8x1024xf32, #tpu.memory_space<vmem>>
    %dma_wait3A_508 = arith.constant 0 : i32
    %dma_wait3A_509 = tpu.memref_slice %arg4[%add3A_173, %dma_wait3A_508] : memref<8192x1024xf32, #tpu.memory_space<hbm>> -> memref<8x1024xf32, #tpu.memory_space<hbm>>
    %dma_wait3A_510 = tpu.memref_slice %arg8[%dma_wait3A_503] : memref<8x!tpu.dma_semaphore, #tpu.memory_space<semaphore_mem>> -> memref<1x!tpu.dma_semaphore, #tpu.memory_space<semaphore_mem>>
    %dma_wait3A_511 = tpu.memref_squeeze %dma_wait3A_510 : memref<1x!tpu.dma_semaphore, #tpu.memory_space<semaphore_mem>> -> memref<!tpu.dma_semaphore, #tpu.memory_space<semaphore_mem>>
    %dma_wait3A_512 = arith.constant 0 : i32
    %dma_wait3A_513 = tpu.memref_slice %arg4[%add3A_173, %dma_wait3A_512] : memref<8192x1024xf32, #tpu.memory_space<hbm>> -> memref<8x1024xf32, #tpu.memory_space<hbm>>
    %dma_wait3A_514 = arith.constant 0 : i32
    %dma_wait3A_515 = arith.constant 0 : i32
    %dma_wait3A_516 = tpu.memref_slice %arg6[%dma_wait3A_502, %dma_wait3A_514, %dma_wait3A_515] : memref<8x8x1024xf32, #tpu.memory_space<vmem>> -> memref<1x8x1024xf32, #tpu.memory_space<vmem>>
    %dma_wait3A_517 = tpu.memref_squeeze %dma_wait3A_516 : memref<1x8x1024xf32, #tpu.memory_space<vmem>> -> memref<8x1024xf32, #tpu.memory_space<vmem>>
    tpu.wait_dma2 semaphore(%dma_wait3A_511 : memref<!tpu.dma_semaphore, #tpu.memory_space<semaphore_mem>>) src(%dma_wait3A_517 : memref<8x1024xf32, #tpu.memory_space<vmem>>) dst(%dma_wait3A_513 : memref<8x1024xf32, #tpu.memory_space<hbm>>)
    %dma_start3A_518 = arith.constant 3 : i32
    %dma_start3A_519 = arith.constant 3 : i32
    %dma_start3A_520 = arith.constant 0 : i32
    %dma_start3A_521 = arith.constant 0 : i32
    %dma_start3A_522 = tpu.memref_slice %arg6[%dma_start3A_518, %dma_start3A_520, %dma_start3A_521] : memref<8x8x1024xf32, #tpu.memory_space<vmem>> -> memref<1x8x1024xf32, #tpu.memory_space<vmem>>
    %dma_start3A_523 = tpu.memref_squeeze %dma_start3A_522 : memref<1x8x1024xf32, #tpu.memory_space<vmem>> -> memref<8x1024xf32, #tpu.memory_space<vmem>>
    %dma_start3A_524 = arith.constant 88 : i32
    %dma_start3A_525 = tpu.memref_slice %arg5[%dma_start3A_524] : memref<256xi32, #tpu.memory_space<vmem>> -> memref<8xi32, #tpu.memory_space<vmem>>
    %dma_start3A_526 = arith.constant 0 : i32
    %dma_start3A_527 = arith.constant 0 : i32
    %dma_start3A_528 = tpu.memref_slice %arg3[%dma_start3A_526, %dma_start3A_527] : memref<100000x1024xf32, #tpu.memory_space<hbm>> -> memref<100000x1024xf32, #tpu.memory_space<hbm>>
    %dma_start3A_529 = tpu.memref_slice %arg7[%dma_start3A_519] : memref<8x!tpu.dma_semaphore, #tpu.memory_space<semaphore_mem>> -> memref<1x!tpu.dma_semaphore, #tpu.memory_space<semaphore_mem>>
    %dma_start3A_530 = tpu.memref_squeeze %dma_start3A_529 : memref<1x!tpu.dma_semaphore, #tpu.memory_space<semaphore_mem>> -> memref<!tpu.dma_semaphore, #tpu.memory_space<semaphore_mem>>
    tpu.enqueue_indirect_dma source(%dma_start3A_528 : memref<100000x1024xf32, #tpu.memory_space<hbm>>) target(%dma_start3A_523 : memref<8x1024xf32, #tpu.memory_space<vmem>>) offsets(%dma_start3A_525 : memref<8xi32, #tpu.memory_space<vmem>>) semaphore(%dma_start3A_530 : memref<!tpu.dma_semaphore, #tpu.memory_space<semaphore_mem>>)
    %dma_wait3A_531 = arith.constant 2 : i32
    %dma_wait3A_532 = arith.constant 2 : i32
    %dma_wait3A_533 = arith.constant 0 : i32
    %dma_wait3A_534 = arith.constant 0 : i32
    %dma_wait3A_535 = tpu.memref_slice %arg6[%dma_wait3A_531, %dma_wait3A_533, %dma_wait3A_534] : memref<8x8x1024xf32, #tpu.memory_space<vmem>> -> memref<1x8x1024xf32, #tpu.memory_space<vmem>>
    %dma_wait3A_536 = tpu.memref_squeeze %dma_wait3A_535 : memref<1x8x1024xf32, #tpu.memory_space<vmem>> -> memref<8x1024xf32, #tpu.memory_space<vmem>>
    %dma_wait3A_537 = arith.constant 80 : i32
    %dma_wait3A_538 = tpu.memref_slice %arg5[%dma_wait3A_537] : memref<256xi32, #tpu.memory_space<vmem>> -> memref<8xi32, #tpu.memory_space<vmem>>
    %dma_wait3A_539 = arith.constant 0 : i32
    %dma_wait3A_540 = arith.constant 0 : i32
    %dma_wait3A_541 = tpu.memref_slice %arg3[%dma_wait3A_539, %dma_wait3A_540] : memref<100000x1024xf32, #tpu.memory_space<hbm>> -> memref<100000x1024xf32, #tpu.memory_space<hbm>>
    %dma_wait3A_542 = tpu.memref_slice %arg7[%dma_wait3A_532] : memref<8x!tpu.dma_semaphore, #tpu.memory_space<semaphore_mem>> -> memref<1x!tpu.dma_semaphore, #tpu.memory_space<semaphore_mem>>
    %dma_wait3A_543 = tpu.memref_squeeze %dma_wait3A_542 : memref<1x!tpu.dma_semaphore, #tpu.memory_space<semaphore_mem>> -> memref<!tpu.dma_semaphore, #tpu.memory_space<semaphore_mem>>
    tpu.wait_indirect_dma semaphore(%dma_wait3A_543 : memref<!tpu.dma_semaphore, #tpu.memory_space<semaphore_mem>>) src(%dma_wait3A_541 : memref<100000x1024xf32, #tpu.memory_space<hbm>>) dst(%dma_wait3A_536 : memref<8x1024xf32, #tpu.memory_space<vmem>>)
    %add3A_544 = arith.constant 80 : i32
    %add3A_545 = arith.addi %mul3A_2, %add3A_544 : i32
    %dma_start3A_546 = arith.constant 2 : i32
    %dma_start3A_547 = arith.constant 2 : i32
    %dma_start3A_548 = arith.constant 0 : i32
    %dma_start3A_549 = arith.constant 0 : i32
    %dma_start3A_550 = tpu.memref_slice %arg6[%dma_start3A_546, %dma_start3A_548, %dma_start3A_549] : memref<8x8x1024xf32, #tpu.memory_space<vmem>> -> memref<1x8x1024xf32, #tpu.memory_space<vmem>>
    %dma_start3A_551 = tpu.memref_squeeze %dma_start3A_550 : memref<1x8x1024xf32, #tpu.memory_space<vmem>> -> memref<8x1024xf32, #tpu.memory_space<vmem>>
    %dma_start3A_552 = arith.constant 0 : i32
    %dma_start3A_553 = tpu.memref_slice %arg4[%add3A_545, %dma_start3A_552] : memref<8192x1024xf32, #tpu.memory_space<hbm>> -> memref<8x1024xf32, #tpu.memory_space<hbm>>
    %dma_start3A_554 = tpu.memref_slice %arg8[%dma_start3A_547] : memref<8x!tpu.dma_semaphore, #tpu.memory_space<semaphore_mem>> -> memref<1x!tpu.dma_semaphore, #tpu.memory_space<semaphore_mem>>
    %dma_start3A_555 = tpu.memref_squeeze %dma_start3A_554 : memref<1x!tpu.dma_semaphore, #tpu.memory_space<semaphore_mem>> -> memref<!tpu.dma_semaphore, #tpu.memory_space<semaphore_mem>>
    %dma_start3A_556 = arith.constant 0 : i32
    %dma_start3A_557 = tpu.memref_slice %arg4[%add3A_545, %dma_start3A_556] : memref<8192x1024xf32, #tpu.memory_space<hbm>> -> memref<8x1024xf32, #tpu.memory_space<hbm>>
    %dma_start3A_558 = arith.constant 0 : i32
    %dma_start3A_559 = arith.constant 0 : i32
    %dma_start3A_560 = tpu.memref_slice %arg6[%dma_start3A_546, %dma_start3A_558, %dma_start3A_559] : memref<8x8x1024xf32, #tpu.memory_space<vmem>> -> memref<1x8x1024xf32, #tpu.memory_space<vmem>>
    %dma_start3A_561 = tpu.memref_squeeze %dma_start3A_560 : memref<1x8x1024xf32, #tpu.memory_space<vmem>> -> memref<8x1024xf32, #tpu.memory_space<vmem>>
    tpu.enqueue_dma source(%dma_start3A_561 : memref<8x1024xf32, #tpu.memory_space<vmem>>) target(%dma_start3A_557 : memref<8x1024xf32, #tpu.memory_space<hbm>>) target_semaphore(%dma_start3A_555 : memref<!tpu.dma_semaphore, #tpu.memory_space<semaphore_mem>>)
    %dma_wait3A_562 = arith.constant 4 : i32
    %dma_wait3A_563 = arith.constant 4 : i32
    %dma_wait3A_564 = arith.constant 0 : i32
    %dma_wait3A_565 = arith.constant 0 : i32
    %dma_wait3A_566 = tpu.memref_slice %arg6[%dma_wait3A_562, %dma_wait3A_564, %dma_wait3A_565] : memref<8x8x1024xf32, #tpu.memory_space<vmem>> -> memref<1x8x1024xf32, #tpu.memory_space<vmem>>
    %dma_wait3A_567 = tpu.memref_squeeze %dma_wait3A_566 : memref<1x8x1024xf32, #tpu.memory_space<vmem>> -> memref<8x1024xf32, #tpu.memory_space<vmem>>
    %dma_wait3A_568 = arith.constant 0 : i32
    %dma_wait3A_569 = tpu.memref_slice %arg4[%add3A_217, %dma_wait3A_568] : memref<8192x1024xf32, #tpu.memory_space<hbm>> -> memref<8x1024xf32, #tpu.memory_space<hbm>>
    %dma_wait3A_570 = tpu.memref_slice %arg8[%dma_wait3A_563] : memref<8x!tpu.dma_semaphore, #tpu.memory_space<semaphore_mem>> -> memref<1x!tpu.dma_semaphore, #tpu.memory_space<semaphore_mem>>
    %dma_wait3A_571 = tpu.memref_squeeze %dma_wait3A_570 : memref<1x!tpu.dma_semaphore, #tpu.memory_space<semaphore_mem>> -> memref<!tpu.dma_semaphore, #tpu.memory_space<semaphore_mem>>
    %dma_wait3A_572 = arith.constant 0 : i32
    %dma_wait3A_573 = tpu.memref_slice %arg4[%add3A_217, %dma_wait3A_572] : memref<8192x1024xf32, #tpu.memory_space<hbm>> -> memref<8x1024xf32, #tpu.memory_space<hbm>>
    %dma_wait3A_574 = arith.constant 0 : i32
    %dma_wait3A_575 = arith.constant 0 : i32
    %dma_wait3A_576 = tpu.memref_slice %arg6[%dma_wait3A_562, %dma_wait3A_574, %dma_wait3A_575] : memref<8x8x1024xf32, #tpu.memory_space<vmem>> -> memref<1x8x1024xf32, #tpu.memory_space<vmem>>
    %dma_wait3A_577 = tpu.memref_squeeze %dma_wait3A_576 : memref<1x8x1024xf32, #tpu.memory_space<vmem>> -> memref<8x1024xf32, #tpu.memory_space<vmem>>
    tpu.wait_dma2 semaphore(%dma_wait3A_571 : memref<!tpu.dma_semaphore, #tpu.memory_space<semaphore_mem>>) src(%dma_wait3A_577 : memref<8x1024xf32, #tpu.memory_space<vmem>>) dst(%dma_wait3A_573 : memref<8x1024xf32, #tpu.memory_space<hbm>>)
    %dma_start3A_578 = arith.constant 4 : i32
    %dma_start3A_579 = arith.constant 4 : i32
    %dma_start3A_580 = arith.constant 0 : i32
    %dma_start3A_581 = arith.constant 0 : i32
    %dma_start3A_582 = tpu.memref_slice %arg6[%dma_start3A_578, %dma_start3A_580, %dma_start3A_581] : memref<8x8x1024xf32, #tpu.memory_space<vmem>> -> memref<1x8x1024xf32, #tpu.memory_space<vmem>>
    %dma_start3A_583 = tpu.memref_squeeze %dma_start3A_582 : memref<1x8x1024xf32, #tpu.memory_space<vmem>> -> memref<8x1024xf32, #tpu.memory_space<vmem>>
    %dma_start3A_584 = arith.constant 96 : i32
    %dma_start3A_585 = tpu.memref_slice %arg5[%dma_start3A_584] : memref<256xi32, #tpu.memory_space<vmem>> -> memref<8xi32, #tpu.memory_space<vmem>>
    %dma_start3A_586 = arith.constant 0 : i32
    %dma_start3A_587 = arith.constant 0 : i32
    %dma_start3A_588 = tpu.memref_slice %arg3[%dma_start3A_586, %dma_start3A_587] : memref<100000x1024xf32, #tpu.memory_space<hbm>> -> memref<100000x1024xf32, #tpu.memory_space<hbm>>
    %dma_start3A_589 = tpu.memref_slice %arg7[%dma_start3A_579] : memref<8x!tpu.dma_semaphore, #tpu.memory_space<semaphore_mem>> -> memref<1x!tpu.dma_semaphore, #tpu.memory_space<semaphore_mem>>
    %dma_start3A_590 = tpu.memref_squeeze %dma_start3A_589 : memref<1x!tpu.dma_semaphore, #tpu.memory_space<semaphore_mem>> -> memref<!tpu.dma_semaphore, #tpu.memory_space<semaphore_mem>>
    tpu.enqueue_indirect_dma source(%dma_start3A_588 : memref<100000x1024xf32, #tpu.memory_space<hbm>>) target(%dma_start3A_583 : memref<8x1024xf32, #tpu.memory_space<vmem>>) offsets(%dma_start3A_585 : memref<8xi32, #tpu.memory_space<vmem>>) semaphore(%dma_start3A_590 : memref<!tpu.dma_semaphore, #tpu.memory_space<semaphore_mem>>)
    %dma_wait3A_591 = arith.constant 3 : i32
    %dma_wait3A_592 = arith.constant 3 : i32
    %dma_wait3A_593 = arith.constant 0 : i32
    %dma_wait3A_594 = arith.constant 0 : i32
    %dma_wait3A_595 = tpu.memref_slice %arg6[%dma_wait3A_591, %dma_wait3A_593, %dma_wait3A_594] : memref<8x8x1024xf32, #tpu.memory_space<vmem>> -> memref<1x8x1024xf32, #tpu.memory_space<vmem>>
    %dma_wait3A_596 = tpu.memref_squeeze %dma_wait3A_595 : memref<1x8x1024xf32, #tpu.memory_space<vmem>> -> memref<8x1024xf32, #tpu.memory_space<vmem>>
    %dma_wait3A_597 = arith.constant 88 : i32
    %dma_wait3A_598 = tpu.memref_slice %arg5[%dma_wait3A_597] : memref<256xi32, #tpu.memory_space<vmem>> -> memref<8xi32, #tpu.memory_space<vmem>>
    %dma_wait3A_599 = arith.constant 0 : i32
    %dma_wait3A_600 = arith.constant 0 : i32
    %dma_wait3A_601 = tpu.memref_slice %arg3[%dma_wait3A_599, %dma_wait3A_600] : memref<100000x1024xf32, #tpu.memory_space<hbm>> -> memref<100000x1024xf32, #tpu.memory_space<hbm>>
    %dma_wait3A_602 = tpu.memref_slice %arg7[%dma_wait3A_592] : memref<8x!tpu.dma_semaphore, #tpu.memory_space<semaphore_mem>> -> memref<1x!tpu.dma_semaphore, #tpu.memory_space<semaphore_mem>>
    %dma_wait3A_603 = tpu.memref_squeeze %dma_wait3A_602 : memref<1x!tpu.dma_semaphore, #tpu.memory_space<semaphore_mem>> -> memref<!tpu.dma_semaphore, #tpu.memory_space<semaphore_mem>>
    tpu.wait_indirect_dma semaphore(%dma_wait3A_603 : memref<!tpu.dma_semaphore, #tpu.memory_space<semaphore_mem>>) src(%dma_wait3A_601 : memref<100000x1024xf32, #tpu.memory_space<hbm>>) dst(%dma_wait3A_596 : memref<8x1024xf32, #tpu.memory_space<vmem>>)
    %add3A_604 = arith.constant 88 : i32
    %add3A_605 = arith.addi %mul3A_2, %add3A_604 : i32
    %dma_start3A_606 = arith.constant 3 : i32
    %dma_start3A_607 = arith.constant 3 : i32
    %dma_start3A_608 = arith.constant 0 : i32
    %dma_start3A_609 = arith.constant 0 : i32
    %dma_start3A_610 = tpu.memref_slice %arg6[%dma_start3A_606, %dma_start3A_608, %dma_start3A_609] : memref<8x8x1024xf32, #tpu.memory_space<vmem>> -> memref<1x8x1024xf32, #tpu.memory_space<vmem>>
    %dma_start3A_611 = tpu.memref_squeeze %dma_start3A_610 : memref<1x8x1024xf32, #tpu.memory_space<vmem>> -> memref<8x1024xf32, #tpu.memory_space<vmem>>
    %dma_start3A_612 = arith.constant 0 : i32
    %dma_start3A_613 = tpu.memref_slice %arg4[%add3A_605, %dma_start3A_612] : memref<8192x1024xf32, #tpu.memory_space<hbm>> -> memref<8x1024xf32, #tpu.memory_space<hbm>>
    %dma_start3A_614 = tpu.memref_slice %arg8[%dma_start3A_607] : memref<8x!tpu.dma_semaphore, #tpu.memory_space<semaphore_mem>> -> memref<1x!tpu.dma_semaphore, #tpu.memory_space<semaphore_mem>>
    %dma_start3A_615 = tpu.memref_squeeze %dma_start3A_614 : memref<1x!tpu.dma_semaphore, #tpu.memory_space<semaphore_mem>> -> memref<!tpu.dma_semaphore, #tpu.memory_space<semaphore_mem>>
    %dma_start3A_616 = arith.constant 0 : i32
    %dma_start3A_617 = tpu.memref_slice %arg4[%add3A_605, %dma_start3A_616] : memref<8192x1024xf32, #tpu.memory_space<hbm>> -> memref<8x1024xf32, #tpu.memory_space<hbm>>
    %dma_start3A_618 = arith.constant 0 : i32
    %dma_start3A_619 = arith.constant 0 : i32
    %dma_start3A_620 = tpu.memref_slice %arg6[%dma_start3A_606, %dma_start3A_618, %dma_start3A_619] : memref<8x8x1024xf32, #tpu.memory_space<vmem>> -> memref<1x8x1024xf32, #tpu.memory_space<vmem>>
    %dma_start3A_621 = tpu.memref_squeeze %dma_start3A_620 : memref<1x8x1024xf32, #tpu.memory_space<vmem>> -> memref<8x1024xf32, #tpu.memory_space<vmem>>
    tpu.enqueue_dma source(%dma_start3A_621 : memref<8x1024xf32, #tpu.memory_space<vmem>>) target(%dma_start3A_617 : memref<8x1024xf32, #tpu.memory_space<hbm>>) target_semaphore(%dma_start3A_615 : memref<!tpu.dma_semaphore, #tpu.memory_space<semaphore_mem>>)
    %dma_wait3A_622 = arith.constant 5 : i32
    %dma_wait3A_623 = arith.constant 5 : i32
    %dma_wait3A_624 = arith.constant 0 : i32
    %dma_wait3A_625 = arith.constant 0 : i32
    %dma_wait3A_626 = tpu.memref_slice %arg6[%dma_wait3A_622, %dma_wait3A_624, %dma_wait3A_625] : memref<8x8x1024xf32, #tpu.memory_space<vmem>> -> memref<1x8x1024xf32, #tpu.memory_space<vmem>>
    %dma_wait3A_627 = tpu.memref_squeeze %dma_wait3A_626 : memref<1x8x1024xf32, #tpu.memory_space<vmem>> -> memref<8x1024xf32, #tpu.memory_space<vmem>>
    %dma_wait3A_628 = arith.constant 0 : i32
    %dma_wait3A_629 = tpu.memref_slice %arg4[%add3A_261, %dma_wait3A_628] : memref<8192x1024xf32, #tpu.memory_space<hbm>> -> memref<8x1024xf32, #tpu.memory_space<hbm>>
    %dma_wait3A_630 = tpu.memref_slice %arg8[%dma_wait3A_623] : memref<8x!tpu.dma_semaphore, #tpu.memory_space<semaphore_mem>> -> memref<1x!tpu.dma_semaphore, #tpu.memory_space<semaphore_mem>>
    %dma_wait3A_631 = tpu.memref_squeeze %dma_wait3A_630 : memref<1x!tpu.dma_semaphore, #tpu.memory_space<semaphore_mem>> -> memref<!tpu.dma_semaphore, #tpu.memory_space<semaphore_mem>>
    %dma_wait3A_632 = arith.constant 0 : i32
    %dma_wait3A_633 = tpu.memref_slice %arg4[%add3A_261, %dma_wait3A_632] : memref<8192x1024xf32, #tpu.memory_space<hbm>> -> memref<8x1024xf32, #tpu.memory_space<hbm>>
    %dma_wait3A_634 = arith.constant 0 : i32
    %dma_wait3A_635 = arith.constant 0 : i32
    %dma_wait3A_636 = tpu.memref_slice %arg6[%dma_wait3A_622, %dma_wait3A_634, %dma_wait3A_635] : memref<8x8x1024xf32, #tpu.memory_space<vmem>> -> memref<1x8x1024xf32, #tpu.memory_space<vmem>>
    %dma_wait3A_637 = tpu.memref_squeeze %dma_wait3A_636 : memref<1x8x1024xf32, #tpu.memory_space<vmem>> -> memref<8x1024xf32, #tpu.memory_space<vmem>>
    tpu.wait_dma2 semaphore(%dma_wait3A_631 : memref<!tpu.dma_semaphore, #tpu.memory_space<semaphore_mem>>) src(%dma_wait3A_637 : memref<8x1024xf32, #tpu.memory_space<vmem>>) dst(%dma_wait3A_633 : memref<8x1024xf32, #tpu.memory_space<hbm>>)
    %dma_start3A_638 = arith.constant 5 : i32
    %dma_start3A_639 = arith.constant 5 : i32
    %dma_start3A_640 = arith.constant 0 : i32
    %dma_start3A_641 = arith.constant 0 : i32
    %dma_start3A_642 = tpu.memref_slice %arg6[%dma_start3A_638, %dma_start3A_640, %dma_start3A_641] : memref<8x8x1024xf32, #tpu.memory_space<vmem>> -> memref<1x8x1024xf32, #tpu.memory_space<vmem>>
    %dma_start3A_643 = tpu.memref_squeeze %dma_start3A_642 : memref<1x8x1024xf32, #tpu.memory_space<vmem>> -> memref<8x1024xf32, #tpu.memory_space<vmem>>
    %dma_start3A_644 = arith.constant 104 : i32
    %dma_start3A_645 = tpu.memref_slice %arg5[%dma_start3A_644] : memref<256xi32, #tpu.memory_space<vmem>> -> memref<8xi32, #tpu.memory_space<vmem>>
    %dma_start3A_646 = arith.constant 0 : i32
    %dma_start3A_647 = arith.constant 0 : i32
    %dma_start3A_648 = tpu.memref_slice %arg3[%dma_start3A_646, %dma_start3A_647] : memref<100000x1024xf32, #tpu.memory_space<hbm>> -> memref<100000x1024xf32, #tpu.memory_space<hbm>>
    %dma_start3A_649 = tpu.memref_slice %arg7[%dma_start3A_639] : memref<8x!tpu.dma_semaphore, #tpu.memory_space<semaphore_mem>> -> memref<1x!tpu.dma_semaphore, #tpu.memory_space<semaphore_mem>>
    %dma_start3A_650 = tpu.memref_squeeze %dma_start3A_649 : memref<1x!tpu.dma_semaphore, #tpu.memory_space<semaphore_mem>> -> memref<!tpu.dma_semaphore, #tpu.memory_space<semaphore_mem>>
    tpu.enqueue_indirect_dma source(%dma_start3A_648 : memref<100000x1024xf32, #tpu.memory_space<hbm>>) target(%dma_start3A_643 : memref<8x1024xf32, #tpu.memory_space<vmem>>) offsets(%dma_start3A_645 : memref<8xi32, #tpu.memory_space<vmem>>) semaphore(%dma_start3A_650 : memref<!tpu.dma_semaphore, #tpu.memory_space<semaphore_mem>>)
    %dma_wait3A_651 = arith.constant 4 : i32
    %dma_wait3A_652 = arith.constant 4 : i32
    %dma_wait3A_653 = arith.constant 0 : i32
    %dma_wait3A_654 = arith.constant 0 : i32
    %dma_wait3A_655 = tpu.memref_slice %arg6[%dma_wait3A_651, %dma_wait3A_653, %dma_wait3A_654] : memref<8x8x1024xf32, #tpu.memory_space<vmem>> -> memref<1x8x1024xf32, #tpu.memory_space<vmem>>
    %dma_wait3A_656 = tpu.memref_squeeze %dma_wait3A_655 : memref<1x8x1024xf32, #tpu.memory_space<vmem>> -> memref<8x1024xf32, #tpu.memory_space<vmem>>
    %dma_wait3A_657 = arith.constant 96 : i32
    %dma_wait3A_658 = tpu.memref_slice %arg5[%dma_wait3A_657] : memref<256xi32, #tpu.memory_space<vmem>> -> memref<8xi32, #tpu.memory_space<vmem>>
    %dma_wait3A_659 = arith.constant 0 : i32
    %dma_wait3A_660 = arith.constant 0 : i32
    %dma_wait3A_661 = tpu.memref_slice %arg3[%dma_wait3A_659, %dma_wait3A_660] : memref<100000x1024xf32, #tpu.memory_space<hbm>> -> memref<100000x1024xf32, #tpu.memory_space<hbm>>
    %dma_wait3A_662 = tpu.memref_slice %arg7[%dma_wait3A_652] : memref<8x!tpu.dma_semaphore, #tpu.memory_space<semaphore_mem>> -> memref<1x!tpu.dma_semaphore, #tpu.memory_space<semaphore_mem>>
    %dma_wait3A_663 = tpu.memref_squeeze %dma_wait3A_662 : memref<1x!tpu.dma_semaphore, #tpu.memory_space<semaphore_mem>> -> memref<!tpu.dma_semaphore, #tpu.memory_space<semaphore_mem>>
    tpu.wait_indirect_dma semaphore(%dma_wait3A_663 : memref<!tpu.dma_semaphore, #tpu.memory_space<semaphore_mem>>) src(%dma_wait3A_661 : memref<100000x1024xf32, #tpu.memory_space<hbm>>) dst(%dma_wait3A_656 : memref<8x1024xf32, #tpu.memory_space<vmem>>)
    %add3A_664 = arith.constant 96 : i32
    %add3A_665 = arith.addi %mul3A_2, %add3A_664 : i32
    %dma_start3A_666 = arith.constant 4 : i32
    %dma_start3A_667 = arith.constant 4 : i32
    %dma_start3A_668 = arith.constant 0 : i32
    %dma_start3A_669 = arith.constant 0 : i32
    %dma_start3A_670 = tpu.memref_slice %arg6[%dma_start3A_666, %dma_start3A_668, %dma_start3A_669] : memref<8x8x1024xf32, #tpu.memory_space<vmem>> -> memref<1x8x1024xf32, #tpu.memory_space<vmem>>
    %dma_start3A_671 = tpu.memref_squeeze %dma_start3A_670 : memref<1x8x1024xf32, #tpu.memory_space<vmem>> -> memref<8x1024xf32, #tpu.memory_space<vmem>>
    %dma_start3A_672 = arith.constant 0 : i32
    %dma_start3A_673 = tpu.memref_slice %arg4[%add3A_665, %dma_start3A_672] : memref<8192x1024xf32, #tpu.memory_space<hbm>> -> memref<8x1024xf32, #tpu.memory_space<hbm>>
    %dma_start3A_674 = tpu.memref_slice %arg8[%dma_start3A_667] : memref<8x!tpu.dma_semaphore, #tpu.memory_space<semaphore_mem>> -> memref<1x!tpu.dma_semaphore, #tpu.memory_space<semaphore_mem>>
    %dma_start3A_675 = tpu.memref_squeeze %dma_start3A_674 : memref<1x!tpu.dma_semaphore, #tpu.memory_space<semaphore_mem>> -> memref<!tpu.dma_semaphore, #tpu.memory_space<semaphore_mem>>
    %dma_start3A_676 = arith.constant 0 : i32
    %dma_start3A_677 = tpu.memref_slice %arg4[%add3A_665, %dma_start3A_676] : memref<8192x1024xf32, #tpu.memory_space<hbm>> -> memref<8x1024xf32, #tpu.memory_space<hbm>>
    %dma_start3A_678 = arith.constant 0 : i32
    %dma_start3A_679 = arith.constant 0 : i32
    %dma_start3A_680 = tpu.memref_slice %arg6[%dma_start3A_666, %dma_start3A_678, %dma_start3A_679] : memref<8x8x1024xf32, #tpu.memory_space<vmem>> -> memref<1x8x1024xf32, #tpu.memory_space<vmem>>
    %dma_start3A_681 = tpu.memref_squeeze %dma_start3A_680 : memref<1x8x1024xf32, #tpu.memory_space<vmem>> -> memref<8x1024xf32, #tpu.memory_space<vmem>>
    tpu.enqueue_dma source(%dma_start3A_681 : memref<8x1024xf32, #tpu.memory_space<vmem>>) target(%dma_start3A_677 : memref<8x1024xf32, #tpu.memory_space<hbm>>) target_semaphore(%dma_start3A_675 : memref<!tpu.dma_semaphore, #tpu.memory_space<semaphore_mem>>)
    %dma_wait3A_682 = arith.constant 6 : i32
    %dma_wait3A_683 = arith.constant 6 : i32
    %dma_wait3A_684 = arith.constant 0 : i32
    %dma_wait3A_685 = arith.constant 0 : i32
    %dma_wait3A_686 = tpu.memref_slice %arg6[%dma_wait3A_682, %dma_wait3A_684, %dma_wait3A_685] : memref<8x8x1024xf32, #tpu.memory_space<vmem>> -> memref<1x8x1024xf32, #tpu.memory_space<vmem>>
    %dma_wait3A_687 = tpu.memref_squeeze %dma_wait3A_686 : memref<1x8x1024xf32, #tpu.memory_space<vmem>> -> memref<8x1024xf32, #tpu.memory_space<vmem>>
    %dma_wait3A_688 = arith.constant 0 : i32
    %dma_wait3A_689 = tpu.memref_slice %arg4[%add3A_305, %dma_wait3A_688] : memref<8192x1024xf32, #tpu.memory_space<hbm>> -> memref<8x1024xf32, #tpu.memory_space<hbm>>
    %dma_wait3A_690 = tpu.memref_slice %arg8[%dma_wait3A_683] : memref<8x!tpu.dma_semaphore, #tpu.memory_space<semaphore_mem>> -> memref<1x!tpu.dma_semaphore, #tpu.memory_space<semaphore_mem>>
    %dma_wait3A_691 = tpu.memref_squeeze %dma_wait3A_690 : memref<1x!tpu.dma_semaphore, #tpu.memory_space<semaphore_mem>> -> memref<!tpu.dma_semaphore, #tpu.memory_space<semaphore_mem>>
    %dma_wait3A_692 = arith.constant 0 : i32
    %dma_wait3A_693 = tpu.memref_slice %arg4[%add3A_305, %dma_wait3A_692] : memref<8192x1024xf32, #tpu.memory_space<hbm>> -> memref<8x1024xf32, #tpu.memory_space<hbm>>
    %dma_wait3A_694 = arith.constant 0 : i32
    %dma_wait3A_695 = arith.constant 0 : i32
    %dma_wait3A_696 = tpu.memref_slice %arg6[%dma_wait3A_682, %dma_wait3A_694, %dma_wait3A_695] : memref<8x8x1024xf32, #tpu.memory_space<vmem>> -> memref<1x8x1024xf32, #tpu.memory_space<vmem>>
    %dma_wait3A_697 = tpu.memref_squeeze %dma_wait3A_696 : memref<1x8x1024xf32, #tpu.memory_space<vmem>> -> memref<8x1024xf32, #tpu.memory_space<vmem>>
    tpu.wait_dma2 semaphore(%dma_wait3A_691 : memref<!tpu.dma_semaphore, #tpu.memory_space<semaphore_mem>>) src(%dma_wait3A_697 : memref<8x1024xf32, #tpu.memory_space<vmem>>) dst(%dma_wait3A_693 : memref<8x1024xf32, #tpu.memory_space<hbm>>)
    %dma_start3A_698 = arith.constant 6 : i32
    %dma_start3A_699 = arith.constant 6 : i32
    %dma_start3A_700 = arith.constant 0 : i32
    %dma_start3A_701 = arith.constant 0 : i32
    %dma_start3A_702 = tpu.memref_slice %arg6[%dma_start3A_698, %dma_start3A_700, %dma_start3A_701] : memref<8x8x1024xf32, #tpu.memory_space<vmem>> -> memref<1x8x1024xf32, #tpu.memory_space<vmem>>
    %dma_start3A_703 = tpu.memref_squeeze %dma_start3A_702 : memref<1x8x1024xf32, #tpu.memory_space<vmem>> -> memref<8x1024xf32, #tpu.memory_space<vmem>>
    %dma_start3A_704 = arith.constant 112 : i32
    %dma_start3A_705 = tpu.memref_slice %arg5[%dma_start3A_704] : memref<256xi32, #tpu.memory_space<vmem>> -> memref<8xi32, #tpu.memory_space<vmem>>
    %dma_start3A_706 = arith.constant 0 : i32
    %dma_start3A_707 = arith.constant 0 : i32
    %dma_start3A_708 = tpu.memref_slice %arg3[%dma_start3A_706, %dma_start3A_707] : memref<100000x1024xf32, #tpu.memory_space<hbm>> -> memref<100000x1024xf32, #tpu.memory_space<hbm>>
    %dma_start3A_709 = tpu.memref_slice %arg7[%dma_start3A_699] : memref<8x!tpu.dma_semaphore, #tpu.memory_space<semaphore_mem>> -> memref<1x!tpu.dma_semaphore, #tpu.memory_space<semaphore_mem>>
    %dma_start3A_710 = tpu.memref_squeeze %dma_start3A_709 : memref<1x!tpu.dma_semaphore, #tpu.memory_space<semaphore_mem>> -> memref<!tpu.dma_semaphore, #tpu.memory_space<semaphore_mem>>
    tpu.enqueue_indirect_dma source(%dma_start3A_708 : memref<100000x1024xf32, #tpu.memory_space<hbm>>) target(%dma_start3A_703 : memref<8x1024xf32, #tpu.memory_space<vmem>>) offsets(%dma_start3A_705 : memref<8xi32, #tpu.memory_space<vmem>>) semaphore(%dma_start3A_710 : memref<!tpu.dma_semaphore, #tpu.memory_space<semaphore_mem>>)
    %dma_wait3A_711 = arith.constant 5 : i32
    %dma_wait3A_712 = arith.constant 5 : i32
    %dma_wait3A_713 = arith.constant 0 : i32
    %dma_wait3A_714 = arith.constant 0 : i32
    %dma_wait3A_715 = tpu.memref_slice %arg6[%dma_wait3A_711, %dma_wait3A_713, %dma_wait3A_714] : memref<8x8x1024xf32, #tpu.memory_space<vmem>> -> memref<1x8x1024xf32, #tpu.memory_space<vmem>>
    %dma_wait3A_716 = tpu.memref_squeeze %dma_wait3A_715 : memref<1x8x1024xf32, #tpu.memory_space<vmem>> -> memref<8x1024xf32, #tpu.memory_space<vmem>>
    %dma_wait3A_717 = arith.constant 104 : i32
    %dma_wait3A_718 = tpu.memref_slice %arg5[%dma_wait3A_717] : memref<256xi32, #tpu.memory_space<vmem>> -> memref<8xi32, #tpu.memory_space<vmem>>
    %dma_wait3A_719 = arith.constant 0 : i32
    %dma_wait3A_720 = arith.constant 0 : i32
    %dma_wait3A_721 = tpu.memref_slice %arg3[%dma_wait3A_719, %dma_wait3A_720] : memref<100000x1024xf32, #tpu.memory_space<hbm>> -> memref<100000x1024xf32, #tpu.memory_space<hbm>>
    %dma_wait3A_722 = tpu.memref_slice %arg7[%dma_wait3A_712] : memref<8x!tpu.dma_semaphore, #tpu.memory_space<semaphore_mem>> -> memref<1x!tpu.dma_semaphore, #tpu.memory_space<semaphore_mem>>
    %dma_wait3A_723 = tpu.memref_squeeze %dma_wait3A_722 : memref<1x!tpu.dma_semaphore, #tpu.memory_space<semaphore_mem>> -> memref<!tpu.dma_semaphore, #tpu.memory_space<semaphore_mem>>
    tpu.wait_indirect_dma semaphore(%dma_wait3A_723 : memref<!tpu.dma_semaphore, #tpu.memory_space<semaphore_mem>>) src(%dma_wait3A_721 : memref<100000x1024xf32, #tpu.memory_space<hbm>>) dst(%dma_wait3A_716 : memref<8x1024xf32, #tpu.memory_space<vmem>>)
    %add3A_724 = arith.constant 104 : i32
    %add3A_725 = arith.addi %mul3A_2, %add3A_724 : i32
    %dma_start3A_726 = arith.constant 5 : i32
    %dma_start3A_727 = arith.constant 5 : i32
    %dma_start3A_728 = arith.constant 0 : i32
    %dma_start3A_729 = arith.constant 0 : i32
    %dma_start3A_730 = tpu.memref_slice %arg6[%dma_start3A_726, %dma_start3A_728, %dma_start3A_729] : memref<8x8x1024xf32, #tpu.memory_space<vmem>> -> memref<1x8x1024xf32, #tpu.memory_space<vmem>>
    %dma_start3A_731 = tpu.memref_squeeze %dma_start3A_730 : memref<1x8x1024xf32, #tpu.memory_space<vmem>> -> memref<8x1024xf32, #tpu.memory_space<vmem>>
    %dma_start3A_732 = arith.constant 0 : i32
    %dma_start3A_733 = tpu.memref_slice %arg4[%add3A_725, %dma_start3A_732] : memref<8192x1024xf32, #tpu.memory_space<hbm>> -> memref<8x1024xf32, #tpu.memory_space<hbm>>
    %dma_start3A_734 = tpu.memref_slice %arg8[%dma_start3A_727] : memref<8x!tpu.dma_semaphore, #tpu.memory_space<semaphore_mem>> -> memref<1x!tpu.dma_semaphore, #tpu.memory_space<semaphore_mem>>
    %dma_start3A_735 = tpu.memref_squeeze %dma_start3A_734 : memref<1x!tpu.dma_semaphore, #tpu.memory_space<semaphore_mem>> -> memref<!tpu.dma_semaphore, #tpu.memory_space<semaphore_mem>>
    %dma_start3A_736 = arith.constant 0 : i32
    %dma_start3A_737 = tpu.memref_slice %arg4[%add3A_725, %dma_start3A_736] : memref<8192x1024xf32, #tpu.memory_space<hbm>> -> memref<8x1024xf32, #tpu.memory_space<hbm>>
    %dma_start3A_738 = arith.constant 0 : i32
    %dma_start3A_739 = arith.constant 0 : i32
    %dma_start3A_740 = tpu.memref_slice %arg6[%dma_start3A_726, %dma_start3A_738, %dma_start3A_739] : memref<8x8x1024xf32, #tpu.memory_space<vmem>> -> memref<1x8x1024xf32, #tpu.memory_space<vmem>>
    %dma_start3A_741 = tpu.memref_squeeze %dma_start3A_740 : memref<1x8x1024xf32, #tpu.memory_space<vmem>> -> memref<8x1024xf32, #tpu.memory_space<vmem>>
    tpu.enqueue_dma source(%dma_start3A_741 : memref<8x1024xf32, #tpu.memory_space<vmem>>) target(%dma_start3A_737 : memref<8x1024xf32, #tpu.memory_space<hbm>>) target_semaphore(%dma_start3A_735 : memref<!tpu.dma_semaphore, #tpu.memory_space<semaphore_mem>>)
    %dma_wait3A_742 = arith.constant 7 : i32
    %dma_wait3A_743 = arith.constant 7 : i32
    %dma_wait3A_744 = arith.constant 0 : i32
    %dma_wait3A_745 = arith.constant 0 : i32
    %dma_wait3A_746 = tpu.memref_slice %arg6[%dma_wait3A_742, %dma_wait3A_744, %dma_wait3A_745] : memref<8x8x1024xf32, #tpu.memory_space<vmem>> -> memref<1x8x1024xf32, #tpu.memory_space<vmem>>
    %dma_wait3A_747 = tpu.memref_squeeze %dma_wait3A_746 : memref<1x8x1024xf32, #tpu.memory_space<vmem>> -> memref<8x1024xf32, #tpu.memory_space<vmem>>
    %dma_wait3A_748 = arith.constant 0 : i32
    %dma_wait3A_749 = tpu.memref_slice %arg4[%add3A_365, %dma_wait3A_748] : memref<8192x1024xf32, #tpu.memory_space<hbm>> -> memref<8x1024xf32, #tpu.memory_space<hbm>>
    %dma_wait3A_750 = tpu.memref_slice %arg8[%dma_wait3A_743] : memref<8x!tpu.dma_semaphore, #tpu.memory_space<semaphore_mem>> -> memref<1x!tpu.dma_semaphore, #tpu.memory_space<semaphore_mem>>
    %dma_wait3A_751 = tpu.memref_squeeze %dma_wait3A_750 : memref<1x!tpu.dma_semaphore, #tpu.memory_space<semaphore_mem>> -> memref<!tpu.dma_semaphore, #tpu.memory_space<semaphore_mem>>
    %dma_wait3A_752 = arith.constant 0 : i32
    %dma_wait3A_753 = tpu.memref_slice %arg4[%add3A_365, %dma_wait3A_752] : memref<8192x1024xf32, #tpu.memory_space<hbm>> -> memref<8x1024xf32, #tpu.memory_space<hbm>>
    %dma_wait3A_754 = arith.constant 0 : i32
    %dma_wait3A_755 = arith.constant 0 : i32
    %dma_wait3A_756 = tpu.memref_slice %arg6[%dma_wait3A_742, %dma_wait3A_754, %dma_wait3A_755] : memref<8x8x1024xf32, #tpu.memory_space<vmem>> -> memref<1x8x1024xf32, #tpu.memory_space<vmem>>
    %dma_wait3A_757 = tpu.memref_squeeze %dma_wait3A_756 : memref<1x8x1024xf32, #tpu.memory_space<vmem>> -> memref<8x1024xf32, #tpu.memory_space<vmem>>
    tpu.wait_dma2 semaphore(%dma_wait3A_751 : memref<!tpu.dma_semaphore, #tpu.memory_space<semaphore_mem>>) src(%dma_wait3A_757 : memref<8x1024xf32, #tpu.memory_space<vmem>>) dst(%dma_wait3A_753 : memref<8x1024xf32, #tpu.memory_space<hbm>>)
    %dma_start3A_758 = arith.constant 7 : i32
    %dma_start3A_759 = arith.constant 7 : i32
    %dma_start3A_760 = arith.constant 0 : i32
    %dma_start3A_761 = arith.constant 0 : i32
    %dma_start3A_762 = tpu.memref_slice %arg6[%dma_start3A_758, %dma_start3A_760, %dma_start3A_761] : memref<8x8x1024xf32, #tpu.memory_space<vmem>> -> memref<1x8x1024xf32, #tpu.memory_space<vmem>>
    %dma_start3A_763 = tpu.memref_squeeze %dma_start3A_762 : memref<1x8x1024xf32, #tpu.memory_space<vmem>> -> memref<8x1024xf32, #tpu.memory_space<vmem>>
    %dma_start3A_764 = arith.constant 120 : i32
    %dma_start3A_765 = tpu.memref_slice %arg5[%dma_start3A_764] : memref<256xi32, #tpu.memory_space<vmem>> -> memref<8xi32, #tpu.memory_space<vmem>>
    %dma_start3A_766 = arith.constant 0 : i32
    %dma_start3A_767 = arith.constant 0 : i32
    %dma_start3A_768 = tpu.memref_slice %arg3[%dma_start3A_766, %dma_start3A_767] : memref<100000x1024xf32, #tpu.memory_space<hbm>> -> memref<100000x1024xf32, #tpu.memory_space<hbm>>
    %dma_start3A_769 = tpu.memref_slice %arg7[%dma_start3A_759] : memref<8x!tpu.dma_semaphore, #tpu.memory_space<semaphore_mem>> -> memref<1x!tpu.dma_semaphore, #tpu.memory_space<semaphore_mem>>
    %dma_start3A_770 = tpu.memref_squeeze %dma_start3A_769 : memref<1x!tpu.dma_semaphore, #tpu.memory_space<semaphore_mem>> -> memref<!tpu.dma_semaphore, #tpu.memory_space<semaphore_mem>>
    tpu.enqueue_indirect_dma source(%dma_start3A_768 : memref<100000x1024xf32, #tpu.memory_space<hbm>>) target(%dma_start3A_763 : memref<8x1024xf32, #tpu.memory_space<vmem>>) offsets(%dma_start3A_765 : memref<8xi32, #tpu.memory_space<vmem>>) semaphore(%dma_start3A_770 : memref<!tpu.dma_semaphore, #tpu.memory_space<semaphore_mem>>)
    %dma_wait3A_771 = arith.constant 6 : i32
    %dma_wait3A_772 = arith.constant 6 : i32
    %dma_wait3A_773 = arith.constant 0 : i32
    %dma_wait3A_774 = arith.constant 0 : i32
    %dma_wait3A_775 = tpu.memref_slice %arg6[%dma_wait3A_771, %dma_wait3A_773, %dma_wait3A_774] : memref<8x8x1024xf32, #tpu.memory_space<vmem>> -> memref<1x8x1024xf32, #tpu.memory_space<vmem>>
    %dma_wait3A_776 = tpu.memref_squeeze %dma_wait3A_775 : memref<1x8x1024xf32, #tpu.memory_space<vmem>> -> memref<8x1024xf32, #tpu.memory_space<vmem>>
    %dma_wait3A_777 = arith.constant 112 : i32
    %dma_wait3A_778 = tpu.memref_slice %arg5[%dma_wait3A_777] : memref<256xi32, #tpu.memory_space<vmem>> -> memref<8xi32, #tpu.memory_space<vmem>>
    %dma_wait3A_779 = arith.constant 0 : i32
    %dma_wait3A_780 = arith.constant 0 : i32
    %dma_wait3A_781 = tpu.memref_slice %arg3[%dma_wait3A_779, %dma_wait3A_780] : memref<100000x1024xf32, #tpu.memory_space<hbm>> -> memref<100000x1024xf32, #tpu.memory_space<hbm>>
    %dma_wait3A_782 = tpu.memref_slice %arg7[%dma_wait3A_772] : memref<8x!tpu.dma_semaphore, #tpu.memory_space<semaphore_mem>> -> memref<1x!tpu.dma_semaphore, #tpu.memory_space<semaphore_mem>>
    %dma_wait3A_783 = tpu.memref_squeeze %dma_wait3A_782 : memref<1x!tpu.dma_semaphore, #tpu.memory_space<semaphore_mem>> -> memref<!tpu.dma_semaphore, #tpu.memory_space<semaphore_mem>>
    tpu.wait_indirect_dma semaphore(%dma_wait3A_783 : memref<!tpu.dma_semaphore, #tpu.memory_space<semaphore_mem>>) src(%dma_wait3A_781 : memref<100000x1024xf32, #tpu.memory_space<hbm>>) dst(%dma_wait3A_776 : memref<8x1024xf32, #tpu.memory_space<vmem>>)
    %add3A_784 = arith.constant 112 : i32
    %add3A_785 = arith.addi %mul3A_2, %add3A_784 : i32
    %dma_start3A_786 = arith.constant 6 : i32
    %dma_start3A_787 = arith.constant 6 : i32
    %dma_start3A_788 = arith.constant 0 : i32
    %dma_start3A_789 = arith.constant 0 : i32
    %dma_start3A_790 = tpu.memref_slice %arg6[%dma_start3A_786, %dma_start3A_788, %dma_start3A_789] : memref<8x8x1024xf32, #tpu.memory_space<vmem>> -> memref<1x8x1024xf32, #tpu.memory_space<vmem>>
    %dma_start3A_791 = tpu.memref_squeeze %dma_start3A_790 : memref<1x8x1024xf32, #tpu.memory_space<vmem>> -> memref<8x1024xf32, #tpu.memory_space<vmem>>
    %dma_start3A_792 = arith.constant 0 : i32
    %dma_start3A_793 = tpu.memref_slice %arg4[%add3A_785, %dma_start3A_792] : memref<8192x1024xf32, #tpu.memory_space<hbm>> -> memref<8x1024xf32, #tpu.memory_space<hbm>>
    %dma_start3A_794 = tpu.memref_slice %arg8[%dma_start3A_787] : memref<8x!tpu.dma_semaphore, #tpu.memory_space<semaphore_mem>> -> memref<1x!tpu.dma_semaphore, #tpu.memory_space<semaphore_mem>>
    %dma_start3A_795 = tpu.memref_squeeze %dma_start3A_794 : memref<1x!tpu.dma_semaphore, #tpu.memory_space<semaphore_mem>> -> memref<!tpu.dma_semaphore, #tpu.memory_space<semaphore_mem>>
    %dma_start3A_796 = arith.constant 0 : i32
    %dma_start3A_797 = tpu.memref_slice %arg4[%add3A_785, %dma_start3A_796] : memref<8192x1024xf32, #tpu.memory_space<hbm>> -> memref<8x1024xf32, #tpu.memory_space<hbm>>
    %dma_start3A_798 = arith.constant 0 : i32
    %dma_start3A_799 = arith.constant 0 : i32
    %dma_start3A_800 = tpu.memref_slice %arg6[%dma_start3A_786, %dma_start3A_798, %dma_start3A_799] : memref<8x8x1024xf32, #tpu.memory_space<vmem>> -> memref<1x8x1024xf32, #tpu.memory_space<vmem>>
    %dma_start3A_801 = tpu.memref_squeeze %dma_start3A_800 : memref<1x8x1024xf32, #tpu.memory_space<vmem>> -> memref<8x1024xf32, #tpu.memory_space<vmem>>
    tpu.enqueue_dma source(%dma_start3A_801 : memref<8x1024xf32, #tpu.memory_space<vmem>>) target(%dma_start3A_797 : memref<8x1024xf32, #tpu.memory_space<hbm>>) target_semaphore(%dma_start3A_795 : memref<!tpu.dma_semaphore, #tpu.memory_space<semaphore_mem>>)
    %dma_wait3A_802 = arith.constant 0 : i32
    %dma_wait3A_803 = arith.constant 0 : i32
    %dma_wait3A_804 = arith.constant 0 : i32
    %dma_wait3A_805 = arith.constant 0 : i32
    %dma_wait3A_806 = tpu.memref_slice %arg6[%dma_wait3A_802, %dma_wait3A_804, %dma_wait3A_805] : memref<8x8x1024xf32, #tpu.memory_space<vmem>> -> memref<1x8x1024xf32, #tpu.memory_space<vmem>>
    %dma_wait3A_807 = tpu.memref_squeeze %dma_wait3A_806 : memref<1x8x1024xf32, #tpu.memory_space<vmem>> -> memref<8x1024xf32, #tpu.memory_space<vmem>>
    %dma_wait3A_808 = arith.constant 0 : i32
    %dma_wait3A_809 = tpu.memref_slice %arg4[%add3A_425, %dma_wait3A_808] : memref<8192x1024xf32, #tpu.memory_space<hbm>> -> memref<8x1024xf32, #tpu.memory_space<hbm>>
    %dma_wait3A_810 = tpu.memref_slice %arg8[%dma_wait3A_803] : memref<8x!tpu.dma_semaphore, #tpu.memory_space<semaphore_mem>> -> memref<1x!tpu.dma_semaphore, #tpu.memory_space<semaphore_mem>>
    %dma_wait3A_811 = tpu.memref_squeeze %dma_wait3A_810 : memref<1x!tpu.dma_semaphore, #tpu.memory_space<semaphore_mem>> -> memref<!tpu.dma_semaphore, #tpu.memory_space<semaphore_mem>>
    %dma_wait3A_812 = arith.constant 0 : i32
    %dma_wait3A_813 = tpu.memref_slice %arg4[%add3A_425, %dma_wait3A_812] : memref<8192x1024xf32, #tpu.memory_space<hbm>> -> memref<8x1024xf32, #tpu.memory_space<hbm>>
    %dma_wait3A_814 = arith.constant 0 : i32
    %dma_wait3A_815 = arith.constant 0 : i32
    %dma_wait3A_816 = tpu.memref_slice %arg6[%dma_wait3A_802, %dma_wait3A_814, %dma_wait3A_815] : memref<8x8x1024xf32, #tpu.memory_space<vmem>> -> memref<1x8x1024xf32, #tpu.memory_space<vmem>>
    %dma_wait3A_817 = tpu.memref_squeeze %dma_wait3A_816 : memref<1x8x1024xf32, #tpu.memory_space<vmem>> -> memref<8x1024xf32, #tpu.memory_space<vmem>>
    tpu.wait_dma2 semaphore(%dma_wait3A_811 : memref<!tpu.dma_semaphore, #tpu.memory_space<semaphore_mem>>) src(%dma_wait3A_817 : memref<8x1024xf32, #tpu.memory_space<vmem>>) dst(%dma_wait3A_813 : memref<8x1024xf32, #tpu.memory_space<hbm>>)
    %dma_start3A_818 = arith.constant 0 : i32
    %dma_start3A_819 = arith.constant 0 : i32
    %dma_start3A_820 = arith.constant 0 : i32
    %dma_start3A_821 = arith.constant 0 : i32
    %dma_start3A_822 = tpu.memref_slice %arg6[%dma_start3A_818, %dma_start3A_820, %dma_start3A_821] : memref<8x8x1024xf32, #tpu.memory_space<vmem>> -> memref<1x8x1024xf32, #tpu.memory_space<vmem>>
    %dma_start3A_823 = tpu.memref_squeeze %dma_start3A_822 : memref<1x8x1024xf32, #tpu.memory_space<vmem>> -> memref<8x1024xf32, #tpu.memory_space<vmem>>
    %dma_start3A_824 = arith.constant 128 : i32
    %dma_start3A_825 = tpu.memref_slice %arg5[%dma_start3A_824] : memref<256xi32, #tpu.memory_space<vmem>> -> memref<8xi32, #tpu.memory_space<vmem>>
    %dma_start3A_826 = arith.constant 0 : i32
    %dma_start3A_827 = arith.constant 0 : i32
    %dma_start3A_828 = tpu.memref_slice %arg3[%dma_start3A_826, %dma_start3A_827] : memref<100000x1024xf32, #tpu.memory_space<hbm>> -> memref<100000x1024xf32, #tpu.memory_space<hbm>>
    %dma_start3A_829 = tpu.memref_slice %arg7[%dma_start3A_819] : memref<8x!tpu.dma_semaphore, #tpu.memory_space<semaphore_mem>> -> memref<1x!tpu.dma_semaphore, #tpu.memory_space<semaphore_mem>>
    %dma_start3A_830 = tpu.memref_squeeze %dma_start3A_829 : memref<1x!tpu.dma_semaphore, #tpu.memory_space<semaphore_mem>> -> memref<!tpu.dma_semaphore, #tpu.memory_space<semaphore_mem>>
    tpu.enqueue_indirect_dma source(%dma_start3A_828 : memref<100000x1024xf32, #tpu.memory_space<hbm>>) target(%dma_start3A_823 : memref<8x1024xf32, #tpu.memory_space<vmem>>) offsets(%dma_start3A_825 : memref<8xi32, #tpu.memory_space<vmem>>) semaphore(%dma_start3A_830 : memref<!tpu.dma_semaphore, #tpu.memory_space<semaphore_mem>>)
    %dma_wait3A_831 = arith.constant 7 : i32
    %dma_wait3A_832 = arith.constant 7 : i32
    %dma_wait3A_833 = arith.constant 0 : i32
    %dma_wait3A_834 = arith.constant 0 : i32
    %dma_wait3A_835 = tpu.memref_slice %arg6[%dma_wait3A_831, %dma_wait3A_833, %dma_wait3A_834] : memref<8x8x1024xf32, #tpu.memory_space<vmem>> -> memref<1x8x1024xf32, #tpu.memory_space<vmem>>
    %dma_wait3A_836 = tpu.memref_squeeze %dma_wait3A_835 : memref<1x8x1024xf32, #tpu.memory_space<vmem>> -> memref<8x1024xf32, #tpu.memory_space<vmem>>
    %dma_wait3A_837 = arith.constant 120 : i32
    %dma_wait3A_838 = tpu.memref_slice %arg5[%dma_wait3A_837] : memref<256xi32, #tpu.memory_space<vmem>> -> memref<8xi32, #tpu.memory_space<vmem>>
    %dma_wait3A_839 = arith.constant 0 : i32
    %dma_wait3A_840 = arith.constant 0 : i32
    %dma_wait3A_841 = tpu.memref_slice %arg3[%dma_wait3A_839, %dma_wait3A_840] : memref<100000x1024xf32, #tpu.memory_space<hbm>> -> memref<100000x1024xf32, #tpu.memory_space<hbm>>
    %dma_wait3A_842 = tpu.memref_slice %arg7[%dma_wait3A_832] : memref<8x!tpu.dma_semaphore, #tpu.memory_space<semaphore_mem>> -> memref<1x!tpu.dma_semaphore, #tpu.memory_space<semaphore_mem>>
    %dma_wait3A_843 = tpu.memref_squeeze %dma_wait3A_842 : memref<1x!tpu.dma_semaphore, #tpu.memory_space<semaphore_mem>> -> memref<!tpu.dma_semaphore, #tpu.memory_space<semaphore_mem>>
    tpu.wait_indirect_dma semaphore(%dma_wait3A_843 : memref<!tpu.dma_semaphore, #tpu.memory_space<semaphore_mem>>) src(%dma_wait3A_841 : memref<100000x1024xf32, #tpu.memory_space<hbm>>) dst(%dma_wait3A_836 : memref<8x1024xf32, #tpu.memory_space<vmem>>)
    %add3A_844 = arith.constant 120 : i32
    %add3A_845 = arith.addi %mul3A_2, %add3A_844 : i32
    %dma_start3A_846 = arith.constant 7 : i32
    %dma_start3A_847 = arith.constant 7 : i32
    %dma_start3A_848 = arith.constant 0 : i32
    %dma_start3A_849 = arith.constant 0 : i32
    %dma_start3A_850 = tpu.memref_slice %arg6[%dma_start3A_846, %dma_start3A_848, %dma_start3A_849] : memref<8x8x1024xf32, #tpu.memory_space<vmem>> -> memref<1x8x1024xf32, #tpu.memory_space<vmem>>
    %dma_start3A_851 = tpu.memref_squeeze %dma_start3A_850 : memref<1x8x1024xf32, #tpu.memory_space<vmem>> -> memref<8x1024xf32, #tpu.memory_space<vmem>>
    %dma_start3A_852 = arith.constant 0 : i32
    %dma_start3A_853 = tpu.memref_slice %arg4[%add3A_845, %dma_start3A_852] : memref<8192x1024xf32, #tpu.memory_space<hbm>> -> memref<8x1024xf32, #tpu.memory_space<hbm>>
    %dma_start3A_854 = tpu.memref_slice %arg8[%dma_start3A_847] : memref<8x!tpu.dma_semaphore, #tpu.memory_space<semaphore_mem>> -> memref<1x!tpu.dma_semaphore, #tpu.memory_space<semaphore_mem>>
    %dma_start3A_855 = tpu.memref_squeeze %dma_start3A_854 : memref<1x!tpu.dma_semaphore, #tpu.memory_space<semaphore_mem>> -> memref<!tpu.dma_semaphore, #tpu.memory_space<semaphore_mem>>
    %dma_start3A_856 = arith.constant 0 : i32
    %dma_start3A_857 = tpu.memref_slice %arg4[%add3A_845, %dma_start3A_856] : memref<8192x1024xf32, #tpu.memory_space<hbm>> -> memref<8x1024xf32, #tpu.memory_space<hbm>>
    %dma_start3A_858 = arith.constant 0 : i32
    %dma_start3A_859 = arith.constant 0 : i32
    %dma_start3A_860 = tpu.memref_slice %arg6[%dma_start3A_846, %dma_start3A_858, %dma_start3A_859] : memref<8x8x1024xf32, #tpu.memory_space<vmem>> -> memref<1x8x1024xf32, #tpu.memory_space<vmem>>
    %dma_start3A_861 = tpu.memref_squeeze %dma_start3A_860 : memref<1x8x1024xf32, #tpu.memory_space<vmem>> -> memref<8x1024xf32, #tpu.memory_space<vmem>>
    tpu.enqueue_dma source(%dma_start3A_861 : memref<8x1024xf32, #tpu.memory_space<vmem>>) target(%dma_start3A_857 : memref<8x1024xf32, #tpu.memory_space<hbm>>) target_semaphore(%dma_start3A_855 : memref<!tpu.dma_semaphore, #tpu.memory_space<semaphore_mem>>)
    %dma_wait3A_862 = arith.constant 1 : i32
    %dma_wait3A_863 = arith.constant 1 : i32
    %dma_wait3A_864 = arith.constant 0 : i32
    %dma_wait3A_865 = arith.constant 0 : i32
    %dma_wait3A_866 = tpu.memref_slice %arg6[%dma_wait3A_862, %dma_wait3A_864, %dma_wait3A_865] : memref<8x8x1024xf32, #tpu.memory_space<vmem>> -> memref<1x8x1024xf32, #tpu.memory_space<vmem>>
    %dma_wait3A_867 = tpu.memref_squeeze %dma_wait3A_866 : memref<1x8x1024xf32, #tpu.memory_space<vmem>> -> memref<8x1024xf32, #tpu.memory_space<vmem>>
    %dma_wait3A_868 = arith.constant 0 : i32
    %dma_wait3A_869 = tpu.memref_slice %arg4[%add3A_485, %dma_wait3A_868] : memref<8192x1024xf32, #tpu.memory_space<hbm>> -> memref<8x1024xf32, #tpu.memory_space<hbm>>
    %dma_wait3A_870 = tpu.memref_slice %arg8[%dma_wait3A_863] : memref<8x!tpu.dma_semaphore, #tpu.memory_space<semaphore_mem>> -> memref<1x!tpu.dma_semaphore, #tpu.memory_space<semaphore_mem>>
    %dma_wait3A_871 = tpu.memref_squeeze %dma_wait3A_870 : memref<1x!tpu.dma_semaphore, #tpu.memory_space<semaphore_mem>> -> memref<!tpu.dma_semaphore, #tpu.memory_space<semaphore_mem>>
    %dma_wait3A_872 = arith.constant 0 : i32
    %dma_wait3A_873 = tpu.memref_slice %arg4[%add3A_485, %dma_wait3A_872] : memref<8192x1024xf32, #tpu.memory_space<hbm>> -> memref<8x1024xf32, #tpu.memory_space<hbm>>
    %dma_wait3A_874 = arith.constant 0 : i32
    %dma_wait3A_875 = arith.constant 0 : i32
    %dma_wait3A_876 = tpu.memref_slice %arg6[%dma_wait3A_862, %dma_wait3A_874, %dma_wait3A_875] : memref<8x8x1024xf32, #tpu.memory_space<vmem>> -> memref<1x8x1024xf32, #tpu.memory_space<vmem>>
    %dma_wait3A_877 = tpu.memref_squeeze %dma_wait3A_876 : memref<1x8x1024xf32, #tpu.memory_space<vmem>> -> memref<8x1024xf32, #tpu.memory_space<vmem>>
    tpu.wait_dma2 semaphore(%dma_wait3A_871 : memref<!tpu.dma_semaphore, #tpu.memory_space<semaphore_mem>>) src(%dma_wait3A_877 : memref<8x1024xf32, #tpu.memory_space<vmem>>) dst(%dma_wait3A_873 : memref<8x1024xf32, #tpu.memory_space<hbm>>)
    %dma_start3A_878 = arith.constant 1 : i32
    %dma_start3A_879 = arith.constant 1 : i32
    %dma_start3A_880 = arith.constant 0 : i32
    %dma_start3A_881 = arith.constant 0 : i32
    %dma_start3A_882 = tpu.memref_slice %arg6[%dma_start3A_878, %dma_start3A_880, %dma_start3A_881] : memref<8x8x1024xf32, #tpu.memory_space<vmem>> -> memref<1x8x1024xf32, #tpu.memory_space<vmem>>
    %dma_start3A_883 = tpu.memref_squeeze %dma_start3A_882 : memref<1x8x1024xf32, #tpu.memory_space<vmem>> -> memref<8x1024xf32, #tpu.memory_space<vmem>>
    %dma_start3A_884 = arith.constant 136 : i32
    %dma_start3A_885 = tpu.memref_slice %arg5[%dma_start3A_884] : memref<256xi32, #tpu.memory_space<vmem>> -> memref<8xi32, #tpu.memory_space<vmem>>
    %dma_start3A_886 = arith.constant 0 : i32
    %dma_start3A_887 = arith.constant 0 : i32
    %dma_start3A_888 = tpu.memref_slice %arg3[%dma_start3A_886, %dma_start3A_887] : memref<100000x1024xf32, #tpu.memory_space<hbm>> -> memref<100000x1024xf32, #tpu.memory_space<hbm>>
    %dma_start3A_889 = tpu.memref_slice %arg7[%dma_start3A_879] : memref<8x!tpu.dma_semaphore, #tpu.memory_space<semaphore_mem>> -> memref<1x!tpu.dma_semaphore, #tpu.memory_space<semaphore_mem>>
    %dma_start3A_890 = tpu.memref_squeeze %dma_start3A_889 : memref<1x!tpu.dma_semaphore, #tpu.memory_space<semaphore_mem>> -> memref<!tpu.dma_semaphore, #tpu.memory_space<semaphore_mem>>
    tpu.enqueue_indirect_dma source(%dma_start3A_888 : memref<100000x1024xf32, #tpu.memory_space<hbm>>) target(%dma_start3A_883 : memref<8x1024xf32, #tpu.memory_space<vmem>>) offsets(%dma_start3A_885 : memref<8xi32, #tpu.memory_space<vmem>>) semaphore(%dma_start3A_890 : memref<!tpu.dma_semaphore, #tpu.memory_space<semaphore_mem>>)
    %dma_wait3A_891 = arith.constant 0 : i32
    %dma_wait3A_892 = arith.constant 0 : i32
    %dma_wait3A_893 = arith.constant 0 : i32
    %dma_wait3A_894 = arith.constant 0 : i32
    %dma_wait3A_895 = tpu.memref_slice %arg6[%dma_wait3A_891, %dma_wait3A_893, %dma_wait3A_894] : memref<8x8x1024xf32, #tpu.memory_space<vmem>> -> memref<1x8x1024xf32, #tpu.memory_space<vmem>>
    %dma_wait3A_896 = tpu.memref_squeeze %dma_wait3A_895 : memref<1x8x1024xf32, #tpu.memory_space<vmem>> -> memref<8x1024xf32, #tpu.memory_space<vmem>>
    %dma_wait3A_897 = arith.constant 128 : i32
    %dma_wait3A_898 = tpu.memref_slice %arg5[%dma_wait3A_897] : memref<256xi32, #tpu.memory_space<vmem>> -> memref<8xi32, #tpu.memory_space<vmem>>
    %dma_wait3A_899 = arith.constant 0 : i32
    %dma_wait3A_900 = arith.constant 0 : i32
    %dma_wait3A_901 = tpu.memref_slice %arg3[%dma_wait3A_899, %dma_wait3A_900] : memref<100000x1024xf32, #tpu.memory_space<hbm>> -> memref<100000x1024xf32, #tpu.memory_space<hbm>>
    %dma_wait3A_902 = tpu.memref_slice %arg7[%dma_wait3A_892] : memref<8x!tpu.dma_semaphore, #tpu.memory_space<semaphore_mem>> -> memref<1x!tpu.dma_semaphore, #tpu.memory_space<semaphore_mem>>
    %dma_wait3A_903 = tpu.memref_squeeze %dma_wait3A_902 : memref<1x!tpu.dma_semaphore, #tpu.memory_space<semaphore_mem>> -> memref<!tpu.dma_semaphore, #tpu.memory_space<semaphore_mem>>
    tpu.wait_indirect_dma semaphore(%dma_wait3A_903 : memref<!tpu.dma_semaphore, #tpu.memory_space<semaphore_mem>>) src(%dma_wait3A_901 : memref<100000x1024xf32, #tpu.memory_space<hbm>>) dst(%dma_wait3A_896 : memref<8x1024xf32, #tpu.memory_space<vmem>>)
    %add3A_904 = arith.constant 128 : i32
    %add3A_905 = arith.addi %mul3A_2, %add3A_904 : i32
    %dma_start3A_906 = arith.constant 0 : i32
    %dma_start3A_907 = arith.constant 0 : i32
    %dma_start3A_908 = arith.constant 0 : i32
    %dma_start3A_909 = arith.constant 0 : i32
    %dma_start3A_910 = tpu.memref_slice %arg6[%dma_start3A_906, %dma_start3A_908, %dma_start3A_909] : memref<8x8x1024xf32, #tpu.memory_space<vmem>> -> memref<1x8x1024xf32, #tpu.memory_space<vmem>>
    %dma_start3A_911 = tpu.memref_squeeze %dma_start3A_910 : memref<1x8x1024xf32, #tpu.memory_space<vmem>> -> memref<8x1024xf32, #tpu.memory_space<vmem>>
    %dma_start3A_912 = arith.constant 0 : i32
    %dma_start3A_913 = tpu.memref_slice %arg4[%add3A_905, %dma_start3A_912] : memref<8192x1024xf32, #tpu.memory_space<hbm>> -> memref<8x1024xf32, #tpu.memory_space<hbm>>
    %dma_start3A_914 = tpu.memref_slice %arg8[%dma_start3A_907] : memref<8x!tpu.dma_semaphore, #tpu.memory_space<semaphore_mem>> -> memref<1x!tpu.dma_semaphore, #tpu.memory_space<semaphore_mem>>
    %dma_start3A_915 = tpu.memref_squeeze %dma_start3A_914 : memref<1x!tpu.dma_semaphore, #tpu.memory_space<semaphore_mem>> -> memref<!tpu.dma_semaphore, #tpu.memory_space<semaphore_mem>>
    %dma_start3A_916 = arith.constant 0 : i32
    %dma_start3A_917 = tpu.memref_slice %arg4[%add3A_905, %dma_start3A_916] : memref<8192x1024xf32, #tpu.memory_space<hbm>> -> memref<8x1024xf32, #tpu.memory_space<hbm>>
    %dma_start3A_918 = arith.constant 0 : i32
    %dma_start3A_919 = arith.constant 0 : i32
    %dma_start3A_920 = tpu.memref_slice %arg6[%dma_start3A_906, %dma_start3A_918, %dma_start3A_919] : memref<8x8x1024xf32, #tpu.memory_space<vmem>> -> memref<1x8x1024xf32, #tpu.memory_space<vmem>>
    %dma_start3A_921 = tpu.memref_squeeze %dma_start3A_920 : memref<1x8x1024xf32, #tpu.memory_space<vmem>> -> memref<8x1024xf32, #tpu.memory_space<vmem>>
    tpu.enqueue_dma source(%dma_start3A_921 : memref<8x1024xf32, #tpu.memory_space<vmem>>) target(%dma_start3A_917 : memref<8x1024xf32, #tpu.memory_space<hbm>>) target_semaphore(%dma_start3A_915 : memref<!tpu.dma_semaphore, #tpu.memory_space<semaphore_mem>>)
    %dma_wait3A_922 = arith.constant 2 : i32
    %dma_wait3A_923 = arith.constant 2 : i32
    %dma_wait3A_924 = arith.constant 0 : i32
    %dma_wait3A_925 = arith.constant 0 : i32
    %dma_wait3A_926 = tpu.memref_slice %arg6[%dma_wait3A_922, %dma_wait3A_924, %dma_wait3A_925] : memref<8x8x1024xf32, #tpu.memory_space<vmem>> -> memref<1x8x1024xf32, #tpu.memory_space<vmem>>
    %dma_wait3A_927 = tpu.memref_squeeze %dma_wait3A_926 : memref<1x8x1024xf32, #tpu.memory_space<vmem>> -> memref<8x1024xf32, #tpu.memory_space<vmem>>
    %dma_wait3A_928 = arith.constant 0 : i32
    %dma_wait3A_929 = tpu.memref_slice %arg4[%add3A_545, %dma_wait3A_928] : memref<8192x1024xf32, #tpu.memory_space<hbm>> -> memref<8x1024xf32, #tpu.memory_space<hbm>>
    %dma_wait3A_930 = tpu.memref_slice %arg8[%dma_wait3A_923] : memref<8x!tpu.dma_semaphore, #tpu.memory_space<semaphore_mem>> -> memref<1x!tpu.dma_semaphore, #tpu.memory_space<semaphore_mem>>
    %dma_wait3A_931 = tpu.memref_squeeze %dma_wait3A_930 : memref<1x!tpu.dma_semaphore, #tpu.memory_space<semaphore_mem>> -> memref<!tpu.dma_semaphore, #tpu.memory_space<semaphore_mem>>
    %dma_wait3A_932 = arith.constant 0 : i32
    %dma_wait3A_933 = tpu.memref_slice %arg4[%add3A_545, %dma_wait3A_932] : memref<8192x1024xf32, #tpu.memory_space<hbm>> -> memref<8x1024xf32, #tpu.memory_space<hbm>>
    %dma_wait3A_934 = arith.constant 0 : i32
    %dma_wait3A_935 = arith.constant 0 : i32
    %dma_wait3A_936 = tpu.memref_slice %arg6[%dma_wait3A_922, %dma_wait3A_934, %dma_wait3A_935] : memref<8x8x1024xf32, #tpu.memory_space<vmem>> -> memref<1x8x1024xf32, #tpu.memory_space<vmem>>
    %dma_wait3A_937 = tpu.memref_squeeze %dma_wait3A_936 : memref<1x8x1024xf32, #tpu.memory_space<vmem>> -> memref<8x1024xf32, #tpu.memory_space<vmem>>
    tpu.wait_dma2 semaphore(%dma_wait3A_931 : memref<!tpu.dma_semaphore, #tpu.memory_space<semaphore_mem>>) src(%dma_wait3A_937 : memref<8x1024xf32, #tpu.memory_space<vmem>>) dst(%dma_wait3A_933 : memref<8x1024xf32, #tpu.memory_space<hbm>>)
    %dma_start3A_938 = arith.constant 2 : i32
    %dma_start3A_939 = arith.constant 2 : i32
    %dma_start3A_940 = arith.constant 0 : i32
    %dma_start3A_941 = arith.constant 0 : i32
    %dma_start3A_942 = tpu.memref_slice %arg6[%dma_start3A_938, %dma_start3A_940, %dma_start3A_941] : memref<8x8x1024xf32, #tpu.memory_space<vmem>> -> memref<1x8x1024xf32, #tpu.memory_space<vmem>>
    %dma_start3A_943 = tpu.memref_squeeze %dma_start3A_942 : memref<1x8x1024xf32, #tpu.memory_space<vmem>> -> memref<8x1024xf32, #tpu.memory_space<vmem>>
    %dma_start3A_944 = arith.constant 144 : i32
    %dma_start3A_945 = tpu.memref_slice %arg5[%dma_start3A_944] : memref<256xi32, #tpu.memory_space<vmem>> -> memref<8xi32, #tpu.memory_space<vmem>>
    %dma_start3A_946 = arith.constant 0 : i32
    %dma_start3A_947 = arith.constant 0 : i32
    %dma_start3A_948 = tpu.memref_slice %arg3[%dma_start3A_946, %dma_start3A_947] : memref<100000x1024xf32, #tpu.memory_space<hbm>> -> memref<100000x1024xf32, #tpu.memory_space<hbm>>
    %dma_start3A_949 = tpu.memref_slice %arg7[%dma_start3A_939] : memref<8x!tpu.dma_semaphore, #tpu.memory_space<semaphore_mem>> -> memref<1x!tpu.dma_semaphore, #tpu.memory_space<semaphore_mem>>
    %dma_start3A_950 = tpu.memref_squeeze %dma_start3A_949 : memref<1x!tpu.dma_semaphore, #tpu.memory_space<semaphore_mem>> -> memref<!tpu.dma_semaphore, #tpu.memory_space<semaphore_mem>>
    tpu.enqueue_indirect_dma source(%dma_start3A_948 : memref<100000x1024xf32, #tpu.memory_space<hbm>>) target(%dma_start3A_943 : memref<8x1024xf32, #tpu.memory_space<vmem>>) offsets(%dma_start3A_945 : memref<8xi32, #tpu.memory_space<vmem>>) semaphore(%dma_start3A_950 : memref<!tpu.dma_semaphore, #tpu.memory_space<semaphore_mem>>)
    %dma_wait3A_951 = arith.constant 1 : i32
    %dma_wait3A_952 = arith.constant 1 : i32
    %dma_wait3A_953 = arith.constant 0 : i32
    %dma_wait3A_954 = arith.constant 0 : i32
    %dma_wait3A_955 = tpu.memref_slice %arg6[%dma_wait3A_951, %dma_wait3A_953, %dma_wait3A_954] : memref<8x8x1024xf32, #tpu.memory_space<vmem>> -> memref<1x8x1024xf32, #tpu.memory_space<vmem>>
    %dma_wait3A_956 = tpu.memref_squeeze %dma_wait3A_955 : memref<1x8x1024xf32, #tpu.memory_space<vmem>> -> memref<8x1024xf32, #tpu.memory_space<vmem>>
    %dma_wait3A_957 = arith.constant 136 : i32
    %dma_wait3A_958 = tpu.memref_slice %arg5[%dma_wait3A_957] : memref<256xi32, #tpu.memory_space<vmem>> -> memref<8xi32, #tpu.memory_space<vmem>>
    %dma_wait3A_959 = arith.constant 0 : i32
    %dma_wait3A_960 = arith.constant 0 : i32
    %dma_wait3A_961 = tpu.memref_slice %arg3[%dma_wait3A_959, %dma_wait3A_960] : memref<100000x1024xf32, #tpu.memory_space<hbm>> -> memref<100000x1024xf32, #tpu.memory_space<hbm>>
    %dma_wait3A_962 = tpu.memref_slice %arg7[%dma_wait3A_952] : memref<8x!tpu.dma_semaphore, #tpu.memory_space<semaphore_mem>> -> memref<1x!tpu.dma_semaphore, #tpu.memory_space<semaphore_mem>>
    %dma_wait3A_963 = tpu.memref_squeeze %dma_wait3A_962 : memref<1x!tpu.dma_semaphore, #tpu.memory_space<semaphore_mem>> -> memref<!tpu.dma_semaphore, #tpu.memory_space<semaphore_mem>>
    tpu.wait_indirect_dma semaphore(%dma_wait3A_963 : memref<!tpu.dma_semaphore, #tpu.memory_space<semaphore_mem>>) src(%dma_wait3A_961 : memref<100000x1024xf32, #tpu.memory_space<hbm>>) dst(%dma_wait3A_956 : memref<8x1024xf32, #tpu.memory_space<vmem>>)
    %add3A_964 = arith.constant 136 : i32
    %add3A_965 = arith.addi %mul3A_2, %add3A_964 : i32
    %dma_start3A_966 = arith.constant 1 : i32
    %dma_start3A_967 = arith.constant 1 : i32
    %dma_start3A_968 = arith.constant 0 : i32
    %dma_start3A_969 = arith.constant 0 : i32
    %dma_start3A_970 = tpu.memref_slice %arg6[%dma_start3A_966, %dma_start3A_968, %dma_start3A_969] : memref<8x8x1024xf32, #tpu.memory_space<vmem>> -> memref<1x8x1024xf32, #tpu.memory_space<vmem>>
    %dma_start3A_971 = tpu.memref_squeeze %dma_start3A_970 : memref<1x8x1024xf32, #tpu.memory_space<vmem>> -> memref<8x1024xf32, #tpu.memory_space<vmem>>
    %dma_start3A_972 = arith.constant 0 : i32
    %dma_start3A_973 = tpu.memref_slice %arg4[%add3A_965, %dma_start3A_972] : memref<8192x1024xf32, #tpu.memory_space<hbm>> -> memref<8x1024xf32, #tpu.memory_space<hbm>>
    %dma_start3A_974 = tpu.memref_slice %arg8[%dma_start3A_967] : memref<8x!tpu.dma_semaphore, #tpu.memory_space<semaphore_mem>> -> memref<1x!tpu.dma_semaphore, #tpu.memory_space<semaphore_mem>>
    %dma_start3A_975 = tpu.memref_squeeze %dma_start3A_974 : memref<1x!tpu.dma_semaphore, #tpu.memory_space<semaphore_mem>> -> memref<!tpu.dma_semaphore, #tpu.memory_space<semaphore_mem>>
    %dma_start3A_976 = arith.constant 0 : i32
    %dma_start3A_977 = tpu.memref_slice %arg4[%add3A_965, %dma_start3A_976] : memref<8192x1024xf32, #tpu.memory_space<hbm>> -> memref<8x1024xf32, #tpu.memory_space<hbm>>
    %dma_start3A_978 = arith.constant 0 : i32
    %dma_start3A_979 = arith.constant 0 : i32
    %dma_start3A_980 = tpu.memref_slice %arg6[%dma_start3A_966, %dma_start3A_978, %dma_start3A_979] : memref<8x8x1024xf32, #tpu.memory_space<vmem>> -> memref<1x8x1024xf32, #tpu.memory_space<vmem>>
    %dma_start3A_981 = tpu.memref_squeeze %dma_start3A_980 : memref<1x8x1024xf32, #tpu.memory_space<vmem>> -> memref<8x1024xf32, #tpu.memory_space<vmem>>
    tpu.enqueue_dma source(%dma_start3A_981 : memref<8x1024xf32, #tpu.memory_space<vmem>>) target(%dma_start3A_977 : memref<8x1024xf32, #tpu.memory_space<hbm>>) target_semaphore(%dma_start3A_975 : memref<!tpu.dma_semaphore, #tpu.memory_space<semaphore_mem>>)
    %dma_wait3A_982 = arith.constant 3 : i32
    %dma_wait3A_983 = arith.constant 3 : i32
    %dma_wait3A_984 = arith.constant 0 : i32
    %dma_wait3A_985 = arith.constant 0 : i32
    %dma_wait3A_986 = tpu.memref_slice %arg6[%dma_wait3A_982, %dma_wait3A_984, %dma_wait3A_985] : memref<8x8x1024xf32, #tpu.memory_space<vmem>> -> memref<1x8x1024xf32, #tpu.memory_space<vmem>>
    %dma_wait3A_987 = tpu.memref_squeeze %dma_wait3A_986 : memref<1x8x1024xf32, #tpu.memory_space<vmem>> -> memref<8x1024xf32, #tpu.memory_space<vmem>>
    %dma_wait3A_988 = arith.constant 0 : i32
    %dma_wait3A_989 = tpu.memref_slice %arg4[%add3A_605, %dma_wait3A_988] : memref<8192x1024xf32, #tpu.memory_space<hbm>> -> memref<8x1024xf32, #tpu.memory_space<hbm>>
    %dma_wait3A_990 = tpu.memref_slice %arg8[%dma_wait3A_983] : memref<8x!tpu.dma_semaphore, #tpu.memory_space<semaphore_mem>> -> memref<1x!tpu.dma_semaphore, #tpu.memory_space<semaphore_mem>>
    %dma_wait3A_991 = tpu.memref_squeeze %dma_wait3A_990 : memref<1x!tpu.dma_semaphore, #tpu.memory_space<semaphore_mem>> -> memref<!tpu.dma_semaphore, #tpu.memory_space<semaphore_mem>>
    %dma_wait3A_992 = arith.constant 0 : i32
    %dma_wait3A_993 = tpu.memref_slice %arg4[%add3A_605, %dma_wait3A_992] : memref<8192x1024xf32, #tpu.memory_space<hbm>> -> memref<8x1024xf32, #tpu.memory_space<hbm>>
    %dma_wait3A_994 = arith.constant 0 : i32
    %dma_wait3A_995 = arith.constant 0 : i32
    %dma_wait3A_996 = tpu.memref_slice %arg6[%dma_wait3A_982, %dma_wait3A_994, %dma_wait3A_995] : memref<8x8x1024xf32, #tpu.memory_space<vmem>> -> memref<1x8x1024xf32, #tpu.memory_space<vmem>>
    %dma_wait3A_997 = tpu.memref_squeeze %dma_wait3A_996 : memref<1x8x1024xf32, #tpu.memory_space<vmem>> -> memref<8x1024xf32, #tpu.memory_space<vmem>>
    tpu.wait_dma2 semaphore(%dma_wait3A_991 : memref<!tpu.dma_semaphore, #tpu.memory_space<semaphore_mem>>) src(%dma_wait3A_997 : memref<8x1024xf32, #tpu.memory_space<vmem>>) dst(%dma_wait3A_993 : memref<8x1024xf32, #tpu.memory_space<hbm>>)
    %dma_start3A_998 = arith.constant 3 : i32
    %dma_start3A_999 = arith.constant 3 : i32
    %dma_start3A_1000 = arith.constant 0 : i32
    %dma_start3A_1001 = arith.constant 0 : i32
    %dma_start3A_1002 = tpu.memref_slice %arg6[%dma_start3A_998, %dma_start3A_1000, %dma_start3A_1001] : memref<8x8x1024xf32, #tpu.memory_space<vmem>> -> memref<1x8x1024xf32, #tpu.memory_space<vmem>>
    %dma_start3A_1003 = tpu.memref_squeeze %dma_start3A_1002 : memref<1x8x1024xf32, #tpu.memory_space<vmem>> -> memref<8x1024xf32, #tpu.memory_space<vmem>>
    %dma_start3A_1004 = arith.constant 152 : i32
    %dma_start3A_1005 = tpu.memref_slice %arg5[%dma_start3A_1004] : memref<256xi32, #tpu.memory_space<vmem>> -> memref<8xi32, #tpu.memory_space<vmem>>
    %dma_start3A_1006 = arith.constant 0 : i32
    %dma_start3A_1007 = arith.constant 0 : i32
    %dma_start3A_1008 = tpu.memref_slice %arg3[%dma_start3A_1006, %dma_start3A_1007] : memref<100000x1024xf32, #tpu.memory_space<hbm>> -> memref<100000x1024xf32, #tpu.memory_space<hbm>>
    %dma_start3A_1009 = tpu.memref_slice %arg7[%dma_start3A_999] : memref<8x!tpu.dma_semaphore, #tpu.memory_space<semaphore_mem>> -> memref<1x!tpu.dma_semaphore, #tpu.memory_space<semaphore_mem>>
    %dma_start3A_1010 = tpu.memref_squeeze %dma_start3A_1009 : memref<1x!tpu.dma_semaphore, #tpu.memory_space<semaphore_mem>> -> memref<!tpu.dma_semaphore, #tpu.memory_space<semaphore_mem>>
    tpu.enqueue_indirect_dma source(%dma_start3A_1008 : memref<100000x1024xf32, #tpu.memory_space<hbm>>) target(%dma_start3A_1003 : memref<8x1024xf32, #tpu.memory_space<vmem>>) offsets(%dma_start3A_1005 : memref<8xi32, #tpu.memory_space<vmem>>) semaphore(%dma_start3A_1010 : memref<!tpu.dma_semaphore, #tpu.memory_space<semaphore_mem>>)
    %dma_wait3A_1011 = arith.constant 2 : i32
    %dma_wait3A_1012 = arith.constant 2 : i32
    %dma_wait3A_1013 = arith.constant 0 : i32
    %dma_wait3A_1014 = arith.constant 0 : i32
    %dma_wait3A_1015 = tpu.memref_slice %arg6[%dma_wait3A_1011, %dma_wait3A_1013, %dma_wait3A_1014] : memref<8x8x1024xf32, #tpu.memory_space<vmem>> -> memref<1x8x1024xf32, #tpu.memory_space<vmem>>
    %dma_wait3A_1016 = tpu.memref_squeeze %dma_wait3A_1015 : memref<1x8x1024xf32, #tpu.memory_space<vmem>> -> memref<8x1024xf32, #tpu.memory_space<vmem>>
    %dma_wait3A_1017 = arith.constant 144 : i32
    %dma_wait3A_1018 = tpu.memref_slice %arg5[%dma_wait3A_1017] : memref<256xi32, #tpu.memory_space<vmem>> -> memref<8xi32, #tpu.memory_space<vmem>>
    %dma_wait3A_1019 = arith.constant 0 : i32
    %dma_wait3A_1020 = arith.constant 0 : i32
    %dma_wait3A_1021 = tpu.memref_slice %arg3[%dma_wait3A_1019, %dma_wait3A_1020] : memref<100000x1024xf32, #tpu.memory_space<hbm>> -> memref<100000x1024xf32, #tpu.memory_space<hbm>>
    %dma_wait3A_1022 = tpu.memref_slice %arg7[%dma_wait3A_1012] : memref<8x!tpu.dma_semaphore, #tpu.memory_space<semaphore_mem>> -> memref<1x!tpu.dma_semaphore, #tpu.memory_space<semaphore_mem>>
    %dma_wait3A_1023 = tpu.memref_squeeze %dma_wait3A_1022 : memref<1x!tpu.dma_semaphore, #tpu.memory_space<semaphore_mem>> -> memref<!tpu.dma_semaphore, #tpu.memory_space<semaphore_mem>>
    tpu.wait_indirect_dma semaphore(%dma_wait3A_1023 : memref<!tpu.dma_semaphore, #tpu.memory_space<semaphore_mem>>) src(%dma_wait3A_1021 : memref<100000x1024xf32, #tpu.memory_space<hbm>>) dst(%dma_wait3A_1016 : memref<8x1024xf32, #tpu.memory_space<vmem>>)
    %add3A_1024 = arith.constant 144 : i32
    %add3A_1025 = arith.addi %mul3A_2, %add3A_1024 : i32
    %dma_start3A_1026 = arith.constant 2 : i32
    %dma_start3A_1027 = arith.constant 2 : i32
    %dma_start3A_1028 = arith.constant 0 : i32
    %dma_start3A_1029 = arith.constant 0 : i32
    %dma_start3A_1030 = tpu.memref_slice %arg6[%dma_start3A_1026, %dma_start3A_1028, %dma_start3A_1029] : memref<8x8x1024xf32, #tpu.memory_space<vmem>> -> memref<1x8x1024xf32, #tpu.memory_space<vmem>>
    %dma_start3A_1031 = tpu.memref_squeeze %dma_start3A_1030 : memref<1x8x1024xf32, #tpu.memory_space<vmem>> -> memref<8x1024xf32, #tpu.memory_space<vmem>>
    %dma_start3A_1032 = arith.constant 0 : i32
    %dma_start3A_1033 = tpu.memref_slice %arg4[%add3A_1025, %dma_start3A_1032] : memref<8192x1024xf32, #tpu.memory_space<hbm>> -> memref<8x1024xf32, #tpu.memory_space<hbm>>
    %dma_start3A_1034 = tpu.memref_slice %arg8[%dma_start3A_1027] : memref<8x!tpu.dma_semaphore, #tpu.memory_space<semaphore_mem>> -> memref<1x!tpu.dma_semaphore, #tpu.memory_space<semaphore_mem>>
    %dma_start3A_1035 = tpu.memref_squeeze %dma_start3A_1034 : memref<1x!tpu.dma_semaphore, #tpu.memory_space<semaphore_mem>> -> memref<!tpu.dma_semaphore, #tpu.memory_space<semaphore_mem>>
    %dma_start3A_1036 = arith.constant 0 : i32
    %dma_start3A_1037 = tpu.memref_slice %arg4[%add3A_1025, %dma_start3A_1036] : memref<8192x1024xf32, #tpu.memory_space<hbm>> -> memref<8x1024xf32, #tpu.memory_space<hbm>>
    %dma_start3A_1038 = arith.constant 0 : i32
    %dma_start3A_1039 = arith.constant 0 : i32
    %dma_start3A_1040 = tpu.memref_slice %arg6[%dma_start3A_1026, %dma_start3A_1038, %dma_start3A_1039] : memref<8x8x1024xf32, #tpu.memory_space<vmem>> -> memref<1x8x1024xf32, #tpu.memory_space<vmem>>
    %dma_start3A_1041 = tpu.memref_squeeze %dma_start3A_1040 : memref<1x8x1024xf32, #tpu.memory_space<vmem>> -> memref<8x1024xf32, #tpu.memory_space<vmem>>
    tpu.enqueue_dma source(%dma_start3A_1041 : memref<8x1024xf32, #tpu.memory_space<vmem>>) target(%dma_start3A_1037 : memref<8x1024xf32, #tpu.memory_space<hbm>>) target_semaphore(%dma_start3A_1035 : memref<!tpu.dma_semaphore, #tpu.memory_space<semaphore_mem>>)
    %dma_wait3A_1042 = arith.constant 4 : i32
    %dma_wait3A_1043 = arith.constant 4 : i32
    %dma_wait3A_1044 = arith.constant 0 : i32
    %dma_wait3A_1045 = arith.constant 0 : i32
    %dma_wait3A_1046 = tpu.memref_slice %arg6[%dma_wait3A_1042, %dma_wait3A_1044, %dma_wait3A_1045] : memref<8x8x1024xf32, #tpu.memory_space<vmem>> -> memref<1x8x1024xf32, #tpu.memory_space<vmem>>
    %dma_wait3A_1047 = tpu.memref_squeeze %dma_wait3A_1046 : memref<1x8x1024xf32, #tpu.memory_space<vmem>> -> memref<8x1024xf32, #tpu.memory_space<vmem>>
    %dma_wait3A_1048 = arith.constant 0 : i32
    %dma_wait3A_1049 = tpu.memref_slice %arg4[%add3A_665, %dma_wait3A_1048] : memref<8192x1024xf32, #tpu.memory_space<hbm>> -> memref<8x1024xf32, #tpu.memory_space<hbm>>
    %dma_wait3A_1050 = tpu.memref_slice %arg8[%dma_wait3A_1043] : memref<8x!tpu.dma_semaphore, #tpu.memory_space<semaphore_mem>> -> memref<1x!tpu.dma_semaphore, #tpu.memory_space<semaphore_mem>>
    %dma_wait3A_1051 = tpu.memref_squeeze %dma_wait3A_1050 : memref<1x!tpu.dma_semaphore, #tpu.memory_space<semaphore_mem>> -> memref<!tpu.dma_semaphore, #tpu.memory_space<semaphore_mem>>
    %dma_wait3A_1052 = arith.constant 0 : i32
    %dma_wait3A_1053 = tpu.memref_slice %arg4[%add3A_665, %dma_wait3A_1052] : memref<8192x1024xf32, #tpu.memory_space<hbm>> -> memref<8x1024xf32, #tpu.memory_space<hbm>>
    %dma_wait3A_1054 = arith.constant 0 : i32
    %dma_wait3A_1055 = arith.constant 0 : i32
    %dma_wait3A_1056 = tpu.memref_slice %arg6[%dma_wait3A_1042, %dma_wait3A_1054, %dma_wait3A_1055] : memref<8x8x1024xf32, #tpu.memory_space<vmem>> -> memref<1x8x1024xf32, #tpu.memory_space<vmem>>
    %dma_wait3A_1057 = tpu.memref_squeeze %dma_wait3A_1056 : memref<1x8x1024xf32, #tpu.memory_space<vmem>> -> memref<8x1024xf32, #tpu.memory_space<vmem>>
    tpu.wait_dma2 semaphore(%dma_wait3A_1051 : memref<!tpu.dma_semaphore, #tpu.memory_space<semaphore_mem>>) src(%dma_wait3A_1057 : memref<8x1024xf32, #tpu.memory_space<vmem>>) dst(%dma_wait3A_1053 : memref<8x1024xf32, #tpu.memory_space<hbm>>)
    %dma_start3A_1058 = arith.constant 4 : i32
    %dma_start3A_1059 = arith.constant 4 : i32
    %dma_start3A_1060 = arith.constant 0 : i32
    %dma_start3A_1061 = arith.constant 0 : i32
    %dma_start3A_1062 = tpu.memref_slice %arg6[%dma_start3A_1058, %dma_start3A_1060, %dma_start3A_1061] : memref<8x8x1024xf32, #tpu.memory_space<vmem>> -> memref<1x8x1024xf32, #tpu.memory_space<vmem>>
    %dma_start3A_1063 = tpu.memref_squeeze %dma_start3A_1062 : memref<1x8x1024xf32, #tpu.memory_space<vmem>> -> memref<8x1024xf32, #tpu.memory_space<vmem>>
    %dma_start3A_1064 = arith.constant 160 : i32
    %dma_start3A_1065 = tpu.memref_slice %arg5[%dma_start3A_1064] : memref<256xi32, #tpu.memory_space<vmem>> -> memref<8xi32, #tpu.memory_space<vmem>>
    %dma_start3A_1066 = arith.constant 0 : i32
    %dma_start3A_1067 = arith.constant 0 : i32
    %dma_start3A_1068 = tpu.memref_slice %arg3[%dma_start3A_1066, %dma_start3A_1067] : memref<100000x1024xf32, #tpu.memory_space<hbm>> -> memref<100000x1024xf32, #tpu.memory_space<hbm>>
    %dma_start3A_1069 = tpu.memref_slice %arg7[%dma_start3A_1059] : memref<8x!tpu.dma_semaphore, #tpu.memory_space<semaphore_mem>> -> memref<1x!tpu.dma_semaphore, #tpu.memory_space<semaphore_mem>>
    %dma_start3A_1070 = tpu.memref_squeeze %dma_start3A_1069 : memref<1x!tpu.dma_semaphore, #tpu.memory_space<semaphore_mem>> -> memref<!tpu.dma_semaphore, #tpu.memory_space<semaphore_mem>>
    tpu.enqueue_indirect_dma source(%dma_start3A_1068 : memref<100000x1024xf32, #tpu.memory_space<hbm>>) target(%dma_start3A_1063 : memref<8x1024xf32, #tpu.memory_space<vmem>>) offsets(%dma_start3A_1065 : memref<8xi32, #tpu.memory_space<vmem>>) semaphore(%dma_start3A_1070 : memref<!tpu.dma_semaphore, #tpu.memory_space<semaphore_mem>>)
    %dma_wait3A_1071 = arith.constant 3 : i32
    %dma_wait3A_1072 = arith.constant 3 : i32
    %dma_wait3A_1073 = arith.constant 0 : i32
    %dma_wait3A_1074 = arith.constant 0 : i32
    %dma_wait3A_1075 = tpu.memref_slice %arg6[%dma_wait3A_1071, %dma_wait3A_1073, %dma_wait3A_1074] : memref<8x8x1024xf32, #tpu.memory_space<vmem>> -> memref<1x8x1024xf32, #tpu.memory_space<vmem>>
    %dma_wait3A_1076 = tpu.memref_squeeze %dma_wait3A_1075 : memref<1x8x1024xf32, #tpu.memory_space<vmem>> -> memref<8x1024xf32, #tpu.memory_space<vmem>>
    %dma_wait3A_1077 = arith.constant 152 : i32
    %dma_wait3A_1078 = tpu.memref_slice %arg5[%dma_wait3A_1077] : memref<256xi32, #tpu.memory_space<vmem>> -> memref<8xi32, #tpu.memory_space<vmem>>
    %dma_wait3A_1079 = arith.constant 0 : i32
    %dma_wait3A_1080 = arith.constant 0 : i32
    %dma_wait3A_1081 = tpu.memref_slice %arg3[%dma_wait3A_1079, %dma_wait3A_1080] : memref<100000x1024xf32, #tpu.memory_space<hbm>> -> memref<100000x1024xf32, #tpu.memory_space<hbm>>
    %dma_wait3A_1082 = tpu.memref_slice %arg7[%dma_wait3A_1072] : memref<8x!tpu.dma_semaphore, #tpu.memory_space<semaphore_mem>> -> memref<1x!tpu.dma_semaphore, #tpu.memory_space<semaphore_mem>>
    %dma_wait3A_1083 = tpu.memref_squeeze %dma_wait3A_1082 : memref<1x!tpu.dma_semaphore, #tpu.memory_space<semaphore_mem>> -> memref<!tpu.dma_semaphore, #tpu.memory_space<semaphore_mem>>
    tpu.wait_indirect_dma semaphore(%dma_wait3A_1083 : memref<!tpu.dma_semaphore, #tpu.memory_space<semaphore_mem>>) src(%dma_wait3A_1081 : memref<100000x1024xf32, #tpu.memory_space<hbm>>) dst(%dma_wait3A_1076 : memref<8x1024xf32, #tpu.memory_space<vmem>>)
    %add3A_1084 = arith.constant 152 : i32
    %add3A_1085 = arith.addi %mul3A_2, %add3A_1084 : i32
    %dma_start3A_1086 = arith.constant 3 : i32
    %dma_start3A_1087 = arith.constant 3 : i32
    %dma_start3A_1088 = arith.constant 0 : i32
    %dma_start3A_1089 = arith.constant 0 : i32
    %dma_start3A_1090 = tpu.memref_slice %arg6[%dma_start3A_1086, %dma_start3A_1088, %dma_start3A_1089] : memref<8x8x1024xf32, #tpu.memory_space<vmem>> -> memref<1x8x1024xf32, #tpu.memory_space<vmem>>
    %dma_start3A_1091 = tpu.memref_squeeze %dma_start3A_1090 : memref<1x8x1024xf32, #tpu.memory_space<vmem>> -> memref<8x1024xf32, #tpu.memory_space<vmem>>
    %dma_start3A_1092 = arith.constant 0 : i32
    %dma_start3A_1093 = tpu.memref_slice %arg4[%add3A_1085, %dma_start3A_1092] : memref<8192x1024xf32, #tpu.memory_space<hbm>> -> memref<8x1024xf32, #tpu.memory_space<hbm>>
    %dma_start3A_1094 = tpu.memref_slice %arg8[%dma_start3A_1087] : memref<8x!tpu.dma_semaphore, #tpu.memory_space<semaphore_mem>> -> memref<1x!tpu.dma_semaphore, #tpu.memory_space<semaphore_mem>>
    %dma_start3A_1095 = tpu.memref_squeeze %dma_start3A_1094 : memref<1x!tpu.dma_semaphore, #tpu.memory_space<semaphore_mem>> -> memref<!tpu.dma_semaphore, #tpu.memory_space<semaphore_mem>>
    %dma_start3A_1096 = arith.constant 0 : i32
    %dma_start3A_1097 = tpu.memref_slice %arg4[%add3A_1085, %dma_start3A_1096] : memref<8192x1024xf32, #tpu.memory_space<hbm>> -> memref<8x1024xf32, #tpu.memory_space<hbm>>
    %dma_start3A_1098 = arith.constant 0 : i32
    %dma_start3A_1099 = arith.constant 0 : i32
    %dma_start3A_1100 = tpu.memref_slice %arg6[%dma_start3A_1086, %dma_start3A_1098, %dma_start3A_1099] : memref<8x8x1024xf32, #tpu.memory_space<vmem>> -> memref<1x8x1024xf32, #tpu.memory_space<vmem>>
    %dma_start3A_1101 = tpu.memref_squeeze %dma_start3A_1100 : memref<1x8x1024xf32, #tpu.memory_space<vmem>> -> memref<8x1024xf32, #tpu.memory_space<vmem>>
    tpu.enqueue_dma source(%dma_start3A_1101 : memref<8x1024xf32, #tpu.memory_space<vmem>>) target(%dma_start3A_1097 : memref<8x1024xf32, #tpu.memory_space<hbm>>) target_semaphore(%dma_start3A_1095 : memref<!tpu.dma_semaphore, #tpu.memory_space<semaphore_mem>>)
    %dma_wait3A_1102 = arith.constant 5 : i32
    %dma_wait3A_1103 = arith.constant 5 : i32
    %dma_wait3A_1104 = arith.constant 0 : i32
    %dma_wait3A_1105 = arith.constant 0 : i32
    %dma_wait3A_1106 = tpu.memref_slice %arg6[%dma_wait3A_1102, %dma_wait3A_1104, %dma_wait3A_1105] : memref<8x8x1024xf32, #tpu.memory_space<vmem>> -> memref<1x8x1024xf32, #tpu.memory_space<vmem>>
    %dma_wait3A_1107 = tpu.memref_squeeze %dma_wait3A_1106 : memref<1x8x1024xf32, #tpu.memory_space<vmem>> -> memref<8x1024xf32, #tpu.memory_space<vmem>>
    %dma_wait3A_1108 = arith.constant 0 : i32
    %dma_wait3A_1109 = tpu.memref_slice %arg4[%add3A_725, %dma_wait3A_1108] : memref<8192x1024xf32, #tpu.memory_space<hbm>> -> memref<8x1024xf32, #tpu.memory_space<hbm>>
    %dma_wait3A_1110 = tpu.memref_slice %arg8[%dma_wait3A_1103] : memref<8x!tpu.dma_semaphore, #tpu.memory_space<semaphore_mem>> -> memref<1x!tpu.dma_semaphore, #tpu.memory_space<semaphore_mem>>
    %dma_wait3A_1111 = tpu.memref_squeeze %dma_wait3A_1110 : memref<1x!tpu.dma_semaphore, #tpu.memory_space<semaphore_mem>> -> memref<!tpu.dma_semaphore, #tpu.memory_space<semaphore_mem>>
    %dma_wait3A_1112 = arith.constant 0 : i32
    %dma_wait3A_1113 = tpu.memref_slice %arg4[%add3A_725, %dma_wait3A_1112] : memref<8192x1024xf32, #tpu.memory_space<hbm>> -> memref<8x1024xf32, #tpu.memory_space<hbm>>
    %dma_wait3A_1114 = arith.constant 0 : i32
    %dma_wait3A_1115 = arith.constant 0 : i32
    %dma_wait3A_1116 = tpu.memref_slice %arg6[%dma_wait3A_1102, %dma_wait3A_1114, %dma_wait3A_1115] : memref<8x8x1024xf32, #tpu.memory_space<vmem>> -> memref<1x8x1024xf32, #tpu.memory_space<vmem>>
    %dma_wait3A_1117 = tpu.memref_squeeze %dma_wait3A_1116 : memref<1x8x1024xf32, #tpu.memory_space<vmem>> -> memref<8x1024xf32, #tpu.memory_space<vmem>>
    tpu.wait_dma2 semaphore(%dma_wait3A_1111 : memref<!tpu.dma_semaphore, #tpu.memory_space<semaphore_mem>>) src(%dma_wait3A_1117 : memref<8x1024xf32, #tpu.memory_space<vmem>>) dst(%dma_wait3A_1113 : memref<8x1024xf32, #tpu.memory_space<hbm>>)
    %dma_start3A_1118 = arith.constant 5 : i32
    %dma_start3A_1119 = arith.constant 5 : i32
    %dma_start3A_1120 = arith.constant 0 : i32
    %dma_start3A_1121 = arith.constant 0 : i32
    %dma_start3A_1122 = tpu.memref_slice %arg6[%dma_start3A_1118, %dma_start3A_1120, %dma_start3A_1121] : memref<8x8x1024xf32, #tpu.memory_space<vmem>> -> memref<1x8x1024xf32, #tpu.memory_space<vmem>>
    %dma_start3A_1123 = tpu.memref_squeeze %dma_start3A_1122 : memref<1x8x1024xf32, #tpu.memory_space<vmem>> -> memref<8x1024xf32, #tpu.memory_space<vmem>>
    %dma_start3A_1124 = arith.constant 168 : i32
    %dma_start3A_1125 = tpu.memref_slice %arg5[%dma_start3A_1124] : memref<256xi32, #tpu.memory_space<vmem>> -> memref<8xi32, #tpu.memory_space<vmem>>
    %dma_start3A_1126 = arith.constant 0 : i32
    %dma_start3A_1127 = arith.constant 0 : i32
    %dma_start3A_1128 = tpu.memref_slice %arg3[%dma_start3A_1126, %dma_start3A_1127] : memref<100000x1024xf32, #tpu.memory_space<hbm>> -> memref<100000x1024xf32, #tpu.memory_space<hbm>>
    %dma_start3A_1129 = tpu.memref_slice %arg7[%dma_start3A_1119] : memref<8x!tpu.dma_semaphore, #tpu.memory_space<semaphore_mem>> -> memref<1x!tpu.dma_semaphore, #tpu.memory_space<semaphore_mem>>
    %dma_start3A_1130 = tpu.memref_squeeze %dma_start3A_1129 : memref<1x!tpu.dma_semaphore, #tpu.memory_space<semaphore_mem>> -> memref<!tpu.dma_semaphore, #tpu.memory_space<semaphore_mem>>
    tpu.enqueue_indirect_dma source(%dma_start3A_1128 : memref<100000x1024xf32, #tpu.memory_space<hbm>>) target(%dma_start3A_1123 : memref<8x1024xf32, #tpu.memory_space<vmem>>) offsets(%dma_start3A_1125 : memref<8xi32, #tpu.memory_space<vmem>>) semaphore(%dma_start3A_1130 : memref<!tpu.dma_semaphore, #tpu.memory_space<semaphore_mem>>)
    %dma_wait3A_1131 = arith.constant 4 : i32
    %dma_wait3A_1132 = arith.constant 4 : i32
    %dma_wait3A_1133 = arith.constant 0 : i32
    %dma_wait3A_1134 = arith.constant 0 : i32
    %dma_wait3A_1135 = tpu.memref_slice %arg6[%dma_wait3A_1131, %dma_wait3A_1133, %dma_wait3A_1134] : memref<8x8x1024xf32, #tpu.memory_space<vmem>> -> memref<1x8x1024xf32, #tpu.memory_space<vmem>>
    %dma_wait3A_1136 = tpu.memref_squeeze %dma_wait3A_1135 : memref<1x8x1024xf32, #tpu.memory_space<vmem>> -> memref<8x1024xf32, #tpu.memory_space<vmem>>
    %dma_wait3A_1137 = arith.constant 160 : i32
    %dma_wait3A_1138 = tpu.memref_slice %arg5[%dma_wait3A_1137] : memref<256xi32, #tpu.memory_space<vmem>> -> memref<8xi32, #tpu.memory_space<vmem>>
    %dma_wait3A_1139 = arith.constant 0 : i32
    %dma_wait3A_1140 = arith.constant 0 : i32
    %dma_wait3A_1141 = tpu.memref_slice %arg3[%dma_wait3A_1139, %dma_wait3A_1140] : memref<100000x1024xf32, #tpu.memory_space<hbm>> -> memref<100000x1024xf32, #tpu.memory_space<hbm>>
    %dma_wait3A_1142 = tpu.memref_slice %arg7[%dma_wait3A_1132] : memref<8x!tpu.dma_semaphore, #tpu.memory_space<semaphore_mem>> -> memref<1x!tpu.dma_semaphore, #tpu.memory_space<semaphore_mem>>
    %dma_wait3A_1143 = tpu.memref_squeeze %dma_wait3A_1142 : memref<1x!tpu.dma_semaphore, #tpu.memory_space<semaphore_mem>> -> memref<!tpu.dma_semaphore, #tpu.memory_space<semaphore_mem>>
    tpu.wait_indirect_dma semaphore(%dma_wait3A_1143 : memref<!tpu.dma_semaphore, #tpu.memory_space<semaphore_mem>>) src(%dma_wait3A_1141 : memref<100000x1024xf32, #tpu.memory_space<hbm>>) dst(%dma_wait3A_1136 : memref<8x1024xf32, #tpu.memory_space<vmem>>)
    %add3A_1144 = arith.constant 160 : i32
    %add3A_1145 = arith.addi %mul3A_2, %add3A_1144 : i32
    %dma_start3A_1146 = arith.constant 4 : i32
    %dma_start3A_1147 = arith.constant 4 : i32
    %dma_start3A_1148 = arith.constant 0 : i32
    %dma_start3A_1149 = arith.constant 0 : i32
    %dma_start3A_1150 = tpu.memref_slice %arg6[%dma_start3A_1146, %dma_start3A_1148, %dma_start3A_1149] : memref<8x8x1024xf32, #tpu.memory_space<vmem>> -> memref<1x8x1024xf32, #tpu.memory_space<vmem>>
    %dma_start3A_1151 = tpu.memref_squeeze %dma_start3A_1150 : memref<1x8x1024xf32, #tpu.memory_space<vmem>> -> memref<8x1024xf32, #tpu.memory_space<vmem>>
    %dma_start3A_1152 = arith.constant 0 : i32
    %dma_start3A_1153 = tpu.memref_slice %arg4[%add3A_1145, %dma_start3A_1152] : memref<8192x1024xf32, #tpu.memory_space<hbm>> -> memref<8x1024xf32, #tpu.memory_space<hbm>>
    %dma_start3A_1154 = tpu.memref_slice %arg8[%dma_start3A_1147] : memref<8x!tpu.dma_semaphore, #tpu.memory_space<semaphore_mem>> -> memref<1x!tpu.dma_semaphore, #tpu.memory_space<semaphore_mem>>
    %dma_start3A_1155 = tpu.memref_squeeze %dma_start3A_1154 : memref<1x!tpu.dma_semaphore, #tpu.memory_space<semaphore_mem>> -> memref<!tpu.dma_semaphore, #tpu.memory_space<semaphore_mem>>
    %dma_start3A_1156 = arith.constant 0 : i32
    %dma_start3A_1157 = tpu.memref_slice %arg4[%add3A_1145, %dma_start3A_1156] : memref<8192x1024xf32, #tpu.memory_space<hbm>> -> memref<8x1024xf32, #tpu.memory_space<hbm>>
    %dma_start3A_1158 = arith.constant 0 : i32
    %dma_start3A_1159 = arith.constant 0 : i32
    %dma_start3A_1160 = tpu.memref_slice %arg6[%dma_start3A_1146, %dma_start3A_1158, %dma_start3A_1159] : memref<8x8x1024xf32, #tpu.memory_space<vmem>> -> memref<1x8x1024xf32, #tpu.memory_space<vmem>>
    %dma_start3A_1161 = tpu.memref_squeeze %dma_start3A_1160 : memref<1x8x1024xf32, #tpu.memory_space<vmem>> -> memref<8x1024xf32, #tpu.memory_space<vmem>>
    tpu.enqueue_dma source(%dma_start3A_1161 : memref<8x1024xf32, #tpu.memory_space<vmem>>) target(%dma_start3A_1157 : memref<8x1024xf32, #tpu.memory_space<hbm>>) target_semaphore(%dma_start3A_1155 : memref<!tpu.dma_semaphore, #tpu.memory_space<semaphore_mem>>)
    %dma_wait3A_1162 = arith.constant 6 : i32
    %dma_wait3A_1163 = arith.constant 6 : i32
    %dma_wait3A_1164 = arith.constant 0 : i32
    %dma_wait3A_1165 = arith.constant 0 : i32
    %dma_wait3A_1166 = tpu.memref_slice %arg6[%dma_wait3A_1162, %dma_wait3A_1164, %dma_wait3A_1165] : memref<8x8x1024xf32, #tpu.memory_space<vmem>> -> memref<1x8x1024xf32, #tpu.memory_space<vmem>>
    %dma_wait3A_1167 = tpu.memref_squeeze %dma_wait3A_1166 : memref<1x8x1024xf32, #tpu.memory_space<vmem>> -> memref<8x1024xf32, #tpu.memory_space<vmem>>
    %dma_wait3A_1168 = arith.constant 0 : i32
    %dma_wait3A_1169 = tpu.memref_slice %arg4[%add3A_785, %dma_wait3A_1168] : memref<8192x1024xf32, #tpu.memory_space<hbm>> -> memref<8x1024xf32, #tpu.memory_space<hbm>>
    %dma_wait3A_1170 = tpu.memref_slice %arg8[%dma_wait3A_1163] : memref<8x!tpu.dma_semaphore, #tpu.memory_space<semaphore_mem>> -> memref<1x!tpu.dma_semaphore, #tpu.memory_space<semaphore_mem>>
    %dma_wait3A_1171 = tpu.memref_squeeze %dma_wait3A_1170 : memref<1x!tpu.dma_semaphore, #tpu.memory_space<semaphore_mem>> -> memref<!tpu.dma_semaphore, #tpu.memory_space<semaphore_mem>>
    %dma_wait3A_1172 = arith.constant 0 : i32
    %dma_wait3A_1173 = tpu.memref_slice %arg4[%add3A_785, %dma_wait3A_1172] : memref<8192x1024xf32, #tpu.memory_space<hbm>> -> memref<8x1024xf32, #tpu.memory_space<hbm>>
    %dma_wait3A_1174 = arith.constant 0 : i32
    %dma_wait3A_1175 = arith.constant 0 : i32
    %dma_wait3A_1176 = tpu.memref_slice %arg6[%dma_wait3A_1162, %dma_wait3A_1174, %dma_wait3A_1175] : memref<8x8x1024xf32, #tpu.memory_space<vmem>> -> memref<1x8x1024xf32, #tpu.memory_space<vmem>>
    %dma_wait3A_1177 = tpu.memref_squeeze %dma_wait3A_1176 : memref<1x8x1024xf32, #tpu.memory_space<vmem>> -> memref<8x1024xf32, #tpu.memory_space<vmem>>
    tpu.wait_dma2 semaphore(%dma_wait3A_1171 : memref<!tpu.dma_semaphore, #tpu.memory_space<semaphore_mem>>) src(%dma_wait3A_1177 : memref<8x1024xf32, #tpu.memory_space<vmem>>) dst(%dma_wait3A_1173 : memref<8x1024xf32, #tpu.memory_space<hbm>>)
    %dma_start3A_1178 = arith.constant 6 : i32
    %dma_start3A_1179 = arith.constant 6 : i32
    %dma_start3A_1180 = arith.constant 0 : i32
    %dma_start3A_1181 = arith.constant 0 : i32
    %dma_start3A_1182 = tpu.memref_slice %arg6[%dma_start3A_1178, %dma_start3A_1180, %dma_start3A_1181] : memref<8x8x1024xf32, #tpu.memory_space<vmem>> -> memref<1x8x1024xf32, #tpu.memory_space<vmem>>
    %dma_start3A_1183 = tpu.memref_squeeze %dma_start3A_1182 : memref<1x8x1024xf32, #tpu.memory_space<vmem>> -> memref<8x1024xf32, #tpu.memory_space<vmem>>
    %dma_start3A_1184 = arith.constant 176 : i32
    %dma_start3A_1185 = tpu.memref_slice %arg5[%dma_start3A_1184] : memref<256xi32, #tpu.memory_space<vmem>> -> memref<8xi32, #tpu.memory_space<vmem>>
    %dma_start3A_1186 = arith.constant 0 : i32
    %dma_start3A_1187 = arith.constant 0 : i32
    %dma_start3A_1188 = tpu.memref_slice %arg3[%dma_start3A_1186, %dma_start3A_1187] : memref<100000x1024xf32, #tpu.memory_space<hbm>> -> memref<100000x1024xf32, #tpu.memory_space<hbm>>
    %dma_start3A_1189 = tpu.memref_slice %arg7[%dma_start3A_1179] : memref<8x!tpu.dma_semaphore, #tpu.memory_space<semaphore_mem>> -> memref<1x!tpu.dma_semaphore, #tpu.memory_space<semaphore_mem>>
    %dma_start3A_1190 = tpu.memref_squeeze %dma_start3A_1189 : memref<1x!tpu.dma_semaphore, #tpu.memory_space<semaphore_mem>> -> memref<!tpu.dma_semaphore, #tpu.memory_space<semaphore_mem>>
    tpu.enqueue_indirect_dma source(%dma_start3A_1188 : memref<100000x1024xf32, #tpu.memory_space<hbm>>) target(%dma_start3A_1183 : memref<8x1024xf32, #tpu.memory_space<vmem>>) offsets(%dma_start3A_1185 : memref<8xi32, #tpu.memory_space<vmem>>) semaphore(%dma_start3A_1190 : memref<!tpu.dma_semaphore, #tpu.memory_space<semaphore_mem>>)
    %dma_wait3A_1191 = arith.constant 5 : i32
    %dma_wait3A_1192 = arith.constant 5 : i32
    %dma_wait3A_1193 = arith.constant 0 : i32
    %dma_wait3A_1194 = arith.constant 0 : i32
    %dma_wait3A_1195 = tpu.memref_slice %arg6[%dma_wait3A_1191, %dma_wait3A_1193, %dma_wait3A_1194] : memref<8x8x1024xf32, #tpu.memory_space<vmem>> -> memref<1x8x1024xf32, #tpu.memory_space<vmem>>
    %dma_wait3A_1196 = tpu.memref_squeeze %dma_wait3A_1195 : memref<1x8x1024xf32, #tpu.memory_space<vmem>> -> memref<8x1024xf32, #tpu.memory_space<vmem>>
    %dma_wait3A_1197 = arith.constant 168 : i32
    %dma_wait3A_1198 = tpu.memref_slice %arg5[%dma_wait3A_1197] : memref<256xi32, #tpu.memory_space<vmem>> -> memref<8xi32, #tpu.memory_space<vmem>>
    %dma_wait3A_1199 = arith.constant 0 : i32
    %dma_wait3A_1200 = arith.constant 0 : i32
    %dma_wait3A_1201 = tpu.memref_slice %arg3[%dma_wait3A_1199, %dma_wait3A_1200] : memref<100000x1024xf32, #tpu.memory_space<hbm>> -> memref<100000x1024xf32, #tpu.memory_space<hbm>>
    %dma_wait3A_1202 = tpu.memref_slice %arg7[%dma_wait3A_1192] : memref<8x!tpu.dma_semaphore, #tpu.memory_space<semaphore_mem>> -> memref<1x!tpu.dma_semaphore, #tpu.memory_space<semaphore_mem>>
    %dma_wait3A_1203 = tpu.memref_squeeze %dma_wait3A_1202 : memref<1x!tpu.dma_semaphore, #tpu.memory_space<semaphore_mem>> -> memref<!tpu.dma_semaphore, #tpu.memory_space<semaphore_mem>>
    tpu.wait_indirect_dma semaphore(%dma_wait3A_1203 : memref<!tpu.dma_semaphore, #tpu.memory_space<semaphore_mem>>) src(%dma_wait3A_1201 : memref<100000x1024xf32, #tpu.memory_space<hbm>>) dst(%dma_wait3A_1196 : memref<8x1024xf32, #tpu.memory_space<vmem>>)
    %add3A_1204 = arith.constant 168 : i32
    %add3A_1205 = arith.addi %mul3A_2, %add3A_1204 : i32
    %dma_start3A_1206 = arith.constant 5 : i32
    %dma_start3A_1207 = arith.constant 5 : i32
    %dma_start3A_1208 = arith.constant 0 : i32
    %dma_start3A_1209 = arith.constant 0 : i32
    %dma_start3A_1210 = tpu.memref_slice %arg6[%dma_start3A_1206, %dma_start3A_1208, %dma_start3A_1209] : memref<8x8x1024xf32, #tpu.memory_space<vmem>> -> memref<1x8x1024xf32, #tpu.memory_space<vmem>>
    %dma_start3A_1211 = tpu.memref_squeeze %dma_start3A_1210 : memref<1x8x1024xf32, #tpu.memory_space<vmem>> -> memref<8x1024xf32, #tpu.memory_space<vmem>>
    %dma_start3A_1212 = arith.constant 0 : i32
    %dma_start3A_1213 = tpu.memref_slice %arg4[%add3A_1205, %dma_start3A_1212] : memref<8192x1024xf32, #tpu.memory_space<hbm>> -> memref<8x1024xf32, #tpu.memory_space<hbm>>
    %dma_start3A_1214 = tpu.memref_slice %arg8[%dma_start3A_1207] : memref<8x!tpu.dma_semaphore, #tpu.memory_space<semaphore_mem>> -> memref<1x!tpu.dma_semaphore, #tpu.memory_space<semaphore_mem>>
    %dma_start3A_1215 = tpu.memref_squeeze %dma_start3A_1214 : memref<1x!tpu.dma_semaphore, #tpu.memory_space<semaphore_mem>> -> memref<!tpu.dma_semaphore, #tpu.memory_space<semaphore_mem>>
    %dma_start3A_1216 = arith.constant 0 : i32
    %dma_start3A_1217 = tpu.memref_slice %arg4[%add3A_1205, %dma_start3A_1216] : memref<8192x1024xf32, #tpu.memory_space<hbm>> -> memref<8x1024xf32, #tpu.memory_space<hbm>>
    %dma_start3A_1218 = arith.constant 0 : i32
    %dma_start3A_1219 = arith.constant 0 : i32
    %dma_start3A_1220 = tpu.memref_slice %arg6[%dma_start3A_1206, %dma_start3A_1218, %dma_start3A_1219] : memref<8x8x1024xf32, #tpu.memory_space<vmem>> -> memref<1x8x1024xf32, #tpu.memory_space<vmem>>
    %dma_start3A_1221 = tpu.memref_squeeze %dma_start3A_1220 : memref<1x8x1024xf32, #tpu.memory_space<vmem>> -> memref<8x1024xf32, #tpu.memory_space<vmem>>
    tpu.enqueue_dma source(%dma_start3A_1221 : memref<8x1024xf32, #tpu.memory_space<vmem>>) target(%dma_start3A_1217 : memref<8x1024xf32, #tpu.memory_space<hbm>>) target_semaphore(%dma_start3A_1215 : memref<!tpu.dma_semaphore, #tpu.memory_space<semaphore_mem>>)
    %dma_wait3A_1222 = arith.constant 7 : i32
    %dma_wait3A_1223 = arith.constant 7 : i32
    %dma_wait3A_1224 = arith.constant 0 : i32
    %dma_wait3A_1225 = arith.constant 0 : i32
    %dma_wait3A_1226 = tpu.memref_slice %arg6[%dma_wait3A_1222, %dma_wait3A_1224, %dma_wait3A_1225] : memref<8x8x1024xf32, #tpu.memory_space<vmem>> -> memref<1x8x1024xf32, #tpu.memory_space<vmem>>
    %dma_wait3A_1227 = tpu.memref_squeeze %dma_wait3A_1226 : memref<1x8x1024xf32, #tpu.memory_space<vmem>> -> memref<8x1024xf32, #tpu.memory_space<vmem>>
    %dma_wait3A_1228 = arith.constant 0 : i32
    %dma_wait3A_1229 = tpu.memref_slice %arg4[%add3A_845, %dma_wait3A_1228] : memref<8192x1024xf32, #tpu.memory_space<hbm>> -> memref<8x1024xf32, #tpu.memory_space<hbm>>
    %dma_wait3A_1230 = tpu.memref_slice %arg8[%dma_wait3A_1223] : memref<8x!tpu.dma_semaphore, #tpu.memory_space<semaphore_mem>> -> memref<1x!tpu.dma_semaphore, #tpu.memory_space<semaphore_mem>>
    %dma_wait3A_1231 = tpu.memref_squeeze %dma_wait3A_1230 : memref<1x!tpu.dma_semaphore, #tpu.memory_space<semaphore_mem>> -> memref<!tpu.dma_semaphore, #tpu.memory_space<semaphore_mem>>
    %dma_wait3A_1232 = arith.constant 0 : i32
    %dma_wait3A_1233 = tpu.memref_slice %arg4[%add3A_845, %dma_wait3A_1232] : memref<8192x1024xf32, #tpu.memory_space<hbm>> -> memref<8x1024xf32, #tpu.memory_space<hbm>>
    %dma_wait3A_1234 = arith.constant 0 : i32
    %dma_wait3A_1235 = arith.constant 0 : i32
    %dma_wait3A_1236 = tpu.memref_slice %arg6[%dma_wait3A_1222, %dma_wait3A_1234, %dma_wait3A_1235] : memref<8x8x1024xf32, #tpu.memory_space<vmem>> -> memref<1x8x1024xf32, #tpu.memory_space<vmem>>
    %dma_wait3A_1237 = tpu.memref_squeeze %dma_wait3A_1236 : memref<1x8x1024xf32, #tpu.memory_space<vmem>> -> memref<8x1024xf32, #tpu.memory_space<vmem>>
    tpu.wait_dma2 semaphore(%dma_wait3A_1231 : memref<!tpu.dma_semaphore, #tpu.memory_space<semaphore_mem>>) src(%dma_wait3A_1237 : memref<8x1024xf32, #tpu.memory_space<vmem>>) dst(%dma_wait3A_1233 : memref<8x1024xf32, #tpu.memory_space<hbm>>)
    %dma_start3A_1238 = arith.constant 7 : i32
    %dma_start3A_1239 = arith.constant 7 : i32
    %dma_start3A_1240 = arith.constant 0 : i32
    %dma_start3A_1241 = arith.constant 0 : i32
    %dma_start3A_1242 = tpu.memref_slice %arg6[%dma_start3A_1238, %dma_start3A_1240, %dma_start3A_1241] : memref<8x8x1024xf32, #tpu.memory_space<vmem>> -> memref<1x8x1024xf32, #tpu.memory_space<vmem>>
    %dma_start3A_1243 = tpu.memref_squeeze %dma_start3A_1242 : memref<1x8x1024xf32, #tpu.memory_space<vmem>> -> memref<8x1024xf32, #tpu.memory_space<vmem>>
    %dma_start3A_1244 = arith.constant 184 : i32
    %dma_start3A_1245 = tpu.memref_slice %arg5[%dma_start3A_1244] : memref<256xi32, #tpu.memory_space<vmem>> -> memref<8xi32, #tpu.memory_space<vmem>>
    %dma_start3A_1246 = arith.constant 0 : i32
    %dma_start3A_1247 = arith.constant 0 : i32
    %dma_start3A_1248 = tpu.memref_slice %arg3[%dma_start3A_1246, %dma_start3A_1247] : memref<100000x1024xf32, #tpu.memory_space<hbm>> -> memref<100000x1024xf32, #tpu.memory_space<hbm>>
    %dma_start3A_1249 = tpu.memref_slice %arg7[%dma_start3A_1239] : memref<8x!tpu.dma_semaphore, #tpu.memory_space<semaphore_mem>> -> memref<1x!tpu.dma_semaphore, #tpu.memory_space<semaphore_mem>>
    %dma_start3A_1250 = tpu.memref_squeeze %dma_start3A_1249 : memref<1x!tpu.dma_semaphore, #tpu.memory_space<semaphore_mem>> -> memref<!tpu.dma_semaphore, #tpu.memory_space<semaphore_mem>>
    tpu.enqueue_indirect_dma source(%dma_start3A_1248 : memref<100000x1024xf32, #tpu.memory_space<hbm>>) target(%dma_start3A_1243 : memref<8x1024xf32, #tpu.memory_space<vmem>>) offsets(%dma_start3A_1245 : memref<8xi32, #tpu.memory_space<vmem>>) semaphore(%dma_start3A_1250 : memref<!tpu.dma_semaphore, #tpu.memory_space<semaphore_mem>>)
    %dma_wait3A_1251 = arith.constant 6 : i32
    %dma_wait3A_1252 = arith.constant 6 : i32
    %dma_wait3A_1253 = arith.constant 0 : i32
    %dma_wait3A_1254 = arith.constant 0 : i32
    %dma_wait3A_1255 = tpu.memref_slice %arg6[%dma_wait3A_1251, %dma_wait3A_1253, %dma_wait3A_1254] : memref<8x8x1024xf32, #tpu.memory_space<vmem>> -> memref<1x8x1024xf32, #tpu.memory_space<vmem>>
    %dma_wait3A_1256 = tpu.memref_squeeze %dma_wait3A_1255 : memref<1x8x1024xf32, #tpu.memory_space<vmem>> -> memref<8x1024xf32, #tpu.memory_space<vmem>>
    %dma_wait3A_1257 = arith.constant 176 : i32
    %dma_wait3A_1258 = tpu.memref_slice %arg5[%dma_wait3A_1257] : memref<256xi32, #tpu.memory_space<vmem>> -> memref<8xi32, #tpu.memory_space<vmem>>
    %dma_wait3A_1259 = arith.constant 0 : i32
    %dma_wait3A_1260 = arith.constant 0 : i32
    %dma_wait3A_1261 = tpu.memref_slice %arg3[%dma_wait3A_1259, %dma_wait3A_1260] : memref<100000x1024xf32, #tpu.memory_space<hbm>> -> memref<100000x1024xf32, #tpu.memory_space<hbm>>
    %dma_wait3A_1262 = tpu.memref_slice %arg7[%dma_wait3A_1252] : memref<8x!tpu.dma_semaphore, #tpu.memory_space<semaphore_mem>> -> memref<1x!tpu.dma_semaphore, #tpu.memory_space<semaphore_mem>>
    %dma_wait3A_1263 = tpu.memref_squeeze %dma_wait3A_1262 : memref<1x!tpu.dma_semaphore, #tpu.memory_space<semaphore_mem>> -> memref<!tpu.dma_semaphore, #tpu.memory_space<semaphore_mem>>
    tpu.wait_indirect_dma semaphore(%dma_wait3A_1263 : memref<!tpu.dma_semaphore, #tpu.memory_space<semaphore_mem>>) src(%dma_wait3A_1261 : memref<100000x1024xf32, #tpu.memory_space<hbm>>) dst(%dma_wait3A_1256 : memref<8x1024xf32, #tpu.memory_space<vmem>>)
    %add3A_1264 = arith.constant 176 : i32
    %add3A_1265 = arith.addi %mul3A_2, %add3A_1264 : i32
    %dma_start3A_1266 = arith.constant 6 : i32
    %dma_start3A_1267 = arith.constant 6 : i32
    %dma_start3A_1268 = arith.constant 0 : i32
    %dma_start3A_1269 = arith.constant 0 : i32
    %dma_start3A_1270 = tpu.memref_slice %arg6[%dma_start3A_1266, %dma_start3A_1268, %dma_start3A_1269] : memref<8x8x1024xf32, #tpu.memory_space<vmem>> -> memref<1x8x1024xf32, #tpu.memory_space<vmem>>
    %dma_start3A_1271 = tpu.memref_squeeze %dma_start3A_1270 : memref<1x8x1024xf32, #tpu.memory_space<vmem>> -> memref<8x1024xf32, #tpu.memory_space<vmem>>
    %dma_start3A_1272 = arith.constant 0 : i32
    %dma_start3A_1273 = tpu.memref_slice %arg4[%add3A_1265, %dma_start3A_1272] : memref<8192x1024xf32, #tpu.memory_space<hbm>> -> memref<8x1024xf32, #tpu.memory_space<hbm>>
    %dma_start3A_1274 = tpu.memref_slice %arg8[%dma_start3A_1267] : memref<8x!tpu.dma_semaphore, #tpu.memory_space<semaphore_mem>> -> memref<1x!tpu.dma_semaphore, #tpu.memory_space<semaphore_mem>>
    %dma_start3A_1275 = tpu.memref_squeeze %dma_start3A_1274 : memref<1x!tpu.dma_semaphore, #tpu.memory_space<semaphore_mem>> -> memref<!tpu.dma_semaphore, #tpu.memory_space<semaphore_mem>>
    %dma_start3A_1276 = arith.constant 0 : i32
    %dma_start3A_1277 = tpu.memref_slice %arg4[%add3A_1265, %dma_start3A_1276] : memref<8192x1024xf32, #tpu.memory_space<hbm>> -> memref<8x1024xf32, #tpu.memory_space<hbm>>
    %dma_start3A_1278 = arith.constant 0 : i32
    %dma_start3A_1279 = arith.constant 0 : i32
    %dma_start3A_1280 = tpu.memref_slice %arg6[%dma_start3A_1266, %dma_start3A_1278, %dma_start3A_1279] : memref<8x8x1024xf32, #tpu.memory_space<vmem>> -> memref<1x8x1024xf32, #tpu.memory_space<vmem>>
    %dma_start3A_1281 = tpu.memref_squeeze %dma_start3A_1280 : memref<1x8x1024xf32, #tpu.memory_space<vmem>> -> memref<8x1024xf32, #tpu.memory_space<vmem>>
    tpu.enqueue_dma source(%dma_start3A_1281 : memref<8x1024xf32, #tpu.memory_space<vmem>>) target(%dma_start3A_1277 : memref<8x1024xf32, #tpu.memory_space<hbm>>) target_semaphore(%dma_start3A_1275 : memref<!tpu.dma_semaphore, #tpu.memory_space<semaphore_mem>>)
    %dma_wait3A_1282 = arith.constant 0 : i32
    %dma_wait3A_1283 = arith.constant 0 : i32
    %dma_wait3A_1284 = arith.constant 0 : i32
    %dma_wait3A_1285 = arith.constant 0 : i32
    %dma_wait3A_1286 = tpu.memref_slice %arg6[%dma_wait3A_1282, %dma_wait3A_1284, %dma_wait3A_1285] : memref<8x8x1024xf32, #tpu.memory_space<vmem>> -> memref<1x8x1024xf32, #tpu.memory_space<vmem>>
    %dma_wait3A_1287 = tpu.memref_squeeze %dma_wait3A_1286 : memref<1x8x1024xf32, #tpu.memory_space<vmem>> -> memref<8x1024xf32, #tpu.memory_space<vmem>>
    %dma_wait3A_1288 = arith.constant 0 : i32
    %dma_wait3A_1289 = tpu.memref_slice %arg4[%add3A_905, %dma_wait3A_1288] : memref<8192x1024xf32, #tpu.memory_space<hbm>> -> memref<8x1024xf32, #tpu.memory_space<hbm>>
    %dma_wait3A_1290 = tpu.memref_slice %arg8[%dma_wait3A_1283] : memref<8x!tpu.dma_semaphore, #tpu.memory_space<semaphore_mem>> -> memref<1x!tpu.dma_semaphore, #tpu.memory_space<semaphore_mem>>
    %dma_wait3A_1291 = tpu.memref_squeeze %dma_wait3A_1290 : memref<1x!tpu.dma_semaphore, #tpu.memory_space<semaphore_mem>> -> memref<!tpu.dma_semaphore, #tpu.memory_space<semaphore_mem>>
    %dma_wait3A_1292 = arith.constant 0 : i32
    %dma_wait3A_1293 = tpu.memref_slice %arg4[%add3A_905, %dma_wait3A_1292] : memref<8192x1024xf32, #tpu.memory_space<hbm>> -> memref<8x1024xf32, #tpu.memory_space<hbm>>
    %dma_wait3A_1294 = arith.constant 0 : i32
    %dma_wait3A_1295 = arith.constant 0 : i32
    %dma_wait3A_1296 = tpu.memref_slice %arg6[%dma_wait3A_1282, %dma_wait3A_1294, %dma_wait3A_1295] : memref<8x8x1024xf32, #tpu.memory_space<vmem>> -> memref<1x8x1024xf32, #tpu.memory_space<vmem>>
    %dma_wait3A_1297 = tpu.memref_squeeze %dma_wait3A_1296 : memref<1x8x1024xf32, #tpu.memory_space<vmem>> -> memref<8x1024xf32, #tpu.memory_space<vmem>>
    tpu.wait_dma2 semaphore(%dma_wait3A_1291 : memref<!tpu.dma_semaphore, #tpu.memory_space<semaphore_mem>>) src(%dma_wait3A_1297 : memref<8x1024xf32, #tpu.memory_space<vmem>>) dst(%dma_wait3A_1293 : memref<8x1024xf32, #tpu.memory_space<hbm>>)
    %dma_start3A_1298 = arith.constant 0 : i32
    %dma_start3A_1299 = arith.constant 0 : i32
    %dma_start3A_1300 = arith.constant 0 : i32
    %dma_start3A_1301 = arith.constant 0 : i32
    %dma_start3A_1302 = tpu.memref_slice %arg6[%dma_start3A_1298, %dma_start3A_1300, %dma_start3A_1301] : memref<8x8x1024xf32, #tpu.memory_space<vmem>> -> memref<1x8x1024xf32, #tpu.memory_space<vmem>>
    %dma_start3A_1303 = tpu.memref_squeeze %dma_start3A_1302 : memref<1x8x1024xf32, #tpu.memory_space<vmem>> -> memref<8x1024xf32, #tpu.memory_space<vmem>>
    %dma_start3A_1304 = arith.constant 192 : i32
    %dma_start3A_1305 = tpu.memref_slice %arg5[%dma_start3A_1304] : memref<256xi32, #tpu.memory_space<vmem>> -> memref<8xi32, #tpu.memory_space<vmem>>
    %dma_start3A_1306 = arith.constant 0 : i32
    %dma_start3A_1307 = arith.constant 0 : i32
    %dma_start3A_1308 = tpu.memref_slice %arg3[%dma_start3A_1306, %dma_start3A_1307] : memref<100000x1024xf32, #tpu.memory_space<hbm>> -> memref<100000x1024xf32, #tpu.memory_space<hbm>>
    %dma_start3A_1309 = tpu.memref_slice %arg7[%dma_start3A_1299] : memref<8x!tpu.dma_semaphore, #tpu.memory_space<semaphore_mem>> -> memref<1x!tpu.dma_semaphore, #tpu.memory_space<semaphore_mem>>
    %dma_start3A_1310 = tpu.memref_squeeze %dma_start3A_1309 : memref<1x!tpu.dma_semaphore, #tpu.memory_space<semaphore_mem>> -> memref<!tpu.dma_semaphore, #tpu.memory_space<semaphore_mem>>
    tpu.enqueue_indirect_dma source(%dma_start3A_1308 : memref<100000x1024xf32, #tpu.memory_space<hbm>>) target(%dma_start3A_1303 : memref<8x1024xf32, #tpu.memory_space<vmem>>) offsets(%dma_start3A_1305 : memref<8xi32, #tpu.memory_space<vmem>>) semaphore(%dma_start3A_1310 : memref<!tpu.dma_semaphore, #tpu.memory_space<semaphore_mem>>)
    %dma_wait3A_1311 = arith.constant 7 : i32
    %dma_wait3A_1312 = arith.constant 7 : i32
    %dma_wait3A_1313 = arith.constant 0 : i32
    %dma_wait3A_1314 = arith.constant 0 : i32
    %dma_wait3A_1315 = tpu.memref_slice %arg6[%dma_wait3A_1311, %dma_wait3A_1313, %dma_wait3A_1314] : memref<8x8x1024xf32, #tpu.memory_space<vmem>> -> memref<1x8x1024xf32, #tpu.memory_space<vmem>>
    %dma_wait3A_1316 = tpu.memref_squeeze %dma_wait3A_1315 : memref<1x8x1024xf32, #tpu.memory_space<vmem>> -> memref<8x1024xf32, #tpu.memory_space<vmem>>
    %dma_wait3A_1317 = arith.constant 184 : i32
    %dma_wait3A_1318 = tpu.memref_slice %arg5[%dma_wait3A_1317] : memref<256xi32, #tpu.memory_space<vmem>> -> memref<8xi32, #tpu.memory_space<vmem>>
    %dma_wait3A_1319 = arith.constant 0 : i32
    %dma_wait3A_1320 = arith.constant 0 : i32
    %dma_wait3A_1321 = tpu.memref_slice %arg3[%dma_wait3A_1319, %dma_wait3A_1320] : memref<100000x1024xf32, #tpu.memory_space<hbm>> -> memref<100000x1024xf32, #tpu.memory_space<hbm>>
    %dma_wait3A_1322 = tpu.memref_slice %arg7[%dma_wait3A_1312] : memref<8x!tpu.dma_semaphore, #tpu.memory_space<semaphore_mem>> -> memref<1x!tpu.dma_semaphore, #tpu.memory_space<semaphore_mem>>
    %dma_wait3A_1323 = tpu.memref_squeeze %dma_wait3A_1322 : memref<1x!tpu.dma_semaphore, #tpu.memory_space<semaphore_mem>> -> memref<!tpu.dma_semaphore, #tpu.memory_space<semaphore_mem>>
    tpu.wait_indirect_dma semaphore(%dma_wait3A_1323 : memref<!tpu.dma_semaphore, #tpu.memory_space<semaphore_mem>>) src(%dma_wait3A_1321 : memref<100000x1024xf32, #tpu.memory_space<hbm>>) dst(%dma_wait3A_1316 : memref<8x1024xf32, #tpu.memory_space<vmem>>)
    %add3A_1324 = arith.constant 184 : i32
    %add3A_1325 = arith.addi %mul3A_2, %add3A_1324 : i32
    %dma_start3A_1326 = arith.constant 7 : i32
    %dma_start3A_1327 = arith.constant 7 : i32
    %dma_start3A_1328 = arith.constant 0 : i32
    %dma_start3A_1329 = arith.constant 0 : i32
    %dma_start3A_1330 = tpu.memref_slice %arg6[%dma_start3A_1326, %dma_start3A_1328, %dma_start3A_1329] : memref<8x8x1024xf32, #tpu.memory_space<vmem>> -> memref<1x8x1024xf32, #tpu.memory_space<vmem>>
    %dma_start3A_1331 = tpu.memref_squeeze %dma_start3A_1330 : memref<1x8x1024xf32, #tpu.memory_space<vmem>> -> memref<8x1024xf32, #tpu.memory_space<vmem>>
    %dma_start3A_1332 = arith.constant 0 : i32
    %dma_start3A_1333 = tpu.memref_slice %arg4[%add3A_1325, %dma_start3A_1332] : memref<8192x1024xf32, #tpu.memory_space<hbm>> -> memref<8x1024xf32, #tpu.memory_space<hbm>>
    %dma_start3A_1334 = tpu.memref_slice %arg8[%dma_start3A_1327] : memref<8x!tpu.dma_semaphore, #tpu.memory_space<semaphore_mem>> -> memref<1x!tpu.dma_semaphore, #tpu.memory_space<semaphore_mem>>
    %dma_start3A_1335 = tpu.memref_squeeze %dma_start3A_1334 : memref<1x!tpu.dma_semaphore, #tpu.memory_space<semaphore_mem>> -> memref<!tpu.dma_semaphore, #tpu.memory_space<semaphore_mem>>
    %dma_start3A_1336 = arith.constant 0 : i32
    %dma_start3A_1337 = tpu.memref_slice %arg4[%add3A_1325, %dma_start3A_1336] : memref<8192x1024xf32, #tpu.memory_space<hbm>> -> memref<8x1024xf32, #tpu.memory_space<hbm>>
    %dma_start3A_1338 = arith.constant 0 : i32
    %dma_start3A_1339 = arith.constant 0 : i32
    %dma_start3A_1340 = tpu.memref_slice %arg6[%dma_start3A_1326, %dma_start3A_1338, %dma_start3A_1339] : memref<8x8x1024xf32, #tpu.memory_space<vmem>> -> memref<1x8x1024xf32, #tpu.memory_space<vmem>>
    %dma_start3A_1341 = tpu.memref_squeeze %dma_start3A_1340 : memref<1x8x1024xf32, #tpu.memory_space<vmem>> -> memref<8x1024xf32, #tpu.memory_space<vmem>>
    tpu.enqueue_dma source(%dma_start3A_1341 : memref<8x1024xf32, #tpu.memory_space<vmem>>) target(%dma_start3A_1337 : memref<8x1024xf32, #tpu.memory_space<hbm>>) target_semaphore(%dma_start3A_1335 : memref<!tpu.dma_semaphore, #tpu.memory_space<semaphore_mem>>)
    %dma_wait3A_1342 = arith.constant 1 : i32
    %dma_wait3A_1343 = arith.constant 1 : i32
    %dma_wait3A_1344 = arith.constant 0 : i32
    %dma_wait3A_1345 = arith.constant 0 : i32
    %dma_wait3A_1346 = tpu.memref_slice %arg6[%dma_wait3A_1342, %dma_wait3A_1344, %dma_wait3A_1345] : memref<8x8x1024xf32, #tpu.memory_space<vmem>> -> memref<1x8x1024xf32, #tpu.memory_space<vmem>>
    %dma_wait3A_1347 = tpu.memref_squeeze %dma_wait3A_1346 : memref<1x8x1024xf32, #tpu.memory_space<vmem>> -> memref<8x1024xf32, #tpu.memory_space<vmem>>
    %dma_wait3A_1348 = arith.constant 0 : i32
    %dma_wait3A_1349 = tpu.memref_slice %arg4[%add3A_965, %dma_wait3A_1348] : memref<8192x1024xf32, #tpu.memory_space<hbm>> -> memref<8x1024xf32, #tpu.memory_space<hbm>>
    %dma_wait3A_1350 = tpu.memref_slice %arg8[%dma_wait3A_1343] : memref<8x!tpu.dma_semaphore, #tpu.memory_space<semaphore_mem>> -> memref<1x!tpu.dma_semaphore, #tpu.memory_space<semaphore_mem>>
    %dma_wait3A_1351 = tpu.memref_squeeze %dma_wait3A_1350 : memref<1x!tpu.dma_semaphore, #tpu.memory_space<semaphore_mem>> -> memref<!tpu.dma_semaphore, #tpu.memory_space<semaphore_mem>>
    %dma_wait3A_1352 = arith.constant 0 : i32
    %dma_wait3A_1353 = tpu.memref_slice %arg4[%add3A_965, %dma_wait3A_1352] : memref<8192x1024xf32, #tpu.memory_space<hbm>> -> memref<8x1024xf32, #tpu.memory_space<hbm>>
    %dma_wait3A_1354 = arith.constant 0 : i32
    %dma_wait3A_1355 = arith.constant 0 : i32
    %dma_wait3A_1356 = tpu.memref_slice %arg6[%dma_wait3A_1342, %dma_wait3A_1354, %dma_wait3A_1355] : memref<8x8x1024xf32, #tpu.memory_space<vmem>> -> memref<1x8x1024xf32, #tpu.memory_space<vmem>>
    %dma_wait3A_1357 = tpu.memref_squeeze %dma_wait3A_1356 : memref<1x8x1024xf32, #tpu.memory_space<vmem>> -> memref<8x1024xf32, #tpu.memory_space<vmem>>
    tpu.wait_dma2 semaphore(%dma_wait3A_1351 : memref<!tpu.dma_semaphore, #tpu.memory_space<semaphore_mem>>) src(%dma_wait3A_1357 : memref<8x1024xf32, #tpu.memory_space<vmem>>) dst(%dma_wait3A_1353 : memref<8x1024xf32, #tpu.memory_space<hbm>>)
    %dma_start3A_1358 = arith.constant 1 : i32
    %dma_start3A_1359 = arith.constant 1 : i32
    %dma_start3A_1360 = arith.constant 0 : i32
    %dma_start3A_1361 = arith.constant 0 : i32
    %dma_start3A_1362 = tpu.memref_slice %arg6[%dma_start3A_1358, %dma_start3A_1360, %dma_start3A_1361] : memref<8x8x1024xf32, #tpu.memory_space<vmem>> -> memref<1x8x1024xf32, #tpu.memory_space<vmem>>
    %dma_start3A_1363 = tpu.memref_squeeze %dma_start3A_1362 : memref<1x8x1024xf32, #tpu.memory_space<vmem>> -> memref<8x1024xf32, #tpu.memory_space<vmem>>
    %dma_start3A_1364 = arith.constant 200 : i32
    %dma_start3A_1365 = tpu.memref_slice %arg5[%dma_start3A_1364] : memref<256xi32, #tpu.memory_space<vmem>> -> memref<8xi32, #tpu.memory_space<vmem>>
    %dma_start3A_1366 = arith.constant 0 : i32
    %dma_start3A_1367 = arith.constant 0 : i32
    %dma_start3A_1368 = tpu.memref_slice %arg3[%dma_start3A_1366, %dma_start3A_1367] : memref<100000x1024xf32, #tpu.memory_space<hbm>> -> memref<100000x1024xf32, #tpu.memory_space<hbm>>
    %dma_start3A_1369 = tpu.memref_slice %arg7[%dma_start3A_1359] : memref<8x!tpu.dma_semaphore, #tpu.memory_space<semaphore_mem>> -> memref<1x!tpu.dma_semaphore, #tpu.memory_space<semaphore_mem>>
    %dma_start3A_1370 = tpu.memref_squeeze %dma_start3A_1369 : memref<1x!tpu.dma_semaphore, #tpu.memory_space<semaphore_mem>> -> memref<!tpu.dma_semaphore, #tpu.memory_space<semaphore_mem>>
    tpu.enqueue_indirect_dma source(%dma_start3A_1368 : memref<100000x1024xf32, #tpu.memory_space<hbm>>) target(%dma_start3A_1363 : memref<8x1024xf32, #tpu.memory_space<vmem>>) offsets(%dma_start3A_1365 : memref<8xi32, #tpu.memory_space<vmem>>) semaphore(%dma_start3A_1370 : memref<!tpu.dma_semaphore, #tpu.memory_space<semaphore_mem>>)
    %dma_wait3A_1371 = arith.constant 0 : i32
    %dma_wait3A_1372 = arith.constant 0 : i32
    %dma_wait3A_1373 = arith.constant 0 : i32
    %dma_wait3A_1374 = arith.constant 0 : i32
    %dma_wait3A_1375 = tpu.memref_slice %arg6[%dma_wait3A_1371, %dma_wait3A_1373, %dma_wait3A_1374] : memref<8x8x1024xf32, #tpu.memory_space<vmem>> -> memref<1x8x1024xf32, #tpu.memory_space<vmem>>
    %dma_wait3A_1376 = tpu.memref_squeeze %dma_wait3A_1375 : memref<1x8x1024xf32, #tpu.memory_space<vmem>> -> memref<8x1024xf32, #tpu.memory_space<vmem>>
    %dma_wait3A_1377 = arith.constant 192 : i32
    %dma_wait3A_1378 = tpu.memref_slice %arg5[%dma_wait3A_1377] : memref<256xi32, #tpu.memory_space<vmem>> -> memref<8xi32, #tpu.memory_space<vmem>>
    %dma_wait3A_1379 = arith.constant 0 : i32
    %dma_wait3A_1380 = arith.constant 0 : i32
    %dma_wait3A_1381 = tpu.memref_slice %arg3[%dma_wait3A_1379, %dma_wait3A_1380] : memref<100000x1024xf32, #tpu.memory_space<hbm>> -> memref<100000x1024xf32, #tpu.memory_space<hbm>>
    %dma_wait3A_1382 = tpu.memref_slice %arg7[%dma_wait3A_1372] : memref<8x!tpu.dma_semaphore, #tpu.memory_space<semaphore_mem>> -> memref<1x!tpu.dma_semaphore, #tpu.memory_space<semaphore_mem>>
    %dma_wait3A_1383 = tpu.memref_squeeze %dma_wait3A_1382 : memref<1x!tpu.dma_semaphore, #tpu.memory_space<semaphore_mem>> -> memref<!tpu.dma_semaphore, #tpu.memory_space<semaphore_mem>>
    tpu.wait_indirect_dma semaphore(%dma_wait3A_1383 : memref<!tpu.dma_semaphore, #tpu.memory_space<semaphore_mem>>) src(%dma_wait3A_1381 : memref<100000x1024xf32, #tpu.memory_space<hbm>>) dst(%dma_wait3A_1376 : memref<8x1024xf32, #tpu.memory_space<vmem>>)
    %add3A_1384 = arith.constant 192 : i32
    %add3A_1385 = arith.addi %mul3A_2, %add3A_1384 : i32
    %dma_start3A_1386 = arith.constant 0 : i32
    %dma_start3A_1387 = arith.constant 0 : i32
    %dma_start3A_1388 = arith.constant 0 : i32
    %dma_start3A_1389 = arith.constant 0 : i32
    %dma_start3A_1390 = tpu.memref_slice %arg6[%dma_start3A_1386, %dma_start3A_1388, %dma_start3A_1389] : memref<8x8x1024xf32, #tpu.memory_space<vmem>> -> memref<1x8x1024xf32, #tpu.memory_space<vmem>>
    %dma_start3A_1391 = tpu.memref_squeeze %dma_start3A_1390 : memref<1x8x1024xf32, #tpu.memory_space<vmem>> -> memref<8x1024xf32, #tpu.memory_space<vmem>>
    %dma_start3A_1392 = arith.constant 0 : i32
    %dma_start3A_1393 = tpu.memref_slice %arg4[%add3A_1385, %dma_start3A_1392] : memref<8192x1024xf32, #tpu.memory_space<hbm>> -> memref<8x1024xf32, #tpu.memory_space<hbm>>
    %dma_start3A_1394 = tpu.memref_slice %arg8[%dma_start3A_1387] : memref<8x!tpu.dma_semaphore, #tpu.memory_space<semaphore_mem>> -> memref<1x!tpu.dma_semaphore, #tpu.memory_space<semaphore_mem>>
    %dma_start3A_1395 = tpu.memref_squeeze %dma_start3A_1394 : memref<1x!tpu.dma_semaphore, #tpu.memory_space<semaphore_mem>> -> memref<!tpu.dma_semaphore, #tpu.memory_space<semaphore_mem>>
    %dma_start3A_1396 = arith.constant 0 : i32
    %dma_start3A_1397 = tpu.memref_slice %arg4[%add3A_1385, %dma_start3A_1396] : memref<8192x1024xf32, #tpu.memory_space<hbm>> -> memref<8x1024xf32, #tpu.memory_space<hbm>>
    %dma_start3A_1398 = arith.constant 0 : i32
    %dma_start3A_1399 = arith.constant 0 : i32
    %dma_start3A_1400 = tpu.memref_slice %arg6[%dma_start3A_1386, %dma_start3A_1398, %dma_start3A_1399] : memref<8x8x1024xf32, #tpu.memory_space<vmem>> -> memref<1x8x1024xf32, #tpu.memory_space<vmem>>
    %dma_start3A_1401 = tpu.memref_squeeze %dma_start3A_1400 : memref<1x8x1024xf32, #tpu.memory_space<vmem>> -> memref<8x1024xf32, #tpu.memory_space<vmem>>
    tpu.enqueue_dma source(%dma_start3A_1401 : memref<8x1024xf32, #tpu.memory_space<vmem>>) target(%dma_start3A_1397 : memref<8x1024xf32, #tpu.memory_space<hbm>>) target_semaphore(%dma_start3A_1395 : memref<!tpu.dma_semaphore, #tpu.memory_space<semaphore_mem>>)
    %dma_wait3A_1402 = arith.constant 2 : i32
    %dma_wait3A_1403 = arith.constant 2 : i32
    %dma_wait3A_1404 = arith.constant 0 : i32
    %dma_wait3A_1405 = arith.constant 0 : i32
    %dma_wait3A_1406 = tpu.memref_slice %arg6[%dma_wait3A_1402, %dma_wait3A_1404, %dma_wait3A_1405] : memref<8x8x1024xf32, #tpu.memory_space<vmem>> -> memref<1x8x1024xf32, #tpu.memory_space<vmem>>
    %dma_wait3A_1407 = tpu.memref_squeeze %dma_wait3A_1406 : memref<1x8x1024xf32, #tpu.memory_space<vmem>> -> memref<8x1024xf32, #tpu.memory_space<vmem>>
    %dma_wait3A_1408 = arith.constant 0 : i32
    %dma_wait3A_1409 = tpu.memref_slice %arg4[%add3A_1025, %dma_wait3A_1408] : memref<8192x1024xf32, #tpu.memory_space<hbm>> -> memref<8x1024xf32, #tpu.memory_space<hbm>>
    %dma_wait3A_1410 = tpu.memref_slice %arg8[%dma_wait3A_1403] : memref<8x!tpu.dma_semaphore, #tpu.memory_space<semaphore_mem>> -> memref<1x!tpu.dma_semaphore, #tpu.memory_space<semaphore_mem>>
    %dma_wait3A_1411 = tpu.memref_squeeze %dma_wait3A_1410 : memref<1x!tpu.dma_semaphore, #tpu.memory_space<semaphore_mem>> -> memref<!tpu.dma_semaphore, #tpu.memory_space<semaphore_mem>>
    %dma_wait3A_1412 = arith.constant 0 : i32
    %dma_wait3A_1413 = tpu.memref_slice %arg4[%add3A_1025, %dma_wait3A_1412] : memref<8192x1024xf32, #tpu.memory_space<hbm>> -> memref<8x1024xf32, #tpu.memory_space<hbm>>
    %dma_wait3A_1414 = arith.constant 0 : i32
    %dma_wait3A_1415 = arith.constant 0 : i32
    %dma_wait3A_1416 = tpu.memref_slice %arg6[%dma_wait3A_1402, %dma_wait3A_1414, %dma_wait3A_1415] : memref<8x8x1024xf32, #tpu.memory_space<vmem>> -> memref<1x8x1024xf32, #tpu.memory_space<vmem>>
    %dma_wait3A_1417 = tpu.memref_squeeze %dma_wait3A_1416 : memref<1x8x1024xf32, #tpu.memory_space<vmem>> -> memref<8x1024xf32, #tpu.memory_space<vmem>>
    tpu.wait_dma2 semaphore(%dma_wait3A_1411 : memref<!tpu.dma_semaphore, #tpu.memory_space<semaphore_mem>>) src(%dma_wait3A_1417 : memref<8x1024xf32, #tpu.memory_space<vmem>>) dst(%dma_wait3A_1413 : memref<8x1024xf32, #tpu.memory_space<hbm>>)
    %dma_start3A_1418 = arith.constant 2 : i32
    %dma_start3A_1419 = arith.constant 2 : i32
    %dma_start3A_1420 = arith.constant 0 : i32
    %dma_start3A_1421 = arith.constant 0 : i32
    %dma_start3A_1422 = tpu.memref_slice %arg6[%dma_start3A_1418, %dma_start3A_1420, %dma_start3A_1421] : memref<8x8x1024xf32, #tpu.memory_space<vmem>> -> memref<1x8x1024xf32, #tpu.memory_space<vmem>>
    %dma_start3A_1423 = tpu.memref_squeeze %dma_start3A_1422 : memref<1x8x1024xf32, #tpu.memory_space<vmem>> -> memref<8x1024xf32, #tpu.memory_space<vmem>>
    %dma_start3A_1424 = arith.constant 208 : i32
    %dma_start3A_1425 = tpu.memref_slice %arg5[%dma_start3A_1424] : memref<256xi32, #tpu.memory_space<vmem>> -> memref<8xi32, #tpu.memory_space<vmem>>
    %dma_start3A_1426 = arith.constant 0 : i32
    %dma_start3A_1427 = arith.constant 0 : i32
    %dma_start3A_1428 = tpu.memref_slice %arg3[%dma_start3A_1426, %dma_start3A_1427] : memref<100000x1024xf32, #tpu.memory_space<hbm>> -> memref<100000x1024xf32, #tpu.memory_space<hbm>>
    %dma_start3A_1429 = tpu.memref_slice %arg7[%dma_start3A_1419] : memref<8x!tpu.dma_semaphore, #tpu.memory_space<semaphore_mem>> -> memref<1x!tpu.dma_semaphore, #tpu.memory_space<semaphore_mem>>
    %dma_start3A_1430 = tpu.memref_squeeze %dma_start3A_1429 : memref<1x!tpu.dma_semaphore, #tpu.memory_space<semaphore_mem>> -> memref<!tpu.dma_semaphore, #tpu.memory_space<semaphore_mem>>
    tpu.enqueue_indirect_dma source(%dma_start3A_1428 : memref<100000x1024xf32, #tpu.memory_space<hbm>>) target(%dma_start3A_1423 : memref<8x1024xf32, #tpu.memory_space<vmem>>) offsets(%dma_start3A_1425 : memref<8xi32, #tpu.memory_space<vmem>>) semaphore(%dma_start3A_1430 : memref<!tpu.dma_semaphore, #tpu.memory_space<semaphore_mem>>)
    %dma_wait3A_1431 = arith.constant 1 : i32
    %dma_wait3A_1432 = arith.constant 1 : i32
    %dma_wait3A_1433 = arith.constant 0 : i32
    %dma_wait3A_1434 = arith.constant 0 : i32
    %dma_wait3A_1435 = tpu.memref_slice %arg6[%dma_wait3A_1431, %dma_wait3A_1433, %dma_wait3A_1434] : memref<8x8x1024xf32, #tpu.memory_space<vmem>> -> memref<1x8x1024xf32, #tpu.memory_space<vmem>>
    %dma_wait3A_1436 = tpu.memref_squeeze %dma_wait3A_1435 : memref<1x8x1024xf32, #tpu.memory_space<vmem>> -> memref<8x1024xf32, #tpu.memory_space<vmem>>
    %dma_wait3A_1437 = arith.constant 200 : i32
    %dma_wait3A_1438 = tpu.memref_slice %arg5[%dma_wait3A_1437] : memref<256xi32, #tpu.memory_space<vmem>> -> memref<8xi32, #tpu.memory_space<vmem>>
    %dma_wait3A_1439 = arith.constant 0 : i32
    %dma_wait3A_1440 = arith.constant 0 : i32
    %dma_wait3A_1441 = tpu.memref_slice %arg3[%dma_wait3A_1439, %dma_wait3A_1440] : memref<100000x1024xf32, #tpu.memory_space<hbm>> -> memref<100000x1024xf32, #tpu.memory_space<hbm>>
    %dma_wait3A_1442 = tpu.memref_slice %arg7[%dma_wait3A_1432] : memref<8x!tpu.dma_semaphore, #tpu.memory_space<semaphore_mem>> -> memref<1x!tpu.dma_semaphore, #tpu.memory_space<semaphore_mem>>
    %dma_wait3A_1443 = tpu.memref_squeeze %dma_wait3A_1442 : memref<1x!tpu.dma_semaphore, #tpu.memory_space<semaphore_mem>> -> memref<!tpu.dma_semaphore, #tpu.memory_space<semaphore_mem>>
    tpu.wait_indirect_dma semaphore(%dma_wait3A_1443 : memref<!tpu.dma_semaphore, #tpu.memory_space<semaphore_mem>>) src(%dma_wait3A_1441 : memref<100000x1024xf32, #tpu.memory_space<hbm>>) dst(%dma_wait3A_1436 : memref<8x1024xf32, #tpu.memory_space<vmem>>)
    %add3A_1444 = arith.constant 200 : i32
    %add3A_1445 = arith.addi %mul3A_2, %add3A_1444 : i32
    %dma_start3A_1446 = arith.constant 1 : i32
    %dma_start3A_1447 = arith.constant 1 : i32
    %dma_start3A_1448 = arith.constant 0 : i32
    %dma_start3A_1449 = arith.constant 0 : i32
    %dma_start3A_1450 = tpu.memref_slice %arg6[%dma_start3A_1446, %dma_start3A_1448, %dma_start3A_1449] : memref<8x8x1024xf32, #tpu.memory_space<vmem>> -> memref<1x8x1024xf32, #tpu.memory_space<vmem>>
    %dma_start3A_1451 = tpu.memref_squeeze %dma_start3A_1450 : memref<1x8x1024xf32, #tpu.memory_space<vmem>> -> memref<8x1024xf32, #tpu.memory_space<vmem>>
    %dma_start3A_1452 = arith.constant 0 : i32
    %dma_start3A_1453 = tpu.memref_slice %arg4[%add3A_1445, %dma_start3A_1452] : memref<8192x1024xf32, #tpu.memory_space<hbm>> -> memref<8x1024xf32, #tpu.memory_space<hbm>>
    %dma_start3A_1454 = tpu.memref_slice %arg8[%dma_start3A_1447] : memref<8x!tpu.dma_semaphore, #tpu.memory_space<semaphore_mem>> -> memref<1x!tpu.dma_semaphore, #tpu.memory_space<semaphore_mem>>
    %dma_start3A_1455 = tpu.memref_squeeze %dma_start3A_1454 : memref<1x!tpu.dma_semaphore, #tpu.memory_space<semaphore_mem>> -> memref<!tpu.dma_semaphore, #tpu.memory_space<semaphore_mem>>
    %dma_start3A_1456 = arith.constant 0 : i32
    %dma_start3A_1457 = tpu.memref_slice %arg4[%add3A_1445, %dma_start3A_1456] : memref<8192x1024xf32, #tpu.memory_space<hbm>> -> memref<8x1024xf32, #tpu.memory_space<hbm>>
    %dma_start3A_1458 = arith.constant 0 : i32
    %dma_start3A_1459 = arith.constant 0 : i32
    %dma_start3A_1460 = tpu.memref_slice %arg6[%dma_start3A_1446, %dma_start3A_1458, %dma_start3A_1459] : memref<8x8x1024xf32, #tpu.memory_space<vmem>> -> memref<1x8x1024xf32, #tpu.memory_space<vmem>>
    %dma_start3A_1461 = tpu.memref_squeeze %dma_start3A_1460 : memref<1x8x1024xf32, #tpu.memory_space<vmem>> -> memref<8x1024xf32, #tpu.memory_space<vmem>>
    tpu.enqueue_dma source(%dma_start3A_1461 : memref<8x1024xf32, #tpu.memory_space<vmem>>) target(%dma_start3A_1457 : memref<8x1024xf32, #tpu.memory_space<hbm>>) target_semaphore(%dma_start3A_1455 : memref<!tpu.dma_semaphore, #tpu.memory_space<semaphore_mem>>)
    %dma_wait3A_1462 = arith.constant 3 : i32
    %dma_wait3A_1463 = arith.constant 3 : i32
    %dma_wait3A_1464 = arith.constant 0 : i32
    %dma_wait3A_1465 = arith.constant 0 : i32
    %dma_wait3A_1466 = tpu.memref_slice %arg6[%dma_wait3A_1462, %dma_wait3A_1464, %dma_wait3A_1465] : memref<8x8x1024xf32, #tpu.memory_space<vmem>> -> memref<1x8x1024xf32, #tpu.memory_space<vmem>>
    %dma_wait3A_1467 = tpu.memref_squeeze %dma_wait3A_1466 : memref<1x8x1024xf32, #tpu.memory_space<vmem>> -> memref<8x1024xf32, #tpu.memory_space<vmem>>
    %dma_wait3A_1468 = arith.constant 0 : i32
    %dma_wait3A_1469 = tpu.memref_slice %arg4[%add3A_1085, %dma_wait3A_1468] : memref<8192x1024xf32, #tpu.memory_space<hbm>> -> memref<8x1024xf32, #tpu.memory_space<hbm>>
    %dma_wait3A_1470 = tpu.memref_slice %arg8[%dma_wait3A_1463] : memref<8x!tpu.dma_semaphore, #tpu.memory_space<semaphore_mem>> -> memref<1x!tpu.dma_semaphore, #tpu.memory_space<semaphore_mem>>
    %dma_wait3A_1471 = tpu.memref_squeeze %dma_wait3A_1470 : memref<1x!tpu.dma_semaphore, #tpu.memory_space<semaphore_mem>> -> memref<!tpu.dma_semaphore, #tpu.memory_space<semaphore_mem>>
    %dma_wait3A_1472 = arith.constant 0 : i32
    %dma_wait3A_1473 = tpu.memref_slice %arg4[%add3A_1085, %dma_wait3A_1472] : memref<8192x1024xf32, #tpu.memory_space<hbm>> -> memref<8x1024xf32, #tpu.memory_space<hbm>>
    %dma_wait3A_1474 = arith.constant 0 : i32
    %dma_wait3A_1475 = arith.constant 0 : i32
    %dma_wait3A_1476 = tpu.memref_slice %arg6[%dma_wait3A_1462, %dma_wait3A_1474, %dma_wait3A_1475] : memref<8x8x1024xf32, #tpu.memory_space<vmem>> -> memref<1x8x1024xf32, #tpu.memory_space<vmem>>
    %dma_wait3A_1477 = tpu.memref_squeeze %dma_wait3A_1476 : memref<1x8x1024xf32, #tpu.memory_space<vmem>> -> memref<8x1024xf32, #tpu.memory_space<vmem>>
    tpu.wait_dma2 semaphore(%dma_wait3A_1471 : memref<!tpu.dma_semaphore, #tpu.memory_space<semaphore_mem>>) src(%dma_wait3A_1477 : memref<8x1024xf32, #tpu.memory_space<vmem>>) dst(%dma_wait3A_1473 : memref<8x1024xf32, #tpu.memory_space<hbm>>)
    %dma_start3A_1478 = arith.constant 3 : i32
    %dma_start3A_1479 = arith.constant 3 : i32
    %dma_start3A_1480 = arith.constant 0 : i32
    %dma_start3A_1481 = arith.constant 0 : i32
    %dma_start3A_1482 = tpu.memref_slice %arg6[%dma_start3A_1478, %dma_start3A_1480, %dma_start3A_1481] : memref<8x8x1024xf32, #tpu.memory_space<vmem>> -> memref<1x8x1024xf32, #tpu.memory_space<vmem>>
    %dma_start3A_1483 = tpu.memref_squeeze %dma_start3A_1482 : memref<1x8x1024xf32, #tpu.memory_space<vmem>> -> memref<8x1024xf32, #tpu.memory_space<vmem>>
    %dma_start3A_1484 = arith.constant 216 : i32
    %dma_start3A_1485 = tpu.memref_slice %arg5[%dma_start3A_1484] : memref<256xi32, #tpu.memory_space<vmem>> -> memref<8xi32, #tpu.memory_space<vmem>>
    %dma_start3A_1486 = arith.constant 0 : i32
    %dma_start3A_1487 = arith.constant 0 : i32
    %dma_start3A_1488 = tpu.memref_slice %arg3[%dma_start3A_1486, %dma_start3A_1487] : memref<100000x1024xf32, #tpu.memory_space<hbm>> -> memref<100000x1024xf32, #tpu.memory_space<hbm>>
    %dma_start3A_1489 = tpu.memref_slice %arg7[%dma_start3A_1479] : memref<8x!tpu.dma_semaphore, #tpu.memory_space<semaphore_mem>> -> memref<1x!tpu.dma_semaphore, #tpu.memory_space<semaphore_mem>>
    %dma_start3A_1490 = tpu.memref_squeeze %dma_start3A_1489 : memref<1x!tpu.dma_semaphore, #tpu.memory_space<semaphore_mem>> -> memref<!tpu.dma_semaphore, #tpu.memory_space<semaphore_mem>>
    tpu.enqueue_indirect_dma source(%dma_start3A_1488 : memref<100000x1024xf32, #tpu.memory_space<hbm>>) target(%dma_start3A_1483 : memref<8x1024xf32, #tpu.memory_space<vmem>>) offsets(%dma_start3A_1485 : memref<8xi32, #tpu.memory_space<vmem>>) semaphore(%dma_start3A_1490 : memref<!tpu.dma_semaphore, #tpu.memory_space<semaphore_mem>>)
    %dma_wait3A_1491 = arith.constant 2 : i32
    %dma_wait3A_1492 = arith.constant 2 : i32
    %dma_wait3A_1493 = arith.constant 0 : i32
    %dma_wait3A_1494 = arith.constant 0 : i32
    %dma_wait3A_1495 = tpu.memref_slice %arg6[%dma_wait3A_1491, %dma_wait3A_1493, %dma_wait3A_1494] : memref<8x8x1024xf32, #tpu.memory_space<vmem>> -> memref<1x8x1024xf32, #tpu.memory_space<vmem>>
    %dma_wait3A_1496 = tpu.memref_squeeze %dma_wait3A_1495 : memref<1x8x1024xf32, #tpu.memory_space<vmem>> -> memref<8x1024xf32, #tpu.memory_space<vmem>>
    %dma_wait3A_1497 = arith.constant 208 : i32
    %dma_wait3A_1498 = tpu.memref_slice %arg5[%dma_wait3A_1497] : memref<256xi32, #tpu.memory_space<vmem>> -> memref<8xi32, #tpu.memory_space<vmem>>
    %dma_wait3A_1499 = arith.constant 0 : i32
    %dma_wait3A_1500 = arith.constant 0 : i32
    %dma_wait3A_1501 = tpu.memref_slice %arg3[%dma_wait3A_1499, %dma_wait3A_1500] : memref<100000x1024xf32, #tpu.memory_space<hbm>> -> memref<100000x1024xf32, #tpu.memory_space<hbm>>
    %dma_wait3A_1502 = tpu.memref_slice %arg7[%dma_wait3A_1492] : memref<8x!tpu.dma_semaphore, #tpu.memory_space<semaphore_mem>> -> memref<1x!tpu.dma_semaphore, #tpu.memory_space<semaphore_mem>>
    %dma_wait3A_1503 = tpu.memref_squeeze %dma_wait3A_1502 : memref<1x!tpu.dma_semaphore, #tpu.memory_space<semaphore_mem>> -> memref<!tpu.dma_semaphore, #tpu.memory_space<semaphore_mem>>
    tpu.wait_indirect_dma semaphore(%dma_wait3A_1503 : memref<!tpu.dma_semaphore, #tpu.memory_space<semaphore_mem>>) src(%dma_wait3A_1501 : memref<100000x1024xf32, #tpu.memory_space<hbm>>) dst(%dma_wait3A_1496 : memref<8x1024xf32, #tpu.memory_space<vmem>>)
    %add3A_1504 = arith.constant 208 : i32
    %add3A_1505 = arith.addi %mul3A_2, %add3A_1504 : i32
    %dma_start3A_1506 = arith.constant 2 : i32
    %dma_start3A_1507 = arith.constant 2 : i32
    %dma_start3A_1508 = arith.constant 0 : i32
    %dma_start3A_1509 = arith.constant 0 : i32
    %dma_start3A_1510 = tpu.memref_slice %arg6[%dma_start3A_1506, %dma_start3A_1508, %dma_start3A_1509] : memref<8x8x1024xf32, #tpu.memory_space<vmem>> -> memref<1x8x1024xf32, #tpu.memory_space<vmem>>
    %dma_start3A_1511 = tpu.memref_squeeze %dma_start3A_1510 : memref<1x8x1024xf32, #tpu.memory_space<vmem>> -> memref<8x1024xf32, #tpu.memory_space<vmem>>
    %dma_start3A_1512 = arith.constant 0 : i32
    %dma_start3A_1513 = tpu.memref_slice %arg4[%add3A_1505, %dma_start3A_1512] : memref<8192x1024xf32, #tpu.memory_space<hbm>> -> memref<8x1024xf32, #tpu.memory_space<hbm>>
    %dma_start3A_1514 = tpu.memref_slice %arg8[%dma_start3A_1507] : memref<8x!tpu.dma_semaphore, #tpu.memory_space<semaphore_mem>> -> memref<1x!tpu.dma_semaphore, #tpu.memory_space<semaphore_mem>>
    %dma_start3A_1515 = tpu.memref_squeeze %dma_start3A_1514 : memref<1x!tpu.dma_semaphore, #tpu.memory_space<semaphore_mem>> -> memref<!tpu.dma_semaphore, #tpu.memory_space<semaphore_mem>>
    %dma_start3A_1516 = arith.constant 0 : i32
    %dma_start3A_1517 = tpu.memref_slice %arg4[%add3A_1505, %dma_start3A_1516] : memref<8192x1024xf32, #tpu.memory_space<hbm>> -> memref<8x1024xf32, #tpu.memory_space<hbm>>
    %dma_start3A_1518 = arith.constant 0 : i32
    %dma_start3A_1519 = arith.constant 0 : i32
    %dma_start3A_1520 = tpu.memref_slice %arg6[%dma_start3A_1506, %dma_start3A_1518, %dma_start3A_1519] : memref<8x8x1024xf32, #tpu.memory_space<vmem>> -> memref<1x8x1024xf32, #tpu.memory_space<vmem>>
    %dma_start3A_1521 = tpu.memref_squeeze %dma_start3A_1520 : memref<1x8x1024xf32, #tpu.memory_space<vmem>> -> memref<8x1024xf32, #tpu.memory_space<vmem>>
    tpu.enqueue_dma source(%dma_start3A_1521 : memref<8x1024xf32, #tpu.memory_space<vmem>>) target(%dma_start3A_1517 : memref<8x1024xf32, #tpu.memory_space<hbm>>) target_semaphore(%dma_start3A_1515 : memref<!tpu.dma_semaphore, #tpu.memory_space<semaphore_mem>>)
    %dma_wait3A_1522 = arith.constant 4 : i32
    %dma_wait3A_1523 = arith.constant 4 : i32
    %dma_wait3A_1524 = arith.constant 0 : i32
    %dma_wait3A_1525 = arith.constant 0 : i32
    %dma_wait3A_1526 = tpu.memref_slice %arg6[%dma_wait3A_1522, %dma_wait3A_1524, %dma_wait3A_1525] : memref<8x8x1024xf32, #tpu.memory_space<vmem>> -> memref<1x8x1024xf32, #tpu.memory_space<vmem>>
    %dma_wait3A_1527 = tpu.memref_squeeze %dma_wait3A_1526 : memref<1x8x1024xf32, #tpu.memory_space<vmem>> -> memref<8x1024xf32, #tpu.memory_space<vmem>>
    %dma_wait3A_1528 = arith.constant 0 : i32
    %dma_wait3A_1529 = tpu.memref_slice %arg4[%add3A_1145, %dma_wait3A_1528] : memref<8192x1024xf32, #tpu.memory_space<hbm>> -> memref<8x1024xf32, #tpu.memory_space<hbm>>
    %dma_wait3A_1530 = tpu.memref_slice %arg8[%dma_wait3A_1523] : memref<8x!tpu.dma_semaphore, #tpu.memory_space<semaphore_mem>> -> memref<1x!tpu.dma_semaphore, #tpu.memory_space<semaphore_mem>>
    %dma_wait3A_1531 = tpu.memref_squeeze %dma_wait3A_1530 : memref<1x!tpu.dma_semaphore, #tpu.memory_space<semaphore_mem>> -> memref<!tpu.dma_semaphore, #tpu.memory_space<semaphore_mem>>
    %dma_wait3A_1532 = arith.constant 0 : i32
    %dma_wait3A_1533 = tpu.memref_slice %arg4[%add3A_1145, %dma_wait3A_1532] : memref<8192x1024xf32, #tpu.memory_space<hbm>> -> memref<8x1024xf32, #tpu.memory_space<hbm>>
    %dma_wait3A_1534 = arith.constant 0 : i32
    %dma_wait3A_1535 = arith.constant 0 : i32
    %dma_wait3A_1536 = tpu.memref_slice %arg6[%dma_wait3A_1522, %dma_wait3A_1534, %dma_wait3A_1535] : memref<8x8x1024xf32, #tpu.memory_space<vmem>> -> memref<1x8x1024xf32, #tpu.memory_space<vmem>>
    %dma_wait3A_1537 = tpu.memref_squeeze %dma_wait3A_1536 : memref<1x8x1024xf32, #tpu.memory_space<vmem>> -> memref<8x1024xf32, #tpu.memory_space<vmem>>
    tpu.wait_dma2 semaphore(%dma_wait3A_1531 : memref<!tpu.dma_semaphore, #tpu.memory_space<semaphore_mem>>) src(%dma_wait3A_1537 : memref<8x1024xf32, #tpu.memory_space<vmem>>) dst(%dma_wait3A_1533 : memref<8x1024xf32, #tpu.memory_space<hbm>>)
    %dma_start3A_1538 = arith.constant 4 : i32
    %dma_start3A_1539 = arith.constant 4 : i32
    %dma_start3A_1540 = arith.constant 0 : i32
    %dma_start3A_1541 = arith.constant 0 : i32
    %dma_start3A_1542 = tpu.memref_slice %arg6[%dma_start3A_1538, %dma_start3A_1540, %dma_start3A_1541] : memref<8x8x1024xf32, #tpu.memory_space<vmem>> -> memref<1x8x1024xf32, #tpu.memory_space<vmem>>
    %dma_start3A_1543 = tpu.memref_squeeze %dma_start3A_1542 : memref<1x8x1024xf32, #tpu.memory_space<vmem>> -> memref<8x1024xf32, #tpu.memory_space<vmem>>
    %dma_start3A_1544 = arith.constant 224 : i32
    %dma_start3A_1545 = tpu.memref_slice %arg5[%dma_start3A_1544] : memref<256xi32, #tpu.memory_space<vmem>> -> memref<8xi32, #tpu.memory_space<vmem>>
    %dma_start3A_1546 = arith.constant 0 : i32
    %dma_start3A_1547 = arith.constant 0 : i32
    %dma_start3A_1548 = tpu.memref_slice %arg3[%dma_start3A_1546, %dma_start3A_1547] : memref<100000x1024xf32, #tpu.memory_space<hbm>> -> memref<100000x1024xf32, #tpu.memory_space<hbm>>
    %dma_start3A_1549 = tpu.memref_slice %arg7[%dma_start3A_1539] : memref<8x!tpu.dma_semaphore, #tpu.memory_space<semaphore_mem>> -> memref<1x!tpu.dma_semaphore, #tpu.memory_space<semaphore_mem>>
    %dma_start3A_1550 = tpu.memref_squeeze %dma_start3A_1549 : memref<1x!tpu.dma_semaphore, #tpu.memory_space<semaphore_mem>> -> memref<!tpu.dma_semaphore, #tpu.memory_space<semaphore_mem>>
    tpu.enqueue_indirect_dma source(%dma_start3A_1548 : memref<100000x1024xf32, #tpu.memory_space<hbm>>) target(%dma_start3A_1543 : memref<8x1024xf32, #tpu.memory_space<vmem>>) offsets(%dma_start3A_1545 : memref<8xi32, #tpu.memory_space<vmem>>) semaphore(%dma_start3A_1550 : memref<!tpu.dma_semaphore, #tpu.memory_space<semaphore_mem>>)
    %dma_wait3A_1551 = arith.constant 3 : i32
    %dma_wait3A_1552 = arith.constant 3 : i32
    %dma_wait3A_1553 = arith.constant 0 : i32
    %dma_wait3A_1554 = arith.constant 0 : i32
    %dma_wait3A_1555 = tpu.memref_slice %arg6[%dma_wait3A_1551, %dma_wait3A_1553, %dma_wait3A_1554] : memref<8x8x1024xf32, #tpu.memory_space<vmem>> -> memref<1x8x1024xf32, #tpu.memory_space<vmem>>
    %dma_wait3A_1556 = tpu.memref_squeeze %dma_wait3A_1555 : memref<1x8x1024xf32, #tpu.memory_space<vmem>> -> memref<8x1024xf32, #tpu.memory_space<vmem>>
    %dma_wait3A_1557 = arith.constant 216 : i32
    %dma_wait3A_1558 = tpu.memref_slice %arg5[%dma_wait3A_1557] : memref<256xi32, #tpu.memory_space<vmem>> -> memref<8xi32, #tpu.memory_space<vmem>>
    %dma_wait3A_1559 = arith.constant 0 : i32
    %dma_wait3A_1560 = arith.constant 0 : i32
    %dma_wait3A_1561 = tpu.memref_slice %arg3[%dma_wait3A_1559, %dma_wait3A_1560] : memref<100000x1024xf32, #tpu.memory_space<hbm>> -> memref<100000x1024xf32, #tpu.memory_space<hbm>>
    %dma_wait3A_1562 = tpu.memref_slice %arg7[%dma_wait3A_1552] : memref<8x!tpu.dma_semaphore, #tpu.memory_space<semaphore_mem>> -> memref<1x!tpu.dma_semaphore, #tpu.memory_space<semaphore_mem>>
    %dma_wait3A_1563 = tpu.memref_squeeze %dma_wait3A_1562 : memref<1x!tpu.dma_semaphore, #tpu.memory_space<semaphore_mem>> -> memref<!tpu.dma_semaphore, #tpu.memory_space<semaphore_mem>>
    tpu.wait_indirect_dma semaphore(%dma_wait3A_1563 : memref<!tpu.dma_semaphore, #tpu.memory_space<semaphore_mem>>) src(%dma_wait3A_1561 : memref<100000x1024xf32, #tpu.memory_space<hbm>>) dst(%dma_wait3A_1556 : memref<8x1024xf32, #tpu.memory_space<vmem>>)
    %add3A_1564 = arith.constant 216 : i32
    %add3A_1565 = arith.addi %mul3A_2, %add3A_1564 : i32
    %dma_start3A_1566 = arith.constant 3 : i32
    %dma_start3A_1567 = arith.constant 3 : i32
    %dma_start3A_1568 = arith.constant 0 : i32
    %dma_start3A_1569 = arith.constant 0 : i32
    %dma_start3A_1570 = tpu.memref_slice %arg6[%dma_start3A_1566, %dma_start3A_1568, %dma_start3A_1569] : memref<8x8x1024xf32, #tpu.memory_space<vmem>> -> memref<1x8x1024xf32, #tpu.memory_space<vmem>>
    %dma_start3A_1571 = tpu.memref_squeeze %dma_start3A_1570 : memref<1x8x1024xf32, #tpu.memory_space<vmem>> -> memref<8x1024xf32, #tpu.memory_space<vmem>>
    %dma_start3A_1572 = arith.constant 0 : i32
    %dma_start3A_1573 = tpu.memref_slice %arg4[%add3A_1565, %dma_start3A_1572] : memref<8192x1024xf32, #tpu.memory_space<hbm>> -> memref<8x1024xf32, #tpu.memory_space<hbm>>
    %dma_start3A_1574 = tpu.memref_slice %arg8[%dma_start3A_1567] : memref<8x!tpu.dma_semaphore, #tpu.memory_space<semaphore_mem>> -> memref<1x!tpu.dma_semaphore, #tpu.memory_space<semaphore_mem>>
    %dma_start3A_1575 = tpu.memref_squeeze %dma_start3A_1574 : memref<1x!tpu.dma_semaphore, #tpu.memory_space<semaphore_mem>> -> memref<!tpu.dma_semaphore, #tpu.memory_space<semaphore_mem>>
    %dma_start3A_1576 = arith.constant 0 : i32
    %dma_start3A_1577 = tpu.memref_slice %arg4[%add3A_1565, %dma_start3A_1576] : memref<8192x1024xf32, #tpu.memory_space<hbm>> -> memref<8x1024xf32, #tpu.memory_space<hbm>>
    %dma_start3A_1578 = arith.constant 0 : i32
    %dma_start3A_1579 = arith.constant 0 : i32
    %dma_start3A_1580 = tpu.memref_slice %arg6[%dma_start3A_1566, %dma_start3A_1578, %dma_start3A_1579] : memref<8x8x1024xf32, #tpu.memory_space<vmem>> -> memref<1x8x1024xf32, #tpu.memory_space<vmem>>
    %dma_start3A_1581 = tpu.memref_squeeze %dma_start3A_1580 : memref<1x8x1024xf32, #tpu.memory_space<vmem>> -> memref<8x1024xf32, #tpu.memory_space<vmem>>
    tpu.enqueue_dma source(%dma_start3A_1581 : memref<8x1024xf32, #tpu.memory_space<vmem>>) target(%dma_start3A_1577 : memref<8x1024xf32, #tpu.memory_space<hbm>>) target_semaphore(%dma_start3A_1575 : memref<!tpu.dma_semaphore, #tpu.memory_space<semaphore_mem>>)
    %dma_wait3A_1582 = arith.constant 5 : i32
    %dma_wait3A_1583 = arith.constant 5 : i32
    %dma_wait3A_1584 = arith.constant 0 : i32
    %dma_wait3A_1585 = arith.constant 0 : i32
    %dma_wait3A_1586 = tpu.memref_slice %arg6[%dma_wait3A_1582, %dma_wait3A_1584, %dma_wait3A_1585] : memref<8x8x1024xf32, #tpu.memory_space<vmem>> -> memref<1x8x1024xf32, #tpu.memory_space<vmem>>
    %dma_wait3A_1587 = tpu.memref_squeeze %dma_wait3A_1586 : memref<1x8x1024xf32, #tpu.memory_space<vmem>> -> memref<8x1024xf32, #tpu.memory_space<vmem>>
    %dma_wait3A_1588 = arith.constant 0 : i32
    %dma_wait3A_1589 = tpu.memref_slice %arg4[%add3A_1205, %dma_wait3A_1588] : memref<8192x1024xf32, #tpu.memory_space<hbm>> -> memref<8x1024xf32, #tpu.memory_space<hbm>>
    %dma_wait3A_1590 = tpu.memref_slice %arg8[%dma_wait3A_1583] : memref<8x!tpu.dma_semaphore, #tpu.memory_space<semaphore_mem>> -> memref<1x!tpu.dma_semaphore, #tpu.memory_space<semaphore_mem>>
    %dma_wait3A_1591 = tpu.memref_squeeze %dma_wait3A_1590 : memref<1x!tpu.dma_semaphore, #tpu.memory_space<semaphore_mem>> -> memref<!tpu.dma_semaphore, #tpu.memory_space<semaphore_mem>>
    %dma_wait3A_1592 = arith.constant 0 : i32
    %dma_wait3A_1593 = tpu.memref_slice %arg4[%add3A_1205, %dma_wait3A_1592] : memref<8192x1024xf32, #tpu.memory_space<hbm>> -> memref<8x1024xf32, #tpu.memory_space<hbm>>
    %dma_wait3A_1594 = arith.constant 0 : i32
    %dma_wait3A_1595 = arith.constant 0 : i32
    %dma_wait3A_1596 = tpu.memref_slice %arg6[%dma_wait3A_1582, %dma_wait3A_1594, %dma_wait3A_1595] : memref<8x8x1024xf32, #tpu.memory_space<vmem>> -> memref<1x8x1024xf32, #tpu.memory_space<vmem>>
    %dma_wait3A_1597 = tpu.memref_squeeze %dma_wait3A_1596 : memref<1x8x1024xf32, #tpu.memory_space<vmem>> -> memref<8x1024xf32, #tpu.memory_space<vmem>>
    tpu.wait_dma2 semaphore(%dma_wait3A_1591 : memref<!tpu.dma_semaphore, #tpu.memory_space<semaphore_mem>>) src(%dma_wait3A_1597 : memref<8x1024xf32, #tpu.memory_space<vmem>>) dst(%dma_wait3A_1593 : memref<8x1024xf32, #tpu.memory_space<hbm>>)
    %dma_start3A_1598 = arith.constant 5 : i32
    %dma_start3A_1599 = arith.constant 5 : i32
    %dma_start3A_1600 = arith.constant 0 : i32
    %dma_start3A_1601 = arith.constant 0 : i32
    %dma_start3A_1602 = tpu.memref_slice %arg6[%dma_start3A_1598, %dma_start3A_1600, %dma_start3A_1601] : memref<8x8x1024xf32, #tpu.memory_space<vmem>> -> memref<1x8x1024xf32, #tpu.memory_space<vmem>>
    %dma_start3A_1603 = tpu.memref_squeeze %dma_start3A_1602 : memref<1x8x1024xf32, #tpu.memory_space<vmem>> -> memref<8x1024xf32, #tpu.memory_space<vmem>>
    %dma_start3A_1604 = arith.constant 232 : i32
    %dma_start3A_1605 = tpu.memref_slice %arg5[%dma_start3A_1604] : memref<256xi32, #tpu.memory_space<vmem>> -> memref<8xi32, #tpu.memory_space<vmem>>
    %dma_start3A_1606 = arith.constant 0 : i32
    %dma_start3A_1607 = arith.constant 0 : i32
    %dma_start3A_1608 = tpu.memref_slice %arg3[%dma_start3A_1606, %dma_start3A_1607] : memref<100000x1024xf32, #tpu.memory_space<hbm>> -> memref<100000x1024xf32, #tpu.memory_space<hbm>>
    %dma_start3A_1609 = tpu.memref_slice %arg7[%dma_start3A_1599] : memref<8x!tpu.dma_semaphore, #tpu.memory_space<semaphore_mem>> -> memref<1x!tpu.dma_semaphore, #tpu.memory_space<semaphore_mem>>
    %dma_start3A_1610 = tpu.memref_squeeze %dma_start3A_1609 : memref<1x!tpu.dma_semaphore, #tpu.memory_space<semaphore_mem>> -> memref<!tpu.dma_semaphore, #tpu.memory_space<semaphore_mem>>
    tpu.enqueue_indirect_dma source(%dma_start3A_1608 : memref<100000x1024xf32, #tpu.memory_space<hbm>>) target(%dma_start3A_1603 : memref<8x1024xf32, #tpu.memory_space<vmem>>) offsets(%dma_start3A_1605 : memref<8xi32, #tpu.memory_space<vmem>>) semaphore(%dma_start3A_1610 : memref<!tpu.dma_semaphore, #tpu.memory_space<semaphore_mem>>)
    %dma_wait3A_1611 = arith.constant 4 : i32
    %dma_wait3A_1612 = arith.constant 4 : i32
    %dma_wait3A_1613 = arith.constant 0 : i32
    %dma_wait3A_1614 = arith.constant 0 : i32
    %dma_wait3A_1615 = tpu.memref_slice %arg6[%dma_wait3A_1611, %dma_wait3A_1613, %dma_wait3A_1614] : memref<8x8x1024xf32, #tpu.memory_space<vmem>> -> memref<1x8x1024xf32, #tpu.memory_space<vmem>>
    %dma_wait3A_1616 = tpu.memref_squeeze %dma_wait3A_1615 : memref<1x8x1024xf32, #tpu.memory_space<vmem>> -> memref<8x1024xf32, #tpu.memory_space<vmem>>
    %dma_wait3A_1617 = arith.constant 224 : i32
    %dma_wait3A_1618 = tpu.memref_slice %arg5[%dma_wait3A_1617] : memref<256xi32, #tpu.memory_space<vmem>> -> memref<8xi32, #tpu.memory_space<vmem>>
    %dma_wait3A_1619 = arith.constant 0 : i32
    %dma_wait3A_1620 = arith.constant 0 : i32
    %dma_wait3A_1621 = tpu.memref_slice %arg3[%dma_wait3A_1619, %dma_wait3A_1620] : memref<100000x1024xf32, #tpu.memory_space<hbm>> -> memref<100000x1024xf32, #tpu.memory_space<hbm>>
    %dma_wait3A_1622 = tpu.memref_slice %arg7[%dma_wait3A_1612] : memref<8x!tpu.dma_semaphore, #tpu.memory_space<semaphore_mem>> -> memref<1x!tpu.dma_semaphore, #tpu.memory_space<semaphore_mem>>
    %dma_wait3A_1623 = tpu.memref_squeeze %dma_wait3A_1622 : memref<1x!tpu.dma_semaphore, #tpu.memory_space<semaphore_mem>> -> memref<!tpu.dma_semaphore, #tpu.memory_space<semaphore_mem>>
    tpu.wait_indirect_dma semaphore(%dma_wait3A_1623 : memref<!tpu.dma_semaphore, #tpu.memory_space<semaphore_mem>>) src(%dma_wait3A_1621 : memref<100000x1024xf32, #tpu.memory_space<hbm>>) dst(%dma_wait3A_1616 : memref<8x1024xf32, #tpu.memory_space<vmem>>)
    %add3A_1624 = arith.constant 224 : i32
    %add3A_1625 = arith.addi %mul3A_2, %add3A_1624 : i32
    %dma_start3A_1626 = arith.constant 4 : i32
    %dma_start3A_1627 = arith.constant 4 : i32
    %dma_start3A_1628 = arith.constant 0 : i32
    %dma_start3A_1629 = arith.constant 0 : i32
    %dma_start3A_1630 = tpu.memref_slice %arg6[%dma_start3A_1626, %dma_start3A_1628, %dma_start3A_1629] : memref<8x8x1024xf32, #tpu.memory_space<vmem>> -> memref<1x8x1024xf32, #tpu.memory_space<vmem>>
    %dma_start3A_1631 = tpu.memref_squeeze %dma_start3A_1630 : memref<1x8x1024xf32, #tpu.memory_space<vmem>> -> memref<8x1024xf32, #tpu.memory_space<vmem>>
    %dma_start3A_1632 = arith.constant 0 : i32
    %dma_start3A_1633 = tpu.memref_slice %arg4[%add3A_1625, %dma_start3A_1632] : memref<8192x1024xf32, #tpu.memory_space<hbm>> -> memref<8x1024xf32, #tpu.memory_space<hbm>>
    %dma_start3A_1634 = tpu.memref_slice %arg8[%dma_start3A_1627] : memref<8x!tpu.dma_semaphore, #tpu.memory_space<semaphore_mem>> -> memref<1x!tpu.dma_semaphore, #tpu.memory_space<semaphore_mem>>
    %dma_start3A_1635 = tpu.memref_squeeze %dma_start3A_1634 : memref<1x!tpu.dma_semaphore, #tpu.memory_space<semaphore_mem>> -> memref<!tpu.dma_semaphore, #tpu.memory_space<semaphore_mem>>
    %dma_start3A_1636 = arith.constant 0 : i32
    %dma_start3A_1637 = tpu.memref_slice %arg4[%add3A_1625, %dma_start3A_1636] : memref<8192x1024xf32, #tpu.memory_space<hbm>> -> memref<8x1024xf32, #tpu.memory_space<hbm>>
    %dma_start3A_1638 = arith.constant 0 : i32
    %dma_start3A_1639 = arith.constant 0 : i32
    %dma_start3A_1640 = tpu.memref_slice %arg6[%dma_start3A_1626, %dma_start3A_1638, %dma_start3A_1639] : memref<8x8x1024xf32, #tpu.memory_space<vmem>> -> memref<1x8x1024xf32, #tpu.memory_space<vmem>>
    %dma_start3A_1641 = tpu.memref_squeeze %dma_start3A_1640 : memref<1x8x1024xf32, #tpu.memory_space<vmem>> -> memref<8x1024xf32, #tpu.memory_space<vmem>>
    tpu.enqueue_dma source(%dma_start3A_1641 : memref<8x1024xf32, #tpu.memory_space<vmem>>) target(%dma_start3A_1637 : memref<8x1024xf32, #tpu.memory_space<hbm>>) target_semaphore(%dma_start3A_1635 : memref<!tpu.dma_semaphore, #tpu.memory_space<semaphore_mem>>)
    %dma_wait3A_1642 = arith.constant 6 : i32
    %dma_wait3A_1643 = arith.constant 6 : i32
    %dma_wait3A_1644 = arith.constant 0 : i32
    %dma_wait3A_1645 = arith.constant 0 : i32
    %dma_wait3A_1646 = tpu.memref_slice %arg6[%dma_wait3A_1642, %dma_wait3A_1644, %dma_wait3A_1645] : memref<8x8x1024xf32, #tpu.memory_space<vmem>> -> memref<1x8x1024xf32, #tpu.memory_space<vmem>>
    %dma_wait3A_1647 = tpu.memref_squeeze %dma_wait3A_1646 : memref<1x8x1024xf32, #tpu.memory_space<vmem>> -> memref<8x1024xf32, #tpu.memory_space<vmem>>
    %dma_wait3A_1648 = arith.constant 0 : i32
    %dma_wait3A_1649 = tpu.memref_slice %arg4[%add3A_1265, %dma_wait3A_1648] : memref<8192x1024xf32, #tpu.memory_space<hbm>> -> memref<8x1024xf32, #tpu.memory_space<hbm>>
    %dma_wait3A_1650 = tpu.memref_slice %arg8[%dma_wait3A_1643] : memref<8x!tpu.dma_semaphore, #tpu.memory_space<semaphore_mem>> -> memref<1x!tpu.dma_semaphore, #tpu.memory_space<semaphore_mem>>
    %dma_wait3A_1651 = tpu.memref_squeeze %dma_wait3A_1650 : memref<1x!tpu.dma_semaphore, #tpu.memory_space<semaphore_mem>> -> memref<!tpu.dma_semaphore, #tpu.memory_space<semaphore_mem>>
    %dma_wait3A_1652 = arith.constant 0 : i32
    %dma_wait3A_1653 = tpu.memref_slice %arg4[%add3A_1265, %dma_wait3A_1652] : memref<8192x1024xf32, #tpu.memory_space<hbm>> -> memref<8x1024xf32, #tpu.memory_space<hbm>>
    %dma_wait3A_1654 = arith.constant 0 : i32
    %dma_wait3A_1655 = arith.constant 0 : i32
    %dma_wait3A_1656 = tpu.memref_slice %arg6[%dma_wait3A_1642, %dma_wait3A_1654, %dma_wait3A_1655] : memref<8x8x1024xf32, #tpu.memory_space<vmem>> -> memref<1x8x1024xf32, #tpu.memory_space<vmem>>
    %dma_wait3A_1657 = tpu.memref_squeeze %dma_wait3A_1656 : memref<1x8x1024xf32, #tpu.memory_space<vmem>> -> memref<8x1024xf32, #tpu.memory_space<vmem>>
    tpu.wait_dma2 semaphore(%dma_wait3A_1651 : memref<!tpu.dma_semaphore, #tpu.memory_space<semaphore_mem>>) src(%dma_wait3A_1657 : memref<8x1024xf32, #tpu.memory_space<vmem>>) dst(%dma_wait3A_1653 : memref<8x1024xf32, #tpu.memory_space<hbm>>)
    %dma_start3A_1658 = arith.constant 6 : i32
    %dma_start3A_1659 = arith.constant 6 : i32
    %dma_start3A_1660 = arith.constant 0 : i32
    %dma_start3A_1661 = arith.constant 0 : i32
    %dma_start3A_1662 = tpu.memref_slice %arg6[%dma_start3A_1658, %dma_start3A_1660, %dma_start3A_1661] : memref<8x8x1024xf32, #tpu.memory_space<vmem>> -> memref<1x8x1024xf32, #tpu.memory_space<vmem>>
    %dma_start3A_1663 = tpu.memref_squeeze %dma_start3A_1662 : memref<1x8x1024xf32, #tpu.memory_space<vmem>> -> memref<8x1024xf32, #tpu.memory_space<vmem>>
    %dma_start3A_1664 = arith.constant 240 : i32
    %dma_start3A_1665 = tpu.memref_slice %arg5[%dma_start3A_1664] : memref<256xi32, #tpu.memory_space<vmem>> -> memref<8xi32, #tpu.memory_space<vmem>>
    %dma_start3A_1666 = arith.constant 0 : i32
    %dma_start3A_1667 = arith.constant 0 : i32
    %dma_start3A_1668 = tpu.memref_slice %arg3[%dma_start3A_1666, %dma_start3A_1667] : memref<100000x1024xf32, #tpu.memory_space<hbm>> -> memref<100000x1024xf32, #tpu.memory_space<hbm>>
    %dma_start3A_1669 = tpu.memref_slice %arg7[%dma_start3A_1659] : memref<8x!tpu.dma_semaphore, #tpu.memory_space<semaphore_mem>> -> memref<1x!tpu.dma_semaphore, #tpu.memory_space<semaphore_mem>>
    %dma_start3A_1670 = tpu.memref_squeeze %dma_start3A_1669 : memref<1x!tpu.dma_semaphore, #tpu.memory_space<semaphore_mem>> -> memref<!tpu.dma_semaphore, #tpu.memory_space<semaphore_mem>>
    tpu.enqueue_indirect_dma source(%dma_start3A_1668 : memref<100000x1024xf32, #tpu.memory_space<hbm>>) target(%dma_start3A_1663 : memref<8x1024xf32, #tpu.memory_space<vmem>>) offsets(%dma_start3A_1665 : memref<8xi32, #tpu.memory_space<vmem>>) semaphore(%dma_start3A_1670 : memref<!tpu.dma_semaphore, #tpu.memory_space<semaphore_mem>>)
    %dma_wait3A_1671 = arith.constant 5 : i32
    %dma_wait3A_1672 = arith.constant 5 : i32
    %dma_wait3A_1673 = arith.constant 0 : i32
    %dma_wait3A_1674 = arith.constant 0 : i32
    %dma_wait3A_1675 = tpu.memref_slice %arg6[%dma_wait3A_1671, %dma_wait3A_1673, %dma_wait3A_1674] : memref<8x8x1024xf32, #tpu.memory_space<vmem>> -> memref<1x8x1024xf32, #tpu.memory_space<vmem>>
    %dma_wait3A_1676 = tpu.memref_squeeze %dma_wait3A_1675 : memref<1x8x1024xf32, #tpu.memory_space<vmem>> -> memref<8x1024xf32, #tpu.memory_space<vmem>>
    %dma_wait3A_1677 = arith.constant 232 : i32
    %dma_wait3A_1678 = tpu.memref_slice %arg5[%dma_wait3A_1677] : memref<256xi32, #tpu.memory_space<vmem>> -> memref<8xi32, #tpu.memory_space<vmem>>
    %dma_wait3A_1679 = arith.constant 0 : i32
    %dma_wait3A_1680 = arith.constant 0 : i32
    %dma_wait3A_1681 = tpu.memref_slice %arg3[%dma_wait3A_1679, %dma_wait3A_1680] : memref<100000x1024xf32, #tpu.memory_space<hbm>> -> memref<100000x1024xf32, #tpu.memory_space<hbm>>
    %dma_wait3A_1682 = tpu.memref_slice %arg7[%dma_wait3A_1672] : memref<8x!tpu.dma_semaphore, #tpu.memory_space<semaphore_mem>> -> memref<1x!tpu.dma_semaphore, #tpu.memory_space<semaphore_mem>>
    %dma_wait3A_1683 = tpu.memref_squeeze %dma_wait3A_1682 : memref<1x!tpu.dma_semaphore, #tpu.memory_space<semaphore_mem>> -> memref<!tpu.dma_semaphore, #tpu.memory_space<semaphore_mem>>
    tpu.wait_indirect_dma semaphore(%dma_wait3A_1683 : memref<!tpu.dma_semaphore, #tpu.memory_space<semaphore_mem>>) src(%dma_wait3A_1681 : memref<100000x1024xf32, #tpu.memory_space<hbm>>) dst(%dma_wait3A_1676 : memref<8x1024xf32, #tpu.memory_space<vmem>>)
    %add3A_1684 = arith.constant 232 : i32
    %add3A_1685 = arith.addi %mul3A_2, %add3A_1684 : i32
    %dma_start3A_1686 = arith.constant 5 : i32
    %dma_start3A_1687 = arith.constant 5 : i32
    %dma_start3A_1688 = arith.constant 0 : i32
    %dma_start3A_1689 = arith.constant 0 : i32
    %dma_start3A_1690 = tpu.memref_slice %arg6[%dma_start3A_1686, %dma_start3A_1688, %dma_start3A_1689] : memref<8x8x1024xf32, #tpu.memory_space<vmem>> -> memref<1x8x1024xf32, #tpu.memory_space<vmem>>
    %dma_start3A_1691 = tpu.memref_squeeze %dma_start3A_1690 : memref<1x8x1024xf32, #tpu.memory_space<vmem>> -> memref<8x1024xf32, #tpu.memory_space<vmem>>
    %dma_start3A_1692 = arith.constant 0 : i32
    %dma_start3A_1693 = tpu.memref_slice %arg4[%add3A_1685, %dma_start3A_1692] : memref<8192x1024xf32, #tpu.memory_space<hbm>> -> memref<8x1024xf32, #tpu.memory_space<hbm>>
    %dma_start3A_1694 = tpu.memref_slice %arg8[%dma_start3A_1687] : memref<8x!tpu.dma_semaphore, #tpu.memory_space<semaphore_mem>> -> memref<1x!tpu.dma_semaphore, #tpu.memory_space<semaphore_mem>>
    %dma_start3A_1695 = tpu.memref_squeeze %dma_start3A_1694 : memref<1x!tpu.dma_semaphore, #tpu.memory_space<semaphore_mem>> -> memref<!tpu.dma_semaphore, #tpu.memory_space<semaphore_mem>>
    %dma_start3A_1696 = arith.constant 0 : i32
    %dma_start3A_1697 = tpu.memref_slice %arg4[%add3A_1685, %dma_start3A_1696] : memref<8192x1024xf32, #tpu.memory_space<hbm>> -> memref<8x1024xf32, #tpu.memory_space<hbm>>
    %dma_start3A_1698 = arith.constant 0 : i32
    %dma_start3A_1699 = arith.constant 0 : i32
    %dma_start3A_1700 = tpu.memref_slice %arg6[%dma_start3A_1686, %dma_start3A_1698, %dma_start3A_1699] : memref<8x8x1024xf32, #tpu.memory_space<vmem>> -> memref<1x8x1024xf32, #tpu.memory_space<vmem>>
    %dma_start3A_1701 = tpu.memref_squeeze %dma_start3A_1700 : memref<1x8x1024xf32, #tpu.memory_space<vmem>> -> memref<8x1024xf32, #tpu.memory_space<vmem>>
    tpu.enqueue_dma source(%dma_start3A_1701 : memref<8x1024xf32, #tpu.memory_space<vmem>>) target(%dma_start3A_1697 : memref<8x1024xf32, #tpu.memory_space<hbm>>) target_semaphore(%dma_start3A_1695 : memref<!tpu.dma_semaphore, #tpu.memory_space<semaphore_mem>>)
    %dma_wait3A_1702 = arith.constant 7 : i32
    %dma_wait3A_1703 = arith.constant 7 : i32
    %dma_wait3A_1704 = arith.constant 0 : i32
    %dma_wait3A_1705 = arith.constant 0 : i32
    %dma_wait3A_1706 = tpu.memref_slice %arg6[%dma_wait3A_1702, %dma_wait3A_1704, %dma_wait3A_1705] : memref<8x8x1024xf32, #tpu.memory_space<vmem>> -> memref<1x8x1024xf32, #tpu.memory_space<vmem>>
    %dma_wait3A_1707 = tpu.memref_squeeze %dma_wait3A_1706 : memref<1x8x1024xf32, #tpu.memory_space<vmem>> -> memref<8x1024xf32, #tpu.memory_space<vmem>>
    %dma_wait3A_1708 = arith.constant 0 : i32
    %dma_wait3A_1709 = tpu.memref_slice %arg4[%add3A_1325, %dma_wait3A_1708] : memref<8192x1024xf32, #tpu.memory_space<hbm>> -> memref<8x1024xf32, #tpu.memory_space<hbm>>
    %dma_wait3A_1710 = tpu.memref_slice %arg8[%dma_wait3A_1703] : memref<8x!tpu.dma_semaphore, #tpu.memory_space<semaphore_mem>> -> memref<1x!tpu.dma_semaphore, #tpu.memory_space<semaphore_mem>>
    %dma_wait3A_1711 = tpu.memref_squeeze %dma_wait3A_1710 : memref<1x!tpu.dma_semaphore, #tpu.memory_space<semaphore_mem>> -> memref<!tpu.dma_semaphore, #tpu.memory_space<semaphore_mem>>
    %dma_wait3A_1712 = arith.constant 0 : i32
    %dma_wait3A_1713 = tpu.memref_slice %arg4[%add3A_1325, %dma_wait3A_1712] : memref<8192x1024xf32, #tpu.memory_space<hbm>> -> memref<8x1024xf32, #tpu.memory_space<hbm>>
    %dma_wait3A_1714 = arith.constant 0 : i32
    %dma_wait3A_1715 = arith.constant 0 : i32
    %dma_wait3A_1716 = tpu.memref_slice %arg6[%dma_wait3A_1702, %dma_wait3A_1714, %dma_wait3A_1715] : memref<8x8x1024xf32, #tpu.memory_space<vmem>> -> memref<1x8x1024xf32, #tpu.memory_space<vmem>>
    %dma_wait3A_1717 = tpu.memref_squeeze %dma_wait3A_1716 : memref<1x8x1024xf32, #tpu.memory_space<vmem>> -> memref<8x1024xf32, #tpu.memory_space<vmem>>
    tpu.wait_dma2 semaphore(%dma_wait3A_1711 : memref<!tpu.dma_semaphore, #tpu.memory_space<semaphore_mem>>) src(%dma_wait3A_1717 : memref<8x1024xf32, #tpu.memory_space<vmem>>) dst(%dma_wait3A_1713 : memref<8x1024xf32, #tpu.memory_space<hbm>>)
    %dma_start3A_1718 = arith.constant 7 : i32
    %dma_start3A_1719 = arith.constant 7 : i32
    %dma_start3A_1720 = arith.constant 0 : i32
    %dma_start3A_1721 = arith.constant 0 : i32
    %dma_start3A_1722 = tpu.memref_slice %arg6[%dma_start3A_1718, %dma_start3A_1720, %dma_start3A_1721] : memref<8x8x1024xf32, #tpu.memory_space<vmem>> -> memref<1x8x1024xf32, #tpu.memory_space<vmem>>
    %dma_start3A_1723 = tpu.memref_squeeze %dma_start3A_1722 : memref<1x8x1024xf32, #tpu.memory_space<vmem>> -> memref<8x1024xf32, #tpu.memory_space<vmem>>
    %dma_start3A_1724 = arith.constant 248 : i32
    %dma_start3A_1725 = tpu.memref_slice %arg5[%dma_start3A_1724] : memref<256xi32, #tpu.memory_space<vmem>> -> memref<8xi32, #tpu.memory_space<vmem>>
    %dma_start3A_1726 = arith.constant 0 : i32
    %dma_start3A_1727 = arith.constant 0 : i32
    %dma_start3A_1728 = tpu.memref_slice %arg3[%dma_start3A_1726, %dma_start3A_1727] : memref<100000x1024xf32, #tpu.memory_space<hbm>> -> memref<100000x1024xf32, #tpu.memory_space<hbm>>
    %dma_start3A_1729 = tpu.memref_slice %arg7[%dma_start3A_1719] : memref<8x!tpu.dma_semaphore, #tpu.memory_space<semaphore_mem>> -> memref<1x!tpu.dma_semaphore, #tpu.memory_space<semaphore_mem>>
    %dma_start3A_1730 = tpu.memref_squeeze %dma_start3A_1729 : memref<1x!tpu.dma_semaphore, #tpu.memory_space<semaphore_mem>> -> memref<!tpu.dma_semaphore, #tpu.memory_space<semaphore_mem>>
    tpu.enqueue_indirect_dma source(%dma_start3A_1728 : memref<100000x1024xf32, #tpu.memory_space<hbm>>) target(%dma_start3A_1723 : memref<8x1024xf32, #tpu.memory_space<vmem>>) offsets(%dma_start3A_1725 : memref<8xi32, #tpu.memory_space<vmem>>) semaphore(%dma_start3A_1730 : memref<!tpu.dma_semaphore, #tpu.memory_space<semaphore_mem>>)
    %dma_wait3A_1731 = arith.constant 6 : i32
    %dma_wait3A_1732 = arith.constant 6 : i32
    %dma_wait3A_1733 = arith.constant 0 : i32
    %dma_wait3A_1734 = arith.constant 0 : i32
    %dma_wait3A_1735 = tpu.memref_slice %arg6[%dma_wait3A_1731, %dma_wait3A_1733, %dma_wait3A_1734] : memref<8x8x1024xf32, #tpu.memory_space<vmem>> -> memref<1x8x1024xf32, #tpu.memory_space<vmem>>
    %dma_wait3A_1736 = tpu.memref_squeeze %dma_wait3A_1735 : memref<1x8x1024xf32, #tpu.memory_space<vmem>> -> memref<8x1024xf32, #tpu.memory_space<vmem>>
    %dma_wait3A_1737 = arith.constant 240 : i32
    %dma_wait3A_1738 = tpu.memref_slice %arg5[%dma_wait3A_1737] : memref<256xi32, #tpu.memory_space<vmem>> -> memref<8xi32, #tpu.memory_space<vmem>>
    %dma_wait3A_1739 = arith.constant 0 : i32
    %dma_wait3A_1740 = arith.constant 0 : i32
    %dma_wait3A_1741 = tpu.memref_slice %arg3[%dma_wait3A_1739, %dma_wait3A_1740] : memref<100000x1024xf32, #tpu.memory_space<hbm>> -> memref<100000x1024xf32, #tpu.memory_space<hbm>>
    %dma_wait3A_1742 = tpu.memref_slice %arg7[%dma_wait3A_1732] : memref<8x!tpu.dma_semaphore, #tpu.memory_space<semaphore_mem>> -> memref<1x!tpu.dma_semaphore, #tpu.memory_space<semaphore_mem>>
    %dma_wait3A_1743 = tpu.memref_squeeze %dma_wait3A_1742 : memref<1x!tpu.dma_semaphore, #tpu.memory_space<semaphore_mem>> -> memref<!tpu.dma_semaphore, #tpu.memory_space<semaphore_mem>>
    tpu.wait_indirect_dma semaphore(%dma_wait3A_1743 : memref<!tpu.dma_semaphore, #tpu.memory_space<semaphore_mem>>) src(%dma_wait3A_1741 : memref<100000x1024xf32, #tpu.memory_space<hbm>>) dst(%dma_wait3A_1736 : memref<8x1024xf32, #tpu.memory_space<vmem>>)
    %add3A_1744 = arith.constant 240 : i32
    %add3A_1745 = arith.addi %mul3A_2, %add3A_1744 : i32
    %dma_start3A_1746 = arith.constant 6 : i32
    %dma_start3A_1747 = arith.constant 6 : i32
    %dma_start3A_1748 = arith.constant 0 : i32
    %dma_start3A_1749 = arith.constant 0 : i32
    %dma_start3A_1750 = tpu.memref_slice %arg6[%dma_start3A_1746, %dma_start3A_1748, %dma_start3A_1749] : memref<8x8x1024xf32, #tpu.memory_space<vmem>> -> memref<1x8x1024xf32, #tpu.memory_space<vmem>>
    %dma_start3A_1751 = tpu.memref_squeeze %dma_start3A_1750 : memref<1x8x1024xf32, #tpu.memory_space<vmem>> -> memref<8x1024xf32, #tpu.memory_space<vmem>>
    %dma_start3A_1752 = arith.constant 0 : i32
    %dma_start3A_1753 = tpu.memref_slice %arg4[%add3A_1745, %dma_start3A_1752] : memref<8192x1024xf32, #tpu.memory_space<hbm>> -> memref<8x1024xf32, #tpu.memory_space<hbm>>
    %dma_start3A_1754 = tpu.memref_slice %arg8[%dma_start3A_1747] : memref<8x!tpu.dma_semaphore, #tpu.memory_space<semaphore_mem>> -> memref<1x!tpu.dma_semaphore, #tpu.memory_space<semaphore_mem>>
    %dma_start3A_1755 = tpu.memref_squeeze %dma_start3A_1754 : memref<1x!tpu.dma_semaphore, #tpu.memory_space<semaphore_mem>> -> memref<!tpu.dma_semaphore, #tpu.memory_space<semaphore_mem>>
    %dma_start3A_1756 = arith.constant 0 : i32
    %dma_start3A_1757 = tpu.memref_slice %arg4[%add3A_1745, %dma_start3A_1756] : memref<8192x1024xf32, #tpu.memory_space<hbm>> -> memref<8x1024xf32, #tpu.memory_space<hbm>>
    %dma_start3A_1758 = arith.constant 0 : i32
    %dma_start3A_1759 = arith.constant 0 : i32
    %dma_start3A_1760 = tpu.memref_slice %arg6[%dma_start3A_1746, %dma_start3A_1758, %dma_start3A_1759] : memref<8x8x1024xf32, #tpu.memory_space<vmem>> -> memref<1x8x1024xf32, #tpu.memory_space<vmem>>
    %dma_start3A_1761 = tpu.memref_squeeze %dma_start3A_1760 : memref<1x8x1024xf32, #tpu.memory_space<vmem>> -> memref<8x1024xf32, #tpu.memory_space<vmem>>
    tpu.enqueue_dma source(%dma_start3A_1761 : memref<8x1024xf32, #tpu.memory_space<vmem>>) target(%dma_start3A_1757 : memref<8x1024xf32, #tpu.memory_space<hbm>>) target_semaphore(%dma_start3A_1755 : memref<!tpu.dma_semaphore, #tpu.memory_space<semaphore_mem>>)
    %dma_wait3A_1762 = arith.constant 7 : i32
    %dma_wait3A_1763 = arith.constant 7 : i32
    %dma_wait3A_1764 = arith.constant 0 : i32
    %dma_wait3A_1765 = arith.constant 0 : i32
    %dma_wait3A_1766 = tpu.memref_slice %arg6[%dma_wait3A_1762, %dma_wait3A_1764, %dma_wait3A_1765] : memref<8x8x1024xf32, #tpu.memory_space<vmem>> -> memref<1x8x1024xf32, #tpu.memory_space<vmem>>
    %dma_wait3A_1767 = tpu.memref_squeeze %dma_wait3A_1766 : memref<1x8x1024xf32, #tpu.memory_space<vmem>> -> memref<8x1024xf32, #tpu.memory_space<vmem>>
    %dma_wait3A_1768 = arith.constant 248 : i32
    %dma_wait3A_1769 = tpu.memref_slice %arg5[%dma_wait3A_1768] : memref<256xi32, #tpu.memory_space<vmem>> -> memref<8xi32, #tpu.memory_space<vmem>>
    %dma_wait3A_1770 = arith.constant 0 : i32
    %dma_wait3A_1771 = arith.constant 0 : i32
    %dma_wait3A_1772 = tpu.memref_slice %arg3[%dma_wait3A_1770, %dma_wait3A_1771] : memref<100000x1024xf32, #tpu.memory_space<hbm>> -> memref<100000x1024xf32, #tpu.memory_space<hbm>>
    %dma_wait3A_1773 = tpu.memref_slice %arg7[%dma_wait3A_1763] : memref<8x!tpu.dma_semaphore, #tpu.memory_space<semaphore_mem>> -> memref<1x!tpu.dma_semaphore, #tpu.memory_space<semaphore_mem>>
    %dma_wait3A_1774 = tpu.memref_squeeze %dma_wait3A_1773 : memref<1x!tpu.dma_semaphore, #tpu.memory_space<semaphore_mem>> -> memref<!tpu.dma_semaphore, #tpu.memory_space<semaphore_mem>>
    tpu.wait_indirect_dma semaphore(%dma_wait3A_1774 : memref<!tpu.dma_semaphore, #tpu.memory_space<semaphore_mem>>) src(%dma_wait3A_1772 : memref<100000x1024xf32, #tpu.memory_space<hbm>>) dst(%dma_wait3A_1767 : memref<8x1024xf32, #tpu.memory_space<vmem>>)
    %add3A_1775 = arith.constant 248 : i32
    %add3A_1776 = arith.addi %mul3A_2, %add3A_1775 : i32
    %dma_start3A_1777 = arith.constant 7 : i32
    %dma_start3A_1778 = arith.constant 7 : i32
    %dma_start3A_1779 = arith.constant 0 : i32
    %dma_start3A_1780 = arith.constant 0 : i32
    %dma_start3A_1781 = tpu.memref_slice %arg6[%dma_start3A_1777, %dma_start3A_1779, %dma_start3A_1780] : memref<8x8x1024xf32, #tpu.memory_space<vmem>> -> memref<1x8x1024xf32, #tpu.memory_space<vmem>>
    %dma_start3A_1782 = tpu.memref_squeeze %dma_start3A_1781 : memref<1x8x1024xf32, #tpu.memory_space<vmem>> -> memref<8x1024xf32, #tpu.memory_space<vmem>>
    %dma_start3A_1783 = arith.constant 0 : i32
    %dma_start3A_1784 = tpu.memref_slice %arg4[%add3A_1776, %dma_start3A_1783] : memref<8192x1024xf32, #tpu.memory_space<hbm>> -> memref<8x1024xf32, #tpu.memory_space<hbm>>
    %dma_start3A_1785 = tpu.memref_slice %arg8[%dma_start3A_1778] : memref<8x!tpu.dma_semaphore, #tpu.memory_space<semaphore_mem>> -> memref<1x!tpu.dma_semaphore, #tpu.memory_space<semaphore_mem>>
    %dma_start3A_1786 = tpu.memref_squeeze %dma_start3A_1785 : memref<1x!tpu.dma_semaphore, #tpu.memory_space<semaphore_mem>> -> memref<!tpu.dma_semaphore, #tpu.memory_space<semaphore_mem>>
    %dma_start3A_1787 = arith.constant 0 : i32
    %dma_start3A_1788 = tpu.memref_slice %arg4[%add3A_1776, %dma_start3A_1787] : memref<8192x1024xf32, #tpu.memory_space<hbm>> -> memref<8x1024xf32, #tpu.memory_space<hbm>>
    %dma_start3A_1789 = arith.constant 0 : i32
    %dma_start3A_1790 = arith.constant 0 : i32
    %dma_start3A_1791 = tpu.memref_slice %arg6[%dma_start3A_1777, %dma_start3A_1789, %dma_start3A_1790] : memref<8x8x1024xf32, #tpu.memory_space<vmem>> -> memref<1x8x1024xf32, #tpu.memory_space<vmem>>
    %dma_start3A_1792 = tpu.memref_squeeze %dma_start3A_1791 : memref<1x8x1024xf32, #tpu.memory_space<vmem>> -> memref<8x1024xf32, #tpu.memory_space<vmem>>
    tpu.enqueue_dma source(%dma_start3A_1792 : memref<8x1024xf32, #tpu.memory_space<vmem>>) target(%dma_start3A_1788 : memref<8x1024xf32, #tpu.memory_space<hbm>>) target_semaphore(%dma_start3A_1786 : memref<!tpu.dma_semaphore, #tpu.memory_space<semaphore_mem>>)
    %dma_wait3A_1793 = arith.constant 1 : i32
    %dma_wait3A_1794 = arith.constant 1 : i32
    %dma_wait3A_1795 = arith.constant 0 : i32
    %dma_wait3A_1796 = arith.constant 0 : i32
    %dma_wait3A_1797 = tpu.memref_slice %arg6[%dma_wait3A_1793, %dma_wait3A_1795, %dma_wait3A_1796] : memref<8x8x1024xf32, #tpu.memory_space<vmem>> -> memref<1x8x1024xf32, #tpu.memory_space<vmem>>
    %dma_wait3A_1798 = tpu.memref_squeeze %dma_wait3A_1797 : memref<1x8x1024xf32, #tpu.memory_space<vmem>> -> memref<8x1024xf32, #tpu.memory_space<vmem>>
    %dma_wait3A_1799 = arith.constant 0 : i32
    %dma_wait3A_1800 = tpu.memref_slice %arg4[%add3A_1445, %dma_wait3A_1799] : memref<8192x1024xf32, #tpu.memory_space<hbm>> -> memref<8x1024xf32, #tpu.memory_space<hbm>>
    %dma_wait3A_1801 = tpu.memref_slice %arg8[%dma_wait3A_1794] : memref<8x!tpu.dma_semaphore, #tpu.memory_space<semaphore_mem>> -> memref<1x!tpu.dma_semaphore, #tpu.memory_space<semaphore_mem>>
    %dma_wait3A_1802 = tpu.memref_squeeze %dma_wait3A_1801 : memref<1x!tpu.dma_semaphore, #tpu.memory_space<semaphore_mem>> -> memref<!tpu.dma_semaphore, #tpu.memory_space<semaphore_mem>>
    %dma_wait3A_1803 = arith.constant 0 : i32
    %dma_wait3A_1804 = tpu.memref_slice %arg4[%add3A_1445, %dma_wait3A_1803] : memref<8192x1024xf32, #tpu.memory_space<hbm>> -> memref<8x1024xf32, #tpu.memory_space<hbm>>
    %dma_wait3A_1805 = arith.constant 0 : i32
    %dma_wait3A_1806 = arith.constant 0 : i32
    %dma_wait3A_1807 = tpu.memref_slice %arg6[%dma_wait3A_1793, %dma_wait3A_1805, %dma_wait3A_1806] : memref<8x8x1024xf32, #tpu.memory_space<vmem>> -> memref<1x8x1024xf32, #tpu.memory_space<vmem>>
    %dma_wait3A_1808 = tpu.memref_squeeze %dma_wait3A_1807 : memref<1x8x1024xf32, #tpu.memory_space<vmem>> -> memref<8x1024xf32, #tpu.memory_space<vmem>>
    tpu.wait_dma2 semaphore(%dma_wait3A_1802 : memref<!tpu.dma_semaphore, #tpu.memory_space<semaphore_mem>>) src(%dma_wait3A_1808 : memref<8x1024xf32, #tpu.memory_space<vmem>>) dst(%dma_wait3A_1804 : memref<8x1024xf32, #tpu.memory_space<hbm>>)
    %dma_wait3A_1809 = arith.constant 2 : i32
    %dma_wait3A_1810 = arith.constant 2 : i32
    %dma_wait3A_1811 = arith.constant 0 : i32
    %dma_wait3A_1812 = arith.constant 0 : i32
    %dma_wait3A_1813 = tpu.memref_slice %arg6[%dma_wait3A_1809, %dma_wait3A_1811, %dma_wait3A_1812] : memref<8x8x1024xf32, #tpu.memory_space<vmem>> -> memref<1x8x1024xf32, #tpu.memory_space<vmem>>
    %dma_wait3A_1814 = tpu.memref_squeeze %dma_wait3A_1813 : memref<1x8x1024xf32, #tpu.memory_space<vmem>> -> memref<8x1024xf32, #tpu.memory_space<vmem>>
    %dma_wait3A_1815 = arith.constant 0 : i32
    %dma_wait3A_1816 = tpu.memref_slice %arg4[%add3A_1505, %dma_wait3A_1815] : memref<8192x1024xf32, #tpu.memory_space<hbm>> -> memref<8x1024xf32, #tpu.memory_space<hbm>>
    %dma_wait3A_1817 = tpu.memref_slice %arg8[%dma_wait3A_1810] : memref<8x!tpu.dma_semaphore, #tpu.memory_space<semaphore_mem>> -> memref<1x!tpu.dma_semaphore, #tpu.memory_space<semaphore_mem>>
    %dma_wait3A_1818 = tpu.memref_squeeze %dma_wait3A_1817 : memref<1x!tpu.dma_semaphore, #tpu.memory_space<semaphore_mem>> -> memref<!tpu.dma_semaphore, #tpu.memory_space<semaphore_mem>>
    %dma_wait3A_1819 = arith.constant 0 : i32
    %dma_wait3A_1820 = tpu.memref_slice %arg4[%add3A_1505, %dma_wait3A_1819] : memref<8192x1024xf32, #tpu.memory_space<hbm>> -> memref<8x1024xf32, #tpu.memory_space<hbm>>
    %dma_wait3A_1821 = arith.constant 0 : i32
    %dma_wait3A_1822 = arith.constant 0 : i32
    %dma_wait3A_1823 = tpu.memref_slice %arg6[%dma_wait3A_1809, %dma_wait3A_1821, %dma_wait3A_1822] : memref<8x8x1024xf32, #tpu.memory_space<vmem>> -> memref<1x8x1024xf32, #tpu.memory_space<vmem>>
    %dma_wait3A_1824 = tpu.memref_squeeze %dma_wait3A_1823 : memref<1x8x1024xf32, #tpu.memory_space<vmem>> -> memref<8x1024xf32, #tpu.memory_space<vmem>>
    tpu.wait_dma2 semaphore(%dma_wait3A_1818 : memref<!tpu.dma_semaphore, #tpu.memory_space<semaphore_mem>>) src(%dma_wait3A_1824 : memref<8x1024xf32, #tpu.memory_space<vmem>>) dst(%dma_wait3A_1820 : memref<8x1024xf32, #tpu.memory_space<hbm>>)
    %dma_wait3A_1825 = arith.constant 3 : i32
    %dma_wait3A_1826 = arith.constant 3 : i32
    %dma_wait3A_1827 = arith.constant 0 : i32
    %dma_wait3A_1828 = arith.constant 0 : i32
    %dma_wait3A_1829 = tpu.memref_slice %arg6[%dma_wait3A_1825, %dma_wait3A_1827, %dma_wait3A_1828] : memref<8x8x1024xf32, #tpu.memory_space<vmem>> -> memref<1x8x1024xf32, #tpu.memory_space<vmem>>
    %dma_wait3A_1830 = tpu.memref_squeeze %dma_wait3A_1829 : memref<1x8x1024xf32, #tpu.memory_space<vmem>> -> memref<8x1024xf32, #tpu.memory_space<vmem>>
    %dma_wait3A_1831 = arith.constant 0 : i32
    %dma_wait3A_1832 = tpu.memref_slice %arg4[%add3A_1565, %dma_wait3A_1831] : memref<8192x1024xf32, #tpu.memory_space<hbm>> -> memref<8x1024xf32, #tpu.memory_space<hbm>>
    %dma_wait3A_1833 = tpu.memref_slice %arg8[%dma_wait3A_1826] : memref<8x!tpu.dma_semaphore, #tpu.memory_space<semaphore_mem>> -> memref<1x!tpu.dma_semaphore, #tpu.memory_space<semaphore_mem>>
    %dma_wait3A_1834 = tpu.memref_squeeze %dma_wait3A_1833 : memref<1x!tpu.dma_semaphore, #tpu.memory_space<semaphore_mem>> -> memref<!tpu.dma_semaphore, #tpu.memory_space<semaphore_mem>>
    %dma_wait3A_1835 = arith.constant 0 : i32
    %dma_wait3A_1836 = tpu.memref_slice %arg4[%add3A_1565, %dma_wait3A_1835] : memref<8192x1024xf32, #tpu.memory_space<hbm>> -> memref<8x1024xf32, #tpu.memory_space<hbm>>
    %dma_wait3A_1837 = arith.constant 0 : i32
    %dma_wait3A_1838 = arith.constant 0 : i32
    %dma_wait3A_1839 = tpu.memref_slice %arg6[%dma_wait3A_1825, %dma_wait3A_1837, %dma_wait3A_1838] : memref<8x8x1024xf32, #tpu.memory_space<vmem>> -> memref<1x8x1024xf32, #tpu.memory_space<vmem>>
    %dma_wait3A_1840 = tpu.memref_squeeze %dma_wait3A_1839 : memref<1x8x1024xf32, #tpu.memory_space<vmem>> -> memref<8x1024xf32, #tpu.memory_space<vmem>>
    tpu.wait_dma2 semaphore(%dma_wait3A_1834 : memref<!tpu.dma_semaphore, #tpu.memory_space<semaphore_mem>>) src(%dma_wait3A_1840 : memref<8x1024xf32, #tpu.memory_space<vmem>>) dst(%dma_wait3A_1836 : memref<8x1024xf32, #tpu.memory_space<hbm>>)
    %dma_wait3A_1841 = arith.constant 4 : i32
    %dma_wait3A_1842 = arith.constant 4 : i32
    %dma_wait3A_1843 = arith.constant 0 : i32
    %dma_wait3A_1844 = arith.constant 0 : i32
    %dma_wait3A_1845 = tpu.memref_slice %arg6[%dma_wait3A_1841, %dma_wait3A_1843, %dma_wait3A_1844] : memref<8x8x1024xf32, #tpu.memory_space<vmem>> -> memref<1x8x1024xf32, #tpu.memory_space<vmem>>
    %dma_wait3A_1846 = tpu.memref_squeeze %dma_wait3A_1845 : memref<1x8x1024xf32, #tpu.memory_space<vmem>> -> memref<8x1024xf32, #tpu.memory_space<vmem>>
    %dma_wait3A_1847 = arith.constant 0 : i32
    %dma_wait3A_1848 = tpu.memref_slice %arg4[%add3A_1625, %dma_wait3A_1847] : memref<8192x1024xf32, #tpu.memory_space<hbm>> -> memref<8x1024xf32, #tpu.memory_space<hbm>>
    %dma_wait3A_1849 = tpu.memref_slice %arg8[%dma_wait3A_1842] : memref<8x!tpu.dma_semaphore, #tpu.memory_space<semaphore_mem>> -> memref<1x!tpu.dma_semaphore, #tpu.memory_space<semaphore_mem>>
    %dma_wait3A_1850 = tpu.memref_squeeze %dma_wait3A_1849 : memref<1x!tpu.dma_semaphore, #tpu.memory_space<semaphore_mem>> -> memref<!tpu.dma_semaphore, #tpu.memory_space<semaphore_mem>>
    %dma_wait3A_1851 = arith.constant 0 : i32
    %dma_wait3A_1852 = tpu.memref_slice %arg4[%add3A_1625, %dma_wait3A_1851] : memref<8192x1024xf32, #tpu.memory_space<hbm>> -> memref<8x1024xf32, #tpu.memory_space<hbm>>
    %dma_wait3A_1853 = arith.constant 0 : i32
    %dma_wait3A_1854 = arith.constant 0 : i32
    %dma_wait3A_1855 = tpu.memref_slice %arg6[%dma_wait3A_1841, %dma_wait3A_1853, %dma_wait3A_1854] : memref<8x8x1024xf32, #tpu.memory_space<vmem>> -> memref<1x8x1024xf32, #tpu.memory_space<vmem>>
    %dma_wait3A_1856 = tpu.memref_squeeze %dma_wait3A_1855 : memref<1x8x1024xf32, #tpu.memory_space<vmem>> -> memref<8x1024xf32, #tpu.memory_space<vmem>>
    tpu.wait_dma2 semaphore(%dma_wait3A_1850 : memref<!tpu.dma_semaphore, #tpu.memory_space<semaphore_mem>>) src(%dma_wait3A_1856 : memref<8x1024xf32, #tpu.memory_space<vmem>>) dst(%dma_wait3A_1852 : memref<8x1024xf32, #tpu.memory_space<hbm>>)
    %dma_wait3A_1857 = arith.constant 5 : i32
    %dma_wait3A_1858 = arith.constant 5 : i32
    %dma_wait3A_1859 = arith.constant 0 : i32
    %dma_wait3A_1860 = arith.constant 0 : i32
    %dma_wait3A_1861 = tpu.memref_slice %arg6[%dma_wait3A_1857, %dma_wait3A_1859, %dma_wait3A_1860] : memref<8x8x1024xf32, #tpu.memory_space<vmem>> -> memref<1x8x1024xf32, #tpu.memory_space<vmem>>
    %dma_wait3A_1862 = tpu.memref_squeeze %dma_wait3A_1861 : memref<1x8x1024xf32, #tpu.memory_space<vmem>> -> memref<8x1024xf32, #tpu.memory_space<vmem>>
    %dma_wait3A_1863 = arith.constant 0 : i32
    %dma_wait3A_1864 = tpu.memref_slice %arg4[%add3A_1685, %dma_wait3A_1863] : memref<8192x1024xf32, #tpu.memory_space<hbm>> -> memref<8x1024xf32, #tpu.memory_space<hbm>>
    %dma_wait3A_1865 = tpu.memref_slice %arg8[%dma_wait3A_1858] : memref<8x!tpu.dma_semaphore, #tpu.memory_space<semaphore_mem>> -> memref<1x!tpu.dma_semaphore, #tpu.memory_space<semaphore_mem>>
    %dma_wait3A_1866 = tpu.memref_squeeze %dma_wait3A_1865 : memref<1x!tpu.dma_semaphore, #tpu.memory_space<semaphore_mem>> -> memref<!tpu.dma_semaphore, #tpu.memory_space<semaphore_mem>>
    %dma_wait3A_1867 = arith.constant 0 : i32
    %dma_wait3A_1868 = tpu.memref_slice %arg4[%add3A_1685, %dma_wait3A_1867] : memref<8192x1024xf32, #tpu.memory_space<hbm>> -> memref<8x1024xf32, #tpu.memory_space<hbm>>
    %dma_wait3A_1869 = arith.constant 0 : i32
    %dma_wait3A_1870 = arith.constant 0 : i32
    %dma_wait3A_1871 = tpu.memref_slice %arg6[%dma_wait3A_1857, %dma_wait3A_1869, %dma_wait3A_1870] : memref<8x8x1024xf32, #tpu.memory_space<vmem>> -> memref<1x8x1024xf32, #tpu.memory_space<vmem>>
    %dma_wait3A_1872 = tpu.memref_squeeze %dma_wait3A_1871 : memref<1x8x1024xf32, #tpu.memory_space<vmem>> -> memref<8x1024xf32, #tpu.memory_space<vmem>>
    tpu.wait_dma2 semaphore(%dma_wait3A_1866 : memref<!tpu.dma_semaphore, #tpu.memory_space<semaphore_mem>>) src(%dma_wait3A_1872 : memref<8x1024xf32, #tpu.memory_space<vmem>>) dst(%dma_wait3A_1868 : memref<8x1024xf32, #tpu.memory_space<hbm>>)
    %dma_wait3A_1873 = arith.constant 6 : i32
    %dma_wait3A_1874 = arith.constant 6 : i32
    %dma_wait3A_1875 = arith.constant 0 : i32
    %dma_wait3A_1876 = arith.constant 0 : i32
    %dma_wait3A_1877 = tpu.memref_slice %arg6[%dma_wait3A_1873, %dma_wait3A_1875, %dma_wait3A_1876] : memref<8x8x1024xf32, #tpu.memory_space<vmem>> -> memref<1x8x1024xf32, #tpu.memory_space<vmem>>
    %dma_wait3A_1878 = tpu.memref_squeeze %dma_wait3A_1877 : memref<1x8x1024xf32, #tpu.memory_space<vmem>> -> memref<8x1024xf32, #tpu.memory_space<vmem>>
    %dma_wait3A_1879 = arith.constant 0 : i32
    %dma_wait3A_1880 = tpu.memref_slice %arg4[%add3A_1745, %dma_wait3A_1879] : memref<8192x1024xf32, #tpu.memory_space<hbm>> -> memref<8x1024xf32, #tpu.memory_space<hbm>>
    %dma_wait3A_1881 = tpu.memref_slice %arg8[%dma_wait3A_1874] : memref<8x!tpu.dma_semaphore, #tpu.memory_space<semaphore_mem>> -> memref<1x!tpu.dma_semaphore, #tpu.memory_space<semaphore_mem>>
    %dma_wait3A_1882 = tpu.memref_squeeze %dma_wait3A_1881 : memref<1x!tpu.dma_semaphore, #tpu.memory_space<semaphore_mem>> -> memref<!tpu.dma_semaphore, #tpu.memory_space<semaphore_mem>>
    %dma_wait3A_1883 = arith.constant 0 : i32
    %dma_wait3A_1884 = tpu.memref_slice %arg4[%add3A_1745, %dma_wait3A_1883] : memref<8192x1024xf32, #tpu.memory_space<hbm>> -> memref<8x1024xf32, #tpu.memory_space<hbm>>
    %dma_wait3A_1885 = arith.constant 0 : i32
    %dma_wait3A_1886 = arith.constant 0 : i32
    %dma_wait3A_1887 = tpu.memref_slice %arg6[%dma_wait3A_1873, %dma_wait3A_1885, %dma_wait3A_1886] : memref<8x8x1024xf32, #tpu.memory_space<vmem>> -> memref<1x8x1024xf32, #tpu.memory_space<vmem>>
    %dma_wait3A_1888 = tpu.memref_squeeze %dma_wait3A_1887 : memref<1x8x1024xf32, #tpu.memory_space<vmem>> -> memref<8x1024xf32, #tpu.memory_space<vmem>>
    tpu.wait_dma2 semaphore(%dma_wait3A_1882 : memref<!tpu.dma_semaphore, #tpu.memory_space<semaphore_mem>>) src(%dma_wait3A_1888 : memref<8x1024xf32, #tpu.memory_space<vmem>>) dst(%dma_wait3A_1884 : memref<8x1024xf32, #tpu.memory_space<hbm>>)
    %dma_wait3A_1889 = arith.constant 7 : i32
    %dma_wait3A_1890 = arith.constant 7 : i32
    %dma_wait3A_1891 = arith.constant 0 : i32
    %dma_wait3A_1892 = arith.constant 0 : i32
    %dma_wait3A_1893 = tpu.memref_slice %arg6[%dma_wait3A_1889, %dma_wait3A_1891, %dma_wait3A_1892] : memref<8x8x1024xf32, #tpu.memory_space<vmem>> -> memref<1x8x1024xf32, #tpu.memory_space<vmem>>
    %dma_wait3A_1894 = tpu.memref_squeeze %dma_wait3A_1893 : memref<1x8x1024xf32, #tpu.memory_space<vmem>> -> memref<8x1024xf32, #tpu.memory_space<vmem>>
    %dma_wait3A_1895 = arith.constant 0 : i32
    %dma_wait3A_1896 = tpu.memref_slice %arg4[%add3A_1776, %dma_wait3A_1895] : memref<8192x1024xf32, #tpu.memory_space<hbm>> -> memref<8x1024xf32, #tpu.memory_space<hbm>>
    %dma_wait3A_1897 = tpu.memref_slice %arg8[%dma_wait3A_1890] : memref<8x!tpu.dma_semaphore, #tpu.memory_space<semaphore_mem>> -> memref<1x!tpu.dma_semaphore, #tpu.memory_space<semaphore_mem>>
    %dma_wait3A_1898 = tpu.memref_squeeze %dma_wait3A_1897 : memref<1x!tpu.dma_semaphore, #tpu.memory_space<semaphore_mem>> -> memref<!tpu.dma_semaphore, #tpu.memory_space<semaphore_mem>>
    %dma_wait3A_1899 = arith.constant 0 : i32
    %dma_wait3A_1900 = tpu.memref_slice %arg4[%add3A_1776, %dma_wait3A_1899] : memref<8192x1024xf32, #tpu.memory_space<hbm>> -> memref<8x1024xf32, #tpu.memory_space<hbm>>
    %dma_wait3A_1901 = arith.constant 0 : i32
    %dma_wait3A_1902 = arith.constant 0 : i32
    %dma_wait3A_1903 = tpu.memref_slice %arg6[%dma_wait3A_1889, %dma_wait3A_1901, %dma_wait3A_1902] : memref<8x8x1024xf32, #tpu.memory_space<vmem>> -> memref<1x8x1024xf32, #tpu.memory_space<vmem>>
    %dma_wait3A_1904 = tpu.memref_squeeze %dma_wait3A_1903 : memref<1x8x1024xf32, #tpu.memory_space<vmem>> -> memref<8x1024xf32, #tpu.memory_space<vmem>>
    tpu.wait_dma2 semaphore(%dma_wait3A_1898 : memref<!tpu.dma_semaphore, #tpu.memory_space<semaphore_mem>>) src(%dma_wait3A_1904 : memref<8x1024xf32, #tpu.memory_space<vmem>>) dst(%dma_wait3A_1900 : memref<8x1024xf32, #tpu.memory_space<hbm>>)
    return
  }
}

module attributes {stable_mosaic.version = 14 : i64} {
  func.func @tc_ln(%arg0: i32, %arg1: memref<256x4x1024xf32, #tpu.memory_space<vmem>>, %arg2: memref<256x4xi32, #tpu.memory_space<vmem>>, %arg3: memref<256x1024xf32, #tpu.memory_space<vmem>>, %arg4: memref<2x1024xf32, #tpu.memory_space<vmem>>, %arg5: memref<1x1024xf32, #tpu.memory_space<vmem>>, %arg6: memref<1x1024xf32, #tpu.memory_space<vmem>>, %arg7: memref<256x4x1024xf32, #tpu.memory_space<vmem>>) attributes {dimension_semantics = [#tpu.dimension_semantics<arbitrary>], iteration_bounds = array<i64: 8>, scalar_prefetch = 0 : i64, scratch_operands = 0 : i64, tpu.core_type = #tpu.core_type<tc>, window_params = [{transform_indices = @transform_0, window_bounds = array<i64: 256, 4, 1024>}, {transform_indices = @transform_1, window_bounds = array<i64: 256, 4>}, {transform_indices = @transform_2, window_bounds = array<i64: 256, 1024>}, {pipeline_mode = #tpu.pipeline_mode<synchronous>, transform_indices = @transform_3, window_bounds = array<i64: 2, 1024>}, {pipeline_mode = #tpu.pipeline_mode<synchronous>, transform_indices = @transform_4, window_bounds = array<i64: 1, 1024>}, {pipeline_mode = #tpu.pipeline_mode<synchronous>, transform_indices = @transform_5, window_bounds = array<i64: 1, 1024>}, {transform_indices = @transform_6, window_bounds = array<i64: 256, 4, 1024>}]} {
    %get3A = arith.constant 0 : index
    %get3A_0 = arith.constant 0 : index
    %get3A_1 = arith.constant 0 : index
    %get3A_2 = vector.load %arg1[%get3A, %get3A_0, %get3A_1] : memref<256x4x1024xf32, #tpu.memory_space<vmem>>, vector<256x4x1024xf32>
    %get3A_3 = arith.constant 0 : index
    %get3A_4 = arith.constant 0 : index
    %get3A_5 = vector.load %arg3[%get3A_3, %get3A_4] : memref<256x1024xf32, #tpu.memory_space<vmem>>, vector<256x1024xf32>
    %broadcast_in_dim3A = vector.shape_cast %get3A_5 : vector<256x1024xf32> to vector<256x1x1024xf32>
    %add3A = vector.broadcast %broadcast_in_dim3A : vector<256x1x1024xf32> to vector<256x4x1024xf32>
    %add3A_6 = arith.addf %get3A_2, %add3A : vector<256x4x1024xf32>
    %get3A_7 = arith.constant 0 : index
    %get3A_8 = arith.constant 0 : index
    %get3A_9 = vector.load %arg2[%get3A_7, %get3A_8] : memref<256x4xi32, #tpu.memory_space<vmem>>, vector<256x4xi32>
    %convert_element_type3A = arith.sitofp %get3A_9 : vector<256x4xi32> to vector<256x4xf32>
    %broadcast_in_dim3A_10 = vector.shape_cast %convert_element_type3A : vector<256x4xf32> to vector<256x4x1xf32>
    %get3A_11 = arith.constant 0 : index
    %get3A_12 = arith.constant 0 : index
    %get3A_13 = vector.load %arg4[%get3A_11, %get3A_12] : memref<2x1024xf32, #tpu.memory_space<vmem>>, vector<1x1024xf32>
    %get3A_14 = vector.shape_cast %get3A_13 : vector<1x1024xf32> to vector<1024xf32>
    %get3A_15 = arith.constant 1 : index
    %get3A_16 = arith.constant 0 : index
    %get3A_17 = vector.load %arg4[%get3A_15, %get3A_16] : memref<2x1024xf32, #tpu.memory_space<vmem>>, vector<1x1024xf32>
    %get3A_18 = vector.shape_cast %get3A_17 : vector<1x1024xf32> to vector<1024xf32>
    %broadcast_in_dim3A_19 = vector.shape_cast %get3A_14 : vector<1024xf32> to vector<1x1x1024xf32>
    %add3A_20 = vector.broadcast %broadcast_in_dim3A_19 : vector<1x1x1024xf32> to vector<256x4x1024xf32>
    %add3A_21 = arith.addf %add3A_6, %add3A_20 : vector<256x4x1024xf32>
    %sub3A = arith.subf %get3A_18, %get3A_14 : vector<1024xf32>
    %broadcast_in_dim3A_22 = vector.shape_cast %sub3A : vector<1024xf32> to vector<1x1x1024xf32>
    %mul3A = vector.broadcast %broadcast_in_dim3A_10 : vector<256x4x1xf32> to vector<256x4x1024xf32>
    %mul3A_23 = vector.broadcast %broadcast_in_dim3A_22 : vector<1x1x1024xf32> to vector<256x4x1024xf32>
    %mul3A_24 = arith.mulf %mul3A, %mul3A_23 : vector<256x4x1024xf32>
    %add3A_25 = arith.addf %add3A_21, %mul3A_24 : vector<256x4x1024xf32>
    %reduce_sum3A = arith.constant dense<0.000000e+00> : vector<256x4xf32>
    %reduce_sum3A_26 = vector.multi_reduction <add>, %add3A_25, %reduce_sum3A [2] : vector<256x4x1024xf32> to vector<256x4xf32>
    %broadcast_in_dim3A_27 = vector.shape_cast %reduce_sum3A_26 : vector<256x4xf32> to vector<256x4x1xf32>
    %div3A = arith.constant 1.024000e+03 : f32
    %div3A_28 = vector.broadcast %div3A : f32 to vector<256x4x1xf32>
    %div3A_29 = arith.divf %broadcast_in_dim3A_27, %div3A_28 : vector<256x4x1xf32>
    %sub3A_30 = vector.broadcast %div3A_29 : vector<256x4x1xf32> to vector<256x4x1024xf32>
    %sub3A_31 = arith.subf %add3A_25, %sub3A_30 : vector<256x4x1024xf32>
    %mul3A_32 = arith.mulf %sub3A_31, %sub3A_31 : vector<256x4x1024xf32>
    %reduce_sum3A_33 = arith.constant dense<0.000000e+00> : vector<256x4xf32>
    %reduce_sum3A_34 = vector.multi_reduction <add>, %mul3A_32, %reduce_sum3A_33 [2] : vector<256x4x1024xf32> to vector<256x4xf32>
    %broadcast_in_dim3A_35 = vector.shape_cast %reduce_sum3A_34 : vector<256x4xf32> to vector<256x4x1xf32>
    %div3A_36 = arith.constant 1.024000e+03 : f32
    %div3A_37 = vector.broadcast %div3A_36 : f32 to vector<256x4x1xf32>
    %div3A_38 = arith.divf %broadcast_in_dim3A_35, %div3A_37 : vector<256x4x1xf32>
    %add3A_39 = arith.constant 9.99999974E-6 : f32
    %add3A_40 = vector.broadcast %add3A_39 : f32 to vector<256x4x1xf32>
    %add3A_41 = arith.addf %div3A_38, %add3A_40 : vector<256x4x1xf32>
    %rsqrt3A = math.rsqrt %add3A_41 : vector<256x4x1xf32>
    %mul3A_42 = vector.broadcast %rsqrt3A : vector<256x4x1xf32> to vector<256x4x1024xf32>
    %mul3A_43 = arith.mulf %sub3A_31, %mul3A_42 : vector<256x4x1024xf32>
    %get3A_44 = arith.constant 0 : index
    %get3A_45 = arith.constant 0 : index
    %get3A_46 = vector.load %arg5[%get3A_44, %get3A_45] : memref<1x1024xf32, #tpu.memory_space<vmem>>, vector<1x1024xf32>
    %get3A_47 = vector.shape_cast %get3A_46 : vector<1x1024xf32> to vector<1024xf32>
    %broadcast_in_dim3A_48 = vector.shape_cast %get3A_47 : vector<1024xf32> to vector<1x1x1024xf32>
    %mul3A_49 = vector.broadcast %broadcast_in_dim3A_48 : vector<1x1x1024xf32> to vector<256x4x1024xf32>
    %mul3A_50 = arith.mulf %mul3A_43, %mul3A_49 : vector<256x4x1024xf32>
    %get3A_51 = arith.constant 0 : index
    %get3A_52 = arith.constant 0 : index
    %get3A_53 = vector.load %arg6[%get3A_51, %get3A_52] : memref<1x1024xf32, #tpu.memory_space<vmem>>, vector<1x1024xf32>
    %get3A_54 = vector.shape_cast %get3A_53 : vector<1x1024xf32> to vector<1024xf32>
    %broadcast_in_dim3A_55 = vector.shape_cast %get3A_54 : vector<1024xf32> to vector<1x1x1024xf32>
    %add3A_56 = vector.broadcast %broadcast_in_dim3A_55 : vector<1x1x1024xf32> to vector<256x4x1024xf32>
    %add3A_57 = arith.addf %mul3A_50, %add3A_56 : vector<256x4x1024xf32>
    %swap3A = arith.constant 0 : index
    %swap3A_58 = arith.constant 0 : index
    %swap3A_59 = arith.constant 0 : index
    %swap3A_60 = vector.load %arg7[%swap3A, %swap3A_58, %swap3A_59] : memref<256x4x1024xf32, #tpu.memory_space<vmem>>, vector<256x4x1024xf32>
    tpu.vector_store %arg7[%swap3A, %swap3A_58, %swap3A_59], %add3A_57 {strides = array<i32>} : memref<256x4x1024xf32, #tpu.memory_space<vmem>>, vector<256x4x1024xf32>,
    return
  }
  func.func @transform_0(%arg0: i32) -> (i32, i32, i32) {
    %c0_i32 = arith.constant 0 : i32
    %c0_i32_0 = arith.constant 0 : i32
    %c0_i32_1 = arith.constant 0 : i32
    return %arg0, %c0_i32, %c0_i32_0 : i32, i32, i32
  }
  func.func @transform_1(%arg0: i32) -> (i32, i32) {
    %c0_i32 = arith.constant 0 : i32
    %c0_i32_0 = arith.constant 0 : i32
    return %arg0, %c0_i32 : i32, i32
  }
  func.func @transform_2(%arg0: i32) -> (i32, i32) {
    %c0_i32 = arith.constant 0 : i32
    %c0_i32_0 = arith.constant 0 : i32
    return %arg0, %c0_i32 : i32, i32
  }
  func.func @transform_3(%arg0: i32) -> (i32, i32) {
    %c0_i32 = arith.constant 0 : i32
    %c0_i32_0 = arith.constant 0 : i32
    %c0_i32_1 = arith.constant 0 : i32
    return %c0_i32, %c0_i32_0 : i32, i32
  }
  func.func @transform_4(%arg0: i32) -> (i32, i32) {
    %c0_i32 = arith.constant 0 : i32
    %c0_i32_0 = arith.constant 0 : i32
    %c0_i32_1 = arith.constant 0 : i32
    return %c0_i32, %c0_i32_0 : i32, i32
  }
  func.func @transform_5(%arg0: i32) -> (i32, i32) {
    %c0_i32 = arith.constant 0 : i32
    %c0_i32_0 = arith.constant 0 : i32
    %c0_i32_1 = arith.constant 0 : i32
    return %c0_i32, %c0_i32_0 : i32, i32
  }
  func.func @transform_6(%arg0: i32) -> (i32, i32, i32) {
    %c0_i32 = arith.constant 0 : i32
    %c0_i32_0 = arith.constant 0 : i32
    %c0_i32_1 = arith.constant 0 : i32
    return %arg0, %c0_i32, %c0_i32_0 : i32, i32, i32
  }
}

</mosaic_0001>

<sc_bundles>
// kernel: kernel.4.cloned.1.call-start
scs
__scs_entry_jumppad:
0x0: {  	(pc) =	sbr.rel $0x88, $3  }
0x1: {  	(tag) =	ssettag $0x0;
	lr =	simm.s32 $0x1  }
0x2: {  	[smem:$0x3F9A] =	sst lr;
	_ =	strace $0xD0000000  }
0x3: {  	_ = 	snop  }
0x4: {  	_ = 	snop  }
0x5: {  	_ = 	snop  }
0x6: {  	_ = 	snop  }
0x7: {  	_ = 	snop  }
__scs_overlays_trampoline_lowered:
0x8: {  	[smem:$0x3FA9] =	sst s0  }
0x9: {  	[smem:$0x3FAA] =	sst s1  }
0xa: {  	[smem:$0x3FAB] =	sst s2  }
0xb: {  	[smem:$0x3FAC] =	sst s3  }
0xc: {  	[smem:$0x3FAD] =	sst s4  }
0xd: {  	[smem:$0x3FAE] =	sst s5  }
0xe: {  	[smem:$0x3FAF] =	sst s6  }
0xf: {  	[smem:$0x3FB0] =	sst s7  }
0x10: {  	[smem:$0x3FB1] =	sst s8  }
0x11: {  	[smem:$0x3FB2] =	sst s9;
	s0 =	simm.s32 @!p0 $0x0  }
0x12: {  	s1 =	sld [smem:$0x3F98];
	s0 =	simm.s32 @p0 $0x1  }
0x13: {  	[smem:$0x3FB3] =	sst s0;
	s0 =	simm.s32 @!p1 $0x0  }
0x14: {  	s2 =	sld [smem:$0x3F97];
	s0 =	simm.s32 @p1 $0x1  }
0x15: {  	[smem:$0x3FB4] =	sst s0;
	s0 =	simm.s32 @!p2 $0x0  }
0x16: {  	s3 =	sld [smem:$0x3FDB];
	s0 =	simm.s32 @p2 $0x1  }
0x17: {  	s4 =	simm.s32 $0x1BF5;
	[smem:$0x3FB6] =	sst s0  }
0x18: {  	s0 =	sld [smem:$0x3F99];
	_ =	swait.ge [sflag:s4], $0x0  }
0x19: {  	s7 =	sld [smem:$0x3F9A]  }
0x1a: {  	s8 =	sadd.s32 $0xFFFFE003, lr  }
0x1b: {  	s9 =	sadd.s32 $0xFFFFFEF7, lr;
	s5 =	simm.s32 $0xFFFFFFFF;
	p2 =	slt.u32 s8, $0xFFFFF086  }
0x1c: {  	p1 =	slt.u32 s9, $0xF7A;
	s5 =	simm.s32 @!p2 $0x0  }
0x1d: {  	s5 =	simm.s32 @p1 $0x1;
	p0 =	seq.s32 s7, s2  }
0x1e: {  	s7 =	smul.u32 @!p0 $0xF7A, s2;
	p2 =	seq.s32 @!p0 s5, $0x0  }
0x1f: {  	s9 =	smul.u32 $0xF7A, s1;
	s8 =	simm.s32 @!p0 $0x1BF5;
	p2 =	por !p2, p0  }
0x20: {  	[sflag:s8] =	ssyncset.s32 @!p0 $0xFFFFF086;
	s6 =	sadd.s32 @!p0 s3, s7;
	s7 =	simm.s32 @!p0 $0x108  }
0x21: {  	s3 =	sadd.s32 s3, s9;
	s6 =	sadd.s32 @!p0 $0x88, s6;
	s7 =	simm.s32 @p2 $0x1082  }
0x22: {  	[simem:s7], [sflag:s8] =	dma.local @!p0 [hbm:s6], $0xF7A  }
0x23: {  	s9 =	sor.u32 $0xD0000000, s2;
	s6 =	simm.s32 $0x108;
	_ =	swait.ge @!p0 [sflag:s8], $0x0  }
0x24: {  	s3 =	sadd.s32 $0x88, s3;
	s6 =	simm.s32 @!p1 $0x1082;
	[sflag:s4] =	ssyncset.s32 $0xFFFFF086  }
0x25: {  	[simem:s6], [sflag:s4] =	dma.local [hbm:s3], $0xF7A  }
0x26: {  	[smem:$0x3F9A] =	sst s1;
	(tag) =	ssettag s2;
	_ =	strace s9  }
0x27: {  	s1 =	sld [smem:$0x3FAA]  }
0x28: {  	s2 =	sld [smem:$0x3FAB]  }
0x29: {  	s4 =	sld [smem:$0x3FAD]  }
0x2a: {  	p0 =	seq.s32 s5, $0x0;
	s5 =	sld [smem:$0x3FAE]  }
0x2b: {  	s6 =	sld [smem:$0x3FAF]  }
0x2c: {  	s7 =	sld [smem:$0x3FB0]  }
0x2d: {  	s3 =	simm.s32 $0x108;
	s8 =	sld [smem:$0x3FB1]  }
0x2e: {  	s3 =	simm.s32 @!p0 $0x1082;
	s9 =	sld [smem:$0x3FB2]  }
0x2f: {  	lr =	sadd.s32 s0, s3;
	s0 =	sld [smem:$0x3FA9]  }
0x30: {  	s3 =	sld [smem:$0x3FAC]  }
0x31: {  	[smem:$0x3FB5] =	sst s10  }
0x32: {  	s10 =	sld [smem:$0x3FB3];
	_ =	sdelay $0x3  }
0x33: {  	p0 =	seq.s32 s10, $0x1;
	s10 =	sld [smem:$0x3FB5];
	_ =	sdelay $0x3  }
0x34: {  	[smem:$0x3FB5] =	sst s10  }
0x35: {  	s10 =	sld [smem:$0x3FB4];
	_ =	sdelay $0x3  }
0x36: {  	p1 =	seq.s32 s10, $0x1;
	s10 =	sld [smem:$0x3FB5];
	_ =	sdelay $0x3  }
0x37: {  	[smem:$0x3FB5] =	sst s10  }
0x38: {  	s10 =	sld [smem:$0x3FB6]  }
0x39: {  	_ = 	snop;
	(pc) =	sbr.ind lr, $3  }
0x3a: {  	_ = 	snop  }
0x3b: {  	_ = 	snop  }
0x3c: {  	p2 =	seq.s32 s10, $0x1;
	s10 =	sld [smem:$0x3FB5]  }
0x3d: {  	_ =	shalt  }
0x3e: {  	_ =	shalt  }
0x3f: {  	_ =	shalt  }
0x40: {  	_ =	shalt  }
0x41: {  	_ =	shalt  }
0x42: {  	_ =	shalt  }
0x43: {  	_ =	shalt  }
0x44: {  	_ =	shalt  }
0x45: {  	_ =	shalt  }
0x46: {  	_ =	shalt  }
0x47: {  	_ =	shalt  }
0x48: {  	_ =	shalt  }
0x49: {  	_ =	shalt  }
0x4a: {  	_ =	shalt  }
0x4b: {  	_ =	shalt  }
0x4c: {  	_ =	shalt  }
0x4d: {  	_ =	shalt  }
0x4e: {  	_ =	shalt  }
0x4f: {  	_ =	shalt  }
0x50: {  	_ =	shalt  }
0x51: {  	_ =	shalt  }
0x52: {  	_ =	shalt  }
0x53: {  	_ =	shalt  }
0x54: {  	_ =	shalt  }
0x55: {  	_ =	shalt  }
0x56: {  	_ =	shalt  }
0x57: {  	_ =	shalt  }
0x58: {  	_ =	shalt  }
0x59: {  	_ =	shalt  }
0x5a: {  	_ =	shalt  }
0x5b: {  	_ =	shalt  }
0x5c: {  	_ =	shalt  }
0x5d: {  	_ =	shalt  }
0x5e: {  	_ =	shalt  }
0x5f: {  	_ =	shalt  }
0x60: {  	_ =	shalt  }
0x61: {  	_ =	shalt  }
0x62: {  	_ =	shalt  }
0x63: {  	_ =	shalt  }
0x64: {  	_ =	shalt  }
0x65: {  	_ =	shalt  }
0x66: {  	_ =	shalt  }
0x67: {  	_ =	shalt  }
0x68: {  	_ =	shalt  }
0x69: {  	_ =	shalt  }
0x6a: {  	_ =	shalt  }
0x6b: {  	_ =	shalt  }
0x6c: {  	_ =	shalt  }
0x6d: {  	_ =	shalt  }
0x6e: {  	_ =	shalt  }
0x6f: {  	_ =	shalt  }
0x70: {  	_ =	shalt  }
0x71: {  	_ =	shalt  }
0x72: {  	_ =	shalt  }
0x73: {  	_ =	shalt  }
0x74: {  	_ =	shalt  }
0x75: {  	_ =	shalt  }
0x76: {  	_ =	shalt  }
0x77: {  	_ =	shalt  }
0x78: {  	_ =	shalt  }
0x79: {  	_ =	shalt  }
0x7a: {  	_ =	shalt  }
0x7b: {  	_ =	shalt  }
0x7c: {  	_ =	shalt  }
0x7d: {  	_ =	shalt  }
0x7e: {  	_ =	shalt  }
0x7f: {  	_ =	shalt  }
0x80: {  	_ =	shalt  }
0x81: {  	_ =	shalt  }
0x82: {  	_ =	shalt  }
0x83: {  	_ =	shalt  }
0x84: {  	_ =	shalt  }
0x85: {  	_ =	shalt  }
0x86: {  	_ =	shalt  }
0x87: {  	_ =	shalt  }
.Lfunc_end0:
.L_simem_size_0:
called_computation_lowered:
.L_overlay_start_0:
0x88: {  	s2 =	sld [smem:$0x3FD9]  }
0x89: {  	s3 =	sld [smem:$0x3FFE];
	_ =	sdelay $0x1  }
0x8a: {  	s1 =	srdreg.scid  }
0x8b: {  	s0 =	sand.u32 $0x1, s1  }
0x8c: {  	s17 =	sshll.u32 s0, $0xA;
	s2 =	sadd.s32 s3, s2  }
0x8d: {  	s2 =	sadd.s32 s2, s17  }
0x8e: {  	[smem:$0x3FC1] =	sst s2  }
0x8f: {  	_ = 	snop  }
0x90: {  	s2 =	sld [smem:$0x3FC7]  }
0x91: {  	s18 =	sld [smem:$0x3FD0];
	(tm) =	ssettm $0x1  }
0x92: {  	s4 =	sld [smem:$0x3FFB];
	_ =	sdelay $0x3  }
0x93: {  	_ =	strace s4  }
0x94: {  	s4 =	sld [smem:$0x3FFC];
	_ =	sdelay $0x3  }
0x95: {  	_ =	strace s4  }
0x96: {  	s4 =	sld [smem:$0x3FFD];
	_ =	sdelay $0x3  }
0x97: {  	_ =	strace s4  }
0x98: {  	_ =	strace $0x8FFFFFFF  }
0x99: {  	s19 =	sld [smem:$0x3FDB];
	_ =	sdelay $0x1  }
0x9a: {  	s5 =	simm.s32 $_scs_section_size  }
0x9b: {  	s6 =	simm.s32 $_size__tile_overlayer_lowered;
	s7 =	simm.s32 $_tile_overlayer_lowered  }
0x9c: {  	s22 =	simm.s32 $0x1BFF;
	s21 =	sshll.u32 s7, $0x1;
	s4 =	sadd.s32 s5, s19  }
0x9d: {  	s8 =	simm.s32 $0x0;
	s20 =	sshll.u32 s6, $0x1;
	s6 =	sadd.s32 s21, s4  }
0x9e: {  	[timem:s8], [sflag:s22] =	dma.local [hbm:s6], s20  }
0x9f: {  	_ =	swait.ge [sflag:s22], s20  }
0xa0: {  	s5 =	ssub.s32 $0x0, s20;
	[sflag:s22] =	ssyncset.done $0x0  }
0xa1: {  	[sflag:s22] =	ssyncadd.s32 s5;
	_ =	sdelay $0x1  }
0xa2: {  	s23 =	simm.s32 $0x1B8B  }
0xa3: {  	_ =	swait.ge [sflag:s23], $0x1  }
0xa4: {  	[sflag:s23] =	ssyncset.done $0x0  }
0xa5: {  	s25 =	simm.s32 $0x1B8E;
	s24 =	sld [smem:$0x3FFE];
	[sflag:s23] =	ssyncadd.s32 $0xFFFFFFFF  }
0xa6: {  	s26 =	simm.s32 $execute0_lowered;
	[smem:$0x3FD2] =	sst s25  }
0xa7: {  	s6 =	sshll.u32 s26, $0x1;
	_ =	strace $0x80000046;
	[dreg:$0x1] =	wrdreg $0xFFFFFFFF  }
0xa8: {  	s28 =	simm.s32 $_size_execute0_lowered;
	s4 =	sadd.s32 s4, s6;
	[dreg:$0x0] =	wrdreg $0x0  }
0xa9: {  	s6 =	sshll.u32 s28, $0x1;
	[dreg:$0x2] =	wrdreg s4  }
0xaa: {  	[dreg:$0x3] =	wrdreg s6  }
0xab: {  	[dreg:$0x4] =	wrdreg $0xC0  }
0xac: {  	_ =	task [dreg:s8], $0x5FFFF  }
0xad: {  	[dreg:$0x1] =	wrdreg $0xFFFFFFFF  }
0xae: {  	[dreg:$0x0] =	wrdreg $0x60  }
0xaf: {  	[dreg:$0x2] =	wrdreg s24  }
0xb0: {  	[dreg:$0x3] =	wrdreg s2  }
0xb1: {  	[dreg:$0x4] =	wrdreg s18  }
0xb2: {  	[dreg:$0x5] =	wrdreg $0x9  }
0xb3: {  	_ =	task.clear_ibuf [dreg:s8], $0x6FFFF;
	_ =	strace $0x90000046  }
0xb4: {  	s29 =	simm.s32 $0x9;
	_ =	strace $0x80000048  }
0xb5: {  	_ =	swait.ge [sflag:s29], $0x1  }
0xb6: {  	[sflag:s29] =	ssyncadd.s32 $0xFFFFFFFF  }
0xb7: {  	_ =	strace $0x90000048  }
0xb8: {  	_ =	sfence  }
0xb9: {  	s30 =	sld [smem:$0x0];
	_ =	sdelay $0x2  }
0xba: {  	s31 =	sshll.u32 s1, $0xD;
	s1 =	sshrl.u32 s1, $0x2  }
0xbb: {  	s3 =	sand.u32 $0x4000, s31;
	s1 =	sadd.s32 s1, s30  }
0xbc: {  	s0 =	sor.u32 s3, s0;
	s1 =	sshll.u32 s1, $0x11  }
0xbd: {  	s0 =	sor.u32 s1, s0  }
0xbe: {  	s0 =	sadd.s32 $0x8F2B, s0  }
0xbf: {  	[sflag:s0] =	ssyncadd.remote.s32 $0x1  }
0xc0: {  	_ =	sfence.sel $0xFFFF  }
0xc1: {  	[dreg:$0x0] =	wrdreg $0xFFFFFFFF;
	(pc) =	sbr.abs _section_cstart, $3  }
0xc2: {  	[dreg:$0x1] =	wrdreg $0xFFFFFFFF  }
0xc3: {  	_ =	task.clear_ibuf [dreg:s8], $0x2FFFF;
	_ =	strace $0x9FFFFFFF  }
0xc4: {  	(tm) =	ssettm $0x7FFFFFFF  }
0xc5: {  	_ =	shalt  }
tec
execute0_lowered:
.L_overlay_start_1:
0x0: {  	(tag) =	ssettag $0x1  }
0x1: {  	s0 =	srdreg.scid  }
0x2: {  	s1 =	rddreg [dreg:$0x0];
	s3 =	stileid.u32;
	s0 =	sand.u32 $0x1, s0  }
0x3: {  	s2 =	rddreg [dreg:$0x1];
	s3 =	sshll.u32 s3, $0x9;
	s4 =	sshll.u32 s0, $0x8  }
0x4: {  	s5 =	rddreg [dreg:$0x2];
	s4 =	sor.u32 s4, s3  }
0x5: {  	s3 =	simm.s32 $0x0;
	s6 =	sshrl.u32 s4, $0x3;
	s4 =	sshll.u32 s4, $0x7  }
0x6: {  	[smem:$0x7FF] =	sst s3;
	s1 =	sadd.s32 s6, s1;
	s8 =	sadd.s32 s5, s4  }
0x7: {  	_ =	strace $0x80000047;
	s1 =	sadd.s32 $0x2000, s1;
	[smem:$0x7FC] =	sst s8  }
0x8: {  	s19 =	sadd.s32 $0x400, s8;
	[dreg:$0x4] =	wrdreg s1  }
0x9: {  	s20 =	sadd.s32 $0x800, s8;
	[dreg:$0x5] =	wrdreg s19  }
0xa: {  	s21 =	sadd.s32 $0xC00, s8;
	[dreg:$0x6] =	wrdreg s20  }
0xb: {  	s22 =	sadd.s32 $0x1000, s8;
	[dreg:$0x7] =	wrdreg s21  }
0xc: {  	s23 =	sadd.s32 $0x1400, s8;
	[dreg:$0x8] =	wrdreg s22  }
0xd: {  	s24 =	sadd.s32 $0x1800, s8;
	[dreg:$0x9] =	wrdreg s23  }
0xe: {  	s25 =	sadd.s32 $0x1C00, s8;
	[dreg:$0xa] =	wrdreg s24  }
0xf: {  	s26 =	sadd.s32 $0x2000, s8;
	[dreg:$0xb] =	wrdreg s25  }
0x10: {  	s31 =	sadd.s32 $0x2400, s8;
	[dreg:$0xc] =	wrdreg s26  }
0x11: {  	s4 =	sadd.s32 $0x2800, s8;
	[dreg:$0xd] =	wrdreg s31  }
0x12: {  	s5 =	sadd.s32 $0x2C00, s8;
	[dreg:$0xe] =	wrdreg s4  }
0x13: {  	s6 =	sadd.s32 $0x3000, s8;
	[dreg:$0xf] =	wrdreg s5  }
0x14: {  	s7 =	sadd.s32 $0x3400, s8;
	[dreg:$0x10] =	wrdreg s6  }
0x15: {  	s9 =	sadd.s32 $0x3800, s8;
	[dreg:$0x11] =	wrdreg s7  }
0x16: {  	s10 =	sadd.s32 $0x3C00, s8;
	[dreg:$0x12] =	wrdreg s9  }
0x17: {  	s11 =	sadd.s32 $0x4000, s8;
	[dreg:$0x13] =	wrdreg s10  }
0x18: {  	s12 =	sadd.s32 $0x4400, s8;
	[dreg:$0x14] =	wrdreg s11  }
0x19: {  	s13 =	sadd.s32 $0x4800, s8;
	[dreg:$0x15] =	wrdreg s12  }
0x1a: {  	s14 =	sadd.s32 $0x4C00, s8;
	[dreg:$0x16] =	wrdreg s13  }
0x1b: {  	s15 =	sadd.s32 $0x5000, s8;
	[dreg:$0x17] =	wrdreg s14  }
0x1c: {  	s16 =	sadd.s32 $0x5400, s8;
	[dreg:$0x18] =	wrdreg s15  }
0x1d: {  	s29 =	simm.s32 $0x3;
	s17 =	sadd.s32 $0x5800, s8;
	[dreg:$0x19] =	wrdreg s16  }
0x1e: {  	s28 =	simm.s32 $0x10;
	s18 =	sadd.s32 $0x5C00, s8;
	[dreg:$0x1a] =	wrdreg s17  }
0x1f: {  	s30 =	simm.s32 $0x6100;
	s0 =	ssub.s32 $0x2, s0;
	[dreg:$0x1b] =	wrdreg s18  }
0x20: {  	s19 =	sadd.s32 $0x6000, s8;
	s20 =	sadd.s32 $0x6400, s8;
	s21 =	sadd.s32 $0x6800, s8  }
0x21: {  	s22 =	sshrl.u32 s0, $0x1;
	s23 =	sadd.s32 $0x6C00, s8;
	s24 =	sadd.s32 $0x7000, s8  }
0x22: {  	s5 =	sadd.s32 $0x100, s2;
	s25 =	sadd.s32 $0x7400, s8;
	[dreg:$0x1c] =	wrdreg s19  }
0x23: {  	s6 =	sadd.s32 $0x200, s2;
	s26 =	sadd.s32 $0x7800, s8;
	[dreg:$0x1d] =	wrdreg s20  }
0x24: {  	s7 =	sadd.s32 $0x300, s2;
	s31 =	sadd.s32 $0x7C00, s8;
	[dreg:$0x1e] =	wrdreg s21  }
0x25: {  	s10 =	simm.s32 $0x1;
	s9 =	simm.s32 $0x4;
	[dreg:$0x1f] =	wrdreg s23  }
0x26: {  	s15 =	simm.s32 $0x5;
	s1 =	simm.s32 $0x7;
	[smem:$0x7F9] =	sst s24  }
0x27: {  	s11 =	simm.s32 $0x8;
	s12 =	simm.s32 $0xA;
	[smem:$0x7FA] =	sst s25  }
0x28: {  	s13 =	simm.s32 $0xB;
	s17 =	simm.s32 $0xC;
	[smem:$0x7FB] =	sst s26  }
0x29: {  	s16 =	simm.s32 $0xA100;
	s0 =	ssub.s32 s0, s22;
	[smem:$0x7FD] =	sst s31  }
0x2a: {  	v0 =	vlaneseq.u32;
	s23 =	simm.s32 $0x2;
	s22 =	simm.s32 $0x6;
	s20 =	simm.s32 $0xD  }
0x2b: {  	v1 =	vshrl.u32 v0, $0x3;
	s21 =	simm.s32 $0xE;
	s26 =	simm.s32 $0xF;
	s19 =	simm.s32 $0x2100  }
0x2c: {  	vm0 =	vmmov $0xffff;
	v0 =	vand.u32 $0x7, v0;
	v1 =	vmul.u32 $0x8, v1;
	s24 =	simm.s32 $0x4100;
	s25 =	simm.s32 $0xC100;
	s8 =	smax.u32 s0, $0x1  }
.LBB2_1:
0x2d: {  	s31 =	rddreg [dreg:$0x4];
	s14 =	simm.s32 $0x11  }
0x2e: {  	[tilespmem:s3], [sflag:$0x11] =	stream.linear.gather [hbm4b:s31+s3], $0x100, $0x38;
	[tilespmem:$0x10100] =	vst v63  }
0x2f: {  	_ =	swait.ge [sflag:s14], $0x100  }
0x30: {  	[sflag:s14] =	ssyncset.done $0x0  }
0x31: {  	[sflag:s14] =	ssyncadd.s32 $0xFFFFFF00  }
0x32: {  	v2 =	vld.msk [tilespmem:$0x0], $0xff;
	_ =	sdelay $0x4  }
0x33: {  	v3 =	vshll.u32 v2, $0x3  }
0x34: {  	v2 =	vand.u32 $0x7, v2;
	v3 =	vand.u32 $0xFFFFFFC0, v3  }
0x35: {  	v2 =	vor.u32 v2, v3  }
0x36: {  	v2 =	vperm.xlane v2, v0;
	_ =	sdelay $0x1  }
0x37: {  	v2 =	vadd.s32 v1, v2;
	_ =	sdelay $0x3  }
0x38: {  	s14 =	simm.s32 $0x100  }
0x39: {  	[tilespmem:s14], [sflag:$0x1] =	stream.indirect_vreg.gather [hbm4b:s2+s3], $0x80, v2, vm0, $0xb8;
	[tilespmem:$0x10100] =	vst v63  }
0x3a: {  	s0 =	simm.s32 $0x900  }
0x3b: {  	[tilespmem:s0], [sflag:$0x1] =	stream.indirect_vreg.gather [hbm4b:s5+s3], $0x80, v2, vm0, $0xb8;
	[tilespmem:$0x10100] =	vst v63  }
0x3c: {  	s18 =	simm.s32 $0x1100  }
0x3d: {  	[tilespmem:s18], [sflag:$0x1] =	stream.indirect_vreg.gather [hbm4b:s6+s3], $0x80, v2, vm0, $0xb8;
	[tilespmem:$0x10100] =	vst v63  }
0x3e: {  	s31 =	simm.s32 $0x1900  }
0x3f: {  	[tilespmem:s31], [sflag:$0x1] =	stream.indirect_vreg.gather [hbm4b:s7+s3], $0x80, v2, vm0, $0xb8;
	[tilespmem:$0x10100] =	vst v63  }
0x40: {  	v2 =	vld.msk [tilespmem:$0x8], $0xff;
	_ =	sdelay $0x4  }
0x41: {  	v3 =	vshll.u32 v2, $0x3  }
0x42: {  	v2 =	vand.u32 $0x7, v2;
	v3 =	vand.u32 $0xFFFFFFC0, v3  }
0x43: {  	v2 =	vor.u32 v2, v3  }
0x44: {  	v2 =	vperm.xlane v2, v0;
	_ =	sdelay $0x1  }
0x45: {  	v2 =	vadd.s32 v1, v2;
	_ =	sdelay $0x4  }
0x46: {  	[tilespmem:s19], [sflag:$0x2] =	stream.indirect_vreg.gather [hbm4b:s2+s3], $0x80, v2, vm0, $0xb8;
	[tilespmem:$0x10100] =	vst v63  }
0x47: {  	s4 =	simm.s32 $0x2900  }
0x48: {  	[tilespmem:s4], [sflag:$0x2] =	stream.indirect_vreg.gather [hbm4b:s5+s3], $0x80, v2, vm0, $0xb8;
	[tilespmem:$0x10100] =	vst v63  }
0x49: {  	s18 =	simm.s32 $0x3100  }
0x4a: {  	[tilespmem:s18], [sflag:$0x2] =	stream.indirect_vreg.gather [hbm4b:s6+s3], $0x80, v2, vm0, $0xb8;
	[tilespmem:$0x10100] =	vst v63  }
0x4b: {  	s31 =	simm.s32 $0x3900  }
0x4c: {  	[tilespmem:s31], [sflag:$0x2] =	stream.indirect_vreg.gather [hbm4b:s7+s3], $0x80, v2, vm0, $0xb8;
	[tilespmem:$0x10100] =	vst v63  }
0x4d: {  	_ =	swait.ge [sflag:s10], $0x2000  }
0x4e: {  	s4 =	sld [smem:$0x7FC]  }
0x4f: {  	[sflag:s10] =	ssyncset.done $0x0  }
0x50: {  	[sflag:s10] =	ssyncadd.s32 $0xFFFFE000  }
0x51: {  	[hbm4b:s4+s3] =	stream.linear.scatter [tilespmem:s14], [sflag:$0x9], $0x2000, $0x38;
	[tilespmem:$0x10100] =	vst v63  }
0x52: {  	v2 =	vld.msk [tilespmem:$0x10], $0xff;
	_ =	sdelay $0x4  }
0x53: {  	v3 =	vshll.u32 v2, $0x3  }
0x54: {  	v2 =	vand.u32 $0x7, v2;
	v3 =	vand.u32 $0xFFFFFFC0, v3  }
0x55: {  	v2 =	vor.u32 v2, v3  }
0x56: {  	v2 =	vperm.xlane v2, v0;
	_ =	sdelay $0x1  }
0x57: {  	v2 =	vadd.s32 v1, v2;
	_ =	sdelay $0x4  }
0x58: {  	[tilespmem:s24], [sflag:$0x3] =	stream.indirect_vreg.gather [hbm4b:s2+s3], $0x80, v2, vm0, $0xb8;
	[tilespmem:$0x10100] =	vst v63  }
0x59: {  	s18 =	simm.s32 $0x4900  }
0x5a: {  	[tilespmem:s18], [sflag:$0x3] =	stream.indirect_vreg.gather [hbm4b:s5+s3], $0x80, v2, vm0, $0xb8;
	[tilespmem:$0x10100] =	vst v63  }
0x5b: {  	s31 =	simm.s32 $0x5100  }
0x5c: {  	[tilespmem:s31], [sflag:$0x3] =	stream.indirect_vreg.gather [hbm4b:s6+s3], $0x80, v2, vm0, $0xb8;
	[tilespmem:$0x10100] =	vst v63  }
0x5d: {  	s4 =	simm.s32 $0x5900  }
0x5e: {  	[tilespmem:s4], [sflag:$0x3] =	stream.indirect_vreg.gather [hbm4b:s7+s3], $0x80, v2, vm0, $0xb8;
	[tilespmem:$0x10100] =	vst v63  }
0x5f: {  	_ =	swait.ge [sflag:s23], $0x2000  }
0x60: {  	[sflag:s23] =	ssyncset.done $0x0  }
0x61: {  	s18 =	rddreg [dreg:$0x5];
	[sflag:s23] =	ssyncadd.s32 $0xFFFFE000  }
0x62: {  	[hbm4b:s18+s3] =	stream.linear.scatter [tilespmem:s19], [sflag:$0xA], $0x2000, $0x38;
	[tilespmem:$0x10100] =	vst v63  }
0x63: {  	v2 =	vld.msk [tilespmem:$0x18], $0xff;
	_ =	sdelay $0x4  }
0x64: {  	v3 =	vshll.u32 v2, $0x3  }
0x65: {  	v2 =	vand.u32 $0x7, v2;
	v3 =	vand.u32 $0xFFFFFFC0, v3  }
0x66: {  	v2 =	vor.u32 v2, v3  }
0x67: {  	v2 =	vperm.xlane v2, v0;
	_ =	sdelay $0x1  }
0x68: {  	v2 =	vadd.s32 v1, v2;
	_ =	sdelay $0x4  }
0x69: {  	[tilespmem:s30], [sflag:$0x4] =	stream.indirect_vreg.gather [hbm4b:s2+s3], $0x80, v2, vm0, $0xb8;
	[tilespmem:$0x10100] =	vst v63  }
0x6a: {  	s4 =	simm.s32 $0x6900  }
0x6b: {  	[tilespmem:s4], [sflag:$0x4] =	stream.indirect_vreg.gather [hbm4b:s5+s3], $0x80, v2, vm0, $0xb8;
	[tilespmem:$0x10100] =	vst v63  }
0x6c: {  	s31 =	simm.s32 $0x7100  }
0x6d: {  	[tilespmem:s31], [sflag:$0x4] =	stream.indirect_vreg.gather [hbm4b:s6+s3], $0x80, v2, vm0, $0xb8;
	[tilespmem:$0x10100] =	vst v63  }
0x6e: {  	s0 =	simm.s32 $0x7900  }
0x6f: {  	[tilespmem:s0], [sflag:$0x4] =	stream.indirect_vreg.gather [hbm4b:s7+s3], $0x80, v2, vm0, $0xb8;
	[tilespmem:$0x10100] =	vst v63  }
0x70: {  	_ =	swait.ge [sflag:s29], $0x2000  }
0x71: {  	[sflag:s29] =	ssyncset.done $0x0  }
0x72: {  	s4 =	rddreg [dreg:$0x6];
	[sflag:s29] =	ssyncadd.s32 $0xFFFFE000  }
0x73: {  	[hbm4b:s4+s3] =	stream.linear.scatter [tilespmem:s24], [sflag:$0xB], $0x2000, $0x38;
	[tilespmem:$0x10100] =	vst v63  }
0x74: {  	v2 =	vld.msk [tilespmem:$0x20], $0xff;
	_ =	sdelay $0x4  }
0x75: {  	v3 =	vshll.u32 v2, $0x3  }
0x76: {  	v2 =	vand.u32 $0x7, v2;
	v3 =	vand.u32 $0xFFFFFFC0, v3  }
0x77: {  	v2 =	vor.u32 v2, v3  }
0x78: {  	v2 =	vperm.xlane v2, v0;
	_ =	sdelay $0x1  }
0x79: {  	v2 =	vadd.s32 v1, v2;
	_ =	sdelay $0x3  }
0x7a: {  	s4 =	simm.s32 $0x8100  }
0x7b: {  	[tilespmem:s4], [sflag:$0x5] =	stream.indirect_vreg.gather [hbm4b:s2+s3], $0x80, v2, vm0, $0xb8;
	[tilespmem:$0x10100] =	vst v63  }
0x7c: {  	s18 =	simm.s32 $0x8900  }
0x7d: {  	[tilespmem:s18], [sflag:$0x5] =	stream.indirect_vreg.gather [hbm4b:s5+s3], $0x80, v2, vm0, $0xb8;
	[tilespmem:$0x10100] =	vst v63  }
0x7e: {  	s0 =	simm.s32 $0x9100  }
0x7f: {  	[tilespmem:s0], [sflag:$0x5] =	stream.indirect_vreg.gather [hbm4b:s6+s3], $0x80, v2, vm0, $0xb8;
	[tilespmem:$0x10100] =	vst v63  }
0x80: {  	s18 =	simm.s32 $0x9900  }
0x81: {  	[tilespmem:s18], [sflag:$0x5] =	stream.indirect_vreg.gather [hbm4b:s7+s3], $0x80, v2, vm0, $0xb8;
	[tilespmem:$0x10100] =	vst v63  }
0x82: {  	_ =	swait.ge [sflag:s9], $0x2000  }
0x83: {  	[sflag:s9] =	ssyncset.done $0x0  }
0x84: {  	s0 =	rddreg [dreg:$0x7];
	[sflag:s9] =	ssyncadd.s32 $0xFFFFE000  }
0x85: {  	[hbm4b:s0+s3] =	stream.linear.scatter [tilespmem:s30], [sflag:$0xC], $0x2000, $0x38;
	[tilespmem:$0x10100] =	vst v63  }
0x86: {  	v2 =	vld.msk [tilespmem:$0x28], $0xff;
	_ =	sdelay $0x4  }
0x87: {  	v3 =	vshll.u32 v2, $0x3  }
0x88: {  	v2 =	vand.u32 $0x7, v2;
	v3 =	vand.u32 $0xFFFFFFC0, v3  }
0x89: {  	v2 =	vor.u32 v2, v3  }
0x8a: {  	v2 =	vperm.xlane v2, v0;
	_ =	sdelay $0x1  }
0x8b: {  	v2 =	vadd.s32 v1, v2;
	_ =	sdelay $0x4  }
0x8c: {  	[tilespmem:s16], [sflag:$0x6] =	stream.indirect_vreg.gather [hbm4b:s2+s3], $0x80, v2, vm0, $0xb8;
	[tilespmem:$0x10100] =	vst v63  }
0x8d: {  	s18 =	simm.s32 $0xA900  }
0x8e: {  	[tilespmem:s18], [sflag:$0x6] =	stream.indirect_vreg.gather [hbm4b:s5+s3], $0x80, v2, vm0, $0xb8;
	[tilespmem:$0x10100] =	vst v63  }
0x8f: {  	s0 =	simm.s32 $0xB100  }
0x90: {  	[tilespmem:s0], [sflag:$0x6] =	stream.indirect_vreg.gather [hbm4b:s6+s3], $0x80, v2, vm0, $0xb8;
	[tilespmem:$0x10100] =	vst v63  }
0x91: {  	s18 =	simm.s32 $0xB900  }
0x92: {  	[tilespmem:s18], [sflag:$0x6] =	stream.indirect_vreg.gather [hbm4b:s7+s3], $0x80, v2, vm0, $0xb8;
	[tilespmem:$0x10100] =	vst v63  }
0x93: {  	_ =	swait.ge [sflag:s15], $0x2000  }
0x94: {  	[sflag:s15] =	ssyncset.done $0x0  }
0x95: {  	s0 =	rddreg [dreg:$0x8];
	[sflag:s15] =	ssyncadd.s32 $0xFFFFE000  }
0x96: {  	[hbm4b:s0+s3] =	stream.linear.scatter [tilespmem:s4], [sflag:$0xD], $0x2000, $0x38;
	[tilespmem:$0x10100] =	vst v63  }
0x97: {  	v2 =	vld.msk [tilespmem:$0x30], $0xff;
	_ =	sdelay $0x4  }
0x98: {  	v3 =	vshll.u32 v2, $0x3  }
0x99: {  	v2 =	vand.u32 $0x7, v2;
	v3 =	vand.u32 $0xFFFFFFC0, v3  }
0x9a: {  	v2 =	vor.u32 v2, v3  }
0x9b: {  	v2 =	vperm.xlane v2, v0;
	_ =	sdelay $0x1  }
0x9c: {  	v2 =	vadd.s32 v1, v2;
	_ =	sdelay $0x4  }
0x9d: {  	[tilespmem:s25], [sflag:$0x7] =	stream.indirect_vreg.gather [hbm4b:s2+s3], $0x80, v2, vm0, $0xb8;
	[tilespmem:$0x10100] =	vst v63  }
0x9e: {  	s18 =	simm.s32 $0xC900  }
0x9f: {  	[tilespmem:s18], [sflag:$0x7] =	stream.indirect_vreg.gather [hbm4b:s5+s3], $0x80, v2, vm0, $0xb8;
	[tilespmem:$0x10100] =	vst v63  }
0xa0: {  	s0 =	simm.s32 $0xD100  }
0xa1: {  	[tilespmem:s0], [sflag:$0x7] =	stream.indirect_vreg.gather [hbm4b:s6+s3], $0x80, v2, vm0, $0xb8;
	[tilespmem:$0x10100] =	vst v63  }
0xa2: {  	s18 =	simm.s32 $0xD900  }
0xa3: {  	[tilespmem:s18], [sflag:$0x7] =	stream.indirect_vreg.gather [hbm4b:s7+s3], $0x80, v2, vm0, $0xb8;
	[tilespmem:$0x10100] =	vst v63  }
0xa4: {  	_ =	swait.ge [sflag:s22], $0x2000  }
0xa5: {  	[sflag:s22] =	ssyncset.done $0x0  }
0xa6: {  	s0 =	rddreg [dreg:$0x9];
	[sflag:s22] =	ssyncadd.s32 $0xFFFFE000  }
0xa7: {  	[hbm4b:s0+s3] =	stream.linear.scatter [tilespmem:s16], [sflag:$0xE], $0x2000, $0x38;
	[tilespmem:$0x10100] =	vst v63  }
0xa8: {  	v2 =	vld.msk [tilespmem:$0x38], $0xff;
	_ =	sdelay $0x4  }
0xa9: {  	v3 =	vshll.u32 v2, $0x3  }
0xaa: {  	v2 =	vand.u32 $0x7, v2;
	v3 =	vand.u32 $0xFFFFFFC0, v3  }
0xab: {  	v2 =	vor.u32 v2, v3  }
0xac: {  	v2 =	vperm.xlane v2, v0;
	_ =	sdelay $0x1  }
0xad: {  	v2 =	vadd.s32 v1, v2;
	_ =	sdelay $0x3  }
0xae: {  	s0 =	simm.s32 $0xE100  }
0xaf: {  	[tilespmem:s0], [sflag:$0x8] =	stream.indirect_vreg.gather [hbm4b:s2+s3], $0x80, v2, vm0, $0xb8;
	[tilespmem:$0x10100] =	vst v63  }
0xb0: {  	s18 =	simm.s32 $0xE900  }
0xb1: {  	[tilespmem:s18], [sflag:$0x8] =	stream.indirect_vreg.gather [hbm4b:s5+s3], $0x80, v2, vm0, $0xb8;
	[tilespmem:$0x10100] =	vst v63  }
0xb2: {  	s18 =	simm.s32 $0xF100  }
0xb3: {  	[tilespmem:s18], [sflag:$0x8] =	stream.indirect_vreg.gather [hbm4b:s6+s3], $0x80, v2, vm0, $0xb8;
	[tilespmem:$0x10100] =	vst v63  }
0xb4: {  	s18 =	simm.s32 $0xF900  }
0xb5: {  	[tilespmem:s18], [sflag:$0x8] =	stream.indirect_vreg.gather [hbm4b:s7+s3], $0x80, v2, vm0, $0xb8;
	[tilespmem:$0x10100] =	vst v63  }
0xb6: {  	_ =	swait.ge [sflag:s1], $0x2000  }
0xb7: {  	[sflag:s1] =	ssyncset.done $0x0  }
0xb8: {  	s18 =	rddreg [dreg:$0xa];
	[sflag:s1] =	ssyncadd.s32 $0xFFFFE000  }
0xb9: {  	[hbm4b:s18+s3] =	stream.linear.scatter [tilespmem:s25], [sflag:$0xF], $0x2000, $0x38;
	[tilespmem:$0x10100] =	vst v63  }
0xba: {  	s18 =	simm.s32 $0x9  }
0xbb: {  	_ =	swait.ge [sflag:s18], $0x2000  }
0xbc: {  	[sflag:s18] =	ssyncset.done $0x0  }
0xbd: {  	[sflag:s18] =	ssyncadd.s32 $0xFFFFE000  }
0xbe: {  	v2 =	vld.msk [tilespmem:$0x40], $0xff;
	_ =	sdelay $0x4  }
0xbf: {  	v3 =	vshll.u32 v2, $0x3  }
0xc0: {  	v2 =	vand.u32 $0x7, v2;
	v3 =	vand.u32 $0xFFFFFFC0, v3  }
0xc1: {  	v2 =	vor.u32 v2, v3  }
0xc2: {  	v2 =	vperm.xlane v2, v0;
	_ =	sdelay $0x1  }
0xc3: {  	v2 =	vadd.s32 v1, v2;
	_ =	sdelay $0x4  }
0xc4: {  	[tilespmem:s14], [sflag:$0x1] =	stream.indirect_vreg.gather [hbm4b:s2+s3], $0x80, v2, vm0, $0xb8;
	[tilespmem:$0x10100] =	vst v63  }
0xc5: {  	s31 =	simm.s32 $0x900  }
0xc6: {  	[tilespmem:s31], [sflag:$0x1] =	stream.indirect_vreg.gather [hbm4b:s5+s3], $0x80, v2, vm0, $0xb8;
	[tilespmem:$0x10100] =	vst v63  }
0xc7: {  	s31 =	simm.s32 $0x1100  }
0xc8: {  	[tilespmem:s31], [sflag:$0x1] =	stream.indirect_vreg.gather [hbm4b:s6+s3], $0x80, v2, vm0, $0xb8;
	[tilespmem:$0x10100] =	vst v63  }
0xc9: {  	s31 =	simm.s32 $0x1900  }
0xca: {  	[tilespmem:s31], [sflag:$0x1] =	stream.indirect_vreg.gather [hbm4b:s7+s3], $0x80, v2, vm0, $0xb8;
	[tilespmem:$0x10100] =	vst v63  }
0xcb: {  	_ =	swait.ge [sflag:s11], $0x2000  }
0xcc: {  	[sflag:s11] =	ssyncset.done $0x0  }
0xcd: {  	s31 =	rddreg [dreg:$0xb];
	[sflag:s11] =	ssyncadd.s32 $0xFFFFE000  }
0xce: {  	[hbm4b:s31+s3] =	stream.linear.scatter [tilespmem:s0], [sflag:$0x10], $0x2000, $0x38;
	[tilespmem:$0x10100] =	vst v63  }
0xcf: {  	_ =	swait.ge [sflag:s12], $0x2000  }
0xd0: {  	[sflag:s12] =	ssyncset.done $0x0  }
0xd1: {  	[sflag:s12] =	ssyncadd.s32 $0xFFFFE000  }
0xd2: {  	v2 =	vld.msk [tilespmem:$0x48], $0xff;
	_ =	sdelay $0x4  }
0xd3: {  	v3 =	vshll.u32 v2, $0x3  }
0xd4: {  	v2 =	vand.u32 $0x7, v2;
	v3 =	vand.u32 $0xFFFFFFC0, v3  }
0xd5: {  	v2 =	vor.u32 v2, v3  }
0xd6: {  	v2 =	vperm.xlane v2, v0;
	_ =	sdelay $0x1  }
0xd7: {  	v2 =	vadd.s32 v1, v2;
	_ =	sdelay $0x4  }
0xd8: {  	[tilespmem:s19], [sflag:$0x2] =	stream.indirect_vreg.gather [hbm4b:s2+s3], $0x80, v2, vm0, $0xb8;
	[tilespmem:$0x10100] =	vst v63  }
0xd9: {  	s31 =	simm.s32 $0x2900  }
0xda: {  	[tilespmem:s31], [sflag:$0x2] =	stream.indirect_vreg.gather [hbm4b:s5+s3], $0x80, v2, vm0, $0xb8;
	[tilespmem:$0x10100] =	vst v63  }
0xdb: {  	s31 =	simm.s32 $0x3100  }
0xdc: {  	[tilespmem:s31], [sflag:$0x2] =	stream.indirect_vreg.gather [hbm4b:s6+s3], $0x80, v2, vm0, $0xb8;
	[tilespmem:$0x10100] =	vst v63  }
0xdd: {  	s31 =	simm.s32 $0x3900  }
0xde: {  	[tilespmem:s31], [sflag:$0x2] =	stream.indirect_vreg.gather [hbm4b:s7+s3], $0x80, v2, vm0, $0xb8;
	[tilespmem:$0x10100] =	vst v63  }
0xdf: {  	_ =	swait.ge [sflag:s10], $0x2000  }
0xe0: {  	[sflag:s10] =	ssyncset.done $0x0  }
0xe1: {  	s31 =	rddreg [dreg:$0xc];
	[sflag:s10] =	ssyncadd.s32 $0xFFFFE000  }
0xe2: {  	[hbm4b:s31+s3] =	stream.linear.scatter [tilespmem:s14], [sflag:$0x9], $0x2000, $0x38;
	[tilespmem:$0x10100] =	vst v63  }
0xe3: {  	_ =	swait.ge [sflag:s13], $0x2000  }
0xe4: {  	[sflag:s13] =	ssyncset.done $0x0  }
0xe5: {  	[sflag:s13] =	ssyncadd.s32 $0xFFFFE000  }
0xe6: {  	v2 =	vld.msk [tilespmem:$0x50], $0xff;
	_ =	sdelay $0x4  }
0xe7: {  	v3 =	vshll.u32 v2, $0x3  }
0xe8: {  	v2 =	vand.u32 $0x7, v2;
	v3 =	vand.u32 $0xFFFFFFC0, v3  }
0xe9: {  	v2 =	vor.u32 v2, v3  }
0xea: {  	v2 =	vperm.xlane v2, v0;
	_ =	sdelay $0x1  }
0xeb: {  	v2 =	vadd.s32 v1, v2;
	_ =	sdelay $0x4  }
0xec: {  	[tilespmem:s24], [sflag:$0x3] =	stream.indirect_vreg.gather [hbm4b:s2+s3], $0x80, v2, vm0, $0xb8;
	[tilespmem:$0x10100] =	vst v63  }
0xed: {  	s31 =	simm.s32 $0x4900  }
0xee: {  	[tilespmem:s31], [sflag:$0x3] =	stream.indirect_vreg.gather [hbm4b:s5+s3], $0x80, v2, vm0, $0xb8;
	[tilespmem:$0x10100] =	vst v63  }
0xef: {  	s31 =	simm.s32 $0x5100  }
0xf0: {  	[tilespmem:s31], [sflag:$0x3] =	stream.indirect_vreg.gather [hbm4b:s6+s3], $0x80, v2, vm0, $0xb8;
	[tilespmem:$0x10100] =	vst v63  }
0xf1: {  	s31 =	simm.s32 $0x5900  }
0xf2: {  	[tilespmem:s31], [sflag:$0x3] =	stream.indirect_vreg.gather [hbm4b:s7+s3], $0x80, v2, vm0, $0xb8;
	[tilespmem:$0x10100] =	vst v63  }
0xf3: {  	_ =	swait.ge [sflag:s23], $0x2000  }
0xf4: {  	[sflag:s23] =	ssyncset.done $0x0  }
0xf5: {  	s31 =	rddreg [dreg:$0xd];
	[sflag:s23] =	ssyncadd.s32 $0xFFFFE000  }
0xf6: {  	[hbm4b:s31+s3] =	stream.linear.scatter [tilespmem:s19], [sflag:$0xA], $0x2000, $0x38;
	[tilespmem:$0x10100] =	vst v63  }
0xf7: {  	_ =	swait.ge [sflag:s17], $0x2000  }
0xf8: {  	[sflag:s17] =	ssyncset.done $0x0  }
0xf9: {  	[sflag:s17] =	ssyncadd.s32 $0xFFFFE000  }
0xfa: {  	v2 =	vld.msk [tilespmem:$0x58], $0xff;
	_ =	sdelay $0x4  }
0xfb: {  	v3 =	vshll.u32 v2, $0x3  }
0xfc: {  	v2 =	vand.u32 $0x7, v2;
	v3 =	vand.u32 $0xFFFFFFC0, v3  }
0xfd: {  	v2 =	vor.u32 v2, v3  }
0xfe: {  	v2 =	vperm.xlane v2, v0;
	_ =	sdelay $0x1  }
0xff: {  	v2 =	vadd.s32 v1, v2;
	_ =	sdelay $0x4  }
0x100: {  	[tilespmem:s30], [sflag:$0x4] =	stream.indirect_vreg.gather [hbm4b:s2+s3], $0x80, v2, vm0, $0xb8;
	[tilespmem:$0x10100] =	vst v63  }
0x101: {  	s31 =	simm.s32 $0x6900  }
0x102: {  	[tilespmem:s31], [sflag:$0x4] =	stream.indirect_vreg.gather [hbm4b:s5+s3], $0x80, v2, vm0, $0xb8;
	[tilespmem:$0x10100] =	vst v63  }
0x103: {  	s31 =	simm.s32 $0x7100  }
0x104: {  	[tilespmem:s31], [sflag:$0x4] =	stream.indirect_vreg.gather [hbm4b:s6+s3], $0x80, v2, vm0, $0xb8;
	[tilespmem:$0x10100] =	vst v63  }
0x105: {  	s31 =	simm.s32 $0x7900  }
0x106: {  	[tilespmem:s31], [sflag:$0x4] =	stream.indirect_vreg.gather [hbm4b:s7+s3], $0x80, v2, vm0, $0xb8;
	[tilespmem:$0x10100] =	vst v63  }
0x107: {  	_ =	swait.ge [sflag:s29], $0x2000  }
0x108: {  	[sflag:s29] =	ssyncset.done $0x0  }
0x109: {  	s31 =	rddreg [dreg:$0xe];
	[sflag:s29] =	ssyncadd.s32 $0xFFFFE000  }
0x10a: {  	[hbm4b:s31+s3] =	stream.linear.scatter [tilespmem:s24], [sflag:$0xB], $0x2000, $0x38;
	[tilespmem:$0x10100] =	vst v63  }
0x10b: {  	_ =	swait.ge [sflag:s20], $0x2000  }
0x10c: {  	[sflag:s20] =	ssyncset.done $0x0  }
0x10d: {  	[sflag:s20] =	ssyncadd.s32 $0xFFFFE000  }
0x10e: {  	v2 =	vld.msk [tilespmem:$0x60], $0xff;
	_ =	sdelay $0x4  }
0x10f: {  	v3 =	vshll.u32 v2, $0x3  }
0x110: {  	v2 =	vand.u32 $0x7, v2;
	v3 =	vand.u32 $0xFFFFFFC0, v3  }
0x111: {  	v2 =	vor.u32 v2, v3  }
0x112: {  	v2 =	vperm.xlane v2, v0;
	_ =	sdelay $0x1  }
0x113: {  	v2 =	vadd.s32 v1, v2;
	_ =	sdelay $0x4  }
0x114: {  	[tilespmem:s4], [sflag:$0x5] =	stream.indirect_vreg.gather [hbm4b:s2+s3], $0x80, v2, vm0, $0xb8;
	[tilespmem:$0x10100] =	vst v63  }
0x115: {  	s31 =	simm.s32 $0x8900  }
0x116: {  	[tilespmem:s31], [sflag:$0x5] =	stream.indirect_vreg.gather [hbm4b:s5+s3], $0x80, v2, vm0, $0xb8;
	[tilespmem:$0x10100] =	vst v63  }
0x117: {  	s31 =	simm.s32 $0x9100  }
0x118: {  	[tilespmem:s31], [sflag:$0x5] =	stream.indirect_vreg.gather [hbm4b:s6+s3], $0x80, v2, vm0, $0xb8;
	[tilespmem:$0x10100] =	vst v63  }
0x119: {  	s31 =	simm.s32 $0x9900  }
0x11a: {  	[tilespmem:s31], [sflag:$0x5] =	stream.indirect_vreg.gather [hbm4b:s7+s3], $0x80, v2, vm0, $0xb8;
	[tilespmem:$0x10100] =	vst v63  }
0x11b: {  	_ =	swait.ge [sflag:s9], $0x2000  }
0x11c: {  	[sflag:s9] =	ssyncset.done $0x0  }
0x11d: {  	s31 =	rddreg [dreg:$0xf];
	[sflag:s9] =	ssyncadd.s32 $0xFFFFE000  }
0x11e: {  	[hbm4b:s31+s3] =	stream.linear.scatter [tilespmem:s30], [sflag:$0xC], $0x2000, $0x38;
	[tilespmem:$0x10100] =	vst v63  }
0x11f: {  	_ =	swait.ge [sflag:s21], $0x2000  }
0x120: {  	[sflag:s21] =	ssyncset.done $0x0  }
0x121: {  	[sflag:s21] =	ssyncadd.s32 $0xFFFFE000  }
0x122: {  	v2 =	vld.msk [tilespmem:$0x68], $0xff;
	_ =	sdelay $0x4  }
0x123: {  	v3 =	vshll.u32 v2, $0x3  }
0x124: {  	v2 =	vand.u32 $0x7, v2;
	v3 =	vand.u32 $0xFFFFFFC0, v3  }
0x125: {  	v2 =	vor.u32 v2, v3  }
0x126: {  	v2 =	vperm.xlane v2, v0;
	_ =	sdelay $0x1  }
0x127: {  	v2 =	vadd.s32 v1, v2;
	_ =	sdelay $0x4  }
0x128: {  	[tilespmem:s16], [sflag:$0x6] =	stream.indirect_vreg.gather [hbm4b:s2+s3], $0x80, v2, vm0, $0xb8;
	[tilespmem:$0x10100] =	vst v63  }
0x129: {  	s31 =	simm.s32 $0xA900  }
0x12a: {  	[tilespmem:s31], [sflag:$0x6] =	stream.indirect_vreg.gather [hbm4b:s5+s3], $0x80, v2, vm0, $0xb8;
	[tilespmem:$0x10100] =	vst v63  }
0x12b: {  	s31 =	simm.s32 $0xB100  }
0x12c: {  	[tilespmem:s31], [sflag:$0x6] =	stream.indirect_vreg.gather [hbm4b:s6+s3], $0x80, v2, vm0, $0xb8;
	[tilespmem:$0x10100] =	vst v63  }
0x12d: {  	s31 =	simm.s32 $0xB900  }
0x12e: {  	[tilespmem:s31], [sflag:$0x6] =	stream.indirect_vreg.gather [hbm4b:s7+s3], $0x80, v2, vm0, $0xb8;
	[tilespmem:$0x10100] =	vst v63  }
0x12f: {  	_ =	swait.ge [sflag:s15], $0x2000  }
0x130: {  	[sflag:s15] =	ssyncset.done $0x0  }
0x131: {  	s31 =	rddreg [dreg:$0x10];
	[sflag:s15] =	ssyncadd.s32 $0xFFFFE000  }
0x132: {  	[hbm4b:s31+s3] =	stream.linear.scatter [tilespmem:s4], [sflag:$0xD], $0x2000, $0x38;
	[tilespmem:$0x10100] =	vst v63  }
0x133: {  	_ =	swait.ge [sflag:s26], $0x2000  }
0x134: {  	[sflag:s26] =	ssyncset.done $0x0  }
0x135: {  	[sflag:s26] =	ssyncadd.s32 $0xFFFFE000  }
0x136: {  	v2 =	vld.msk [tilespmem:$0x70], $0xff;
	_ =	sdelay $0x4  }
0x137: {  	v3 =	vshll.u32 v2, $0x3  }
0x138: {  	v2 =	vand.u32 $0x7, v2;
	v3 =	vand.u32 $0xFFFFFFC0, v3  }
0x139: {  	v2 =	vor.u32 v2, v3  }
0x13a: {  	v2 =	vperm.xlane v2, v0;
	_ =	sdelay $0x1  }
0x13b: {  	v2 =	vadd.s32 v1, v2;
	_ =	sdelay $0x4  }
0x13c: {  	[tilespmem:s25], [sflag:$0x7] =	stream.indirect_vreg.gather [hbm4b:s2+s3], $0x80, v2, vm0, $0xb8;
	[tilespmem:$0x10100] =	vst v63  }
0x13d: {  	s31 =	simm.s32 $0xC900  }
0x13e: {  	[tilespmem:s31], [sflag:$0x7] =	stream.indirect_vreg.gather [hbm4b:s5+s3], $0x80, v2, vm0, $0xb8;
	[tilespmem:$0x10100] =	vst v63  }
0x13f: {  	s31 =	simm.s32 $0xD100  }
0x140: {  	[tilespmem:s31], [sflag:$0x7] =	stream.indirect_vreg.gather [hbm4b:s6+s3], $0x80, v2, vm0, $0xb8;
	[tilespmem:$0x10100] =	vst v63  }
0x141: {  	s31 =	simm.s32 $0xD900  }
0x142: {  	[tilespmem:s31], [sflag:$0x7] =	stream.indirect_vreg.gather [hbm4b:s7+s3], $0x80, v2, vm0, $0xb8;
	[tilespmem:$0x10100] =	vst v63  }
0x143: {  	_ =	swait.ge [sflag:s22], $0x2000  }
0x144: {  	[sflag:s22] =	ssyncset.done $0x0  }
0x145: {  	s31 =	rddreg [dreg:$0x11];
	[sflag:s22] =	ssyncadd.s32 $0xFFFFE000  }
0x146: {  	[hbm4b:s31+s3] =	stream.linear.scatter [tilespmem:s16], [sflag:$0xE], $0x2000, $0x38;
	[tilespmem:$0x10100] =	vst v63  }
0x147: {  	_ =	swait.ge [sflag:s28], $0x2000  }
0x148: {  	[sflag:s28] =	ssyncset.done $0x0  }
0x149: {  	[sflag:s28] =	ssyncadd.s32 $0xFFFFE000  }
0x14a: {  	v2 =	vld.msk [tilespmem:$0x78], $0xff;
	_ =	sdelay $0x4  }
0x14b: {  	v3 =	vshll.u32 v2, $0x3  }
0x14c: {  	v2 =	vand.u32 $0x7, v2;
	v3 =	vand.u32 $0xFFFFFFC0, v3  }
0x14d: {  	v2 =	vor.u32 v2, v3  }
0x14e: {  	v2 =	vperm.xlane v2, v0;
	_ =	sdelay $0x1  }
0x14f: {  	v2 =	vadd.s32 v1, v2;
	_ =	sdelay $0x4  }
0x150: {  	[tilespmem:s0], [sflag:$0x8] =	stream.indirect_vreg.gather [hbm4b:s2+s3], $0x80, v2, vm0, $0xb8;
	[tilespmem:$0x10100] =	vst v63  }
0x151: {  	s31 =	simm.s32 $0xE900  }
0x152: {  	[tilespmem:s31], [sflag:$0x8] =	stream.indirect_vreg.gather [hbm4b:s5+s3], $0x80, v2, vm0, $0xb8;
	[tilespmem:$0x10100] =	vst v63  }
0x153: {  	s31 =	simm.s32 $0xF100  }
0x154: {  	[tilespmem:s31], [sflag:$0x8] =	stream.indirect_vreg.gather [hbm4b:s6+s3], $0x80, v2, vm0, $0xb8;
	[tilespmem:$0x10100] =	vst v63  }
0x155: {  	s31 =	simm.s32 $0xF900  }
0x156: {  	[tilespmem:s31], [sflag:$0x8] =	stream.indirect_vreg.gather [hbm4b:s7+s3], $0x80, v2, vm0, $0xb8;
	[tilespmem:$0x10100] =	vst v63  }
0x157: {  	_ =	swait.ge [sflag:s1], $0x2000  }
0x158: {  	[sflag:s1] =	ssyncset.done $0x0  }
0x159: {  	s31 =	rddreg [dreg:$0x12];
	[sflag:s1] =	ssyncadd.s32 $0xFFFFE000  }
0x15a: {  	[hbm4b:s31+s3] =	stream.linear.scatter [tilespmem:s25], [sflag:$0xF], $0x2000, $0x38;
	[tilespmem:$0x10100] =	vst v63  }
0x15b: {  	_ =	swait.ge [sflag:s18], $0x2000  }
0x15c: {  	[sflag:s18] =	ssyncset.done $0x0  }
0x15d: {  	[sflag:s18] =	ssyncadd.s32 $0xFFFFE000  }
0x15e: {  	v2 =	vld.msk [tilespmem:$0x80], $0xff;
	_ =	sdelay $0x4  }
0x15f: {  	v3 =	vshll.u32 v2, $0x3  }
0x160: {  	v2 =	vand.u32 $0x7, v2;
	v3 =	vand.u32 $0xFFFFFFC0, v3  }
0x161: {  	v2 =	vor.u32 v2, v3  }
0x162: {  	v2 =	vperm.xlane v2, v0;
	_ =	sdelay $0x1  }
0x163: {  	v2 =	vadd.s32 v1, v2;
	_ =	sdelay $0x4  }
0x164: {  	[tilespmem:s14], [sflag:$0x1] =	stream.indirect_vreg.gather [hbm4b:s2+s3], $0x80, v2, vm0, $0xb8;
	[tilespmem:$0x10100] =	vst v63  }
0x165: {  	s31 =	simm.s32 $0x900  }
0x166: {  	[tilespmem:s31], [sflag:$0x1] =	stream.indirect_vreg.gather [hbm4b:s5+s3], $0x80, v2, vm0, $0xb8;
	[tilespmem:$0x10100] =	vst v63  }
0x167: {  	s31 =	simm.s32 $0x1100  }
0x168: {  	[tilespmem:s31], [sflag:$0x1] =	stream.indirect_vreg.gather [hbm4b:s6+s3], $0x80, v2, vm0, $0xb8;
	[tilespmem:$0x10100] =	vst v63  }
0x169: {  	s31 =	simm.s32 $0x1900  }
0x16a: {  	[tilespmem:s31], [sflag:$0x1] =	stream.indirect_vreg.gather [hbm4b:s7+s3], $0x80, v2, vm0, $0xb8;
	[tilespmem:$0x10100] =	vst v63  }
0x16b: {  	_ =	swait.ge [sflag:s11], $0x2000  }
0x16c: {  	[sflag:s11] =	ssyncset.done $0x0  }
0x16d: {  	s31 =	rddreg [dreg:$0x13];
	[sflag:s11] =	ssyncadd.s32 $0xFFFFE000  }
0x16e: {  	[hbm4b:s31+s3] =	stream.linear.scatter [tilespmem:s0], [sflag:$0x10], $0x2000, $0x38;
	[tilespmem:$0x10100] =	vst v63  }
0x16f: {  	_ =	swait.ge [sflag:s12], $0x2000  }
0x170: {  	[sflag:s12] =	ssyncset.done $0x0  }
0x171: {  	[sflag:s12] =	ssyncadd.s32 $0xFFFFE000  }
0x172: {  	v2 =	vld.msk [tilespmem:$0x88], $0xff;
	_ =	sdelay $0x4  }
0x173: {  	v3 =	vshll.u32 v2, $0x3  }
0x174: {  	v2 =	vand.u32 $0x7, v2;
	v3 =	vand.u32 $0xFFFFFFC0, v3  }
0x175: {  	v2 =	vor.u32 v2, v3  }
0x176: {  	v2 =	vperm.xlane v2, v0;
	_ =	sdelay $0x1  }
0x177: {  	v2 =	vadd.s32 v1, v2;
	_ =	sdelay $0x4  }
0x178: {  	[tilespmem:s19], [sflag:$0x2] =	stream.indirect_vreg.gather [hbm4b:s2+s3], $0x80, v2, vm0, $0xb8;
	[tilespmem:$0x10100] =	vst v63  }
0x179: {  	s31 =	simm.s32 $0x2900  }
0x17a: {  	[tilespmem:s31], [sflag:$0x2] =	stream.indirect_vreg.gather [hbm4b:s5+s3], $0x80, v2, vm0, $0xb8;
	[tilespmem:$0x10100] =	vst v63  }
0x17b: {  	s31 =	simm.s32 $0x3100  }
0x17c: {  	[tilespmem:s31], [sflag:$0x2] =	stream.indirect_vreg.gather [hbm4b:s6+s3], $0x80, v2, vm0, $0xb8;
	[tilespmem:$0x10100] =	vst v63  }
0x17d: {  	s31 =	simm.s32 $0x3900  }
0x17e: {  	[tilespmem:s31], [sflag:$0x2] =	stream.indirect_vreg.gather [hbm4b:s7+s3], $0x80, v2, vm0, $0xb8;
	[tilespmem:$0x10100] =	vst v63  }
0x17f: {  	_ =	swait.ge [sflag:s10], $0x2000  }
0x180: {  	[sflag:s10] =	ssyncset.done $0x0  }
0x181: {  	s31 =	rddreg [dreg:$0x14];
	[sflag:s10] =	ssyncadd.s32 $0xFFFFE000  }
0x182: {  	[hbm4b:s31+s3] =	stream.linear.scatter [tilespmem:s14], [sflag:$0x9], $0x2000, $0x38;
	[tilespmem:$0x10100] =	vst v63  }
0x183: {  	_ =	swait.ge [sflag:s13], $0x2000  }
0x184: {  	[sflag:s13] =	ssyncset.done $0x0  }
0x185: {  	[sflag:s13] =	ssyncadd.s32 $0xFFFFE000  }
0x186: {  	v2 =	vld.msk [tilespmem:$0x90], $0xff;
	_ =	sdelay $0x4  }
0x187: {  	v3 =	vshll.u32 v2, $0x3  }
0x188: {  	v2 =	vand.u32 $0x7, v2;
	v3 =	vand.u32 $0xFFFFFFC0, v3  }
0x189: {  	v2 =	vor.u32 v2, v3  }
0x18a: {  	v2 =	vperm.xlane v2, v0;
	_ =	sdelay $0x1  }
0x18b: {  	v2 =	vadd.s32 v1, v2;
	_ =	sdelay $0x4  }
0x18c: {  	[tilespmem:s24], [sflag:$0x3] =	stream.indirect_vreg.gather [hbm4b:s2+s3], $0x80, v2, vm0, $0xb8;
	[tilespmem:$0x10100] =	vst v63  }
0x18d: {  	s31 =	simm.s32 $0x4900  }
0x18e: {  	[tilespmem:s31], [sflag:$0x3] =	stream.indirect_vreg.gather [hbm4b:s5+s3], $0x80, v2, vm0, $0xb8;
	[tilespmem:$0x10100] =	vst v63  }
0x18f: {  	s31 =	simm.s32 $0x5100  }
0x190: {  	[tilespmem:s31], [sflag:$0x3] =	stream.indirect_vreg.gather [hbm4b:s6+s3], $0x80, v2, vm0, $0xb8;
	[tilespmem:$0x10100] =	vst v63  }
0x191: {  	s31 =	simm.s32 $0x5900  }
0x192: {  	[tilespmem:s31], [sflag:$0x3] =	stream.indirect_vreg.gather [hbm4b:s7+s3], $0x80, v2, vm0, $0xb8;
	[tilespmem:$0x10100] =	vst v63  }
0x193: {  	_ =	swait.ge [sflag:s23], $0x2000  }
0x194: {  	[sflag:s23] =	ssyncset.done $0x0  }
0x195: {  	s31 =	rddreg [dreg:$0x15];
	[sflag:s23] =	ssyncadd.s32 $0xFFFFE000  }
0x196: {  	[hbm4b:s31+s3] =	stream.linear.scatter [tilespmem:s19], [sflag:$0xA], $0x2000, $0x38;
	[tilespmem:$0x10100] =	vst v63  }
0x197: {  	_ =	swait.ge [sflag:s17], $0x2000  }
0x198: {  	[sflag:s17] =	ssyncset.done $0x0  }
0x199: {  	[sflag:s17] =	ssyncadd.s32 $0xFFFFE000  }
0x19a: {  	v2 =	vld.msk [tilespmem:$0x98], $0xff;
	_ =	sdelay $0x4  }
0x19b: {  	v3 =	vshll.u32 v2, $0x3  }
0x19c: {  	v2 =	vand.u32 $0x7, v2;
	v3 =	vand.u32 $0xFFFFFFC0, v3  }
0x19d: {  	v2 =	vor.u32 v2, v3  }
0x19e: {  	v2 =	vperm.xlane v2, v0;
	_ =	sdelay $0x1  }
0x19f: {  	v2 =	vadd.s32 v1, v2;
	_ =	sdelay $0x4  }
0x1a0: {  	[tilespmem:s30], [sflag:$0x4] =	stream.indirect_vreg.gather [hbm4b:s2+s3], $0x80, v2, vm0, $0xb8;
	[tilespmem:$0x10100] =	vst v63  }
0x1a1: {  	s31 =	simm.s32 $0x6900  }
0x1a2: {  	[tilespmem:s31], [sflag:$0x4] =	stream.indirect_vreg.gather [hbm4b:s5+s3], $0x80, v2, vm0, $0xb8;
	[tilespmem:$0x10100] =	vst v63  }
0x1a3: {  	s31 =	simm.s32 $0x7100  }
0x1a4: {  	[tilespmem:s31], [sflag:$0x4] =	stream.indirect_vreg.gather [hbm4b:s6+s3], $0x80, v2, vm0, $0xb8;
	[tilespmem:$0x10100] =	vst v63  }
0x1a5: {  	s31 =	simm.s32 $0x7900  }
0x1a6: {  	[tilespmem:s31], [sflag:$0x4] =	stream.indirect_vreg.gather [hbm4b:s7+s3], $0x80, v2, vm0, $0xb8;
	[tilespmem:$0x10100] =	vst v63  }
0x1a7: {  	_ =	swait.ge [sflag:s29], $0x2000  }
0x1a8: {  	[sflag:s29] =	ssyncset.done $0x0  }
0x1a9: {  	s31 =	rddreg [dreg:$0x16];
	[sflag:s29] =	ssyncadd.s32 $0xFFFFE000  }
0x1aa: {  	[hbm4b:s31+s3] =	stream.linear.scatter [tilespmem:s24], [sflag:$0xB], $0x2000, $0x38;
	[tilespmem:$0x10100] =	vst v63  }
0x1ab: {  	_ =	swait.ge [sflag:s20], $0x2000  }
0x1ac: {  	[sflag:s20] =	ssyncset.done $0x0  }
0x1ad: {  	[sflag:s20] =	ssyncadd.s32 $0xFFFFE000  }
0x1ae: {  	v2 =	vld.msk [tilespmem:$0xA0], $0xff;
	_ =	sdelay $0x4  }
0x1af: {  	v3 =	vshll.u32 v2, $0x3  }
0x1b0: {  	v2 =	vand.u32 $0x7, v2;
	v3 =	vand.u32 $0xFFFFFFC0, v3  }
0x1b1: {  	v2 =	vor.u32 v2, v3  }
0x1b2: {  	v2 =	vperm.xlane v2, v0;
	_ =	sdelay $0x1  }
0x1b3: {  	v2 =	vadd.s32 v1, v2;
	_ =	sdelay $0x4  }
0x1b4: {  	[tilespmem:s4], [sflag:$0x5] =	stream.indirect_vreg.gather [hbm4b:s2+s3], $0x80, v2, vm0, $0xb8;
	[tilespmem:$0x10100] =	vst v63  }
0x1b5: {  	s31 =	simm.s32 $0x8900  }
0x1b6: {  	[tilespmem:s31], [sflag:$0x5] =	stream.indirect_vreg.gather [hbm4b:s5+s3], $0x80, v2, vm0, $0xb8;
	[tilespmem:$0x10100] =	vst v63  }
0x1b7: {  	s31 =	simm.s32 $0x9100  }
0x1b8: {  	[tilespmem:s31], [sflag:$0x5] =	stream.indirect_vreg.gather [hbm4b:s6+s3], $0x80, v2, vm0, $0xb8;
	[tilespmem:$0x10100] =	vst v63  }
0x1b9: {  	s31 =	simm.s32 $0x9900  }
0x1ba: {  	[tilespmem:s31], [sflag:$0x5] =	stream.indirect_vreg.gather [hbm4b:s7+s3], $0x80, v2, vm0, $0xb8;
	[tilespmem:$0x10100] =	vst v63  }
0x1bb: {  	_ =	swait.ge [sflag:s9], $0x2000  }
0x1bc: {  	[sflag:s9] =	ssyncset.done $0x0  }
0x1bd: {  	s31 =	rddreg [dreg:$0x17];
	[sflag:s9] =	ssyncadd.s32 $0xFFFFE000  }
0x1be: {  	[hbm4b:s31+s3] =	stream.linear.scatter [tilespmem:s30], [sflag:$0xC], $0x2000, $0x38;
	[tilespmem:$0x10100] =	vst v63  }
0x1bf: {  	_ =	swait.ge [sflag:s21], $0x2000  }
0x1c0: {  	[sflag:s21] =	ssyncset.done $0x0  }
0x1c1: {  	[sflag:s21] =	ssyncadd.s32 $0xFFFFE000  }
0x1c2: {  	v2 =	vld.msk [tilespmem:$0xA8], $0xff;
	_ =	sdelay $0x4  }
0x1c3: {  	v3 =	vshll.u32 v2, $0x3  }
0x1c4: {  	v2 =	vand.u32 $0x7, v2;
	v3 =	vand.u32 $0xFFFFFFC0, v3  }
0x1c5: {  	v2 =	vor.u32 v2, v3  }
0x1c6: {  	v2 =	vperm.xlane v2, v0;
	_ =	sdelay $0x1  }
0x1c7: {  	v2 =	vadd.s32 v1, v2;
	_ =	sdelay $0x4  }
0x1c8: {  	[tilespmem:s16], [sflag:$0x6] =	stream.indirect_vreg.gather [hbm4b:s2+s3], $0x80, v2, vm0, $0xb8;
	[tilespmem:$0x10100] =	vst v63  }
0x1c9: {  	s31 =	simm.s32 $0xA900  }
0x1ca: {  	[tilespmem:s31], [sflag:$0x6] =	stream.indirect_vreg.gather [hbm4b:s5+s3], $0x80, v2, vm0, $0xb8;
	[tilespmem:$0x10100] =	vst v63  }
0x1cb: {  	s31 =	simm.s32 $0xB100  }
0x1cc: {  	[tilespmem:s31], [sflag:$0x6] =	stream.indirect_vreg.gather [hbm4b:s6+s3], $0x80, v2, vm0, $0xb8;
	[tilespmem:$0x10100] =	vst v63  }
0x1cd: {  	s31 =	simm.s32 $0xB900  }
0x1ce: {  	[tilespmem:s31], [sflag:$0x6] =	stream.indirect_vreg.gather [hbm4b:s7+s3], $0x80, v2, vm0, $0xb8;
	[tilespmem:$0x10100] =	vst v63  }
0x1cf: {  	_ =	swait.ge [sflag:s15], $0x2000  }
0x1d0: {  	[sflag:s15] =	ssyncset.done $0x0  }
0x1d1: {  	s31 =	rddreg [dreg:$0x18];
	[sflag:s15] =	ssyncadd.s32 $0xFFFFE000  }
0x1d2: {  	[hbm4b:s31+s3] =	stream.linear.scatter [tilespmem:s4], [sflag:$0xD], $0x2000, $0x38;
	[tilespmem:$0x10100] =	vst v63  }
0x1d3: {  	_ =	swait.ge [sflag:s26], $0x2000  }
0x1d4: {  	[sflag:s26] =	ssyncset.done $0x0  }
0x1d5: {  	[sflag:s26] =	ssyncadd.s32 $0xFFFFE000  }
0x1d6: {  	v2 =	vld.msk [tilespmem:$0xB0], $0xff;
	_ =	sdelay $0x4  }
0x1d7: {  	v3 =	vshll.u32 v2, $0x3  }
0x1d8: {  	v2 =	vand.u32 $0x7, v2;
	v3 =	vand.u32 $0xFFFFFFC0, v3  }
0x1d9: {  	v2 =	vor.u32 v2, v3  }
0x1da: {  	v2 =	vperm.xlane v2, v0;
	_ =	sdelay $0x1  }
0x1db: {  	v2 =	vadd.s32 v1, v2;
	_ =	sdelay $0x4  }
0x1dc: {  	[tilespmem:s25], [sflag:$0x7] =	stream.indirect_vreg.gather [hbm4b:s2+s3], $0x80, v2, vm0, $0xb8;
	[tilespmem:$0x10100] =	vst v63  }
0x1dd: {  	s31 =	simm.s32 $0xC900  }
0x1de: {  	[tilespmem:s31], [sflag:$0x7] =	stream.indirect_vreg.gather [hbm4b:s5+s3], $0x80, v2, vm0, $0xb8;
	[tilespmem:$0x10100] =	vst v63  }
0x1df: {  	s31 =	simm.s32 $0xD100  }
0x1e0: {  	[tilespmem:s31], [sflag:$0x7] =	stream.indirect_vreg.gather [hbm4b:s6+s3], $0x80, v2, vm0, $0xb8;
	[tilespmem:$0x10100] =	vst v63  }
0x1e1: {  	s31 =	simm.s32 $0xD900  }
0x1e2: {  	[tilespmem:s31], [sflag:$0x7] =	stream.indirect_vreg.gather [hbm4b:s7+s3], $0x80, v2, vm0, $0xb8;
	[tilespmem:$0x10100] =	vst v63  }
0x1e3: {  	_ =	swait.ge [sflag:s22], $0x2000  }
0x1e4: {  	[sflag:s22] =	ssyncset.done $0x0  }
0x1e5: {  	s31 =	rddreg [dreg:$0x19];
	[sflag:s22] =	ssyncadd.s32 $0xFFFFE000  }
0x1e6: {  	[hbm4b:s31+s3] =	stream.linear.scatter [tilespmem:s16], [sflag:$0xE], $0x2000, $0x38;
	[tilespmem:$0x10100] =	vst v63  }
0x1e7: {  	_ =	swait.ge [sflag:s28], $0x2000  }
0x1e8: {  	[sflag:s28] =	ssyncset.done $0x0  }
0x1e9: {  	[sflag:s28] =	ssyncadd.s32 $0xFFFFE000  }
0x1ea: {  	v2 =	vld.msk [tilespmem:$0xB8], $0xff;
	_ =	sdelay $0x4  }
0x1eb: {  	v3 =	vshll.u32 v2, $0x3  }
0x1ec: {  	v2 =	vand.u32 $0x7, v2;
	v3 =	vand.u32 $0xFFFFFFC0, v3  }
0x1ed: {  	v2 =	vor.u32 v2, v3  }
0x1ee: {  	v2 =	vperm.xlane v2, v0;
	_ =	sdelay $0x1  }
0x1ef: {  	v2 =	vadd.s32 v1, v2;
	_ =	sdelay $0x4  }
0x1f0: {  	[tilespmem:s0], [sflag:$0x8] =	stream.indirect_vreg.gather [hbm4b:s2+s3], $0x80, v2, vm0, $0xb8;
	[tilespmem:$0x10100] =	vst v63  }
0x1f1: {  	s31 =	simm.s32 $0xE900  }
0x1f2: {  	[tilespmem:s31], [sflag:$0x8] =	stream.indirect_vreg.gather [hbm4b:s5+s3], $0x80, v2, vm0, $0xb8;
	[tilespmem:$0x10100] =	vst v63  }
0x1f3: {  	s31 =	simm.s32 $0xF100  }
0x1f4: {  	[tilespmem:s31], [sflag:$0x8] =	stream.indirect_vreg.gather [hbm4b:s6+s3], $0x80, v2, vm0, $0xb8;
	[tilespmem:$0x10100] =	vst v63  }
0x1f5: {  	s31 =	simm.s32 $0xF900  }
0x1f6: {  	[tilespmem:s31], [sflag:$0x8] =	stream.indirect_vreg.gather [hbm4b:s7+s3], $0x80, v2, vm0, $0xb8;
	[tilespmem:$0x10100] =	vst v63  }
0x1f7: {  	_ =	swait.ge [sflag:s1], $0x2000  }
0x1f8: {  	[sflag:s1] =	ssyncset.done $0x0  }
0x1f9: {  	s31 =	rddreg [dreg:$0x1a];
	[sflag:s1] =	ssyncadd.s32 $0xFFFFE000  }
0x1fa: {  	[hbm4b:s31+s3] =	stream.linear.scatter [tilespmem:s25], [sflag:$0xF], $0x2000, $0x38;
	[tilespmem:$0x10100] =	vst v63  }
0x1fb: {  	_ =	swait.ge [sflag:s18], $0x2000  }
0x1fc: {  	[sflag:s18] =	ssyncset.done $0x0  }
0x1fd: {  	[sflag:s18] =	ssyncadd.s32 $0xFFFFE000  }
0x1fe: {  	v2 =	vld.msk [tilespmem:$0xC0], $0xff;
	_ =	sdelay $0x4  }
0x1ff: {  	v3 =	vshll.u32 v2, $0x3  }
0x200: {  	v2 =	vand.u32 $0x7, v2;
	v3 =	vand.u32 $0xFFFFFFC0, v3  }
0x201: {  	v2 =	vor.u32 v2, v3  }
0x202: {  	v2 =	vperm.xlane v2, v0;
	_ =	sdelay $0x1  }
0x203: {  	v2 =	vadd.s32 v1, v2;
	_ =	sdelay $0x4  }
0x204: {  	[tilespmem:s14], [sflag:$0x1] =	stream.indirect_vreg.gather [hbm4b:s2+s3], $0x80, v2, vm0, $0xb8;
	[tilespmem:$0x10100] =	vst v63  }
0x205: {  	s31 =	simm.s32 $0x900  }
0x206: {  	[tilespmem:s31], [sflag:$0x1] =	stream.indirect_vreg.gather [hbm4b:s5+s3], $0x80, v2, vm0, $0xb8;
	[tilespmem:$0x10100] =	vst v63  }
0x207: {  	s31 =	simm.s32 $0x1100  }
0x208: {  	[tilespmem:s31], [sflag:$0x1] =	stream.indirect_vreg.gather [hbm4b:s6+s3], $0x80, v2, vm0, $0xb8;
	[tilespmem:$0x10100] =	vst v63  }
0x209: {  	s31 =	simm.s32 $0x1900  }
0x20a: {  	[tilespmem:s31], [sflag:$0x1] =	stream.indirect_vreg.gather [hbm4b:s7+s3], $0x80, v2, vm0, $0xb8;
	[tilespmem:$0x10100] =	vst v63  }
0x20b: {  	_ =	swait.ge [sflag:s11], $0x2000  }
0x20c: {  	[sflag:s11] =	ssyncset.done $0x0  }
0x20d: {  	s18 =	rddreg [dreg:$0x1b];
	[sflag:s11] =	ssyncadd.s32 $0xFFFFE000  }
0x20e: {  	[hbm4b:s18+s3] =	stream.linear.scatter [tilespmem:s0], [sflag:$0x10], $0x2000, $0x38;
	[tilespmem:$0x10100] =	vst v63  }
0x20f: {  	_ =	swait.ge [sflag:s12], $0x2000  }
0x210: {  	[sflag:s12] =	ssyncset.done $0x0  }
0x211: {  	[sflag:s12] =	ssyncadd.s32 $0xFFFFE000  }
0x212: {  	v2 =	vld.msk [tilespmem:$0xC8], $0xff;
	_ =	sdelay $0x4  }
0x213: {  	v3 =	vshll.u32 v2, $0x3  }
0x214: {  	v2 =	vand.u32 $0x7, v2;
	v3 =	vand.u32 $0xFFFFFFC0, v3  }
0x215: {  	v2 =	vor.u32 v2, v3  }
0x216: {  	v2 =	vperm.xlane v2, v0;
	_ =	sdelay $0x1  }
0x217: {  	v2 =	vadd.s32 v1, v2;
	_ =	sdelay $0x4  }
0x218: {  	[tilespmem:s19], [sflag:$0x2] =	stream.indirect_vreg.gather [hbm4b:s2+s3], $0x80, v2, vm0, $0xb8;
	[tilespmem:$0x10100] =	vst v63  }
0x219: {  	s31 =	simm.s32 $0x2900  }
0x21a: {  	[tilespmem:s31], [sflag:$0x2] =	stream.indirect_vreg.gather [hbm4b:s5+s3], $0x80, v2, vm0, $0xb8;
	[tilespmem:$0x10100] =	vst v63  }
0x21b: {  	s31 =	simm.s32 $0x3100  }
0x21c: {  	[tilespmem:s31], [sflag:$0x2] =	stream.indirect_vreg.gather [hbm4b:s6+s3], $0x80, v2, vm0, $0xb8;
	[tilespmem:$0x10100] =	vst v63  }
0x21d: {  	s31 =	simm.s32 $0x3900  }
0x21e: {  	[tilespmem:s31], [sflag:$0x2] =	stream.indirect_vreg.gather [hbm4b:s7+s3], $0x80, v2, vm0, $0xb8;
	[tilespmem:$0x10100] =	vst v63  }
0x21f: {  	_ =	swait.ge [sflag:s10], $0x2000  }
0x220: {  	[sflag:s10] =	ssyncset.done $0x0  }
0x221: {  	s18 =	rddreg [dreg:$0x1c];
	[sflag:s10] =	ssyncadd.s32 $0xFFFFE000  }
0x222: {  	[hbm4b:s18+s3] =	stream.linear.scatter [tilespmem:s14], [sflag:$0x9], $0x2000, $0x38;
	[tilespmem:$0x10100] =	vst v63  }
0x223: {  	_ =	swait.ge [sflag:s13], $0x2000  }
0x224: {  	[sflag:s13] =	ssyncset.done $0x0  }
0x225: {  	[sflag:s13] =	ssyncadd.s32 $0xFFFFE000  }
0x226: {  	v2 =	vld.msk [tilespmem:$0xD0], $0xff;
	_ =	sdelay $0x4  }
0x227: {  	v3 =	vshll.u32 v2, $0x3  }
0x228: {  	v2 =	vand.u32 $0x7, v2;
	v3 =	vand.u32 $0xFFFFFFC0, v3  }
0x229: {  	v2 =	vor.u32 v2, v3  }
0x22a: {  	v2 =	vperm.xlane v2, v0;
	_ =	sdelay $0x1  }
0x22b: {  	v2 =	vadd.s32 v1, v2;
	_ =	sdelay $0x4  }
0x22c: {  	[tilespmem:s24], [sflag:$0x3] =	stream.indirect_vreg.gather [hbm4b:s2+s3], $0x80, v2, vm0, $0xb8;
	[tilespmem:$0x10100] =	vst v63  }
0x22d: {  	s31 =	simm.s32 $0x4900  }
0x22e: {  	[tilespmem:s31], [sflag:$0x3] =	stream.indirect_vreg.gather [hbm4b:s5+s3], $0x80, v2, vm0, $0xb8;
	[tilespmem:$0x10100] =	vst v63  }
0x22f: {  	s18 =	simm.s32 $0x5100  }
0x230: {  	[tilespmem:s18], [sflag:$0x3] =	stream.indirect_vreg.gather [hbm4b:s6+s3], $0x80, v2, vm0, $0xb8;
	[tilespmem:$0x10100] =	vst v63  }
0x231: {  	s31 =	simm.s32 $0x5900  }
0x232: {  	[tilespmem:s31], [sflag:$0x3] =	stream.indirect_vreg.gather [hbm4b:s7+s3], $0x80, v2, vm0, $0xb8;
	[tilespmem:$0x10100] =	vst v63  }
0x233: {  	_ =	swait.ge [sflag:s23], $0x2000  }
0x234: {  	[sflag:s23] =	ssyncset.done $0x0  }
0x235: {  	s18 =	rddreg [dreg:$0x1d];
	[sflag:s23] =	ssyncadd.s32 $0xFFFFE000  }
0x236: {  	[hbm4b:s18+s3] =	stream.linear.scatter [tilespmem:s19], [sflag:$0xA], $0x2000, $0x38;
	[tilespmem:$0x10100] =	vst v63  }
0x237: {  	_ =	swait.ge [sflag:s17], $0x2000  }
0x238: {  	[sflag:s17] =	ssyncset.done $0x0  }
0x239: {  	[sflag:s17] =	ssyncadd.s32 $0xFFFFE000  }
0x23a: {  	v2 =	vld.msk [tilespmem:$0xD8], $0xff;
	_ =	sdelay $0x4  }
0x23b: {  	v3 =	vshll.u32 v2, $0x3  }
0x23c: {  	v2 =	vand.u32 $0x7, v2;
	v3 =	vand.u32 $0xFFFFFFC0, v3  }
0x23d: {  	v2 =	vor.u32 v2, v3  }
0x23e: {  	v2 =	vperm.xlane v2, v0;
	_ =	sdelay $0x1  }
0x23f: {  	v2 =	vadd.s32 v1, v2;
	_ =	sdelay $0x4  }
0x240: {  	[tilespmem:s30], [sflag:$0x4] =	stream.indirect_vreg.gather [hbm4b:s2+s3], $0x80, v2, vm0, $0xb8;
	[tilespmem:$0x10100] =	vst v63  }
0x241: {  	s31 =	simm.s32 $0x6900  }
0x242: {  	[tilespmem:s31], [sflag:$0x4] =	stream.indirect_vreg.gather [hbm4b:s5+s3], $0x80, v2, vm0, $0xb8;
	[tilespmem:$0x10100] =	vst v63  }
0x243: {  	s18 =	simm.s32 $0x7100  }
0x244: {  	[tilespmem:s18], [sflag:$0x4] =	stream.indirect_vreg.gather [hbm4b:s6+s3], $0x80, v2, vm0, $0xb8;
	[tilespmem:$0x10100] =	vst v63  }
0x245: {  	s31 =	simm.s32 $0x7900  }
0x246: {  	[tilespmem:s31], [sflag:$0x4] =	stream.indirect_vreg.gather [hbm4b:s7+s3], $0x80, v2, vm0, $0xb8;
	[tilespmem:$0x10100] =	vst v63  }
0x247: {  	_ =	swait.ge [sflag:s29], $0x2000  }
0x248: {  	[sflag:s29] =	ssyncset.done $0x0  }
0x249: {  	s18 =	rddreg [dreg:$0x1e];
	[sflag:s29] =	ssyncadd.s32 $0xFFFFE000  }
0x24a: {  	[hbm4b:s18+s3] =	stream.linear.scatter [tilespmem:s24], [sflag:$0xB], $0x2000, $0x38;
	[tilespmem:$0x10100] =	vst v63  }
0x24b: {  	_ =	swait.ge [sflag:s20], $0x2000  }
0x24c: {  	[sflag:s20] =	ssyncset.done $0x0  }
0x24d: {  	[sflag:s20] =	ssyncadd.s32 $0xFFFFE000  }
0x24e: {  	v2 =	vld.msk [tilespmem:$0xE0], $0xff;
	_ =	sdelay $0x4  }
0x24f: {  	v3 =	vshll.u32 v2, $0x3  }
0x250: {  	v2 =	vand.u32 $0x7, v2;
	v3 =	vand.u32 $0xFFFFFFC0, v3  }
0x251: {  	v2 =	vor.u32 v2, v3  }
0x252: {  	v2 =	vperm.xlane v2, v0;
	_ =	sdelay $0x1  }
0x253: {  	v2 =	vadd.s32 v1, v2;
	_ =	sdelay $0x4  }
0x254: {  	[tilespmem:s4], [sflag:$0x5] =	stream.indirect_vreg.gather [hbm4b:s2+s3], $0x80, v2, vm0, $0xb8;
	[tilespmem:$0x10100] =	vst v63  }
0x255: {  	s31 =	simm.s32 $0x8900  }
0x256: {  	[tilespmem:s31], [sflag:$0x5] =	stream.indirect_vreg.gather [hbm4b:s5+s3], $0x80, v2, vm0, $0xb8;
	[tilespmem:$0x10100] =	vst v63  }
0x257: {  	s18 =	simm.s32 $0x9100  }
0x258: {  	[tilespmem:s18], [sflag:$0x5] =	stream.indirect_vreg.gather [hbm4b:s6+s3], $0x80, v2, vm0, $0xb8;
	[tilespmem:$0x10100] =	vst v63  }
0x259: {  	s31 =	simm.s32 $0x9900  }
0x25a: {  	[tilespmem:s31], [sflag:$0x5] =	stream.indirect_vreg.gather [hbm4b:s7+s3], $0x80, v2, vm0, $0xb8;
	[tilespmem:$0x10100] =	vst v63  }
0x25b: {  	_ =	swait.ge [sflag:s9], $0x2000  }
0x25c: {  	[sflag:s9] =	ssyncset.done $0x0  }
0x25d: {  	s18 =	rddreg [dreg:$0x1f];
	[sflag:s9] =	ssyncadd.s32 $0xFFFFE000  }
0x25e: {  	[hbm4b:s18+s3] =	stream.linear.scatter [tilespmem:s30], [sflag:$0xC], $0x2000, $0x38;
	[tilespmem:$0x10100] =	vst v63  }
0x25f: {  	_ =	swait.ge [sflag:s21], $0x2000  }
0x260: {  	[sflag:s21] =	ssyncset.done $0x0  }
0x261: {  	[sflag:s21] =	ssyncadd.s32 $0xFFFFE000  }
0x262: {  	v2 =	vld.msk [tilespmem:$0xE8], $0xff;
	_ =	sdelay $0x4  }
0x263: {  	v3 =	vshll.u32 v2, $0x3  }
0x264: {  	v2 =	vand.u32 $0x7, v2;
	v3 =	vand.u32 $0xFFFFFFC0, v3  }
0x265: {  	v2 =	vor.u32 v2, v3  }
0x266: {  	v2 =	vperm.xlane v2, v0;
	_ =	sdelay $0x1  }
0x267: {  	v2 =	vadd.s32 v1, v2;
	_ =	sdelay $0x4  }
0x268: {  	[tilespmem:s16], [sflag:$0x6] =	stream.indirect_vreg.gather [hbm4b:s2+s3], $0x80, v2, vm0, $0xb8;
	[tilespmem:$0x10100] =	vst v63  }
0x269: {  	s31 =	simm.s32 $0xA900  }
0x26a: {  	[tilespmem:s31], [sflag:$0x6] =	stream.indirect_vreg.gather [hbm4b:s5+s3], $0x80, v2, vm0, $0xb8;
	[tilespmem:$0x10100] =	vst v63  }
0x26b: {  	s18 =	simm.s32 $0xB100  }
0x26c: {  	[tilespmem:s18], [sflag:$0x6] =	stream.indirect_vreg.gather [hbm4b:s6+s3], $0x80, v2, vm0, $0xb8;
	[tilespmem:$0x10100] =	vst v63  }
0x26d: {  	s31 =	simm.s32 $0xB900  }
0x26e: {  	[tilespmem:s31], [sflag:$0x6] =	stream.indirect_vreg.gather [hbm4b:s7+s3], $0x80, v2, vm0, $0xb8;
	[tilespmem:$0x10100] =	vst v63  }
0x26f: {  	_ =	swait.ge [sflag:s15], $0x2000  }
0x270: {  	s18 =	sld [smem:$0x7F9]  }
0x271: {  	[sflag:s15] =	ssyncset.done $0x0  }
0x272: {  	[sflag:s15] =	ssyncadd.s32 $0xFFFFE000  }
0x273: {  	[hbm4b:s18+s3] =	stream.linear.scatter [tilespmem:s4], [sflag:$0xD], $0x2000, $0x38;
	[tilespmem:$0x10100] =	vst v63  }
0x274: {  	_ =	swait.ge [sflag:s26], $0x2000  }
0x275: {  	[sflag:s26] =	ssyncset.done $0x0  }
0x276: {  	[sflag:s26] =	ssyncadd.s32 $0xFFFFE000  }
0x277: {  	v2 =	vld.msk [tilespmem:$0xF0], $0xff;
	_ =	sdelay $0x4  }
0x278: {  	v3 =	vshll.u32 v2, $0x3  }
0x279: {  	v2 =	vand.u32 $0x7, v2;
	v3 =	vand.u32 $0xFFFFFFC0, v3  }
0x27a: {  	v2 =	vor.u32 v2, v3  }
0x27b: {  	v2 =	vperm.xlane v2, v0;
	_ =	sdelay $0x1  }
0x27c: {  	v2 =	vadd.s32 v1, v2;
	_ =	sdelay $0x4  }
0x27d: {  	[tilespmem:s25], [sflag:$0x7] =	stream.indirect_vreg.gather [hbm4b:s2+s3], $0x80, v2, vm0, $0xb8;
	[tilespmem:$0x10100] =	vst v63  }
0x27e: {  	s14 =	simm.s32 $0xC900  }
0x27f: {  	[tilespmem:s14], [sflag:$0x7] =	stream.indirect_vreg.gather [hbm4b:s5+s3], $0x80, v2, vm0, $0xb8;
	[tilespmem:$0x10100] =	vst v63  }
0x280: {  	s18 =	simm.s32 $0xD100  }
0x281: {  	[tilespmem:s18], [sflag:$0x7] =	stream.indirect_vreg.gather [hbm4b:s6+s3], $0x80, v2, vm0, $0xb8;
	[tilespmem:$0x10100] =	vst v63  }
0x282: {  	s31 =	simm.s32 $0xD900  }
0x283: {  	[tilespmem:s31], [sflag:$0x7] =	stream.indirect_vreg.gather [hbm4b:s7+s3], $0x80, v2, vm0, $0xb8;
	[tilespmem:$0x10100] =	vst v63  }
0x284: {  	_ =	swait.ge [sflag:s22], $0x2000  }
0x285: {  	s4 =	sld [smem:$0x7FA]  }
0x286: {  	[sflag:s22] =	ssyncset.done $0x0  }
0x287: {  	[sflag:s22] =	ssyncadd.s32 $0xFFFFE000  }
0x288: {  	[hbm4b:s4+s3] =	stream.linear.scatter [tilespmem:s16], [sflag:$0xE], $0x2000, $0x38;
	[tilespmem:$0x10100] =	vst v63  }
0x289: {  	_ =	swait.ge [sflag:s28], $0x2000  }
0x28a: {  	[sflag:s28] =	ssyncset.done $0x0  }
0x28b: {  	[sflag:s28] =	ssyncadd.s32 $0xFFFFE000  }
0x28c: {  	v2 =	vld.msk [tilespmem:$0xF8], $0xff;
	_ =	sdelay $0x4  }
0x28d: {  	v3 =	vshll.u32 v2, $0x3  }
0x28e: {  	v2 =	vand.u32 $0x7, v2;
	v3 =	vand.u32 $0xFFFFFFC0, v3  }
0x28f: {  	v2 =	vor.u32 v2, v3  }
0x290: {  	v2 =	vperm.xlane v2, v0;
	_ =	sdelay $0x1  }
0x291: {  	v2 =	vadd.s32 v1, v2;
	_ =	sdelay $0x4  }
0x292: {  	[tilespmem:s0], [sflag:$0x8] =	stream.indirect_vreg.gather [hbm4b:s2+s3], $0x80, v2, vm0, $0xb8;
	[tilespmem:$0x10100] =	vst v63  }
0x293: {  	s14 =	simm.s32 $0xE900  }
0x294: {  	[tilespmem:s14], [sflag:$0x8] =	stream.indirect_vreg.gather [hbm4b:s5+s3], $0x80, v2, vm0, $0xb8;
	[tilespmem:$0x10100] =	vst v63  }
0x295: {  	s18 =	simm.s32 $0xF100  }
0x296: {  	[tilespmem:s18], [sflag:$0x8] =	stream.indirect_vreg.gather [hbm4b:s6+s3], $0x80, v2, vm0, $0xb8;
	[tilespmem:$0x10100] =	vst v63  }
0x297: {  	s31 =	simm.s32 $0xF900  }
0x298: {  	[tilespmem:s31], [sflag:$0x8] =	stream.indirect_vreg.gather [hbm4b:s7+s3], $0x80, v2, vm0, $0xb8;
	[tilespmem:$0x10100] =	vst v63  }
0x299: {  	_ =	swait.ge [sflag:s1], $0x2000  }
0x29a: {  	s14 =	sld [smem:$0x7FB]  }
0x29b: {  	[sflag:s1] =	ssyncset.done $0x0  }
0x29c: {  	[sflag:s1] =	ssyncadd.s32 $0xFFFFE000  }
0x29d: {  	[hbm4b:s14+s3] =	stream.linear.scatter [tilespmem:s25], [sflag:$0xF], $0x2000, $0x38;
	[tilespmem:$0x10100] =	vst v63  }
0x29e: {  	_ =	swait.ge [sflag:s11], $0x2000  }
0x29f: {  	s18 =	sld [smem:$0x7FD]  }
0x2a0: {  	[sflag:s11] =	ssyncset.done $0x0  }
0x2a1: {  	[sflag:s11] =	ssyncadd.s32 $0xFFFFE000  }
0x2a2: {  	[hbm4b:s18+s3] =	stream.linear.scatter [tilespmem:s0], [sflag:$0x10], $0x2000, $0x38;
	[tilespmem:$0x10100] =	vst v63  }
0x2a3: {  	_ =	swait.ge [sflag:s12], $0x2000  }
0x2a4: {  	[sflag:s12] =	ssyncset.done $0x0  }
0x2a5: {  	[sflag:s12] =	ssyncadd.s32 $0xFFFFE000  }
0x2a6: {  	_ =	swait.ge [sflag:s13], $0x2000  }
0x2a7: {  	[sflag:s13] =	ssyncset.done $0x0  }
0x2a8: {  	[sflag:s13] =	ssyncadd.s32 $0xFFFFE000  }
0x2a9: {  	_ =	swait.ge [sflag:s17], $0x2000  }
0x2aa: {  	[sflag:s17] =	ssyncset.done $0x0  }
0x2ab: {  	[sflag:s17] =	ssyncadd.s32 $0xFFFFE000  }
0x2ac: {  	_ =	swait.ge [sflag:s20], $0x2000  }
0x2ad: {  	[sflag:s20] =	ssyncset.done $0x0  }
0x2ae: {  	[sflag:s20] =	ssyncadd.s32 $0xFFFFE000  }
0x2af: {  	_ =	swait.ge [sflag:s21], $0x2000  }
0x2b0: {  	[sflag:s21] =	ssyncset.done $0x0  }
0x2b1: {  	[sflag:s21] =	ssyncadd.s32 $0xFFFFE000  }
0x2b2: {  	p0 =	sne.s32 s8, $0x1;
	_ =	swait.ge [sflag:s26], $0x2000  }
.Ltmp0:
0x2b3: {  	[sflag:s26] =	ssyncset.done $0x0;
	(pc) =	sbr.rel @p0 .LBB2_1-.Ltmp0, $4  }
0x2b4: {  	[sflag:s26] =	ssyncadd.s32 $0xFFFFE000  }
0x2b5: {  	_ =	swait.ge [sflag:s28], $0x2000  }
0x2b6: {  	[sflag:s28] =	ssyncset.done $0x0  }
0x2b7: {  	s8 =	sadd.s32 $0xFFFFFFFF, s8;
	[sflag:s28] =	ssyncadd.s32 $0xFFFFE000  }
0x2b8: {  	_ =	sfence.sel $0x180000  }
0x2b9: {  	[bflag:$0x0] =	sbarrier.arrive $0xFFFF  }
0x2ba: {  	_ =	strace $0x90000047  }
0x2bb: {  	s0 =	stileid.u32;
	[bflag:$0x2] =	sbarrier.arrive $0xFFFF  }
0x2bc: {  	p0 =	sne.s32 s0, $0x0;
	s0 =	rddreg [dreg:$0x3]  }
0x2bd: {  	s0 =	sadd.s32 @!p0 $0x100000, s0  }
0x2be: {  	[sflag:s0] =	ssyncadd.tile.s32 @!p0 $0x1;
	_ =	shalt  }
.Lfunc_end2:
_tile_overlayer_lowered:
.L_overlay_start_2:
0x2bf: {  	(tag) =	ssettag $0x2  }
0x2c0: {  	s0 =	rddreg [dreg:$0x0];
	s2 =	stileid.u32  }
0x2c1: {  	s1 =	rddreg [dreg:$0x1];
	p0 =	sne.s32 s2, $0x0  }
0x2c2: {  	s3 =	rddreg [dreg:$0x2];
	[bflag:$0x3] =	sbarrier.arrive $0xFFFF;
	s2 =	simm.s32 @!p0 $0x1C11  }
0x2c3: {  	[timem:s3], [sflag:s2] =	dma.local @!p0 [hbm:s0], s1  }
0x2c4: {  	s0 =	simm.s32 @!p0 $0x11  }
0x2c5: {  	_ =	swait.ge @!p0 [sflag:s0], s1  }
0x2c6: {  	s1 =	ssub.s32 @!p0 $0x0, s1;
	[sflag:s0] =	ssyncset.done @!p0 $0x0  }
0x2c7: {  	[sflag:s0] =	ssyncadd.s32 @!p0 s1  }
0x2c8: {  	[bflag:$0x3] =	sbarrier.arrive $0xFFFF  }
0x2c9: {  	_ =	shalt  }

</sc_bundles>
